<compile_context>
chip_gen: v7x
topology: tpu7x:2x2x1
jax: 0.10.2.dev20260603
libtpu: 0.0.44.dev20260713+nightly
codegen_flags: <defaults>
</compile_context>

<pallas_src>
import functools

import jax
import jax.numpy as jnp
from jax import lax
from jax.experimental import pallas as pl
from jax.experimental.pallas import tpu as pltpu
from jax.experimental.pallas import tpu_sc as plsc

_NC = 2
_NS = 16
_NW = _NC * _NS

_BATCH = 16384
_HIST = 50
_D = 32
_V = 1000000
_B = _BATCH * _HIST
_BPW = _B // _NW
_NBUF = 4
_C = 640
_NCHUNK = _BPW // _C

_TCOL = _V // 128
_COLS_PER_W = 245


def _mesh():
    return plsc.VectorSubcoreMesh(
        core_axis_name="c", subcore_axis_name="s",
        num_cores=_NC, num_subcores=_NS,
    )


def _wid():
    return lax.axis_index("s") * _NC + lax.axis_index("c")



_KCOL = _TCOL // _NW
_RB = 2


def _relayout_body(tT_hbm, tail_hbm, trm_hbm, stage0, stage1, trans0,
                   trans1, *sems):
    stages = [stage0, stage1]
    transs = [trans0, trans1]
    isems, osems = sems[:_RB], sems[_RB:]
    wid = _wid()
    iota32 = lax.iota(jnp.int32, 16) * _D

    def start_in(t, b):
        off = pl.multiple_of(t * 128, 128)
        pltpu.async_copy(tT_hbm.at[:, pl.ds(off, 128)], stages[b], isems[b])

    def drain_in(b):
        pltpu.make_async_copy(tT_hbm.at[:, pl.ds(0, 128)], stages[b],
                              isems[b]).wait()

    def start_out(t, b):
        pltpu.async_copy(transs[b], trm_hbm.at[pl.ds(t * 4096, 4096)],
                         osems[b])

    def drain_out(b):
        pltpu.make_async_copy(transs[b], trm_hbm.at[pl.ds(0, 4096)],
                              osems[b]).wait()

    iota = lax.iota(jnp.int32, 16)
    lvecs = [l0 * 16 + iota for l0 in range(8)]
    l32s = [(l0 * 16 + iota) * _D for l0 in range(8)]

    def transpose(b):
        @pl.loop(0, 16)
        def _diag(k):
            dk = (iota + k) & 15
            for d0 in (0, 16):
                dcol = d0 + dk
                for l0 in range(8):
                    v = plsc.load_gather(stages[b], [dcol, lvecs[l0]])
                    plsc.store_scatter(transs[b], [l32s[l0] + dcol], v)

    for b in range(_RB):
        start_in(wid + b * _NW, b)

    @pl.loop(0, _KCOL, step=_RB)
    def _col(g):
        for b in range(_RB):
            c = g + b
            t = wid + c * _NW
            drain_in(b)

            @pl.when(g > 0)
            def _():
                drain_out(b)

            transpose(b)
            start_out(t, b)

            @pl.when(c + _RB < _KCOL)
            def _():
                start_in(wid + (c + _RB) * _NW, b)

    for b in range(_RB):
        drain_out(b)

    @pl.when(wid < _TCOL - _KCOL * _NW)
    def _extra():
        t = wid + _KCOL * _NW
        off = pl.multiple_of(t * 128, 128)
        pltpu.sync_copy(tT_hbm.at[:, pl.ds(off, 128)], stages[0])
        transpose(0)
        pltpu.sync_copy(transs[0], trm_hbm.at[pl.ds(t * 4096, 4096)])

    @pl.when(wid == (_TCOL % _NW))
    def _tail():
        pltpu.sync_copy(tail_hbm,
                        trm_hbm.at[pl.ds(_TCOL * 128 * _D, 64 * _D)])


def _make_relayout():
    return functools.partial(
        pl.kernel,
        out_type=jax.ShapeDtypeStruct((_V * _D,), jnp.float32),
        mesh=_mesh(),
        scratch_types=(
            [pltpu.VMEM((_D, 128), jnp.float32)] * _RB
            + [pltpu.VMEM((128 * _D,), jnp.float32)] * _RB
            + [pltpu.SemaphoreType.DMA] * (2 * _RB)
        ),
        compiler_params=pltpu.CompilerParams(needs_layout_passes=False),
    )(_relayout_body)



_Q = _V // 4
_JPW = 4
_NPAIR = _HIST * _JPW


_LB = 2


def _lookup_body(x_hbm, t4_hbm, out_hbm, x_v, idx_b, rem_b, g_v, so_v, *sems):
    gsems, osems = sems[:_LB], sems[_LB:]
    wid = _wid()
    iota = lax.iota(jnp.int32, 16)
    iota50 = iota * 50
    pltpu.sync_copy(x_hbm.at[pl.ds(wid * _BPW, _BPW)], x_v)

    def fire(p, s):
        jj = p // _HIST
        h = p % _HIST
        for l0 in range(8):
            f_vec = iota50 + (jj * 6400 + l0 * 800 + h)
            xq = plsc.load_gather(x_v, [f_vec])
            idx_b[s, pl.ds(l0 * 16, 16)] = xq >> 2
            rem_b[s, pl.ds(l0 * 16, 16)] = (xq & 3) << 5
        pltpu.async_copy(t4_hbm.at[idx_b.at[s]], g_v.at[s], gsems[s])

    def drain_gather(s):
        pltpu.make_async_copy(t4_hbm.at[pl.ds(0, 128)], g_v.at[s],
                              gsems[s]).wait()

    def drain_out(s):
        pltpu.make_async_copy(so_v.at[s], out_hbm.at[0, :, pl.ds(0, 128)],
                              osems[s]).wait()

    def consume(p, s):
        jj = p // _HIST
        h = p % _HIST
        rows = [l0 * 16 + iota for l0 in range(8)]
        rembs = [rem_b[s, pl.ds(l0 * 16, 16)] for l0 in range(8)]
        @pl.loop(0, 16)
        def _diag(k):
            dk = (iota + k) & 15
            for d0 in (0, 16):
                dcol = d0 + dk
                for l0 in range(8):
                    v = plsc.load_gather(g_v.at[s],
                                         [rows[l0], rembs[l0] + dcol])
                    plsc.store_scatter(so_v.at[s], [dcol, rows[l0]], v)
        off = pl.multiple_of((wid * _JPW + jj) * 128, 128)
        pltpu.async_copy(so_v.at[s], out_hbm.at[h, :, pl.ds(off, 128)],
                         osems[s])

    for s in range(_LB):
        fire(s, s)

    @pl.loop(0, _NPAIR - _LB, step=_LB)
    def _pair(pp):
        for s in range(_LB):
            p = pp + s
            drain_gather(s)

            @pl.when(pp > 0)
            def _():
                drain_out(s)

            consume(p, s)
            fire(p + _LB, s)

    for s in range(_LB):
        drain_gather(s)
        drain_out(s)
        consume(_NPAIR - _LB + s, s)
    for s in range(_LB):
        drain_out(s)


def _make_lookup():
    return functools.partial(
        pl.kernel,
        out_type=jax.ShapeDtypeStruct((_HIST, _D, _BATCH), jnp.float32),
        mesh=_mesh(),
        scratch_types=(
            [pltpu.VMEM((_BPW,), jnp.int32),
             pltpu.VMEM((_LB, 128), jnp.int32),
             pltpu.VMEM((_LB, 128), jnp.int32),
             pltpu.VMEM((_LB, 128, 128), jnp.float32),
             pltpu.VMEM((_LB, _D, 128), jnp.float32)]
            + [pltpu.SemaphoreType.DMA] * (2 * _LB)
        ),
        compiler_params=pltpu.CompilerParams(needs_layout_passes=False),
    )(_lookup_body)


def kernel(x, table):
    xf = x.reshape(_B)
    tail = table[_TCOL * 128:].reshape(64 * _D)
    trm = _make_relayout()(table.T, tail)
    out = _make_lookup()(xf, trm.reshape(_Q, 128))
    return out.transpose(2, 0, 1)

# --- scband reference (transcript-rebuilt; emitter-appended) ---
"""Pipeline reference for scband-embed-layer-78374563217675 (READ-ONLY COPY).

The authoritative reference and input builder live on the scoring server;
editing this copy changes nothing except your own understanding.
"""

import jax, jax.numpy as jnp
import numpy as np

VOCAB = 1000000
EMBED_DIM = 32
BATCH = 16384
HIST = 50


def setup_inputs(seed: int = 0) -> dict:
    key = jax.random.key(seed)
    k_idx, k_tab = jax.random.split(key)
    x = jax.random.randint(k_idx, (BATCH, HIST), 0, VOCAB, dtype=jnp.int32)
    scale = np.sqrt(3.0 / EMBED_DIM)
    table = jax.random.uniform(k_tab, (VOCAB, EMBED_DIM), dtype=jnp.float32, minval=-scale, maxval=scale)
    return {"x": x, "table": table}


def reference(x, table):
    # nn.Embedding lookup (padding_idx only affects gradients, not forward).
    out = jnp.take(table, x, axis=0)
    # Dropout with p=0.0 and training=False is identity.
    return out

if __name__ == "__main__":
    import jax
    _d = setup_inputs()
    print(jax.jit(kernel)(*tuple(_d.values())))

</pallas_src>

<mosaic_0001>
#map = affine_map<(d0, d1) -> (0)>
#map1 = affine_map<(d0, d1) -> (0, 0)>
#map2 = affine_map<(d0, d1) -> (0, 0, 0)>
module attributes {stable_mosaic.version = 14 : i64} {
  func.func @_lookup_body(%arg0: i32, %arg1: i32, %arg2: memref<819200xi32, #tpu.memory_space<hbm>>, %arg3: memref<250000x128xf32, #tpu.memory_space<hbm>>, %arg4: memref<50x32x16384xf32, #tpu.memory_space<hbm>>, %arg5: memref<25600xi32, #tpu.memory_space<vmem>>, %arg6: memref<2x128xi32, #tpu.memory_space<vmem>>, %arg7: memref<2x128xi32, #tpu.memory_space<vmem>>, %arg8: memref<2x128x128xf32, #tpu.memory_space<vmem>>, %arg9: memref<2x32x128xf32, #tpu.memory_space<vmem>>, %arg10: memref<!tpu.dma_semaphore, #tpu.memory_space<semaphore_mem>>, %arg11: memref<!tpu.dma_semaphore, #tpu.memory_space<semaphore_mem>>, %arg12: memref<!tpu.dma_semaphore, #tpu.memory_space<semaphore_mem>>, %arg13: memref<!tpu.dma_semaphore, #tpu.memory_space<semaphore_mem>>) attributes {dimension_semantics = [#tpu.dimension_semantics<core_parallel>, #tpu.dimension_semantics<subcore_parallel>], iteration_bounds = array<i64: 2, 16>, scalar_prefetch = 0 : i64, scratch_operands = 9 : i64, tpu.core_type = #tpu.core_type<sc_vector_subcore>, window_params = [{transform_indices = #map}, {transform_indices = #map1}, {transform_indices = #map2}]} {
    %mul3A = arith.constant 2 : i32
    %mul3A_0 = arith.muli %arg1, %mul3A : i32
    %add3A = arith.addi %mul3A_0, %arg0 : i32
    %iota3A = tpu.iota {dimensions = array<i32: 0>} : vector<16xi32>
    %mul3A_1 = arith.constant 50 : i32
    %mul3A_2 = vector.broadcast %mul3A_1 : i32 to vector<16xi32>
    %mul3A_3 = arith.muli %iota3A, %mul3A_2 : vector<16xi32>
    %mul3A_4 = arith.constant 25600 : i32
    %mul3A_5 = arith.muli %add3A, %mul3A_4 : i32
    "tpu.region"() ({
      %run_scoped3A = tpu.sem_alloc : memref<!tpu.dma_semaphore, #tpu.memory_space<semaphore_mem>>
      %dma_start3A_631 = tpu.memref_slice %arg2[%mul3A_5] : memref<819200xi32, #tpu.memory_space<hbm>> -> memref<25600xi32, #tpu.memory_space<hbm>>
      %dma_start3A_632 = tpu.memref_slice %arg2[%mul3A_5] : memref<819200xi32, #tpu.memory_space<hbm>> -> memref<25600xi32, #tpu.memory_space<hbm>>
      tpu.enqueue_dma source(%dma_start3A_632 : memref<25600xi32, #tpu.memory_space<hbm>>) target(%arg5 : memref<25600xi32, #tpu.memory_space<vmem>>) target_semaphore(%run_scoped3A : memref<!tpu.dma_semaphore, #tpu.memory_space<semaphore_mem>>)
      %dma_wait3A_633 = tpu.memref_slice %arg2[%mul3A_5] : memref<819200xi32, #tpu.memory_space<hbm>> -> memref<25600xi32, #tpu.memory_space<hbm>>
      %dma_wait3A_634 = tpu.memref_slice %arg2[%mul3A_5] : memref<819200xi32, #tpu.memory_space<hbm>> -> memref<25600xi32, #tpu.memory_space<hbm>>
      tpu.wait_dma2 semaphore(%run_scoped3A : memref<!tpu.dma_semaphore, #tpu.memory_space<semaphore_mem>>) src(%dma_wait3A_634 : memref<25600xi32, #tpu.memory_space<hbm>>) dst(%arg5 : memref<25600xi32, #tpu.memory_space<vmem>>)
      tpu.yield
    }) : () -> ()
    %add3A_6 = arith.constant 0 : i32
    %add3A_7 = vector.broadcast %add3A_6 : i32 to vector<16xi32>
    %add3A_8 = arith.addi %mul3A_3, %add3A_7 : vector<16xi32>
    %gather3A = tpu.vector_load_idx %arg5[%add3A_8] : memref<25600xi32, #tpu.memory_space<vmem>>[vector<16xi32>], vector<16xi32>,
    %shift_right_arithmetic3A = arith.constant 2 : i32
    %shift_right_arithmetic3A_9 = vector.broadcast %shift_right_arithmetic3A : i32 to vector<16xi32>
    %shift_right_arithmetic3A_10 = arith.shrsi %gather3A, %shift_right_arithmetic3A_9 : vector<16xi32>
    %swap3A = arith.constant 0 : i32
    %swap3A_11 = arith.index_cast %swap3A : i32 to index
    %swap3A_12 = arith.constant 0 : index
    %swap3A_13 = tpu.vector_load %arg6[%swap3A_11, %swap3A_12] {strides = array<i32>} : memref<2x128xi32, #tpu.memory_space<vmem>>, vector<16xi32>,
    tpu.vector_store %arg6[%swap3A_11, %swap3A_12], %shift_right_arithmetic3A_10 {strides = array<i32>} : memref<2x128xi32, #tpu.memory_space<vmem>>, vector<16xi32>,
    %and3A = arith.constant 3 : i32
    %and3A_14 = vector.broadcast %and3A : i32 to vector<16xi32>
    %and3A_15 = arith.andi %gather3A, %and3A_14 : vector<16xi32>
    %shift_left3A = arith.constant 5 : i32
    %shift_left3A_16 = vector.broadcast %shift_left3A : i32 to vector<16xi32>
    %shift_left3A_17 = arith.shli %and3A_15, %shift_left3A_16 : vector<16xi32>
    %swap3A_18 = arith.constant 0 : i32
    %swap3A_19 = arith.index_cast %swap3A_18 : i32 to index
    %swap3A_20 = arith.constant 0 : index
    %swap3A_21 = tpu.vector_load %arg7[%swap3A_19, %swap3A_20] {strides = array<i32>} : memref<2x128xi32, #tpu.memory_space<vmem>>, vector<16xi32>,
    tpu.vector_store %arg7[%swap3A_19, %swap3A_20], %shift_left3A_17 {strides = array<i32>} : memref<2x128xi32, #tpu.memory_space<vmem>>, vector<16xi32>,
    %add3A_22 = arith.constant 800 : i32
    %add3A_23 = vector.broadcast %add3A_22 : i32 to vector<16xi32>
    %add3A_24 = arith.addi %mul3A_3, %add3A_23 : vector<16xi32>
    %gather3A_25 = tpu.vector_load_idx %arg5[%add3A_24] : memref<25600xi32, #tpu.memory_space<vmem>>[vector<16xi32>], vector<16xi32>,
    %shift_right_arithmetic3A_26 = arith.constant 2 : i32
    %shift_right_arithmetic3A_27 = vector.broadcast %shift_right_arithmetic3A_26 : i32 to vector<16xi32>
    %shift_right_arithmetic3A_28 = arith.shrsi %gather3A_25, %shift_right_arithmetic3A_27 : vector<16xi32>
    %swap3A_29 = arith.constant 0 : i32
    %swap3A_30 = arith.index_cast %swap3A_29 : i32 to index
    %swap3A_31 = arith.constant 16 : index
    %swap3A_32 = tpu.vector_load %arg6[%swap3A_30, %swap3A_31] {strides = array<i32>} : memref<2x128xi32, #tpu.memory_space<vmem>>, vector<16xi32>,
    tpu.vector_store %arg6[%swap3A_30, %swap3A_31], %shift_right_arithmetic3A_28 {strides = array<i32>} : memref<2x128xi32, #tpu.memory_space<vmem>>, vector<16xi32>,
    %and3A_33 = arith.constant 3 : i32
    %and3A_34 = vector.broadcast %and3A_33 : i32 to vector<16xi32>
    %and3A_35 = arith.andi %gather3A_25, %and3A_34 : vector<16xi32>
    %shift_left3A_36 = arith.constant 5 : i32
    %shift_left3A_37 = vector.broadcast %shift_left3A_36 : i32 to vector<16xi32>
    %shift_left3A_38 = arith.shli %and3A_35, %shift_left3A_37 : vector<16xi32>
    %swap3A_39 = arith.constant 0 : i32
    %swap3A_40 = arith.index_cast %swap3A_39 : i32 to index
    %swap3A_41 = arith.constant 16 : index
    %swap3A_42 = tpu.vector_load %arg7[%swap3A_40, %swap3A_41] {strides = array<i32>} : memref<2x128xi32, #tpu.memory_space<vmem>>, vector<16xi32>,
    tpu.vector_store %arg7[%swap3A_40, %swap3A_41], %shift_left3A_38 {strides = array<i32>} : memref<2x128xi32, #tpu.memory_space<vmem>>, vector<16xi32>,
    %add3A_43 = arith.constant 1600 : i32
    %add3A_44 = vector.broadcast %add3A_43 : i32 to vector<16xi32>
    %add3A_45 = arith.addi %mul3A_3, %add3A_44 : vector<16xi32>
    %gather3A_46 = tpu.vector_load_idx %arg5[%add3A_45] : memref<25600xi32, #tpu.memory_space<vmem>>[vector<16xi32>], vector<16xi32>,
    %shift_right_arithmetic3A_47 = arith.constant 2 : i32
    %shift_right_arithmetic3A_48 = vector.broadcast %shift_right_arithmetic3A_47 : i32 to vector<16xi32>
    %shift_right_arithmetic3A_49 = arith.shrsi %gather3A_46, %shift_right_arithmetic3A_48 : vector<16xi32>
    %swap3A_50 = arith.constant 0 : i32
    %swap3A_51 = arith.index_cast %swap3A_50 : i32 to index
    %swap3A_52 = arith.constant 32 : index
    %swap3A_53 = tpu.vector_load %arg6[%swap3A_51, %swap3A_52] {strides = array<i32>} : memref<2x128xi32, #tpu.memory_space<vmem>>, vector<16xi32>,
    tpu.vector_store %arg6[%swap3A_51, %swap3A_52], %shift_right_arithmetic3A_49 {strides = array<i32>} : memref<2x128xi32, #tpu.memory_space<vmem>>, vector<16xi32>,
    %and3A_54 = arith.constant 3 : i32
    %and3A_55 = vector.broadcast %and3A_54 : i32 to vector<16xi32>
    %and3A_56 = arith.andi %gather3A_46, %and3A_55 : vector<16xi32>
    %shift_left3A_57 = arith.constant 5 : i32
    %shift_left3A_58 = vector.broadcast %shift_left3A_57 : i32 to vector<16xi32>
    %shift_left3A_59 = arith.shli %and3A_56, %shift_left3A_58 : vector<16xi32>
    %swap3A_60 = arith.constant 0 : i32
    %swap3A_61 = arith.index_cast %swap3A_60 : i32 to index
    %swap3A_62 = arith.constant 32 : index
    %swap3A_63 = tpu.vector_load %arg7[%swap3A_61, %swap3A_62] {strides = array<i32>} : memref<2x128xi32, #tpu.memory_space<vmem>>, vector<16xi32>,
    tpu.vector_store %arg7[%swap3A_61, %swap3A_62], %shift_left3A_59 {strides = array<i32>} : memref<2x128xi32, #tpu.memory_space<vmem>>, vector<16xi32>,
    %add3A_64 = arith.constant 2400 : i32
    %add3A_65 = vector.broadcast %add3A_64 : i32 to vector<16xi32>
    %add3A_66 = arith.addi %mul3A_3, %add3A_65 : vector<16xi32>
    %gather3A_67 = tpu.vector_load_idx %arg5[%add3A_66] : memref<25600xi32, #tpu.memory_space<vmem>>[vector<16xi32>], vector<16xi32>,
    %shift_right_arithmetic3A_68 = arith.constant 2 : i32
    %shift_right_arithmetic3A_69 = vector.broadcast %shift_right_arithmetic3A_68 : i32 to vector<16xi32>
    %shift_right_arithmetic3A_70 = arith.shrsi %gather3A_67, %shift_right_arithmetic3A_69 : vector<16xi32>
    %swap3A_71 = arith.constant 0 : i32
    %swap3A_72 = arith.index_cast %swap3A_71 : i32 to index
    %swap3A_73 = arith.constant 48 : index
    %swap3A_74 = tpu.vector_load %arg6[%swap3A_72, %swap3A_73] {strides = array<i32>} : memref<2x128xi32, #tpu.memory_space<vmem>>, vector<16xi32>,
    tpu.vector_store %arg6[%swap3A_72, %swap3A_73], %shift_right_arithmetic3A_70 {strides = array<i32>} : memref<2x128xi32, #tpu.memory_space<vmem>>, vector<16xi32>,
    %and3A_75 = arith.constant 3 : i32
    %and3A_76 = vector.broadcast %and3A_75 : i32 to vector<16xi32>
    %and3A_77 = arith.andi %gather3A_67, %and3A_76 : vector<16xi32>
    %shift_left3A_78 = arith.constant 5 : i32
    %shift_left3A_79 = vector.broadcast %shift_left3A_78 : i32 to vector<16xi32>
    %shift_left3A_80 = arith.shli %and3A_77, %shift_left3A_79 : vector<16xi32>
    %swap3A_81 = arith.constant 0 : i32
    %swap3A_82 = arith.index_cast %swap3A_81 : i32 to index
    %swap3A_83 = arith.constant 48 : index
    %swap3A_84 = tpu.vector_load %arg7[%swap3A_82, %swap3A_83] {strides = array<i32>} : memref<2x128xi32, #tpu.memory_space<vmem>>, vector<16xi32>,
    tpu.vector_store %arg7[%swap3A_82, %swap3A_83], %shift_left3A_80 {strides = array<i32>} : memref<2x128xi32, #tpu.memory_space<vmem>>, vector<16xi32>,
    %add3A_85 = arith.constant 3200 : i32
    %add3A_86 = vector.broadcast %add3A_85 : i32 to vector<16xi32>
    %add3A_87 = arith.addi %mul3A_3, %add3A_86 : vector<16xi32>
    %gather3A_88 = tpu.vector_load_idx %arg5[%add3A_87] : memref<25600xi32, #tpu.memory_space<vmem>>[vector<16xi32>], vector<16xi32>,
    %shift_right_arithmetic3A_89 = arith.constant 2 : i32
    %shift_right_arithmetic3A_90 = vector.broadcast %shift_right_arithmetic3A_89 : i32 to vector<16xi32>
    %shift_right_arithmetic3A_91 = arith.shrsi %gather3A_88, %shift_right_arithmetic3A_90 : vector<16xi32>
    %swap3A_92 = arith.constant 0 : i32
    %swap3A_93 = arith.index_cast %swap3A_92 : i32 to index
    %swap3A_94 = arith.constant 64 : index
    %swap3A_95 = tpu.vector_load %arg6[%swap3A_93, %swap3A_94] {strides = array<i32>} : memref<2x128xi32, #tpu.memory_space<vmem>>, vector<16xi32>,
    tpu.vector_store %arg6[%swap3A_93, %swap3A_94], %shift_right_arithmetic3A_91 {strides = array<i32>} : memref<2x128xi32, #tpu.memory_space<vmem>>, vector<16xi32>,
    %and3A_96 = arith.constant 3 : i32
    %and3A_97 = vector.broadcast %and3A_96 : i32 to vector<16xi32>
    %and3A_98 = arith.andi %gather3A_88, %and3A_97 : vector<16xi32>
    %shift_left3A_99 = arith.constant 5 : i32
    %shift_left3A_100 = vector.broadcast %shift_left3A_99 : i32 to vector<16xi32>
    %shift_left3A_101 = arith.shli %and3A_98, %shift_left3A_100 : vector<16xi32>
    %swap3A_102 = arith.constant 0 : i32
    %swap3A_103 = arith.index_cast %swap3A_102 : i32 to index
    %swap3A_104 = arith.constant 64 : index
    %swap3A_105 = tpu.vector_load %arg7[%swap3A_103, %swap3A_104] {strides = array<i32>} : memref<2x128xi32, #tpu.memory_space<vmem>>, vector<16xi32>,
    tpu.vector_store %arg7[%swap3A_103, %swap3A_104], %shift_left3A_101 {strides = array<i32>} : memref<2x128xi32, #tpu.memory_space<vmem>>, vector<16xi32>,
    %add3A_106 = arith.constant 4000 : i32
    %add3A_107 = vector.broadcast %add3A_106 : i32 to vector<16xi32>
    %add3A_108 = arith.addi %mul3A_3, %add3A_107 : vector<16xi32>
    %gather3A_109 = tpu.vector_load_idx %arg5[%add3A_108] : memref<25600xi32, #tpu.memory_space<vmem>>[vector<16xi32>], vector<16xi32>,
    %shift_right_arithmetic3A_110 = arith.constant 2 : i32
    %shift_right_arithmetic3A_111 = vector.broadcast %shift_right_arithmetic3A_110 : i32 to vector<16xi32>
    %shift_right_arithmetic3A_112 = arith.shrsi %gather3A_109, %shift_right_arithmetic3A_111 : vector<16xi32>
    %swap3A_113 = arith.constant 0 : i32
    %swap3A_114 = arith.index_cast %swap3A_113 : i32 to index
    %swap3A_115 = arith.constant 80 : index
    %swap3A_116 = tpu.vector_load %arg6[%swap3A_114, %swap3A_115] {strides = array<i32>} : memref<2x128xi32, #tpu.memory_space<vmem>>, vector<16xi32>,
    tpu.vector_store %arg6[%swap3A_114, %swap3A_115], %shift_right_arithmetic3A_112 {strides = array<i32>} : memref<2x128xi32, #tpu.memory_space<vmem>>, vector<16xi32>,
    %and3A_117 = arith.constant 3 : i32
    %and3A_118 = vector.broadcast %and3A_117 : i32 to vector<16xi32>
    %and3A_119 = arith.andi %gather3A_109, %and3A_118 : vector<16xi32>
    %shift_left3A_120 = arith.constant 5 : i32
    %shift_left3A_121 = vector.broadcast %shift_left3A_120 : i32 to vector<16xi32>
    %shift_left3A_122 = arith.shli %and3A_119, %shift_left3A_121 : vector<16xi32>
    %swap3A_123 = arith.constant 0 : i32
    %swap3A_124 = arith.index_cast %swap3A_123 : i32 to index
    %swap3A_125 = arith.constant 80 : index
    %swap3A_126 = tpu.vector_load %arg7[%swap3A_124, %swap3A_125] {strides = array<i32>} : memref<2x128xi32, #tpu.memory_space<vmem>>, vector<16xi32>,
    tpu.vector_store %arg7[%swap3A_124, %swap3A_125], %shift_left3A_122 {strides = array<i32>} : memref<2x128xi32, #tpu.memory_space<vmem>>, vector<16xi32>,
    %add3A_127 = arith.constant 4800 : i32
    %add3A_128 = vector.broadcast %add3A_127 : i32 to vector<16xi32>
    %add3A_129 = arith.addi %mul3A_3, %add3A_128 : vector<16xi32>
    %gather3A_130 = tpu.vector_load_idx %arg5[%add3A_129] : memref<25600xi32, #tpu.memory_space<vmem>>[vector<16xi32>], vector<16xi32>,
    %shift_right_arithmetic3A_131 = arith.constant 2 : i32
    %shift_right_arithmetic3A_132 = vector.broadcast %shift_right_arithmetic3A_131 : i32 to vector<16xi32>
    %shift_right_arithmetic3A_133 = arith.shrsi %gather3A_130, %shift_right_arithmetic3A_132 : vector<16xi32>
    %swap3A_134 = arith.constant 0 : i32
    %swap3A_135 = arith.index_cast %swap3A_134 : i32 to index
    %swap3A_136 = arith.constant 96 : index
    %swap3A_137 = tpu.vector_load %arg6[%swap3A_135, %swap3A_136] {strides = array<i32>} : memref<2x128xi32, #tpu.memory_space<vmem>>, vector<16xi32>,
    tpu.vector_store %arg6[%swap3A_135, %swap3A_136], %shift_right_arithmetic3A_133 {strides = array<i32>} : memref<2x128xi32, #tpu.memory_space<vmem>>, vector<16xi32>,
    %and3A_138 = arith.constant 3 : i32
    %and3A_139 = vector.broadcast %and3A_138 : i32 to vector<16xi32>
    %and3A_140 = arith.andi %gather3A_130, %and3A_139 : vector<16xi32>
    %shift_left3A_141 = arith.constant 5 : i32
    %shift_left3A_142 = vector.broadcast %shift_left3A_141 : i32 to vector<16xi32>
    %shift_left3A_143 = arith.shli %and3A_140, %shift_left3A_142 : vector<16xi32>
    %swap3A_144 = arith.constant 0 : i32
    %swap3A_145 = arith.index_cast %swap3A_144 : i32 to index
    %swap3A_146 = arith.constant 96 : index
    %swap3A_147 = tpu.vector_load %arg7[%swap3A_145, %swap3A_146] {strides = array<i32>} : memref<2x128xi32, #tpu.memory_space<vmem>>, vector<16xi32>,
    tpu.vector_store %arg7[%swap3A_145, %swap3A_146], %shift_left3A_143 {strides = array<i32>} : memref<2x128xi32, #tpu.memory_space<vmem>>, vector<16xi32>,
    %add3A_148 = arith.constant 5600 : i32
    %add3A_149 = vector.broadcast %add3A_148 : i32 to vector<16xi32>
    %add3A_150 = arith.addi %mul3A_3, %add3A_149 : vector<16xi32>
    %gather3A_151 = tpu.vector_load_idx %arg5[%add3A_150] : memref<25600xi32, #tpu.memory_space<vmem>>[vector<16xi32>], vector<16xi32>,
    %shift_right_arithmetic3A_152 = arith.constant 2 : i32
    %shift_right_arithmetic3A_153 = vector.broadcast %shift_right_arithmetic3A_152 : i32 to vector<16xi32>
    %shift_right_arithmetic3A_154 = arith.shrsi %gather3A_151, %shift_right_arithmetic3A_153 : vector<16xi32>
    %swap3A_155 = arith.constant 0 : i32
    %swap3A_156 = arith.index_cast %swap3A_155 : i32 to index
    %swap3A_157 = arith.constant 112 : index
    %swap3A_158 = tpu.vector_load %arg6[%swap3A_156, %swap3A_157] {strides = array<i32>} : memref<2x128xi32, #tpu.memory_space<vmem>>, vector<16xi32>,
    tpu.vector_store %arg6[%swap3A_156, %swap3A_157], %shift_right_arithmetic3A_154 {strides = array<i32>} : memref<2x128xi32, #tpu.memory_space<vmem>>, vector<16xi32>,
    %and3A_159 = arith.constant 3 : i32
    %and3A_160 = vector.broadcast %and3A_159 : i32 to vector<16xi32>
    %and3A_161 = arith.andi %gather3A_151, %and3A_160 : vector<16xi32>
    %shift_left3A_162 = arith.constant 5 : i32
    %shift_left3A_163 = vector.broadcast %shift_left3A_162 : i32 to vector<16xi32>
    %shift_left3A_164 = arith.shli %and3A_161, %shift_left3A_163 : vector<16xi32>
    %swap3A_165 = arith.constant 0 : i32
    %swap3A_166 = arith.index_cast %swap3A_165 : i32 to index
    %swap3A_167 = arith.constant 112 : index
    %swap3A_168 = tpu.vector_load %arg7[%swap3A_166, %swap3A_167] {strides = array<i32>} : memref<2x128xi32, #tpu.memory_space<vmem>>, vector<16xi32>,
    tpu.vector_store %arg7[%swap3A_166, %swap3A_167], %shift_left3A_164 {strides = array<i32>} : memref<2x128xi32, #tpu.memory_space<vmem>>, vector<16xi32>,
    %dma_start3A = arith.constant 0 : i32
    %dma_start3A_169 = arith.constant 0 : i32
    %dma_start3A_170 = arith.constant 0 : i32
    %dma_start3A_171 = arith.constant 0 : i32
    %dma_start3A_172 = tpu.memref_slice %arg8[%dma_start3A_169, %dma_start3A_170, %dma_start3A_171] : memref<2x128x128xf32, #tpu.memory_space<vmem>> -> memref<1x128x128xf32, #tpu.memory_space<vmem>>
    %dma_start3A_173 = tpu.memref_squeeze %dma_start3A_172 : memref<1x128x128xf32, #tpu.memory_space<vmem>> -> memref<128x128xf32, #tpu.memory_space<vmem>>
    %dma_start3A_174 = arith.constant 0 : i32
    %dma_start3A_175 = tpu.memref_slice %arg6[%dma_start3A, %dma_start3A_174] : memref<2x128xi32, #tpu.memory_space<vmem>> -> memref<1x128xi32, #tpu.memory_space<vmem>>
    %dma_start3A_176 = tpu.memref_squeeze %dma_start3A_175 : memref<1x128xi32, #tpu.memory_space<vmem>> -> memref<128xi32, #tpu.memory_space<vmem>>
    %dma_start3A_177 = arith.constant 0 : i32
    %dma_start3A_178 = arith.constant 0 : i32
    %dma_start3A_179 = tpu.memref_slice %arg3[%dma_start3A_177, %dma_start3A_178] : memref<250000x128xf32, #tpu.memory_space<hbm>> -> memref<250000x128xf32, #tpu.memory_space<hbm>>
    tpu.enqueue_indirect_dma source(%dma_start3A_179 : memref<250000x128xf32, #tpu.memory_space<hbm>>) target(%dma_start3A_173 : memref<128x128xf32, #tpu.memory_space<vmem>>) offsets(%dma_start3A_176 : memref<128xi32, #tpu.memory_space<vmem>>) semaphore(%arg10 : memref<!tpu.dma_semaphore, #tpu.memory_space<semaphore_mem>>)
    %add3A_180 = arith.constant 1 : i32
    %add3A_181 = vector.broadcast %add3A_180 : i32 to vector<16xi32>
    %add3A_182 = arith.addi %mul3A_3, %add3A_181 : vector<16xi32>
    %gather3A_183 = tpu.vector_load_idx %arg5[%add3A_182] : memref<25600xi32, #tpu.memory_space<vmem>>[vector<16xi32>], vector<16xi32>,
    %shift_right_arithmetic3A_184 = arith.constant 2 : i32
    %shift_right_arithmetic3A_185 = vector.broadcast %shift_right_arithmetic3A_184 : i32 to vector<16xi32>
    %shift_right_arithmetic3A_186 = arith.shrsi %gather3A_183, %shift_right_arithmetic3A_185 : vector<16xi32>
    %swap3A_187 = arith.constant 1 : i32
    %swap3A_188 = arith.index_cast %swap3A_187 : i32 to index
    %swap3A_189 = arith.constant 0 : index
    %swap3A_190 = tpu.vector_load %arg6[%swap3A_188, %swap3A_189] {strides = array<i32>} : memref<2x128xi32, #tpu.memory_space<vmem>>, vector<16xi32>,
    tpu.vector_store %arg6[%swap3A_188, %swap3A_189], %shift_right_arithmetic3A_186 {strides = array<i32>} : memref<2x128xi32, #tpu.memory_space<vmem>>, vector<16xi32>,
    %and3A_191 = arith.constant 3 : i32
    %and3A_192 = vector.broadcast %and3A_191 : i32 to vector<16xi32>
    %and3A_193 = arith.andi %gather3A_183, %and3A_192 : vector<16xi32>
    %shift_left3A_194 = arith.constant 5 : i32
    %shift_left3A_195 = vector.broadcast %shift_left3A_194 : i32 to vector<16xi32>
    %shift_left3A_196 = arith.shli %and3A_193, %shift_left3A_195 : vector<16xi32>
    %swap3A_197 = arith.constant 1 : i32
    %swap3A_198 = arith.index_cast %swap3A_197 : i32 to index
    %swap3A_199 = arith.constant 0 : index
    %swap3A_200 = tpu.vector_load %arg7[%swap3A_198, %swap3A_199] {strides = array<i32>} : memref<2x128xi32, #tpu.memory_space<vmem>>, vector<16xi32>,
    tpu.vector_store %arg7[%swap3A_198, %swap3A_199], %shift_left3A_196 {strides = array<i32>} : memref<2x128xi32, #tpu.memory_space<vmem>>, vector<16xi32>,
    %add3A_201 = arith.constant 801 : i32
    %add3A_202 = vector.broadcast %add3A_201 : i32 to vector<16xi32>
    %add3A_203 = arith.addi %mul3A_3, %add3A_202 : vector<16xi32>
    %gather3A_204 = tpu.vector_load_idx %arg5[%add3A_203] : memref<25600xi32, #tpu.memory_space<vmem>>[vector<16xi32>], vector<16xi32>,
    %shift_right_arithmetic3A_205 = arith.constant 2 : i32
    %shift_right_arithmetic3A_206 = vector.broadcast %shift_right_arithmetic3A_205 : i32 to vector<16xi32>
    %shift_right_arithmetic3A_207 = arith.shrsi %gather3A_204, %shift_right_arithmetic3A_206 : vector<16xi32>
    %swap3A_208 = arith.constant 1 : i32
    %swap3A_209 = arith.index_cast %swap3A_208 : i32 to index
    %swap3A_210 = arith.constant 16 : index
    %swap3A_211 = tpu.vector_load %arg6[%swap3A_209, %swap3A_210] {strides = array<i32>} : memref<2x128xi32, #tpu.memory_space<vmem>>, vector<16xi32>,
    tpu.vector_store %arg6[%swap3A_209, %swap3A_210], %shift_right_arithmetic3A_207 {strides = array<i32>} : memref<2x128xi32, #tpu.memory_space<vmem>>, vector<16xi32>,
    %and3A_212 = arith.constant 3 : i32
    %and3A_213 = vector.broadcast %and3A_212 : i32 to vector<16xi32>
    %and3A_214 = arith.andi %gather3A_204, %and3A_213 : vector<16xi32>
    %shift_left3A_215 = arith.constant 5 : i32
    %shift_left3A_216 = vector.broadcast %shift_left3A_215 : i32 to vector<16xi32>
    %shift_left3A_217 = arith.shli %and3A_214, %shift_left3A_216 : vector<16xi32>
    %swap3A_218 = arith.constant 1 : i32
    %swap3A_219 = arith.index_cast %swap3A_218 : i32 to index
    %swap3A_220 = arith.constant 16 : index
    %swap3A_221 = tpu.vector_load %arg7[%swap3A_219, %swap3A_220] {strides = array<i32>} : memref<2x128xi32, #tpu.memory_space<vmem>>, vector<16xi32>,
    tpu.vector_store %arg7[%swap3A_219, %swap3A_220], %shift_left3A_217 {strides = array<i32>} : memref<2x128xi32, #tpu.memory_space<vmem>>, vector<16xi32>,
    %add3A_222 = arith.constant 1601 : i32
    %add3A_223 = vector.broadcast %add3A_222 : i32 to vector<16xi32>
    %add3A_224 = arith.addi %mul3A_3, %add3A_223 : vector<16xi32>
    %gather3A_225 = tpu.vector_load_idx %arg5[%add3A_224] : memref<25600xi32, #tpu.memory_space<vmem>>[vector<16xi32>], vector<16xi32>,
    %shift_right_arithmetic3A_226 = arith.constant 2 : i32
    %shift_right_arithmetic3A_227 = vector.broadcast %shift_right_arithmetic3A_226 : i32 to vector<16xi32>
    %shift_right_arithmetic3A_228 = arith.shrsi %gather3A_225, %shift_right_arithmetic3A_227 : vector<16xi32>
    %swap3A_229 = arith.constant 1 : i32
    %swap3A_230 = arith.index_cast %swap3A_229 : i32 to index
    %swap3A_231 = arith.constant 32 : index
    %swap3A_232 = tpu.vector_load %arg6[%swap3A_230, %swap3A_231] {strides = array<i32>} : memref<2x128xi32, #tpu.memory_space<vmem>>, vector<16xi32>,
    tpu.vector_store %arg6[%swap3A_230, %swap3A_231], %shift_right_arithmetic3A_228 {strides = array<i32>} : memref<2x128xi32, #tpu.memory_space<vmem>>, vector<16xi32>,
    %and3A_233 = arith.constant 3 : i32
    %and3A_234 = vector.broadcast %and3A_233 : i32 to vector<16xi32>
    %and3A_235 = arith.andi %gather3A_225, %and3A_234 : vector<16xi32>
    %shift_left3A_236 = arith.constant 5 : i32
    %shift_left3A_237 = vector.broadcast %shift_left3A_236 : i32 to vector<16xi32>
    %shift_left3A_238 = arith.shli %and3A_235, %shift_left3A_237 : vector<16xi32>
    %swap3A_239 = arith.constant 1 : i32
    %swap3A_240 = arith.index_cast %swap3A_239 : i32 to index
    %swap3A_241 = arith.constant 32 : index
    %swap3A_242 = tpu.vector_load %arg7[%swap3A_240, %swap3A_241] {strides = array<i32>} : memref<2x128xi32, #tpu.memory_space<vmem>>, vector<16xi32>,
    tpu.vector_store %arg7[%swap3A_240, %swap3A_241], %shift_left3A_238 {strides = array<i32>} : memref<2x128xi32, #tpu.memory_space<vmem>>, vector<16xi32>,
    %add3A_243 = arith.constant 2401 : i32
    %add3A_244 = vector.broadcast %add3A_243 : i32 to vector<16xi32>
    %add3A_245 = arith.addi %mul3A_3, %add3A_244 : vector<16xi32>
    %gather3A_246 = tpu.vector_load_idx %arg5[%add3A_245] : memref<25600xi32, #tpu.memory_space<vmem>>[vector<16xi32>], vector<16xi32>,
    %shift_right_arithmetic3A_247 = arith.constant 2 : i32
    %shift_right_arithmetic3A_248 = vector.broadcast %shift_right_arithmetic3A_247 : i32 to vector<16xi32>
    %shift_right_arithmetic3A_249 = arith.shrsi %gather3A_246, %shift_right_arithmetic3A_248 : vector<16xi32>
    %swap3A_250 = arith.constant 1 : i32
    %swap3A_251 = arith.index_cast %swap3A_250 : i32 to index
    %swap3A_252 = arith.constant 48 : index
    %swap3A_253 = tpu.vector_load %arg6[%swap3A_251, %swap3A_252] {strides = array<i32>} : memref<2x128xi32, #tpu.memory_space<vmem>>, vector<16xi32>,
    tpu.vector_store %arg6[%swap3A_251, %swap3A_252], %shift_right_arithmetic3A_249 {strides = array<i32>} : memref<2x128xi32, #tpu.memory_space<vmem>>, vector<16xi32>,
    %and3A_254 = arith.constant 3 : i32
    %and3A_255 = vector.broadcast %and3A_254 : i32 to vector<16xi32>
    %and3A_256 = arith.andi %gather3A_246, %and3A_255 : vector<16xi32>
    %shift_left3A_257 = arith.constant 5 : i32
    %shift_left3A_258 = vector.broadcast %shift_left3A_257 : i32 to vector<16xi32>
    %shift_left3A_259 = arith.shli %and3A_256, %shift_left3A_258 : vector<16xi32>
    %swap3A_260 = arith.constant 1 : i32
    %swap3A_261 = arith.index_cast %swap3A_260 : i32 to index
    %swap3A_262 = arith.constant 48 : index
    %swap3A_263 = tpu.vector_load %arg7[%swap3A_261, %swap3A_262] {strides = array<i32>} : memref<2x128xi32, #tpu.memory_space<vmem>>, vector<16xi32>,
    tpu.vector_store %arg7[%swap3A_261, %swap3A_262], %shift_left3A_259 {strides = array<i32>} : memref<2x128xi32, #tpu.memory_space<vmem>>, vector<16xi32>,
    %add3A_264 = arith.constant 3201 : i32
    %add3A_265 = vector.broadcast %add3A_264 : i32 to vector<16xi32>
    %add3A_266 = arith.addi %mul3A_3, %add3A_265 : vector<16xi32>
    %gather3A_267 = tpu.vector_load_idx %arg5[%add3A_266] : memref<25600xi32, #tpu.memory_space<vmem>>[vector<16xi32>], vector<16xi32>,
    %shift_right_arithmetic3A_268 = arith.constant 2 : i32
    %shift_right_arithmetic3A_269 = vector.broadcast %shift_right_arithmetic3A_268 : i32 to vector<16xi32>
    %shift_right_arithmetic3A_270 = arith.shrsi %gather3A_267, %shift_right_arithmetic3A_269 : vector<16xi32>
    %swap3A_271 = arith.constant 1 : i32
    %swap3A_272 = arith.index_cast %swap3A_271 : i32 to index
    %swap3A_273 = arith.constant 64 : index
    %swap3A_274 = tpu.vector_load %arg6[%swap3A_272, %swap3A_273] {strides = array<i32>} : memref<2x128xi32, #tpu.memory_space<vmem>>, vector<16xi32>,
    tpu.vector_store %arg6[%swap3A_272, %swap3A_273], %shift_right_arithmetic3A_270 {strides = array<i32>} : memref<2x128xi32, #tpu.memory_space<vmem>>, vector<16xi32>,
    %and3A_275 = arith.constant 3 : i32
    %and3A_276 = vector.broadcast %and3A_275 : i32 to vector<16xi32>
    %and3A_277 = arith.andi %gather3A_267, %and3A_276 : vector<16xi32>
    %shift_left3A_278 = arith.constant 5 : i32
    %shift_left3A_279 = vector.broadcast %shift_left3A_278 : i32 to vector<16xi32>
    %shift_left3A_280 = arith.shli %and3A_277, %shift_left3A_279 : vector<16xi32>
    %swap3A_281 = arith.constant 1 : i32
    %swap3A_282 = arith.index_cast %swap3A_281 : i32 to index
    %swap3A_283 = arith.constant 64 : index
    %swap3A_284 = tpu.vector_load %arg7[%swap3A_282, %swap3A_283] {strides = array<i32>} : memref<2x128xi32, #tpu.memory_space<vmem>>, vector<16xi32>,
    tpu.vector_store %arg7[%swap3A_282, %swap3A_283], %shift_left3A_280 {strides = array<i32>} : memref<2x128xi32, #tpu.memory_space<vmem>>, vector<16xi32>,
    %add3A_285 = arith.constant 4001 : i32
    %add3A_286 = vector.broadcast %add3A_285 : i32 to vector<16xi32>
    %add3A_287 = arith.addi %mul3A_3, %add3A_286 : vector<16xi32>
    %gather3A_288 = tpu.vector_load_idx %arg5[%add3A_287] : memref<25600xi32, #tpu.memory_space<vmem>>[vector<16xi32>], vector<16xi32>,
    %shift_right_arithmetic3A_289 = arith.constant 2 : i32
    %shift_right_arithmetic3A_290 = vector.broadcast %shift_right_arithmetic3A_289 : i32 to vector<16xi32>
    %shift_right_arithmetic3A_291 = arith.shrsi %gather3A_288, %shift_right_arithmetic3A_290 : vector<16xi32>
    %swap3A_292 = arith.constant 1 : i32
    %swap3A_293 = arith.index_cast %swap3A_292 : i32 to index
    %swap3A_294 = arith.constant 80 : index
    %swap3A_295 = tpu.vector_load %arg6[%swap3A_293, %swap3A_294] {strides = array<i32>} : memref<2x128xi32, #tpu.memory_space<vmem>>, vector<16xi32>,
    tpu.vector_store %arg6[%swap3A_293, %swap3A_294], %shift_right_arithmetic3A_291 {strides = array<i32>} : memref<2x128xi32, #tpu.memory_space<vmem>>, vector<16xi32>,
    %and3A_296 = arith.constant 3 : i32
    %and3A_297 = vector.broadcast %and3A_296 : i32 to vector<16xi32>
    %and3A_298 = arith.andi %gather3A_288, %and3A_297 : vector<16xi32>
    %shift_left3A_299 = arith.constant 5 : i32
    %shift_left3A_300 = vector.broadcast %shift_left3A_299 : i32 to vector<16xi32>
    %shift_left3A_301 = arith.shli %and3A_298, %shift_left3A_300 : vector<16xi32>
    %swap3A_302 = arith.constant 1 : i32
    %swap3A_303 = arith.index_cast %swap3A_302 : i32 to index
    %swap3A_304 = arith.constant 80 : index
    %swap3A_305 = tpu.vector_load %arg7[%swap3A_303, %swap3A_304] {strides = array<i32>} : memref<2x128xi32, #tpu.memory_space<vmem>>, vector<16xi32>,
    tpu.vector_store %arg7[%swap3A_303, %swap3A_304], %shift_left3A_301 {strides = array<i32>} : memref<2x128xi32, #tpu.memory_space<vmem>>, vector<16xi32>,
    %add3A_306 = arith.constant 4801 : i32
    %add3A_307 = vector.broadcast %add3A_306 : i32 to vector<16xi32>
    %add3A_308 = arith.addi %mul3A_3, %add3A_307 : vector<16xi32>
    %gather3A_309 = tpu.vector_load_idx %arg5[%add3A_308] : memref<25600xi32, #tpu.memory_space<vmem>>[vector<16xi32>], vector<16xi32>,
    %shift_right_arithmetic3A_310 = arith.constant 2 : i32
    %shift_right_arithmetic3A_311 = vector.broadcast %shift_right_arithmetic3A_310 : i32 to vector<16xi32>
    %shift_right_arithmetic3A_312 = arith.shrsi %gather3A_309, %shift_right_arithmetic3A_311 : vector<16xi32>
    %swap3A_313 = arith.constant 1 : i32
    %swap3A_314 = arith.index_cast %swap3A_313 : i32 to index
    %swap3A_315 = arith.constant 96 : index
    %swap3A_316 = tpu.vector_load %arg6[%swap3A_314, %swap3A_315] {strides = array<i32>} : memref<2x128xi32, #tpu.memory_space<vmem>>, vector<16xi32>,
    tpu.vector_store %arg6[%swap3A_314, %swap3A_315], %shift_right_arithmetic3A_312 {strides = array<i32>} : memref<2x128xi32, #tpu.memory_space<vmem>>, vector<16xi32>,
    %and3A_317 = arith.constant 3 : i32
    %and3A_318 = vector.broadcast %and3A_317 : i32 to vector<16xi32>
    %and3A_319 = arith.andi %gather3A_309, %and3A_318 : vector<16xi32>
    %shift_left3A_320 = arith.constant 5 : i32
    %shift_left3A_321 = vector.broadcast %shift_left3A_320 : i32 to vector<16xi32>
    %shift_left3A_322 = arith.shli %and3A_319, %shift_left3A_321 : vector<16xi32>
    %swap3A_323 = arith.constant 1 : i32
    %swap3A_324 = arith.index_cast %swap3A_323 : i32 to index
    %swap3A_325 = arith.constant 96 : index
    %swap3A_326 = tpu.vector_load %arg7[%swap3A_324, %swap3A_325] {strides = array<i32>} : memref<2x128xi32, #tpu.memory_space<vmem>>, vector<16xi32>,
    tpu.vector_store %arg7[%swap3A_324, %swap3A_325], %shift_left3A_322 {strides = array<i32>} : memref<2x128xi32, #tpu.memory_space<vmem>>, vector<16xi32>,
    %add3A_327 = arith.constant 5601 : i32
    %add3A_328 = vector.broadcast %add3A_327 : i32 to vector<16xi32>
    %add3A_329 = arith.addi %mul3A_3, %add3A_328 : vector<16xi32>
    %gather3A_330 = tpu.vector_load_idx %arg5[%add3A_329] : memref<25600xi32, #tpu.memory_space<vmem>>[vector<16xi32>], vector<16xi32>,
    %shift_right_arithmetic3A_331 = arith.constant 2 : i32
    %shift_right_arithmetic3A_332 = vector.broadcast %shift_right_arithmetic3A_331 : i32 to vector<16xi32>
    %shift_right_arithmetic3A_333 = arith.shrsi %gather3A_330, %shift_right_arithmetic3A_332 : vector<16xi32>
    %swap3A_334 = arith.constant 1 : i32
    %swap3A_335 = arith.index_cast %swap3A_334 : i32 to index
    %swap3A_336 = arith.constant 112 : index
    %swap3A_337 = tpu.vector_load %arg6[%swap3A_335, %swap3A_336] {strides = array<i32>} : memref<2x128xi32, #tpu.memory_space<vmem>>, vector<16xi32>,
    tpu.vector_store %arg6[%swap3A_335, %swap3A_336], %shift_right_arithmetic3A_333 {strides = array<i32>} : memref<2x128xi32, #tpu.memory_space<vmem>>, vector<16xi32>,
    %and3A_338 = arith.constant 3 : i32
    %and3A_339 = vector.broadcast %and3A_338 : i32 to vector<16xi32>
    %and3A_340 = arith.andi %gather3A_330, %and3A_339 : vector<16xi32>
    %shift_left3A_341 = arith.constant 5 : i32
    %shift_left3A_342 = vector.broadcast %shift_left3A_341 : i32 to vector<16xi32>
    %shift_left3A_343 = arith.shli %and3A_340, %shift_left3A_342 : vector<16xi32>
    %swap3A_344 = arith.constant 1 : i32
    %swap3A_345 = arith.index_cast %swap3A_344 : i32 to index
    %swap3A_346 = arith.constant 112 : index
    %swap3A_347 = tpu.vector_load %arg7[%swap3A_345, %swap3A_346] {strides = array<i32>} : memref<2x128xi32, #tpu.memory_space<vmem>>, vector<16xi32>,
    tpu.vector_store %arg7[%swap3A_345, %swap3A_346], %shift_left3A_343 {strides = array<i32>} : memref<2x128xi32, #tpu.memory_space<vmem>>, vector<16xi32>,
    %dma_start3A_348 = arith.constant 1 : i32
    %dma_start3A_349 = arith.constant 1 : i32
    %dma_start3A_350 = arith.constant 0 : i32
    %dma_start3A_351 = arith.constant 0 : i32
    %dma_start3A_352 = tpu.memref_slice %arg8[%dma_start3A_349, %dma_start3A_350, %dma_start3A_351] : memref<2x128x128xf32, #tpu.memory_space<vmem>> -> memref<1x128x128xf32, #tpu.memory_space<vmem>>
    %dma_start3A_353 = tpu.memref_squeeze %dma_start3A_352 : memref<1x128x128xf32, #tpu.memory_space<vmem>> -> memref<128x128xf32, #tpu.memory_space<vmem>>
    %dma_start3A_354 = arith.constant 0 : i32
    %dma_start3A_355 = tpu.memref_slice %arg6[%dma_start3A_348, %dma_start3A_354] : memref<2x128xi32, #tpu.memory_space<vmem>> -> memref<1x128xi32, #tpu.memory_space<vmem>>
    %dma_start3A_356 = tpu.memref_squeeze %dma_start3A_355 : memref<1x128xi32, #tpu.memory_space<vmem>> -> memref<128xi32, #tpu.memory_space<vmem>>
    %dma_start3A_357 = arith.constant 0 : i32
    %dma_start3A_358 = arith.constant 0 : i32
    %dma_start3A_359 = tpu.memref_slice %arg3[%dma_start3A_357, %dma_start3A_358] : memref<250000x128xf32, #tpu.memory_space<hbm>> -> memref<250000x128xf32, #tpu.memory_space<hbm>>
    tpu.enqueue_indirect_dma source(%dma_start3A_359 : memref<250000x128xf32, #tpu.memory_space<hbm>>) target(%dma_start3A_353 : memref<128x128xf32, #tpu.memory_space<vmem>>) offsets(%dma_start3A_356 : memref<128xi32, #tpu.memory_space<vmem>>) semaphore(%arg11 : memref<!tpu.dma_semaphore, #tpu.memory_space<semaphore_mem>>)
    %scan3A = arith.constant 0 : i32
    %scan3A_360 = arith.constant 99 : i32
    %scan3A_361 = arith.addi %scan3A, %scan3A_360 : i32
    %scan3A_362 = arith.constant 1 : i32
    scf.for %scan3A_631 = %scan3A to %scan3A_361 step %scan3A_362  : i32 {
      %mul3A_632 = arith.constant 2 : i32
      %mul3A_633 = arith.muli %scan3A_631, %mul3A_632 : i32
      %add3A_634 = arith.constant 0 : i32
      %add3A_635 = arith.addi %add3A_634, %mul3A_633 : i32
      %add3A_636 = arith.constant 0 : i32
      %add3A_637 = arith.addi %add3A_635, %add3A_636 : i32
      %dma_wait3A_638 = arith.constant 0 : i32
      %dma_wait3A_639 = arith.constant 0 : i32
      %dma_wait3A_640 = arith.constant 0 : i32
      %dma_wait3A_641 = tpu.memref_slice %arg8[%dma_wait3A_638, %dma_wait3A_639, %dma_wait3A_640] : memref<2x128x128xf32, #tpu.memory_space<vmem>> -> memref<1x128x128xf32, #tpu.memory_space<vmem>>
      %dma_wait3A_642 = tpu.memref_squeeze %dma_wait3A_641 : memref<1x128x128xf32, #tpu.memory_space<vmem>> -> memref<128x128xf32, #tpu.memory_space<vmem>>
      %dma_wait3A_643 = arith.constant 0 : i32
      %dma_wait3A_644 = arith.constant 0 : i32
      %dma_wait3A_645 = tpu.memref_slice %arg3[%dma_wait3A_643, %dma_wait3A_644] : memref<250000x128xf32, #tpu.memory_space<hbm>> -> memref<128x128xf32, #tpu.memory_space<hbm>>
      %dma_wait3A_646 = arith.constant 0 : i32
      %dma_wait3A_647 = arith.constant 0 : i32
      %dma_wait3A_648 = tpu.memref_slice %arg8[%dma_wait3A_638, %dma_wait3A_646, %dma_wait3A_647] : memref<2x128x128xf32, #tpu.memory_space<vmem>> -> memref<1x128x128xf32, #tpu.memory_space<vmem>>
      %dma_wait3A_649 = tpu.memref_squeeze %dma_wait3A_648 : memref<1x128x128xf32, #tpu.memory_space<vmem>> -> memref<128x128xf32, #tpu.memory_space<vmem>>
      %dma_wait3A_650 = arith.constant 0 : i32
      %dma_wait3A_651 = arith.constant 0 : i32
      %dma_wait3A_652 = tpu.memref_slice %arg3[%dma_wait3A_650, %dma_wait3A_651] : memref<250000x128xf32, #tpu.memory_space<hbm>> -> memref<128x128xf32, #tpu.memory_space<hbm>>
      tpu.wait_dma2 semaphore(%arg10 : memref<!tpu.dma_semaphore, #tpu.memory_space<semaphore_mem>>) src(%dma_wait3A_652 : memref<128x128xf32, #tpu.memory_space<hbm>>) dst(%dma_wait3A_649 : memref<128x128xf32, #tpu.memory_space<vmem>>)
      %gt3A = arith.constant 0 : i32
      %gt3A_653 = arith.cmpi sgt, %add3A_635, %gt3A : i32
      %convert_element_type3A = arith.extui %gt3A_653 : i1 to i32
      %cond3A = arith.constant 0 : i32
      %cond3A_654 = arith.cmpi ne, %convert_element_type3A, %cond3A : i32
      scf.if %cond3A_654 {
        %dma_wait3A_1420 = arith.constant 0 : i32
        %dma_wait3A_1421 = arith.constant 0 : i32
        %dma_wait3A_1422 = arith.constant 0 : i32
        %dma_wait3A_1423 = arith.constant 0 : i32
        %dma_wait3A_1424 = tpu.memref_slice %arg9[%dma_wait3A_1420, %dma_wait3A_1422, %dma_wait3A_1423] : memref<2x32x128xf32, #tpu.memory_space<vmem>> -> memref<1x32x128xf32, #tpu.memory_space<vmem>>
        %dma_wait3A_1425 = tpu.memref_squeeze %dma_wait3A_1424 : memref<1x32x128xf32, #tpu.memory_space<vmem>> -> memref<32x128xf32, #tpu.memory_space<vmem>>
        %dma_wait3A_1426 = arith.constant 0 : i32
        %dma_wait3A_1427 = arith.constant 0 : i32
        %dma_wait3A_1428 = tpu.memref_slice %arg4[%dma_wait3A_1421, %dma_wait3A_1426, %dma_wait3A_1427] : memref<50x32x16384xf32, #tpu.memory_space<hbm>> -> memref<1x32x128xf32, #tpu.memory_space<hbm>>
        %dma_wait3A_1429 = tpu.memref_squeeze %dma_wait3A_1428 : memref<1x32x128xf32, #tpu.memory_space<hbm>> -> memref<32x128xf32, #tpu.memory_space<hbm>>
        %dma_wait3A_1430 = arith.constant 0 : i32
        %dma_wait3A_1431 = arith.constant 0 : i32
        %dma_wait3A_1432 = tpu.memref_slice %arg4[%dma_wait3A_1421, %dma_wait3A_1430, %dma_wait3A_1431] : memref<50x32x16384xf32, #tpu.memory_space<hbm>> -> memref<1x32x128xf32, #tpu.memory_space<hbm>>
        %dma_wait3A_1433 = tpu.memref_squeeze %dma_wait3A_1432 : memref<1x32x128xf32, #tpu.memory_space<hbm>> -> memref<32x128xf32, #tpu.memory_space<hbm>>
        %dma_wait3A_1434 = arith.constant 0 : i32
        %dma_wait3A_1435 = arith.constant 0 : i32
        %dma_wait3A_1436 = tpu.memref_slice %arg9[%dma_wait3A_1420, %dma_wait3A_1434, %dma_wait3A_1435] : memref<2x32x128xf32, #tpu.memory_space<vmem>> -> memref<1x32x128xf32, #tpu.memory_space<vmem>>
        %dma_wait3A_1437 = tpu.memref_squeeze %dma_wait3A_1436 : memref<1x32x128xf32, #tpu.memory_space<vmem>> -> memref<32x128xf32, #tpu.memory_space<vmem>>
        tpu.wait_dma2 semaphore(%arg12 : memref<!tpu.dma_semaphore, #tpu.memory_space<semaphore_mem>>) src(%dma_wait3A_1437 : memref<32x128xf32, #tpu.memory_space<vmem>>) dst(%dma_wait3A_1433 : memref<32x128xf32, #tpu.memory_space<hbm>>)
      } else {
      }
      %jit3A = arith.constant 50 : i32
      %div3A = arith.divsi %add3A_637, %jit3A : i32
      %sign3A = arith.constant 0 : i32
      %sign3A_655 = arith.cmpi sgt, %add3A_637, %sign3A : i32
      %sign3A_656 = arith.extui %sign3A_655 : i1 to i32
      %sign3A_657 = arith.constant 0 : i32
      %sign3A_658 = arith.cmpi slt, %add3A_637, %sign3A_657 : i32
      %sign3A_659 = arith.extui %sign3A_658 : i1 to i32
      %sign3A_660 = arith.subi %sign3A_656, %sign3A_659 : i32
      %sign3A_661 = arith.constant 0 : i32
      %sign3A_662 = arith.cmpi sgt, %jit3A, %sign3A_661 : i32
      %sign3A_663 = arith.extui %sign3A_662 : i1 to i32
      %sign3A_664 = arith.constant 0 : i32
      %sign3A_665 = arith.cmpi slt, %jit3A, %sign3A_664 : i32
      %sign3A_666 = arith.extui %sign3A_665 : i1 to i32
      %sign3A_667 = arith.subi %sign3A_663, %sign3A_666 : i32
      %ne3A = arith.cmpi ne, %sign3A_660, %sign3A_667 : i32
      %rem3A = arith.remsi %add3A_637, %jit3A : i32
      %ne3A_668 = arith.constant 0 : i32
      %ne3A_669 = arith.cmpi ne, %rem3A, %ne3A_668 : i32
      %and3A_670 = arith.andi %ne3A, %ne3A_669 : i1
      %sub3A = arith.constant 1 : i32
      %sub3A_671 = arith.subi %div3A, %sub3A : i32
      %select_n3A = arith.select %and3A_670, %sub3A_671, %div3A : i32
      %jit3A_672 = arith.constant 50 : i32
      %eq3A = arith.constant 0 : i32
      %eq3A_673 = arith.cmpi eq, %jit3A_672, %eq3A : i32
      %jit3A_674 = arith.constant 1 : i32
      %select_n3A_675 = arith.select %eq3A_673, %jit3A_674, %jit3A_672 : i32
      %rem3A_676 = arith.remsi %add3A_637, %select_n3A_675 : i32
      %ne3A_677 = arith.constant 0 : i32
      %ne3A_678 = arith.cmpi ne, %rem3A_676, %ne3A_677 : i32
      %lt3A = arith.constant 0 : i32
      %lt3A_679 = arith.cmpi slt, %rem3A_676, %lt3A : i32
      %lt3A_680 = arith.constant 0 : i32
      %lt3A_681 = arith.cmpi slt, %select_n3A_675, %lt3A_680 : i32
      %ne3A_682 = arith.xori %lt3A_679, %lt3A_681 : i1
      %and3A_683 = arith.andi %ne3A_682, %ne3A_678 : i1
      %add3A_684 = arith.addi %rem3A_676, %select_n3A_675 : i32
      %select_n3A_685 = arith.select %and3A_683, %add3A_684, %rem3A_676 : i32
      %add3A_686 = arith.constant 0 : i32
      %add3A_687 = vector.broadcast %add3A_686 : i32 to vector<16xi32>
      %add3A_688 = arith.addi %add3A_687, %iota3A : vector<16xi32>
      %add3A_689 = arith.constant 16 : i32
      %add3A_690 = vector.broadcast %add3A_689 : i32 to vector<16xi32>
      %add3A_691 = arith.addi %add3A_690, %iota3A : vector<16xi32>
      %add3A_692 = arith.constant 32 : i32
      %add3A_693 = vector.broadcast %add3A_692 : i32 to vector<16xi32>
      %add3A_694 = arith.addi %add3A_693, %iota3A : vector<16xi32>
      %add3A_695 = arith.constant 48 : i32
      %add3A_696 = vector.broadcast %add3A_695 : i32 to vector<16xi32>
      %add3A_697 = arith.addi %add3A_696, %iota3A : vector<16xi32>
      %add3A_698 = arith.constant 64 : i32
      %add3A_699 = vector.broadcast %add3A_698 : i32 to vector<16xi32>
      %add3A_700 = arith.addi %add3A_699, %iota3A : vector<16xi32>
      %add3A_701 = arith.constant 80 : i32
      %add3A_702 = vector.broadcast %add3A_701 : i32 to vector<16xi32>
      %add3A_703 = arith.addi %add3A_702, %iota3A : vector<16xi32>
      %add3A_704 = arith.constant 96 : i32
      %add3A_705 = vector.broadcast %add3A_704 : i32 to vector<16xi32>
      %add3A_706 = arith.addi %add3A_705, %iota3A : vector<16xi32>
      %add3A_707 = arith.constant 112 : i32
      %add3A_708 = vector.broadcast %add3A_707 : i32 to vector<16xi32>
      %add3A_709 = arith.addi %add3A_708, %iota3A : vector<16xi32>
      %get3A_710 = arith.constant 0 : i32
      %get3A_711 = arith.index_cast %get3A_710 : i32 to index
      %get3A_712 = arith.constant 0 : index
      %get3A_713 = tpu.vector_load %arg7[%get3A_711, %get3A_712] {strides = array<i32>} : memref<2x128xi32, #tpu.memory_space<vmem>>, vector<16xi32>,
      %get3A_714 = arith.constant 0 : i32
      %get3A_715 = arith.index_cast %get3A_714 : i32 to index
      %get3A_716 = arith.constant 16 : index
      %get3A_717 = tpu.vector_load %arg7[%get3A_715, %get3A_716] {strides = array<i32>} : memref<2x128xi32, #tpu.memory_space<vmem>>, vector<16xi32>,
      %get3A_718 = arith.constant 0 : i32
      %get3A_719 = arith.index_cast %get3A_718 : i32 to index
      %get3A_720 = arith.constant 32 : index
      %get3A_721 = tpu.vector_load %arg7[%get3A_719, %get3A_720] {strides = array<i32>} : memref<2x128xi32, #tpu.memory_space<vmem>>, vector<16xi32>,
      %get3A_722 = arith.constant 0 : i32
      %get3A_723 = arith.index_cast %get3A_722 : i32 to index
      %get3A_724 = arith.constant 48 : index
      %get3A_725 = tpu.vector_load %arg7[%get3A_723, %get3A_724] {strides = array<i32>} : memref<2x128xi32, #tpu.memory_space<vmem>>, vector<16xi32>,
      %get3A_726 = arith.constant 0 : i32
      %get3A_727 = arith.index_cast %get3A_726 : i32 to index
      %get3A_728 = arith.constant 64 : index
      %get3A_729 = tpu.vector_load %arg7[%get3A_727, %get3A_728] {strides = array<i32>} : memref<2x128xi32, #tpu.memory_space<vmem>>, vector<16xi32>,
      %get3A_730 = arith.constant 0 : i32
      %get3A_731 = arith.index_cast %get3A_730 : i32 to index
      %get3A_732 = arith.constant 80 : index
      %get3A_733 = tpu.vector_load %arg7[%get3A_731, %get3A_732] {strides = array<i32>} : memref<2x128xi32, #tpu.memory_space<vmem>>, vector<16xi32>,
      %get3A_734 = arith.constant 0 : i32
      %get3A_735 = arith.index_cast %get3A_734 : i32 to index
      %get3A_736 = arith.constant 96 : index
      %get3A_737 = tpu.vector_load %arg7[%get3A_735, %get3A_736] {strides = array<i32>} : memref<2x128xi32, #tpu.memory_space<vmem>>, vector<16xi32>,
      %get3A_738 = arith.constant 0 : i32
      %get3A_739 = arith.index_cast %get3A_738 : i32 to index
      %get3A_740 = arith.constant 112 : index
      %get3A_741 = tpu.vector_load %arg7[%get3A_739, %get3A_740] {strides = array<i32>} : memref<2x128xi32, #tpu.memory_space<vmem>>, vector<16xi32>,
      %scan3A_742 = arith.constant 0 : i32
      %scan3A_743 = arith.constant 16 : i32
      %scan3A_744 = arith.addi %scan3A_742, %scan3A_743 : i32
      %scan3A_745 = arith.constant 1 : i32
      scf.for %scan3A_1420 = %scan3A_742 to %scan3A_744 step %scan3A_745  : i32 {
        %mul3A_1421 = arith.constant 1 : i32
        %mul3A_1422 = arith.muli %scan3A_1420, %mul3A_1421 : i32
        %add3A_1423 = arith.constant 0 : i32
        %add3A_1424 = arith.addi %add3A_1423, %mul3A_1422 : i32
        %add3A_1425 = vector.broadcast %add3A_1424 : i32 to vector<16xi32>
        %add3A_1426 = arith.addi %iota3A, %add3A_1425 : vector<16xi32>
        %and3A_1427 = arith.constant 15 : i32
        %and3A_1428 = vector.broadcast %and3A_1427 : i32 to vector<16xi32>
        %and3A_1429 = arith.andi %add3A_1426, %and3A_1428 : vector<16xi32>
        %add3A_1430 = arith.constant 0 : i32
        %add3A_1431 = vector.broadcast %add3A_1430 : i32 to vector<16xi32>
        %add3A_1432 = arith.addi %add3A_1431, %and3A_1429 : vector<16xi32>
        %add3A_1433 = arith.addi %get3A_713, %add3A_1432 : vector<16xi32>
        %gather3A_1434 = arith.constant 0 : i32
        %gather3A_1435 = arith.constant 0 : i32
        %gather3A_1436 = arith.constant 0 : i32
        %gather3A_1437 = tpu.memref_slice %arg8[%gather3A_1434, %gather3A_1435, %gather3A_1436] : memref<2x128x128xf32, #tpu.memory_space<vmem>> -> memref<1x128x128xf32, #tpu.memory_space<vmem>>
        %gather3A_1438 = tpu.memref_squeeze %gather3A_1437 : memref<1x128x128xf32, #tpu.memory_space<vmem>> -> memref<128x128xf32, #tpu.memory_space<vmem>>
        %gather3A_1439 = tpu.vector_load_idx %gather3A_1438[%add3A_688, %add3A_1433] : memref<128x128xf32, #tpu.memory_space<vmem>>[vector<16xi32>, vector<16xi32>], vector<16xf32>,
        %scatter3A = arith.constant 0 : i32
        %scatter3A_1440 = arith.constant 0 : i32
        %scatter3A_1441 = arith.constant 0 : i32
        %scatter3A_1442 = tpu.memref_slice %arg9[%scatter3A, %scatter3A_1440, %scatter3A_1441] : memref<2x32x128xf32, #tpu.memory_space<vmem>> -> memref<1x32x128xf32, #tpu.memory_space<vmem>>
        %scatter3A_1443 = tpu.memref_squeeze %scatter3A_1442 : memref<1x32x128xf32, #tpu.memory_space<vmem>> -> memref<32x128xf32, #tpu.memory_space<vmem>>
        tpu.vector_store_idx %scatter3A_1443[%add3A_1432, %add3A_688], %gather3A_1439 : memref<32x128xf32, #tpu.memory_space<vmem>>[vector<16xi32>, vector<16xi32>], vector<16xf32>,
        %add3A_1444 = arith.addi %get3A_717, %add3A_1432 : vector<16xi32>
        %gather3A_1445 = arith.constant 0 : i32
        %gather3A_1446 = arith.constant 0 : i32
        %gather3A_1447 = arith.constant 0 : i32
        %gather3A_1448 = tpu.memref_slice %arg8[%gather3A_1445, %gather3A_1446, %gather3A_1447] : memref<2x128x128xf32, #tpu.memory_space<vmem>> -> memref<1x128x128xf32, #tpu.memory_space<vmem>>
        %gather3A_1449 = tpu.memref_squeeze %gather3A_1448 : memref<1x128x128xf32, #tpu.memory_space<vmem>> -> memref<128x128xf32, #tpu.memory_space<vmem>>
        %gather3A_1450 = tpu.vector_load_idx %gather3A_1449[%add3A_691, %add3A_1444] : memref<128x128xf32, #tpu.memory_space<vmem>>[vector<16xi32>, vector<16xi32>], vector<16xf32>,
        %scatter3A_1451 = arith.constant 0 : i32
        %scatter3A_1452 = arith.constant 0 : i32
        %scatter3A_1453 = arith.constant 0 : i32
        %scatter3A_1454 = tpu.memref_slice %arg9[%scatter3A_1451, %scatter3A_1452, %scatter3A_1453] : memref<2x32x128xf32, #tpu.memory_space<vmem>> -> memref<1x32x128xf32, #tpu.memory_space<vmem>>
        %scatter3A_1455 = tpu.memref_squeeze %scatter3A_1454 : memref<1x32x128xf32, #tpu.memory_space<vmem>> -> memref<32x128xf32, #tpu.memory_space<vmem>>
        tpu.vector_store_idx %scatter3A_1455[%add3A_1432, %add3A_691], %gather3A_1450 : memref<32x128xf32, #tpu.memory_space<vmem>>[vector<16xi32>, vector<16xi32>], vector<16xf32>,
        %add3A_1456 = arith.addi %get3A_721, %add3A_1432 : vector<16xi32>
        %gather3A_1457 = arith.constant 0 : i32
        %gather3A_1458 = arith.constant 0 : i32
        %gather3A_1459 = arith.constant 0 : i32
        %gather3A_1460 = tpu.memref_slice %arg8[%gather3A_1457, %gather3A_1458, %gather3A_1459] : memref<2x128x128xf32, #tpu.memory_space<vmem>> -> memref<1x128x128xf32, #tpu.memory_space<vmem>>
        %gather3A_1461 = tpu.memref_squeeze %gather3A_1460 : memref<1x128x128xf32, #tpu.memory_space<vmem>> -> memref<128x128xf32, #tpu.memory_space<vmem>>
        %gather3A_1462 = tpu.vector_load_idx %gather3A_1461[%add3A_694, %add3A_1456] : memref<128x128xf32, #tpu.memory_space<vmem>>[vector<16xi32>, vector<16xi32>], vector<16xf32>,
        %scatter3A_1463 = arith.constant 0 : i32
        %scatter3A_1464 = arith.constant 0 : i32
        %scatter3A_1465 = arith.constant 0 : i32
        %scatter3A_1466 = tpu.memref_slice %arg9[%scatter3A_1463, %scatter3A_1464, %scatter3A_1465] : memref<2x32x128xf32, #tpu.memory_space<vmem>> -> memref<1x32x128xf32, #tpu.memory_space<vmem>>
        %scatter3A_1467 = tpu.memref_squeeze %scatter3A_1466 : memref<1x32x128xf32, #tpu.memory_space<vmem>> -> memref<32x128xf32, #tpu.memory_space<vmem>>
        tpu.vector_store_idx %scatter3A_1467[%add3A_1432, %add3A_694], %gather3A_1462 : memref<32x128xf32, #tpu.memory_space<vmem>>[vector<16xi32>, vector<16xi32>], vector<16xf32>,
        %add3A_1468 = arith.addi %get3A_725, %add3A_1432 : vector<16xi32>
        %gather3A_1469 = arith.constant 0 : i32
        %gather3A_1470 = arith.constant 0 : i32
        %gather3A_1471 = arith.constant 0 : i32
        %gather3A_1472 = tpu.memref_slice %arg8[%gather3A_1469, %gather3A_1470, %gather3A_1471] : memref<2x128x128xf32, #tpu.memory_space<vmem>> -> memref<1x128x128xf32, #tpu.memory_space<vmem>>
        %gather3A_1473 = tpu.memref_squeeze %gather3A_1472 : memref<1x128x128xf32, #tpu.memory_space<vmem>> -> memref<128x128xf32, #tpu.memory_space<vmem>>
        %gather3A_1474 = tpu.vector_load_idx %gather3A_1473[%add3A_697, %add3A_1468] : memref<128x128xf32, #tpu.memory_space<vmem>>[vector<16xi32>, vector<16xi32>], vector<16xf32>,
        %scatter3A_1475 = arith.constant 0 : i32
        %scatter3A_1476 = arith.constant 0 : i32
        %scatter3A_1477 = arith.constant 0 : i32
        %scatter3A_1478 = tpu.memref_slice %arg9[%scatter3A_1475, %scatter3A_1476, %scatter3A_1477] : memref<2x32x128xf32, #tpu.memory_space<vmem>> -> memref<1x32x128xf32, #tpu.memory_space<vmem>>
        %scatter3A_1479 = tpu.memref_squeeze %scatter3A_1478 : memref<1x32x128xf32, #tpu.memory_space<vmem>> -> memref<32x128xf32, #tpu.memory_space<vmem>>
        tpu.vector_store_idx %scatter3A_1479[%add3A_1432, %add3A_697], %gather3A_1474 : memref<32x128xf32, #tpu.memory_space<vmem>>[vector<16xi32>, vector<16xi32>], vector<16xf32>,
        %add3A_1480 = arith.addi %get3A_729, %add3A_1432 : vector<16xi32>
        %gather3A_1481 = arith.constant 0 : i32
        %gather3A_1482 = arith.constant 0 : i32
        %gather3A_1483 = arith.constant 0 : i32
        %gather3A_1484 = tpu.memref_slice %arg8[%gather3A_1481, %gather3A_1482, %gather3A_1483] : memref<2x128x128xf32, #tpu.memory_space<vmem>> -> memref<1x128x128xf32, #tpu.memory_space<vmem>>
        %gather3A_1485 = tpu.memref_squeeze %gather3A_1484 : memref<1x128x128xf32, #tpu.memory_space<vmem>> -> memref<128x128xf32, #tpu.memory_space<vmem>>
        %gather3A_1486 = tpu.vector_load_idx %gather3A_1485[%add3A_700, %add3A_1480] : memref<128x128xf32, #tpu.memory_space<vmem>>[vector<16xi32>, vector<16xi32>], vector<16xf32>,
        %scatter3A_1487 = arith.constant 0 : i32
        %scatter3A_1488 = arith.constant 0 : i32
        %scatter3A_1489 = arith.constant 0 : i32
        %scatter3A_1490 = tpu.memref_slice %arg9[%scatter3A_1487, %scatter3A_1488, %scatter3A_1489] : memref<2x32x128xf32, #tpu.memory_space<vmem>> -> memref<1x32x128xf32, #tpu.memory_space<vmem>>
        %scatter3A_1491 = tpu.memref_squeeze %scatter3A_1490 : memref<1x32x128xf32, #tpu.memory_space<vmem>> -> memref<32x128xf32, #tpu.memory_space<vmem>>
        tpu.vector_store_idx %scatter3A_1491[%add3A_1432, %add3A_700], %gather3A_1486 : memref<32x128xf32, #tpu.memory_space<vmem>>[vector<16xi32>, vector<16xi32>], vector<16xf32>,
        %add3A_1492 = arith.addi %get3A_733, %add3A_1432 : vector<16xi32>
        %gather3A_1493 = arith.constant 0 : i32
        %gather3A_1494 = arith.constant 0 : i32
        %gather3A_1495 = arith.constant 0 : i32
        %gather3A_1496 = tpu.memref_slice %arg8[%gather3A_1493, %gather3A_1494, %gather3A_1495] : memref<2x128x128xf32, #tpu.memory_space<vmem>> -> memref<1x128x128xf32, #tpu.memory_space<vmem>>
        %gather3A_1497 = tpu.memref_squeeze %gather3A_1496 : memref<1x128x128xf32, #tpu.memory_space<vmem>> -> memref<128x128xf32, #tpu.memory_space<vmem>>
        %gather3A_1498 = tpu.vector_load_idx %gather3A_1497[%add3A_703, %add3A_1492] : memref<128x128xf32, #tpu.memory_space<vmem>>[vector<16xi32>, vector<16xi32>], vector<16xf32>,
        %scatter3A_1499 = arith.constant 0 : i32
        %scatter3A_1500 = arith.constant 0 : i32
        %scatter3A_1501 = arith.constant 0 : i32
        %scatter3A_1502 = tpu.memref_slice %arg9[%scatter3A_1499, %scatter3A_1500, %scatter3A_1501] : memref<2x32x128xf32, #tpu.memory_space<vmem>> -> memref<1x32x128xf32, #tpu.memory_space<vmem>>
        %scatter3A_1503 = tpu.memref_squeeze %scatter3A_1502 : memref<1x32x128xf32, #tpu.memory_space<vmem>> -> memref<32x128xf32, #tpu.memory_space<vmem>>
        tpu.vector_store_idx %scatter3A_1503[%add3A_1432, %add3A_703], %gather3A_1498 : memref<32x128xf32, #tpu.memory_space<vmem>>[vector<16xi32>, vector<16xi32>], vector<16xf32>,
        %add3A_1504 = arith.addi %get3A_737, %add3A_1432 : vector<16xi32>
        %gather3A_1505 = arith.constant 0 : i32
        %gather3A_1506 = arith.constant 0 : i32
        %gather3A_1507 = arith.constant 0 : i32
        %gather3A_1508 = tpu.memref_slice %arg8[%gather3A_1505, %gather3A_1506, %gather3A_1507] : memref<2x128x128xf32, #tpu.memory_space<vmem>> -> memref<1x128x128xf32, #tpu.memory_space<vmem>>
        %gather3A_1509 = tpu.memref_squeeze %gather3A_1508 : memref<1x128x128xf32, #tpu.memory_space<vmem>> -> memref<128x128xf32, #tpu.memory_space<vmem>>
        %gather3A_1510 = tpu.vector_load_idx %gather3A_1509[%add3A_706, %add3A_1504] : memref<128x128xf32, #tpu.memory_space<vmem>>[vector<16xi32>, vector<16xi32>], vector<16xf32>,
        %scatter3A_1511 = arith.constant 0 : i32
        %scatter3A_1512 = arith.constant 0 : i32
        %scatter3A_1513 = arith.constant 0 : i32
        %scatter3A_1514 = tpu.memref_slice %arg9[%scatter3A_1511, %scatter3A_1512, %scatter3A_1513] : memref<2x32x128xf32, #tpu.memory_space<vmem>> -> memref<1x32x128xf32, #tpu.memory_space<vmem>>
        %scatter3A_1515 = tpu.memref_squeeze %scatter3A_1514 : memref<1x32x128xf32, #tpu.memory_space<vmem>> -> memref<32x128xf32, #tpu.memory_space<vmem>>
        tpu.vector_store_idx %scatter3A_1515[%add3A_1432, %add3A_706], %gather3A_1510 : memref<32x128xf32, #tpu.memory_space<vmem>>[vector<16xi32>, vector<16xi32>], vector<16xf32>,
        %add3A_1516 = arith.addi %get3A_741, %add3A_1432 : vector<16xi32>
        %gather3A_1517 = arith.constant 0 : i32
        %gather3A_1518 = arith.constant 0 : i32
        %gather3A_1519 = arith.constant 0 : i32
        %gather3A_1520 = tpu.memref_slice %arg8[%gather3A_1517, %gather3A_1518, %gather3A_1519] : memref<2x128x128xf32, #tpu.memory_space<vmem>> -> memref<1x128x128xf32, #tpu.memory_space<vmem>>
        %gather3A_1521 = tpu.memref_squeeze %gather3A_1520 : memref<1x128x128xf32, #tpu.memory_space<vmem>> -> memref<128x128xf32, #tpu.memory_space<vmem>>
        %gather3A_1522 = tpu.vector_load_idx %gather3A_1521[%add3A_709, %add3A_1516] : memref<128x128xf32, #tpu.memory_space<vmem>>[vector<16xi32>, vector<16xi32>], vector<16xf32>,
        %scatter3A_1523 = arith.constant 0 : i32
        %scatter3A_1524 = arith.constant 0 : i32
        %scatter3A_1525 = arith.constant 0 : i32
        %scatter3A_1526 = tpu.memref_slice %arg9[%scatter3A_1523, %scatter3A_1524, %scatter3A_1525] : memref<2x32x128xf32, #tpu.memory_space<vmem>> -> memref<1x32x128xf32, #tpu.memory_space<vmem>>
        %scatter3A_1527 = tpu.memref_squeeze %scatter3A_1526 : memref<1x32x128xf32, #tpu.memory_space<vmem>> -> memref<32x128xf32, #tpu.memory_space<vmem>>
        tpu.vector_store_idx %scatter3A_1527[%add3A_1432, %add3A_709], %gather3A_1522 : memref<32x128xf32, #tpu.memory_space<vmem>>[vector<16xi32>, vector<16xi32>], vector<16xf32>,
        %add3A_1528 = arith.constant 16 : i32
        %add3A_1529 = vector.broadcast %add3A_1528 : i32 to vector<16xi32>
        %add3A_1530 = arith.addi %add3A_1529, %and3A_1429 : vector<16xi32>
        %add3A_1531 = arith.addi %get3A_713, %add3A_1530 : vector<16xi32>
        %gather3A_1532 = arith.constant 0 : i32
        %gather3A_1533 = arith.constant 0 : i32
        %gather3A_1534 = arith.constant 0 : i32
        %gather3A_1535 = tpu.memref_slice %arg8[%gather3A_1532, %gather3A_1533, %gather3A_1534] : memref<2x128x128xf32, #tpu.memory_space<vmem>> -> memref<1x128x128xf32, #tpu.memory_space<vmem>>
        %gather3A_1536 = tpu.memref_squeeze %gather3A_1535 : memref<1x128x128xf32, #tpu.memory_space<vmem>> -> memref<128x128xf32, #tpu.memory_space<vmem>>
        %gather3A_1537 = tpu.vector_load_idx %gather3A_1536[%add3A_688, %add3A_1531] : memref<128x128xf32, #tpu.memory_space<vmem>>[vector<16xi32>, vector<16xi32>], vector<16xf32>,
        %scatter3A_1538 = arith.constant 0 : i32
        %scatter3A_1539 = arith.constant 0 : i32
        %scatter3A_1540 = arith.constant 0 : i32
        %scatter3A_1541 = tpu.memref_slice %arg9[%scatter3A_1538, %scatter3A_1539, %scatter3A_1540] : memref<2x32x128xf32, #tpu.memory_space<vmem>> -> memref<1x32x128xf32, #tpu.memory_space<vmem>>
        %scatter3A_1542 = tpu.memref_squeeze %scatter3A_1541 : memref<1x32x128xf32, #tpu.memory_space<vmem>> -> memref<32x128xf32, #tpu.memory_space<vmem>>
        tpu.vector_store_idx %scatter3A_1542[%add3A_1530, %add3A_688], %gather3A_1537 : memref<32x128xf32, #tpu.memory_space<vmem>>[vector<16xi32>, vector<16xi32>], vector<16xf32>,
        %add3A_1543 = arith.addi %get3A_717, %add3A_1530 : vector<16xi32>
        %gather3A_1544 = arith.constant 0 : i32
        %gather3A_1545 = arith.constant 0 : i32
        %gather3A_1546 = arith.constant 0 : i32
        %gather3A_1547 = tpu.memref_slice %arg8[%gather3A_1544, %gather3A_1545, %gather3A_1546] : memref<2x128x128xf32, #tpu.memory_space<vmem>> -> memref<1x128x128xf32, #tpu.memory_space<vmem>>
        %gather3A_1548 = tpu.memref_squeeze %gather3A_1547 : memref<1x128x128xf32, #tpu.memory_space<vmem>> -> memref<128x128xf32, #tpu.memory_space<vmem>>
        %gather3A_1549 = tpu.vector_load_idx %gather3A_1548[%add3A_691, %add3A_1543] : memref<128x128xf32, #tpu.memory_space<vmem>>[vector<16xi32>, vector<16xi32>], vector<16xf32>,
        %scatter3A_1550 = arith.constant 0 : i32
        %scatter3A_1551 = arith.constant 0 : i32
        %scatter3A_1552 = arith.constant 0 : i32
        %scatter3A_1553 = tpu.memref_slice %arg9[%scatter3A_1550, %scatter3A_1551, %scatter3A_1552] : memref<2x32x128xf32, #tpu.memory_space<vmem>> -> memref<1x32x128xf32, #tpu.memory_space<vmem>>
        %scatter3A_1554 = tpu.memref_squeeze %scatter3A_1553 : memref<1x32x128xf32, #tpu.memory_space<vmem>> -> memref<32x128xf32, #tpu.memory_space<vmem>>
        tpu.vector_store_idx %scatter3A_1554[%add3A_1530, %add3A_691], %gather3A_1549 : memref<32x128xf32, #tpu.memory_space<vmem>>[vector<16xi32>, vector<16xi32>], vector<16xf32>,
        %add3A_1555 = arith.addi %get3A_721, %add3A_1530 : vector<16xi32>
        %gather3A_1556 = arith.constant 0 : i32
        %gather3A_1557 = arith.constant 0 : i32
        %gather3A_1558 = arith.constant 0 : i32
        %gather3A_1559 = tpu.memref_slice %arg8[%gather3A_1556, %gather3A_1557, %gather3A_1558] : memref<2x128x128xf32, #tpu.memory_space<vmem>> -> memref<1x128x128xf32, #tpu.memory_space<vmem>>
        %gather3A_1560 = tpu.memref_squeeze %gather3A_1559 : memref<1x128x128xf32, #tpu.memory_space<vmem>> -> memref<128x128xf32, #tpu.memory_space<vmem>>
        %gather3A_1561 = tpu.vector_load_idx %gather3A_1560[%add3A_694, %add3A_1555] : memref<128x128xf32, #tpu.memory_space<vmem>>[vector<16xi32>, vector<16xi32>], vector<16xf32>,
        %scatter3A_1562 = arith.constant 0 : i32
        %scatter3A_1563 = arith.constant 0 : i32
        %scatter3A_1564 = arith.constant 0 : i32
        %scatter3A_1565 = tpu.memref_slice %arg9[%scatter3A_1562, %scatter3A_1563, %scatter3A_1564] : memref<2x32x128xf32, #tpu.memory_space<vmem>> -> memref<1x32x128xf32, #tpu.memory_space<vmem>>
        %scatter3A_1566 = tpu.memref_squeeze %scatter3A_1565 : memref<1x32x128xf32, #tpu.memory_space<vmem>> -> memref<32x128xf32, #tpu.memory_space<vmem>>
        tpu.vector_store_idx %scatter3A_1566[%add3A_1530, %add3A_694], %gather3A_1561 : memref<32x128xf32, #tpu.memory_space<vmem>>[vector<16xi32>, vector<16xi32>], vector<16xf32>,
        %add3A_1567 = arith.addi %get3A_725, %add3A_1530 : vector<16xi32>
        %gather3A_1568 = arith.constant 0 : i32
        %gather3A_1569 = arith.constant 0 : i32
        %gather3A_1570 = arith.constant 0 : i32
        %gather3A_1571 = tpu.memref_slice %arg8[%gather3A_1568, %gather3A_1569, %gather3A_1570] : memref<2x128x128xf32, #tpu.memory_space<vmem>> -> memref<1x128x128xf32, #tpu.memory_space<vmem>>
        %gather3A_1572 = tpu.memref_squeeze %gather3A_1571 : memref<1x128x128xf32, #tpu.memory_space<vmem>> -> memref<128x128xf32, #tpu.memory_space<vmem>>
        %gather3A_1573 = tpu.vector_load_idx %gather3A_1572[%add3A_697, %add3A_1567] : memref<128x128xf32, #tpu.memory_space<vmem>>[vector<16xi32>, vector<16xi32>], vector<16xf32>,
        %scatter3A_1574 = arith.constant 0 : i32
        %scatter3A_1575 = arith.constant 0 : i32
        %scatter3A_1576 = arith.constant 0 : i32
        %scatter3A_1577 = tpu.memref_slice %arg9[%scatter3A_1574, %scatter3A_1575, %scatter3A_1576] : memref<2x32x128xf32, #tpu.memory_space<vmem>> -> memref<1x32x128xf32, #tpu.memory_space<vmem>>
        %scatter3A_1578 = tpu.memref_squeeze %scatter3A_1577 : memref<1x32x128xf32, #tpu.memory_space<vmem>> -> memref<32x128xf32, #tpu.memory_space<vmem>>
        tpu.vector_store_idx %scatter3A_1578[%add3A_1530, %add3A_697], %gather3A_1573 : memref<32x128xf32, #tpu.memory_space<vmem>>[vector<16xi32>, vector<16xi32>], vector<16xf32>,
        %add3A_1579 = arith.addi %get3A_729, %add3A_1530 : vector<16xi32>
        %gather3A_1580 = arith.constant 0 : i32
        %gather3A_1581 = arith.constant 0 : i32
        %gather3A_1582 = arith.constant 0 : i32
        %gather3A_1583 = tpu.memref_slice %arg8[%gather3A_1580, %gather3A_1581, %gather3A_1582] : memref<2x128x128xf32, #tpu.memory_space<vmem>> -> memref<1x128x128xf32, #tpu.memory_space<vmem>>
        %gather3A_1584 = tpu.memref_squeeze %gather3A_1583 : memref<1x128x128xf32, #tpu.memory_space<vmem>> -> memref<128x128xf32, #tpu.memory_space<vmem>>
        %gather3A_1585 = tpu.vector_load_idx %gather3A_1584[%add3A_700, %add3A_1579] : memref<128x128xf32, #tpu.memory_space<vmem>>[vector<16xi32>, vector<16xi32>], vector<16xf32>,
        %scatter3A_1586 = arith.constant 0 : i32
        %scatter3A_1587 = arith.constant 0 : i32
        %scatter3A_1588 = arith.constant 0 : i32
        %scatter3A_1589 = tpu.memref_slice %arg9[%scatter3A_1586, %scatter3A_1587, %scatter3A_1588] : memref<2x32x128xf32, #tpu.memory_space<vmem>> -> memref<1x32x128xf32, #tpu.memory_space<vmem>>
        %scatter3A_1590 = tpu.memref_squeeze %scatter3A_1589 : memref<1x32x128xf32, #tpu.memory_space<vmem>> -> memref<32x128xf32, #tpu.memory_space<vmem>>
        tpu.vector_store_idx %scatter3A_1590[%add3A_1530, %add3A_700], %gather3A_1585 : memref<32x128xf32, #tpu.memory_space<vmem>>[vector<16xi32>, vector<16xi32>], vector<16xf32>,
        %add3A_1591 = arith.addi %get3A_733, %add3A_1530 : vector<16xi32>
        %gather3A_1592 = arith.constant 0 : i32
        %gather3A_1593 = arith.constant 0 : i32
        %gather3A_1594 = arith.constant 0 : i32
        %gather3A_1595 = tpu.memref_slice %arg8[%gather3A_1592, %gather3A_1593, %gather3A_1594] : memref<2x128x128xf32, #tpu.memory_space<vmem>> -> memref<1x128x128xf32, #tpu.memory_space<vmem>>
        %gather3A_1596 = tpu.memref_squeeze %gather3A_1595 : memref<1x128x128xf32, #tpu.memory_space<vmem>> -> memref<128x128xf32, #tpu.memory_space<vmem>>
        %gather3A_1597 = tpu.vector_load_idx %gather3A_1596[%add3A_703, %add3A_1591] : memref<128x128xf32, #tpu.memory_space<vmem>>[vector<16xi32>, vector<16xi32>], vector<16xf32>,
        %scatter3A_1598 = arith.constant 0 : i32
        %scatter3A_1599 = arith.constant 0 : i32
        %scatter3A_1600 = arith.constant 0 : i32
        %scatter3A_1601 = tpu.memref_slice %arg9[%scatter3A_1598, %scatter3A_1599, %scatter3A_1600] : memref<2x32x128xf32, #tpu.memory_space<vmem>> -> memref<1x32x128xf32, #tpu.memory_space<vmem>>
        %scatter3A_1602 = tpu.memref_squeeze %scatter3A_1601 : memref<1x32x128xf32, #tpu.memory_space<vmem>> -> memref<32x128xf32, #tpu.memory_space<vmem>>
        tpu.vector_store_idx %scatter3A_1602[%add3A_1530, %add3A_703], %gather3A_1597 : memref<32x128xf32, #tpu.memory_space<vmem>>[vector<16xi32>, vector<16xi32>], vector<16xf32>,
        %add3A_1603 = arith.addi %get3A_737, %add3A_1530 : vector<16xi32>
        %gather3A_1604 = arith.constant 0 : i32
        %gather3A_1605 = arith.constant 0 : i32
        %gather3A_1606 = arith.constant 0 : i32
        %gather3A_1607 = tpu.memref_slice %arg8[%gather3A_1604, %gather3A_1605, %gather3A_1606] : memref<2x128x128xf32, #tpu.memory_space<vmem>> -> memref<1x128x128xf32, #tpu.memory_space<vmem>>
        %gather3A_1608 = tpu.memref_squeeze %gather3A_1607 : memref<1x128x128xf32, #tpu.memory_space<vmem>> -> memref<128x128xf32, #tpu.memory_space<vmem>>
        %gather3A_1609 = tpu.vector_load_idx %gather3A_1608[%add3A_706, %add3A_1603] : memref<128x128xf32, #tpu.memory_space<vmem>>[vector<16xi32>, vector<16xi32>], vector<16xf32>,
        %scatter3A_1610 = arith.constant 0 : i32
        %scatter3A_1611 = arith.constant 0 : i32
        %scatter3A_1612 = arith.constant 0 : i32
        %scatter3A_1613 = tpu.memref_slice %arg9[%scatter3A_1610, %scatter3A_1611, %scatter3A_1612] : memref<2x32x128xf32, #tpu.memory_space<vmem>> -> memref<1x32x128xf32, #tpu.memory_space<vmem>>
        %scatter3A_1614 = tpu.memref_squeeze %scatter3A_1613 : memref<1x32x128xf32, #tpu.memory_space<vmem>> -> memref<32x128xf32, #tpu.memory_space<vmem>>
        tpu.vector_store_idx %scatter3A_1614[%add3A_1530, %add3A_706], %gather3A_1609 : memref<32x128xf32, #tpu.memory_space<vmem>>[vector<16xi32>, vector<16xi32>], vector<16xf32>,
        %add3A_1615 = arith.addi %get3A_741, %add3A_1530 : vector<16xi32>
        %gather3A_1616 = arith.constant 0 : i32
        %gather3A_1617 = arith.constant 0 : i32
        %gather3A_1618 = arith.constant 0 : i32
        %gather3A_1619 = tpu.memref_slice %arg8[%gather3A_1616, %gather3A_1617, %gather3A_1618] : memref<2x128x128xf32, #tpu.memory_space<vmem>> -> memref<1x128x128xf32, #tpu.memory_space<vmem>>
        %gather3A_1620 = tpu.memref_squeeze %gather3A_1619 : memref<1x128x128xf32, #tpu.memory_space<vmem>> -> memref<128x128xf32, #tpu.memory_space<vmem>>
        %gather3A_1621 = tpu.vector_load_idx %gather3A_1620[%add3A_709, %add3A_1615] : memref<128x128xf32, #tpu.memory_space<vmem>>[vector<16xi32>, vector<16xi32>], vector<16xf32>,
        %scatter3A_1622 = arith.constant 0 : i32
        %scatter3A_1623 = arith.constant 0 : i32
        %scatter3A_1624 = arith.constant 0 : i32
        %scatter3A_1625 = tpu.memref_slice %arg9[%scatter3A_1622, %scatter3A_1623, %scatter3A_1624] : memref<2x32x128xf32, #tpu.memory_space<vmem>> -> memref<1x32x128xf32, #tpu.memory_space<vmem>>
        %scatter3A_1626 = tpu.memref_squeeze %scatter3A_1625 : memref<1x32x128xf32, #tpu.memory_space<vmem>> -> memref<32x128xf32, #tpu.memory_space<vmem>>
        tpu.vector_store_idx %scatter3A_1626[%add3A_1530, %add3A_709], %gather3A_1621 : memref<32x128xf32, #tpu.memory_space<vmem>>[vector<16xi32>, vector<16xi32>], vector<16xf32>,
      }
      %scan3A_746 = arith.constant 16 : i32
      %mul3A_747 = arith.constant 4 : i32
      %mul3A_748 = arith.muli %add3A, %mul3A_747 : i32
      %add3A_749 = arith.addi %mul3A_748, %select_n3A : i32
      %mul3A_750 = arith.constant 128 : i32
      %mul3A_751 = arith.muli %add3A_749, %mul3A_750 : i32
      %multiple_of3A_752 = tpu.assume_multiple %mul3A_751, 128 : i32
      %dma_start3A_753 = arith.constant 0 : i32
      %dma_start3A_754 = arith.constant 0 : i32
      %dma_start3A_755 = arith.constant 0 : i32
      %dma_start3A_756 = tpu.memref_slice %arg9[%dma_start3A_753, %dma_start3A_754, %dma_start3A_755] : memref<2x32x128xf32, #tpu.memory_space<vmem>> -> memref<1x32x128xf32, #tpu.memory_space<vmem>>
      %dma_start3A_757 = tpu.memref_squeeze %dma_start3A_756 : memref<1x32x128xf32, #tpu.memory_space<vmem>> -> memref<32x128xf32, #tpu.memory_space<vmem>>
      %dma_start3A_758 = arith.constant 0 : i32
      %dma_start3A_759 = tpu.memref_slice %arg4[%select_n3A_685, %dma_start3A_758, %multiple_of3A_752] : memref<50x32x16384xf32, #tpu.memory_space<hbm>> -> memref<1x32x128xf32, #tpu.memory_space<hbm>>
      %dma_start3A_760 = tpu.memref_squeeze %dma_start3A_759 : memref<1x32x128xf32, #tpu.memory_space<hbm>> -> memref<32x128xf32, #tpu.memory_space<hbm>>
      %dma_start3A_761 = arith.constant 0 : i32
      %dma_start3A_762 = tpu.memref_slice %arg4[%select_n3A_685, %dma_start3A_761, %multiple_of3A_752] : memref<50x32x16384xf32, #tpu.memory_space<hbm>> -> memref<1x32x128xf32, #tpu.memory_space<hbm>>
      %dma_start3A_763 = tpu.memref_squeeze %dma_start3A_762 : memref<1x32x128xf32, #tpu.memory_space<hbm>> -> memref<32x128xf32, #tpu.memory_space<hbm>>
      %dma_start3A_764 = arith.constant 0 : i32
      %dma_start3A_765 = arith.constant 0 : i32
      %dma_start3A_766 = tpu.memref_slice %arg9[%dma_start3A_753, %dma_start3A_764, %dma_start3A_765] : memref<2x32x128xf32, #tpu.memory_space<vmem>> -> memref<1x32x128xf32, #tpu.memory_space<vmem>>
      %dma_start3A_767 = tpu.memref_squeeze %dma_start3A_766 : memref<1x32x128xf32, #tpu.memory_space<vmem>> -> memref<32x128xf32, #tpu.memory_space<vmem>>
      tpu.enqueue_dma source(%dma_start3A_767 : memref<32x128xf32, #tpu.memory_space<vmem>>) target(%dma_start3A_763 : memref<32x128xf32, #tpu.memory_space<hbm>>) target_semaphore(%arg12 : memref<!tpu.dma_semaphore, #tpu.memory_space<semaphore_mem>>)
      %add3A_768 = arith.constant 2 : i32
      %add3A_769 = arith.addi %add3A_637, %add3A_768 : i32
      %jit3A_770 = arith.constant 50 : i32
      %div3A_771 = arith.divsi %add3A_769, %jit3A_770 : i32
      %sign3A_772 = arith.constant 0 : i32
      %sign3A_773 = arith.cmpi sgt, %add3A_769, %sign3A_772 : i32
      %sign3A_774 = arith.extui %sign3A_773 : i1 to i32
      %sign3A_775 = arith.constant 0 : i32
      %sign3A_776 = arith.cmpi slt, %add3A_769, %sign3A_775 : i32
      %sign3A_777 = arith.extui %sign3A_776 : i1 to i32
      %sign3A_778 = arith.subi %sign3A_774, %sign3A_777 : i32
      %sign3A_779 = arith.constant 0 : i32
      %sign3A_780 = arith.cmpi sgt, %jit3A_770, %sign3A_779 : i32
      %sign3A_781 = arith.extui %sign3A_780 : i1 to i32
      %sign3A_782 = arith.constant 0 : i32
      %sign3A_783 = arith.cmpi slt, %jit3A_770, %sign3A_782 : i32
      %sign3A_784 = arith.extui %sign3A_783 : i1 to i32
      %sign3A_785 = arith.subi %sign3A_781, %sign3A_784 : i32
      %ne3A_786 = arith.cmpi ne, %sign3A_778, %sign3A_785 : i32
      %rem3A_787 = arith.remsi %add3A_769, %jit3A_770 : i32
      %ne3A_788 = arith.constant 0 : i32
      %ne3A_789 = arith.cmpi ne, %rem3A_787, %ne3A_788 : i32
      %and3A_790 = arith.andi %ne3A_786, %ne3A_789 : i1
      %sub3A_791 = arith.constant 1 : i32
      %sub3A_792 = arith.subi %div3A_771, %sub3A_791 : i32
      %select_n3A_793 = arith.select %and3A_790, %sub3A_792, %div3A_771 : i32
      %jit3A_794 = arith.constant 50 : i32
      %eq3A_795 = arith.constant 0 : i32
      %eq3A_796 = arith.cmpi eq, %jit3A_794, %eq3A_795 : i32
      %jit3A_797 = arith.constant 1 : i32
      %select_n3A_798 = arith.select %eq3A_796, %jit3A_797, %jit3A_794 : i32
      %rem3A_799 = arith.remsi %add3A_769, %select_n3A_798 : i32
      %ne3A_800 = arith.constant 0 : i32
      %ne3A_801 = arith.cmpi ne, %rem3A_799, %ne3A_800 : i32
      %lt3A_802 = arith.constant 0 : i32
      %lt3A_803 = arith.cmpi slt, %rem3A_799, %lt3A_802 : i32
      %lt3A_804 = arith.constant 0 : i32
      %lt3A_805 = arith.cmpi slt, %select_n3A_798, %lt3A_804 : i32
      %ne3A_806 = arith.xori %lt3A_803, %lt3A_805 : i1
      %and3A_807 = arith.andi %ne3A_806, %ne3A_801 : i1
      %add3A_808 = arith.addi %rem3A_799, %select_n3A_798 : i32
      %select_n3A_809 = arith.select %and3A_807, %add3A_808, %rem3A_799 : i32
      %mul3A_810 = arith.constant 6400 : i32
      %mul3A_811 = arith.muli %select_n3A_793, %mul3A_810 : i32
      %add3A_812 = arith.constant 0 : i32
      %add3A_813 = arith.addi %mul3A_811, %add3A_812 : i32
      %add3A_814 = arith.addi %add3A_813, %select_n3A_809 : i32
      %add3A_815 = vector.broadcast %add3A_814 : i32 to vector<16xi32>
      %add3A_816 = arith.addi %mul3A_3, %add3A_815 : vector<16xi32>
      %gather3A_817 = tpu.vector_load_idx %arg5[%add3A_816] : memref<25600xi32, #tpu.memory_space<vmem>>[vector<16xi32>], vector<16xi32>,
      %shift_right_arithmetic3A_818 = arith.constant 2 : i32
      %shift_right_arithmetic3A_819 = vector.broadcast %shift_right_arithmetic3A_818 : i32 to vector<16xi32>
      %shift_right_arithmetic3A_820 = arith.shrsi %gather3A_817, %shift_right_arithmetic3A_819 : vector<16xi32>
      %swap3A_821 = arith.constant 0 : i32
      %swap3A_822 = arith.index_cast %swap3A_821 : i32 to index
      %swap3A_823 = arith.constant 0 : index
      %swap3A_824 = tpu.vector_load %arg6[%swap3A_822, %swap3A_823] {strides = array<i32>} : memref<2x128xi32, #tpu.memory_space<vmem>>, vector<16xi32>,
      tpu.vector_store %arg6[%swap3A_822, %swap3A_823], %shift_right_arithmetic3A_820 {strides = array<i32>} : memref<2x128xi32, #tpu.memory_space<vmem>>, vector<16xi32>,
      %and3A_825 = arith.constant 3 : i32
      %and3A_826 = vector.broadcast %and3A_825 : i32 to vector<16xi32>
      %and3A_827 = arith.andi %gather3A_817, %and3A_826 : vector<16xi32>
      %shift_left3A_828 = arith.constant 5 : i32
      %shift_left3A_829 = vector.broadcast %shift_left3A_828 : i32 to vector<16xi32>
      %shift_left3A_830 = arith.shli %and3A_827, %shift_left3A_829 : vector<16xi32>
      %swap3A_831 = arith.constant 0 : i32
      %swap3A_832 = arith.index_cast %swap3A_831 : i32 to index
      %swap3A_833 = arith.constant 0 : index
      %swap3A_834 = tpu.vector_load %arg7[%swap3A_832, %swap3A_833] {strides = array<i32>} : memref<2x128xi32, #tpu.memory_space<vmem>>, vector<16xi32>,
      tpu.vector_store %arg7[%swap3A_832, %swap3A_833], %shift_left3A_830 {strides = array<i32>} : memref<2x128xi32, #tpu.memory_space<vmem>>, vector<16xi32>,
      %mul3A_835 = arith.constant 6400 : i32
      %mul3A_836 = arith.muli %select_n3A_793, %mul3A_835 : i32
      %add3A_837 = arith.constant 800 : i32
      %add3A_838 = arith.addi %mul3A_836, %add3A_837 : i32
      %add3A_839 = arith.addi %add3A_838, %select_n3A_809 : i32
      %add3A_840 = vector.broadcast %add3A_839 : i32 to vector<16xi32>
      %add3A_841 = arith.addi %mul3A_3, %add3A_840 : vector<16xi32>
      %gather3A_842 = tpu.vector_load_idx %arg5[%add3A_841] : memref<25600xi32, #tpu.memory_space<vmem>>[vector<16xi32>], vector<16xi32>,
      %shift_right_arithmetic3A_843 = arith.constant 2 : i32
      %shift_right_arithmetic3A_844 = vector.broadcast %shift_right_arithmetic3A_843 : i32 to vector<16xi32>
      %shift_right_arithmetic3A_845 = arith.shrsi %gather3A_842, %shift_right_arithmetic3A_844 : vector<16xi32>
      %swap3A_846 = arith.constant 0 : i32
      %swap3A_847 = arith.index_cast %swap3A_846 : i32 to index
      %swap3A_848 = arith.constant 16 : index
      %swap3A_849 = tpu.vector_load %arg6[%swap3A_847, %swap3A_848] {strides = array<i32>} : memref<2x128xi32, #tpu.memory_space<vmem>>, vector<16xi32>,
      tpu.vector_store %arg6[%swap3A_847, %swap3A_848], %shift_right_arithmetic3A_845 {strides = array<i32>} : memref<2x128xi32, #tpu.memory_space<vmem>>, vector<16xi32>,
      %and3A_850 = arith.constant 3 : i32
      %and3A_851 = vector.broadcast %and3A_850 : i32 to vector<16xi32>
      %and3A_852 = arith.andi %gather3A_842, %and3A_851 : vector<16xi32>
      %shift_left3A_853 = arith.constant 5 : i32
      %shift_left3A_854 = vector.broadcast %shift_left3A_853 : i32 to vector<16xi32>
      %shift_left3A_855 = arith.shli %and3A_852, %shift_left3A_854 : vector<16xi32>
      %swap3A_856 = arith.constant 0 : i32
      %swap3A_857 = arith.index_cast %swap3A_856 : i32 to index
      %swap3A_858 = arith.constant 16 : index
      %swap3A_859 = tpu.vector_load %arg7[%swap3A_857, %swap3A_858] {strides = array<i32>} : memref<2x128xi32, #tpu.memory_space<vmem>>, vector<16xi32>,
      tpu.vector_store %arg7[%swap3A_857, %swap3A_858], %shift_left3A_855 {strides = array<i32>} : memref<2x128xi32, #tpu.memory_space<vmem>>, vector<16xi32>,
      %mul3A_860 = arith.constant 6400 : i32
      %mul3A_861 = arith.muli %select_n3A_793, %mul3A_860 : i32
      %add3A_862 = arith.constant 1600 : i32
      %add3A_863 = arith.addi %mul3A_861, %add3A_862 : i32
      %add3A_864 = arith.addi %add3A_863, %select_n3A_809 : i32
      %add3A_865 = vector.broadcast %add3A_864 : i32 to vector<16xi32>
      %add3A_866 = arith.addi %mul3A_3, %add3A_865 : vector<16xi32>
      %gather3A_867 = tpu.vector_load_idx %arg5[%add3A_866] : memref<25600xi32, #tpu.memory_space<vmem>>[vector<16xi32>], vector<16xi32>,
      %shift_right_arithmetic3A_868 = arith.constant 2 : i32
      %shift_right_arithmetic3A_869 = vector.broadcast %shift_right_arithmetic3A_868 : i32 to vector<16xi32>
      %shift_right_arithmetic3A_870 = arith.shrsi %gather3A_867, %shift_right_arithmetic3A_869 : vector<16xi32>
      %swap3A_871 = arith.constant 0 : i32
      %swap3A_872 = arith.index_cast %swap3A_871 : i32 to index
      %swap3A_873 = arith.constant 32 : index
      %swap3A_874 = tpu.vector_load %arg6[%swap3A_872, %swap3A_873] {strides = array<i32>} : memref<2x128xi32, #tpu.memory_space<vmem>>, vector<16xi32>,
      tpu.vector_store %arg6[%swap3A_872, %swap3A_873], %shift_right_arithmetic3A_870 {strides = array<i32>} : memref<2x128xi32, #tpu.memory_space<vmem>>, vector<16xi32>,
      %and3A_875 = arith.constant 3 : i32
      %and3A_876 = vector.broadcast %and3A_875 : i32 to vector<16xi32>
      %and3A_877 = arith.andi %gather3A_867, %and3A_876 : vector<16xi32>
      %shift_left3A_878 = arith.constant 5 : i32
      %shift_left3A_879 = vector.broadcast %shift_left3A_878 : i32 to vector<16xi32>
      %shift_left3A_880 = arith.shli %and3A_877, %shift_left3A_879 : vector<16xi32>
      %swap3A_881 = arith.constant 0 : i32
      %swap3A_882 = arith.index_cast %swap3A_881 : i32 to index
      %swap3A_883 = arith.constant 32 : index
      %swap3A_884 = tpu.vector_load %arg7[%swap3A_882, %swap3A_883] {strides = array<i32>} : memref<2x128xi32, #tpu.memory_space<vmem>>, vector<16xi32>,
      tpu.vector_store %arg7[%swap3A_882, %swap3A_883], %shift_left3A_880 {strides = array<i32>} : memref<2x128xi32, #tpu.memory_space<vmem>>, vector<16xi32>,
      %mul3A_885 = arith.constant 6400 : i32
      %mul3A_886 = arith.muli %select_n3A_793, %mul3A_885 : i32
      %add3A_887 = arith.constant 2400 : i32
      %add3A_888 = arith.addi %mul3A_886, %add3A_887 : i32
      %add3A_889 = arith.addi %add3A_888, %select_n3A_809 : i32
      %add3A_890 = vector.broadcast %add3A_889 : i32 to vector<16xi32>
      %add3A_891 = arith.addi %mul3A_3, %add3A_890 : vector<16xi32>
      %gather3A_892 = tpu.vector_load_idx %arg5[%add3A_891] : memref<25600xi32, #tpu.memory_space<vmem>>[vector<16xi32>], vector<16xi32>,
      %shift_right_arithmetic3A_893 = arith.constant 2 : i32
      %shift_right_arithmetic3A_894 = vector.broadcast %shift_right_arithmetic3A_893 : i32 to vector<16xi32>
      %shift_right_arithmetic3A_895 = arith.shrsi %gather3A_892, %shift_right_arithmetic3A_894 : vector<16xi32>
      %swap3A_896 = arith.constant 0 : i32
      %swap3A_897 = arith.index_cast %swap3A_896 : i32 to index
      %swap3A_898 = arith.constant 48 : index
      %swap3A_899 = tpu.vector_load %arg6[%swap3A_897, %swap3A_898] {strides = array<i32>} : memref<2x128xi32, #tpu.memory_space<vmem>>, vector<16xi32>,
      tpu.vector_store %arg6[%swap3A_897, %swap3A_898], %shift_right_arithmetic3A_895 {strides = array<i32>} : memref<2x128xi32, #tpu.memory_space<vmem>>, vector<16xi32>,
      %and3A_900 = arith.constant 3 : i32
      %and3A_901 = vector.broadcast %and3A_900 : i32 to vector<16xi32>
      %and3A_902 = arith.andi %gather3A_892, %and3A_901 : vector<16xi32>
      %shift_left3A_903 = arith.constant 5 : i32
      %shift_left3A_904 = vector.broadcast %shift_left3A_903 : i32 to vector<16xi32>
      %shift_left3A_905 = arith.shli %and3A_902, %shift_left3A_904 : vector<16xi32>
      %swap3A_906 = arith.constant 0 : i32
      %swap3A_907 = arith.index_cast %swap3A_906 : i32 to index
      %swap3A_908 = arith.constant 48 : index
      %swap3A_909 = tpu.vector_load %arg7[%swap3A_907, %swap3A_908] {strides = array<i32>} : memref<2x128xi32, #tpu.memory_space<vmem>>, vector<16xi32>,
      tpu.vector_store %arg7[%swap3A_907, %swap3A_908], %shift_left3A_905 {strides = array<i32>} : memref<2x128xi32, #tpu.memory_space<vmem>>, vector<16xi32>,
      %mul3A_910 = arith.constant 6400 : i32
      %mul3A_911 = arith.muli %select_n3A_793, %mul3A_910 : i32
      %add3A_912 = arith.constant 3200 : i32
      %add3A_913 = arith.addi %mul3A_911, %add3A_912 : i32
      %add3A_914 = arith.addi %add3A_913, %select_n3A_809 : i32
      %add3A_915 = vector.broadcast %add3A_914 : i32 to vector<16xi32>
      %add3A_916 = arith.addi %mul3A_3, %add3A_915 : vector<16xi32>
      %gather3A_917 = tpu.vector_load_idx %arg5[%add3A_916] : memref<25600xi32, #tpu.memory_space<vmem>>[vector<16xi32>], vector<16xi32>,
      %shift_right_arithmetic3A_918 = arith.constant 2 : i32
      %shift_right_arithmetic3A_919 = vector.broadcast %shift_right_arithmetic3A_918 : i32 to vector<16xi32>
      %shift_right_arithmetic3A_920 = arith.shrsi %gather3A_917, %shift_right_arithmetic3A_919 : vector<16xi32>
      %swap3A_921 = arith.constant 0 : i32
      %swap3A_922 = arith.index_cast %swap3A_921 : i32 to index
      %swap3A_923 = arith.constant 64 : index
      %swap3A_924 = tpu.vector_load %arg6[%swap3A_922, %swap3A_923] {strides = array<i32>} : memref<2x128xi32, #tpu.memory_space<vmem>>, vector<16xi32>,
      tpu.vector_store %arg6[%swap3A_922, %swap3A_923], %shift_right_arithmetic3A_920 {strides = array<i32>} : memref<2x128xi32, #tpu.memory_space<vmem>>, vector<16xi32>,
      %and3A_925 = arith.constant 3 : i32
      %and3A_926 = vector.broadcast %and3A_925 : i32 to vector<16xi32>
      %and3A_927 = arith.andi %gather3A_917, %and3A_926 : vector<16xi32>
      %shift_left3A_928 = arith.constant 5 : i32
      %shift_left3A_929 = vector.broadcast %shift_left3A_928 : i32 to vector<16xi32>
      %shift_left3A_930 = arith.shli %and3A_927, %shift_left3A_929 : vector<16xi32>
      %swap3A_931 = arith.constant 0 : i32
      %swap3A_932 = arith.index_cast %swap3A_931 : i32 to index
      %swap3A_933 = arith.constant 64 : index
      %swap3A_934 = tpu.vector_load %arg7[%swap3A_932, %swap3A_933] {strides = array<i32>} : memref<2x128xi32, #tpu.memory_space<vmem>>, vector<16xi32>,
      tpu.vector_store %arg7[%swap3A_932, %swap3A_933], %shift_left3A_930 {strides = array<i32>} : memref<2x128xi32, #tpu.memory_space<vmem>>, vector<16xi32>,
      %mul3A_935 = arith.constant 6400 : i32
      %mul3A_936 = arith.muli %select_n3A_793, %mul3A_935 : i32
      %add3A_937 = arith.constant 4000 : i32
      %add3A_938 = arith.addi %mul3A_936, %add3A_937 : i32
      %add3A_939 = arith.addi %add3A_938, %select_n3A_809 : i32
      %add3A_940 = vector.broadcast %add3A_939 : i32 to vector<16xi32>
      %add3A_941 = arith.addi %mul3A_3, %add3A_940 : vector<16xi32>
      %gather3A_942 = tpu.vector_load_idx %arg5[%add3A_941] : memref<25600xi32, #tpu.memory_space<vmem>>[vector<16xi32>], vector<16xi32>,
      %shift_right_arithmetic3A_943 = arith.constant 2 : i32
      %shift_right_arithmetic3A_944 = vector.broadcast %shift_right_arithmetic3A_943 : i32 to vector<16xi32>
      %shift_right_arithmetic3A_945 = arith.shrsi %gather3A_942, %shift_right_arithmetic3A_944 : vector<16xi32>
      %swap3A_946 = arith.constant 0 : i32
      %swap3A_947 = arith.index_cast %swap3A_946 : i32 to index
      %swap3A_948 = arith.constant 80 : index
      %swap3A_949 = tpu.vector_load %arg6[%swap3A_947, %swap3A_948] {strides = array<i32>} : memref<2x128xi32, #tpu.memory_space<vmem>>, vector<16xi32>,
      tpu.vector_store %arg6[%swap3A_947, %swap3A_948], %shift_right_arithmetic3A_945 {strides = array<i32>} : memref<2x128xi32, #tpu.memory_space<vmem>>, vector<16xi32>,
      %and3A_950 = arith.constant 3 : i32
      %and3A_951 = vector.broadcast %and3A_950 : i32 to vector<16xi32>
      %and3A_952 = arith.andi %gather3A_942, %and3A_951 : vector<16xi32>
      %shift_left3A_953 = arith.constant 5 : i32
      %shift_left3A_954 = vector.broadcast %shift_left3A_953 : i32 to vector<16xi32>
      %shift_left3A_955 = arith.shli %and3A_952, %shift_left3A_954 : vector<16xi32>
      %swap3A_956 = arith.constant 0 : i32
      %swap3A_957 = arith.index_cast %swap3A_956 : i32 to index
      %swap3A_958 = arith.constant 80 : index
      %swap3A_959 = tpu.vector_load %arg7[%swap3A_957, %swap3A_958] {strides = array<i32>} : memref<2x128xi32, #tpu.memory_space<vmem>>, vector<16xi32>,
      tpu.vector_store %arg7[%swap3A_957, %swap3A_958], %shift_left3A_955 {strides = array<i32>} : memref<2x128xi32, #tpu.memory_space<vmem>>, vector<16xi32>,
      %mul3A_960 = arith.constant 6400 : i32
      %mul3A_961 = arith.muli %select_n3A_793, %mul3A_960 : i32
      %add3A_962 = arith.constant 4800 : i32
      %add3A_963 = arith.addi %mul3A_961, %add3A_962 : i32
      %add3A_964 = arith.addi %add3A_963, %select_n3A_809 : i32
      %add3A_965 = vector.broadcast %add3A_964 : i32 to vector<16xi32>
      %add3A_966 = arith.addi %mul3A_3, %add3A_965 : vector<16xi32>
      %gather3A_967 = tpu.vector_load_idx %arg5[%add3A_966] : memref<25600xi32, #tpu.memory_space<vmem>>[vector<16xi32>], vector<16xi32>,
      %shift_right_arithmetic3A_968 = arith.constant 2 : i32
      %shift_right_arithmetic3A_969 = vector.broadcast %shift_right_arithmetic3A_968 : i32 to vector<16xi32>
      %shift_right_arithmetic3A_970 = arith.shrsi %gather3A_967, %shift_right_arithmetic3A_969 : vector<16xi32>
      %swap3A_971 = arith.constant 0 : i32
      %swap3A_972 = arith.index_cast %swap3A_971 : i32 to index
      %swap3A_973 = arith.constant 96 : index
      %swap3A_974 = tpu.vector_load %arg6[%swap3A_972, %swap3A_973] {strides = array<i32>} : memref<2x128xi32, #tpu.memory_space<vmem>>, vector<16xi32>,
      tpu.vector_store %arg6[%swap3A_972, %swap3A_973], %shift_right_arithmetic3A_970 {strides = array<i32>} : memref<2x128xi32, #tpu.memory_space<vmem>>, vector<16xi32>,
      %and3A_975 = arith.constant 3 : i32
      %and3A_976 = vector.broadcast %and3A_975 : i32 to vector<16xi32>
      %and3A_977 = arith.andi %gather3A_967, %and3A_976 : vector<16xi32>
      %shift_left3A_978 = arith.constant 5 : i32
      %shift_left3A_979 = vector.broadcast %shift_left3A_978 : i32 to vector<16xi32>
      %shift_left3A_980 = arith.shli %and3A_977, %shift_left3A_979 : vector<16xi32>
      %swap3A_981 = arith.constant 0 : i32
      %swap3A_982 = arith.index_cast %swap3A_981 : i32 to index
      %swap3A_983 = arith.constant 96 : index
      %swap3A_984 = tpu.vector_load %arg7[%swap3A_982, %swap3A_983] {strides = array<i32>} : memref<2x128xi32, #tpu.memory_space<vmem>>, vector<16xi32>,
      tpu.vector_store %arg7[%swap3A_982, %swap3A_983], %shift_left3A_980 {strides = array<i32>} : memref<2x128xi32, #tpu.memory_space<vmem>>, vector<16xi32>,
      %mul3A_985 = arith.constant 6400 : i32
      %mul3A_986 = arith.muli %select_n3A_793, %mul3A_985 : i32
      %add3A_987 = arith.constant 5600 : i32
      %add3A_988 = arith.addi %mul3A_986, %add3A_987 : i32
      %add3A_989 = arith.addi %add3A_988, %select_n3A_809 : i32
      %add3A_990 = vector.broadcast %add3A_989 : i32 to vector<16xi32>
      %add3A_991 = arith.addi %mul3A_3, %add3A_990 : vector<16xi32>
      %gather3A_992 = tpu.vector_load_idx %arg5[%add3A_991] : memref<25600xi32, #tpu.memory_space<vmem>>[vector<16xi32>], vector<16xi32>,
      %shift_right_arithmetic3A_993 = arith.constant 2 : i32
      %shift_right_arithmetic3A_994 = vector.broadcast %shift_right_arithmetic3A_993 : i32 to vector<16xi32>
      %shift_right_arithmetic3A_995 = arith.shrsi %gather3A_992, %shift_right_arithmetic3A_994 : vector<16xi32>
      %swap3A_996 = arith.constant 0 : i32
      %swap3A_997 = arith.index_cast %swap3A_996 : i32 to index
      %swap3A_998 = arith.constant 112 : index
      %swap3A_999 = tpu.vector_load %arg6[%swap3A_997, %swap3A_998] {strides = array<i32>} : memref<2x128xi32, #tpu.memory_space<vmem>>, vector<16xi32>,
      tpu.vector_store %arg6[%swap3A_997, %swap3A_998], %shift_right_arithmetic3A_995 {strides = array<i32>} : memref<2x128xi32, #tpu.memory_space<vmem>>, vector<16xi32>,
      %and3A_1000 = arith.constant 3 : i32
      %and3A_1001 = vector.broadcast %and3A_1000 : i32 to vector<16xi32>
      %and3A_1002 = arith.andi %gather3A_992, %and3A_1001 : vector<16xi32>
      %shift_left3A_1003 = arith.constant 5 : i32
      %shift_left3A_1004 = vector.broadcast %shift_left3A_1003 : i32 to vector<16xi32>
      %shift_left3A_1005 = arith.shli %and3A_1002, %shift_left3A_1004 : vector<16xi32>
      %swap3A_1006 = arith.constant 0 : i32
      %swap3A_1007 = arith.index_cast %swap3A_1006 : i32 to index
      %swap3A_1008 = arith.constant 112 : index
      %swap3A_1009 = tpu.vector_load %arg7[%swap3A_1007, %swap3A_1008] {strides = array<i32>} : memref<2x128xi32, #tpu.memory_space<vmem>>, vector<16xi32>,
      tpu.vector_store %arg7[%swap3A_1007, %swap3A_1008], %shift_left3A_1005 {strides = array<i32>} : memref<2x128xi32, #tpu.memory_space<vmem>>, vector<16xi32>,
      %dma_start3A_1010 = arith.constant 0 : i32
      %dma_start3A_1011 = arith.constant 0 : i32
      %dma_start3A_1012 = arith.constant 0 : i32
      %dma_start3A_1013 = arith.constant 0 : i32
      %dma_start3A_1014 = tpu.memref_slice %arg8[%dma_start3A_1011, %dma_start3A_1012, %dma_start3A_1013] : memref<2x128x128xf32, #tpu.memory_space<vmem>> -> memref<1x128x128xf32, #tpu.memory_space<vmem>>
      %dma_start3A_1015 = tpu.memref_squeeze %dma_start3A_1014 : memref<1x128x128xf32, #tpu.memory_space<vmem>> -> memref<128x128xf32, #tpu.memory_space<vmem>>
      %dma_start3A_1016 = arith.constant 0 : i32
      %dma_start3A_1017 = tpu.memref_slice %arg6[%dma_start3A_1010, %dma_start3A_1016] : memref<2x128xi32, #tpu.memory_space<vmem>> -> memref<1x128xi32, #tpu.memory_space<vmem>>
      %dma_start3A_1018 = tpu.memref_squeeze %dma_start3A_1017 : memref<1x128xi32, #tpu.memory_space<vmem>> -> memref<128xi32, #tpu.memory_space<vmem>>
      %dma_start3A_1019 = arith.constant 0 : i32
      %dma_start3A_1020 = arith.constant 0 : i32
      %dma_start3A_1021 = tpu.memref_slice %arg3[%dma_start3A_1019, %dma_start3A_1020] : memref<250000x128xf32, #tpu.memory_space<hbm>> -> memref<250000x128xf32, #tpu.memory_space<hbm>>
      tpu.enqueue_indirect_dma source(%dma_start3A_1021 : memref<250000x128xf32, #tpu.memory_space<hbm>>) target(%dma_start3A_1015 : memref<128x128xf32, #tpu.memory_space<vmem>>) offsets(%dma_start3A_1018 : memref<128xi32, #tpu.memory_space<vmem>>) semaphore(%arg10 : memref<!tpu.dma_semaphore, #tpu.memory_space<semaphore_mem>>)
      %add3A_1022 = arith.constant 1 : i32
      %add3A_1023 = arith.addi %add3A_635, %add3A_1022 : i32
      %dma_wait3A_1024 = arith.constant 1 : i32
      %dma_wait3A_1025 = arith.constant 0 : i32
      %dma_wait3A_1026 = arith.constant 0 : i32
      %dma_wait3A_1027 = tpu.memref_slice %arg8[%dma_wait3A_1024, %dma_wait3A_1025, %dma_wait3A_1026] : memref<2x128x128xf32, #tpu.memory_space<vmem>> -> memref<1x128x128xf32, #tpu.memory_space<vmem>>
      %dma_wait3A_1028 = tpu.memref_squeeze %dma_wait3A_1027 : memref<1x128x128xf32, #tpu.memory_space<vmem>> -> memref<128x128xf32, #tpu.memory_space<vmem>>
      %dma_wait3A_1029 = arith.constant 0 : i32
      %dma_wait3A_1030 = arith.constant 0 : i32
      %dma_wait3A_1031 = tpu.memref_slice %arg3[%dma_wait3A_1029, %dma_wait3A_1030] : memref<250000x128xf32, #tpu.memory_space<hbm>> -> memref<128x128xf32, #tpu.memory_space<hbm>>
      %dma_wait3A_1032 = arith.constant 0 : i32
      %dma_wait3A_1033 = arith.constant 0 : i32
      %dma_wait3A_1034 = tpu.memref_slice %arg8[%dma_wait3A_1024, %dma_wait3A_1032, %dma_wait3A_1033] : memref<2x128x128xf32, #tpu.memory_space<vmem>> -> memref<1x128x128xf32, #tpu.memory_space<vmem>>
      %dma_wait3A_1035 = tpu.memref_squeeze %dma_wait3A_1034 : memref<1x128x128xf32, #tpu.memory_space<vmem>> -> memref<128x128xf32, #tpu.memory_space<vmem>>
      %dma_wait3A_1036 = arith.constant 0 : i32
      %dma_wait3A_1037 = arith.constant 0 : i32
      %dma_wait3A_1038 = tpu.memref_slice %arg3[%dma_wait3A_1036, %dma_wait3A_1037] : memref<250000x128xf32, #tpu.memory_space<hbm>> -> memref<128x128xf32, #tpu.memory_space<hbm>>
      tpu.wait_dma2 semaphore(%arg11 : memref<!tpu.dma_semaphore, #tpu.memory_space<semaphore_mem>>) src(%dma_wait3A_1038 : memref<128x128xf32, #tpu.memory_space<hbm>>) dst(%dma_wait3A_1035 : memref<128x128xf32, #tpu.memory_space<vmem>>)
      %gt3A_1039 = arith.constant 0 : i32
      %gt3A_1040 = arith.cmpi sgt, %add3A_635, %gt3A_1039 : i32
      %convert_element_type3A_1041 = arith.extui %gt3A_1040 : i1 to i32
      %cond3A_1042 = arith.constant 0 : i32
      %cond3A_1043 = arith.cmpi ne, %convert_element_type3A_1041, %cond3A_1042 : i32
      scf.if %cond3A_1043 {
        %dma_wait3A_1420 = arith.constant 1 : i32
        %dma_wait3A_1421 = arith.constant 0 : i32
        %dma_wait3A_1422 = arith.constant 0 : i32
        %dma_wait3A_1423 = arith.constant 0 : i32
        %dma_wait3A_1424 = tpu.memref_slice %arg9[%dma_wait3A_1420, %dma_wait3A_1422, %dma_wait3A_1423] : memref<2x32x128xf32, #tpu.memory_space<vmem>> -> memref<1x32x128xf32, #tpu.memory_space<vmem>>
        %dma_wait3A_1425 = tpu.memref_squeeze %dma_wait3A_1424 : memref<1x32x128xf32, #tpu.memory_space<vmem>> -> memref<32x128xf32, #tpu.memory_space<vmem>>
        %dma_wait3A_1426 = arith.constant 0 : i32
        %dma_wait3A_1427 = arith.constant 0 : i32
        %dma_wait3A_1428 = tpu.memref_slice %arg4[%dma_wait3A_1421, %dma_wait3A_1426, %dma_wait3A_1427] : memref<50x32x16384xf32, #tpu.memory_space<hbm>> -> memref<1x32x128xf32, #tpu.memory_space<hbm>>
        %dma_wait3A_1429 = tpu.memref_squeeze %dma_wait3A_1428 : memref<1x32x128xf32, #tpu.memory_space<hbm>> -> memref<32x128xf32, #tpu.memory_space<hbm>>
        %dma_wait3A_1430 = arith.constant 0 : i32
        %dma_wait3A_1431 = arith.constant 0 : i32
        %dma_wait3A_1432 = tpu.memref_slice %arg4[%dma_wait3A_1421, %dma_wait3A_1430, %dma_wait3A_1431] : memref<50x32x16384xf32, #tpu.memory_space<hbm>> -> memref<1x32x128xf32, #tpu.memory_space<hbm>>
        %dma_wait3A_1433 = tpu.memref_squeeze %dma_wait3A_1432 : memref<1x32x128xf32, #tpu.memory_space<hbm>> -> memref<32x128xf32, #tpu.memory_space<hbm>>
        %dma_wait3A_1434 = arith.constant 0 : i32
        %dma_wait3A_1435 = arith.constant 0 : i32
        %dma_wait3A_1436 = tpu.memref_slice %arg9[%dma_wait3A_1420, %dma_wait3A_1434, %dma_wait3A_1435] : memref<2x32x128xf32, #tpu.memory_space<vmem>> -> memref<1x32x128xf32, #tpu.memory_space<vmem>>
        %dma_wait3A_1437 = tpu.memref_squeeze %dma_wait3A_1436 : memref<1x32x128xf32, #tpu.memory_space<vmem>> -> memref<32x128xf32, #tpu.memory_space<vmem>>
        tpu.wait_dma2 semaphore(%arg13 : memref<!tpu.dma_semaphore, #tpu.memory_space<semaphore_mem>>) src(%dma_wait3A_1437 : memref<32x128xf32, #tpu.memory_space<vmem>>) dst(%dma_wait3A_1433 : memref<32x128xf32, #tpu.memory_space<hbm>>)
      } else {
      }
      %jit3A_1044 = arith.constant 50 : i32
      %div3A_1045 = arith.divsi %add3A_1023, %jit3A_1044 : i32
      %sign3A_1046 = arith.constant 0 : i32
      %sign3A_1047 = arith.cmpi sgt, %add3A_1023, %sign3A_1046 : i32
      %sign3A_1048 = arith.extui %sign3A_1047 : i1 to i32
      %sign3A_1049 = arith.constant 0 : i32
      %sign3A_1050 = arith.cmpi slt, %add3A_1023, %sign3A_1049 : i32
      %sign3A_1051 = arith.extui %sign3A_1050 : i1 to i32
      %sign3A_1052 = arith.subi %sign3A_1048, %sign3A_1051 : i32
      %sign3A_1053 = arith.constant 0 : i32
      %sign3A_1054 = arith.cmpi sgt, %jit3A_1044, %sign3A_1053 : i32
      %sign3A_1055 = arith.extui %sign3A_1054 : i1 to i32
      %sign3A_1056 = arith.constant 0 : i32
      %sign3A_1057 = arith.cmpi slt, %jit3A_1044, %sign3A_1056 : i32
      %sign3A_1058 = arith.extui %sign3A_1057 : i1 to i32
      %sign3A_1059 = arith.subi %sign3A_1055, %sign3A_1058 : i32
      %ne3A_1060 = arith.cmpi ne, %sign3A_1052, %sign3A_1059 : i32
      %rem3A_1061 = arith.remsi %add3A_1023, %jit3A_1044 : i32
      %ne3A_1062 = arith.constant 0 : i32
      %ne3A_1063 = arith.cmpi ne, %rem3A_1061, %ne3A_1062 : i32
      %and3A_1064 = arith.andi %ne3A_1060, %ne3A_1063 : i1
      %sub3A_1065 = arith.constant 1 : i32
      %sub3A_1066 = arith.subi %div3A_1045, %sub3A_1065 : i32
      %select_n3A_1067 = arith.select %and3A_1064, %sub3A_1066, %div3A_1045 : i32
      %jit3A_1068 = arith.constant 50 : i32
      %eq3A_1069 = arith.constant 0 : i32
      %eq3A_1070 = arith.cmpi eq, %jit3A_1068, %eq3A_1069 : i32
      %jit3A_1071 = arith.constant 1 : i32
      %select_n3A_1072 = arith.select %eq3A_1070, %jit3A_1071, %jit3A_1068 : i32
      %rem3A_1073 = arith.remsi %add3A_1023, %select_n3A_1072 : i32
      %ne3A_1074 = arith.constant 0 : i32
      %ne3A_1075 = arith.cmpi ne, %rem3A_1073, %ne3A_1074 : i32
      %lt3A_1076 = arith.constant 0 : i32
      %lt3A_1077 = arith.cmpi slt, %rem3A_1073, %lt3A_1076 : i32
      %lt3A_1078 = arith.constant 0 : i32
      %lt3A_1079 = arith.cmpi slt, %select_n3A_1072, %lt3A_1078 : i32
      %ne3A_1080 = arith.xori %lt3A_1077, %lt3A_1079 : i1
      %and3A_1081 = arith.andi %ne3A_1080, %ne3A_1075 : i1
      %add3A_1082 = arith.addi %rem3A_1073, %select_n3A_1072 : i32
      %select_n3A_1083 = arith.select %and3A_1081, %add3A_1082, %rem3A_1073 : i32
      %add3A_1084 = arith.constant 0 : i32
      %add3A_1085 = vector.broadcast %add3A_1084 : i32 to vector<16xi32>
      %add3A_1086 = arith.addi %add3A_1085, %iota3A : vector<16xi32>
      %add3A_1087 = arith.constant 16 : i32
      %add3A_1088 = vector.broadcast %add3A_1087 : i32 to vector<16xi32>
      %add3A_1089 = arith.addi %add3A_1088, %iota3A : vector<16xi32>
      %add3A_1090 = arith.constant 32 : i32
      %add3A_1091 = vector.broadcast %add3A_1090 : i32 to vector<16xi32>
      %add3A_1092 = arith.addi %add3A_1091, %iota3A : vector<16xi32>
      %add3A_1093 = arith.constant 48 : i32
      %add3A_1094 = vector.broadcast %add3A_1093 : i32 to vector<16xi32>
      %add3A_1095 = arith.addi %add3A_1094, %iota3A : vector<16xi32>
      %add3A_1096 = arith.constant 64 : i32
      %add3A_1097 = vector.broadcast %add3A_1096 : i32 to vector<16xi32>
      %add3A_1098 = arith.addi %add3A_1097, %iota3A : vector<16xi32>
      %add3A_1099 = arith.constant 80 : i32
      %add3A_1100 = vector.broadcast %add3A_1099 : i32 to vector<16xi32>
      %add3A_1101 = arith.addi %add3A_1100, %iota3A : vector<16xi32>
      %add3A_1102 = arith.constant 96 : i32
      %add3A_1103 = vector.broadcast %add3A_1102 : i32 to vector<16xi32>
      %add3A_1104 = arith.addi %add3A_1103, %iota3A : vector<16xi32>
      %add3A_1105 = arith.constant 112 : i32
      %add3A_1106 = vector.broadcast %add3A_1105 : i32 to vector<16xi32>
      %add3A_1107 = arith.addi %add3A_1106, %iota3A : vector<16xi32>
      %get3A_1108 = arith.constant 1 : i32
      %get3A_1109 = arith.index_cast %get3A_1108 : i32 to index
      %get3A_1110 = arith.constant 0 : index
      %get3A_1111 = tpu.vector_load %arg7[%get3A_1109, %get3A_1110] {strides = array<i32>} : memref<2x128xi32, #tpu.memory_space<vmem>>, vector<16xi32>,
      %get3A_1112 = arith.constant 1 : i32
      %get3A_1113 = arith.index_cast %get3A_1112 : i32 to index
      %get3A_1114 = arith.constant 16 : index
      %get3A_1115 = tpu.vector_load %arg7[%get3A_1113, %get3A_1114] {strides = array<i32>} : memref<2x128xi32, #tpu.memory_space<vmem>>, vector<16xi32>,
      %get3A_1116 = arith.constant 1 : i32
      %get3A_1117 = arith.index_cast %get3A_1116 : i32 to index
      %get3A_1118 = arith.constant 32 : index
      %get3A_1119 = tpu.vector_load %arg7[%get3A_1117, %get3A_1118] {strides = array<i32>} : memref<2x128xi32, #tpu.memory_space<vmem>>, vector<16xi32>,
      %get3A_1120 = arith.constant 1 : i32
      %get3A_1121 = arith.index_cast %get3A_1120 : i32 to index
      %get3A_1122 = arith.constant 48 : index
      %get3A_1123 = tpu.vector_load %arg7[%get3A_1121, %get3A_1122] {strides = array<i32>} : memref<2x128xi32, #tpu.memory_space<vmem>>, vector<16xi32>,
      %get3A_1124 = arith.constant 1 : i32
      %get3A_1125 = arith.index_cast %get3A_1124 : i32 to index
      %get3A_1126 = arith.constant 64 : index
      %get3A_1127 = tpu.vector_load %arg7[%get3A_1125, %get3A_1126] {strides = array<i32>} : memref<2x128xi32, #tpu.memory_space<vmem>>, vector<16xi32>,
      %get3A_1128 = arith.constant 1 : i32
      %get3A_1129 = arith.index_cast %get3A_1128 : i32 to index
      %get3A_1130 = arith.constant 80 : index
      %get3A_1131 = tpu.vector_load %arg7[%get3A_1129, %get3A_1130] {strides = array<i32>} : memref<2x128xi32, #tpu.memory_space<vmem>>, vector<16xi32>,
      %get3A_1132 = arith.constant 1 : i32
      %get3A_1133 = arith.index_cast %get3A_1132 : i32 to index
      %get3A_1134 = arith.constant 96 : index
      %get3A_1135 = tpu.vector_load %arg7[%get3A_1133, %get3A_1134] {strides = array<i32>} : memref<2x128xi32, #tpu.memory_space<vmem>>, vector<16xi32>,
      %get3A_1136 = arith.constant 1 : i32
      %get3A_1137 = arith.index_cast %get3A_1136 : i32 to index
      %get3A_1138 = arith.constant 112 : index
      %get3A_1139 = tpu.vector_load %arg7[%get3A_1137, %get3A_1138] {strides = array<i32>} : memref<2x128xi32, #tpu.memory_space<vmem>>, vector<16xi32>,
      %scan3A_1140 = arith.constant 0 : i32
      %scan3A_1141 = arith.constant 16 : i32
      %scan3A_1142 = arith.addi %scan3A_1140, %scan3A_1141 : i32
      %scan3A_1143 = arith.constant 1 : i32
      scf.for %scan3A_1420 = %scan3A_1140 to %scan3A_1142 step %scan3A_1143  : i32 {
        %mul3A_1421 = arith.constant 1 : i32
        %mul3A_1422 = arith.muli %scan3A_1420, %mul3A_1421 : i32
        %add3A_1423 = arith.constant 0 : i32
        %add3A_1424 = arith.addi %add3A_1423, %mul3A_1422 : i32
        %add3A_1425 = vector.broadcast %add3A_1424 : i32 to vector<16xi32>
        %add3A_1426 = arith.addi %iota3A, %add3A_1425 : vector<16xi32>
        %and3A_1427 = arith.constant 15 : i32
        %and3A_1428 = vector.broadcast %and3A_1427 : i32 to vector<16xi32>
        %and3A_1429 = arith.andi %add3A_1426, %and3A_1428 : vector<16xi32>
        %add3A_1430 = arith.constant 0 : i32
        %add3A_1431 = vector.broadcast %add3A_1430 : i32 to vector<16xi32>
        %add3A_1432 = arith.addi %add3A_1431, %and3A_1429 : vector<16xi32>
        %add3A_1433 = arith.addi %get3A_1111, %add3A_1432 : vector<16xi32>
        %gather3A_1434 = arith.constant 1 : i32
        %gather3A_1435 = arith.constant 0 : i32
        %gather3A_1436 = arith.constant 0 : i32
        %gather3A_1437 = tpu.memref_slice %arg8[%gather3A_1434, %gather3A_1435, %gather3A_1436] : memref<2x128x128xf32, #tpu.memory_space<vmem>> -> memref<1x128x128xf32, #tpu.memory_space<vmem>>
        %gather3A_1438 = tpu.memref_squeeze %gather3A_1437 : memref<1x128x128xf32, #tpu.memory_space<vmem>> -> memref<128x128xf32, #tpu.memory_space<vmem>>
        %gather3A_1439 = tpu.vector_load_idx %gather3A_1438[%add3A_1086, %add3A_1433] : memref<128x128xf32, #tpu.memory_space<vmem>>[vector<16xi32>, vector<16xi32>], vector<16xf32>,
        %scatter3A = arith.constant 1 : i32
        %scatter3A_1440 = arith.constant 0 : i32
        %scatter3A_1441 = arith.constant 0 : i32
        %scatter3A_1442 = tpu.memref_slice %arg9[%scatter3A, %scatter3A_1440, %scatter3A_1441] : memref<2x32x128xf32, #tpu.memory_space<vmem>> -> memref<1x32x128xf32, #tpu.memory_space<vmem>>
        %scatter3A_1443 = tpu.memref_squeeze %scatter3A_1442 : memref<1x32x128xf32, #tpu.memory_space<vmem>> -> memref<32x128xf32, #tpu.memory_space<vmem>>
        tpu.vector_store_idx %scatter3A_1443[%add3A_1432, %add3A_1086], %gather3A_1439 : memref<32x128xf32, #tpu.memory_space<vmem>>[vector<16xi32>, vector<16xi32>], vector<16xf32>,
        %add3A_1444 = arith.addi %get3A_1115, %add3A_1432 : vector<16xi32>
        %gather3A_1445 = arith.constant 1 : i32
        %gather3A_1446 = arith.constant 0 : i32
        %gather3A_1447 = arith.constant 0 : i32
        %gather3A_1448 = tpu.memref_slice %arg8[%gather3A_1445, %gather3A_1446, %gather3A_1447] : memref<2x128x128xf32, #tpu.memory_space<vmem>> -> memref<1x128x128xf32, #tpu.memory_space<vmem>>
        %gather3A_1449 = tpu.memref_squeeze %gather3A_1448 : memref<1x128x128xf32, #tpu.memory_space<vmem>> -> memref<128x128xf32, #tpu.memory_space<vmem>>
        %gather3A_1450 = tpu.vector_load_idx %gather3A_1449[%add3A_1089, %add3A_1444] : memref<128x128xf32, #tpu.memory_space<vmem>>[vector<16xi32>, vector<16xi32>], vector<16xf32>,
        %scatter3A_1451 = arith.constant 1 : i32
        %scatter3A_1452 = arith.constant 0 : i32
        %scatter3A_1453 = arith.constant 0 : i32
        %scatter3A_1454 = tpu.memref_slice %arg9[%scatter3A_1451, %scatter3A_1452, %scatter3A_1453] : memref<2x32x128xf32, #tpu.memory_space<vmem>> -> memref<1x32x128xf32, #tpu.memory_space<vmem>>
        %scatter3A_1455 = tpu.memref_squeeze %scatter3A_1454 : memref<1x32x128xf32, #tpu.memory_space<vmem>> -> memref<32x128xf32, #tpu.memory_space<vmem>>
        tpu.vector_store_idx %scatter3A_1455[%add3A_1432, %add3A_1089], %gather3A_1450 : memref<32x128xf32, #tpu.memory_space<vmem>>[vector<16xi32>, vector<16xi32>], vector<16xf32>,
        %add3A_1456 = arith.addi %get3A_1119, %add3A_1432 : vector<16xi32>
        %gather3A_1457 = arith.constant 1 : i32
        %gather3A_1458 = arith.constant 0 : i32
        %gather3A_1459 = arith.constant 0 : i32
        %gather3A_1460 = tpu.memref_slice %arg8[%gather3A_1457, %gather3A_1458, %gather3A_1459] : memref<2x128x128xf32, #tpu.memory_space<vmem>> -> memref<1x128x128xf32, #tpu.memory_space<vmem>>
        %gather3A_1461 = tpu.memref_squeeze %gather3A_1460 : memref<1x128x128xf32, #tpu.memory_space<vmem>> -> memref<128x128xf32, #tpu.memory_space<vmem>>
        %gather3A_1462 = tpu.vector_load_idx %gather3A_1461[%add3A_1092, %add3A_1456] : memref<128x128xf32, #tpu.memory_space<vmem>>[vector<16xi32>, vector<16xi32>], vector<16xf32>,
        %scatter3A_1463 = arith.constant 1 : i32
        %scatter3A_1464 = arith.constant 0 : i32
        %scatter3A_1465 = arith.constant 0 : i32
        %scatter3A_1466 = tpu.memref_slice %arg9[%scatter3A_1463, %scatter3A_1464, %scatter3A_1465] : memref<2x32x128xf32, #tpu.memory_space<vmem>> -> memref<1x32x128xf32, #tpu.memory_space<vmem>>
        %scatter3A_1467 = tpu.memref_squeeze %scatter3A_1466 : memref<1x32x128xf32, #tpu.memory_space<vmem>> -> memref<32x128xf32, #tpu.memory_space<vmem>>
        tpu.vector_store_idx %scatter3A_1467[%add3A_1432, %add3A_1092], %gather3A_1462 : memref<32x128xf32, #tpu.memory_space<vmem>>[vector<16xi32>, vector<16xi32>], vector<16xf32>,
        %add3A_1468 = arith.addi %get3A_1123, %add3A_1432 : vector<16xi32>
        %gather3A_1469 = arith.constant 1 : i32
        %gather3A_1470 = arith.constant 0 : i32
        %gather3A_1471 = arith.constant 0 : i32
        %gather3A_1472 = tpu.memref_slice %arg8[%gather3A_1469, %gather3A_1470, %gather3A_1471] : memref<2x128x128xf32, #tpu.memory_space<vmem>> -> memref<1x128x128xf32, #tpu.memory_space<vmem>>
        %gather3A_1473 = tpu.memref_squeeze %gather3A_1472 : memref<1x128x128xf32, #tpu.memory_space<vmem>> -> memref<128x128xf32, #tpu.memory_space<vmem>>
        %gather3A_1474 = tpu.vector_load_idx %gather3A_1473[%add3A_1095, %add3A_1468] : memref<128x128xf32, #tpu.memory_space<vmem>>[vector<16xi32>, vector<16xi32>], vector<16xf32>,
        %scatter3A_1475 = arith.constant 1 : i32
        %scatter3A_1476 = arith.constant 0 : i32
        %scatter3A_1477 = arith.constant 0 : i32
        %scatter3A_1478 = tpu.memref_slice %arg9[%scatter3A_1475, %scatter3A_1476, %scatter3A_1477] : memref<2x32x128xf32, #tpu.memory_space<vmem>> -> memref<1x32x128xf32, #tpu.memory_space<vmem>>
        %scatter3A_1479 = tpu.memref_squeeze %scatter3A_1478 : memref<1x32x128xf32, #tpu.memory_space<vmem>> -> memref<32x128xf32, #tpu.memory_space<vmem>>
        tpu.vector_store_idx %scatter3A_1479[%add3A_1432, %add3A_1095], %gather3A_1474 : memref<32x128xf32, #tpu.memory_space<vmem>>[vector<16xi32>, vector<16xi32>], vector<16xf32>,
        %add3A_1480 = arith.addi %get3A_1127, %add3A_1432 : vector<16xi32>
        %gather3A_1481 = arith.constant 1 : i32
        %gather3A_1482 = arith.constant 0 : i32
        %gather3A_1483 = arith.constant 0 : i32
        %gather3A_1484 = tpu.memref_slice %arg8[%gather3A_1481, %gather3A_1482, %gather3A_1483] : memref<2x128x128xf32, #tpu.memory_space<vmem>> -> memref<1x128x128xf32, #tpu.memory_space<vmem>>
        %gather3A_1485 = tpu.memref_squeeze %gather3A_1484 : memref<1x128x128xf32, #tpu.memory_space<vmem>> -> memref<128x128xf32, #tpu.memory_space<vmem>>
        %gather3A_1486 = tpu.vector_load_idx %gather3A_1485[%add3A_1098, %add3A_1480] : memref<128x128xf32, #tpu.memory_space<vmem>>[vector<16xi32>, vector<16xi32>], vector<16xf32>,
        %scatter3A_1487 = arith.constant 1 : i32
        %scatter3A_1488 = arith.constant 0 : i32
        %scatter3A_1489 = arith.constant 0 : i32
        %scatter3A_1490 = tpu.memref_slice %arg9[%scatter3A_1487, %scatter3A_1488, %scatter3A_1489] : memref<2x32x128xf32, #tpu.memory_space<vmem>> -> memref<1x32x128xf32, #tpu.memory_space<vmem>>
        %scatter3A_1491 = tpu.memref_squeeze %scatter3A_1490 : memref<1x32x128xf32, #tpu.memory_space<vmem>> -> memref<32x128xf32, #tpu.memory_space<vmem>>
        tpu.vector_store_idx %scatter3A_1491[%add3A_1432, %add3A_1098], %gather3A_1486 : memref<32x128xf32, #tpu.memory_space<vmem>>[vector<16xi32>, vector<16xi32>], vector<16xf32>,
        %add3A_1492 = arith.addi %get3A_1131, %add3A_1432 : vector<16xi32>
        %gather3A_1493 = arith.constant 1 : i32
        %gather3A_1494 = arith.constant 0 : i32
        %gather3A_1495 = arith.constant 0 : i32
        %gather3A_1496 = tpu.memref_slice %arg8[%gather3A_1493, %gather3A_1494, %gather3A_1495] : memref<2x128x128xf32, #tpu.memory_space<vmem>> -> memref<1x128x128xf32, #tpu.memory_space<vmem>>
        %gather3A_1497 = tpu.memref_squeeze %gather3A_1496 : memref<1x128x128xf32, #tpu.memory_space<vmem>> -> memref<128x128xf32, #tpu.memory_space<vmem>>
        %gather3A_1498 = tpu.vector_load_idx %gather3A_1497[%add3A_1101, %add3A_1492] : memref<128x128xf32, #tpu.memory_space<vmem>>[vector<16xi32>, vector<16xi32>], vector<16xf32>,
        %scatter3A_1499 = arith.constant 1 : i32
        %scatter3A_1500 = arith.constant 0 : i32
        %scatter3A_1501 = arith.constant 0 : i32
        %scatter3A_1502 = tpu.memref_slice %arg9[%scatter3A_1499, %scatter3A_1500, %scatter3A_1501] : memref<2x32x128xf32, #tpu.memory_space<vmem>> -> memref<1x32x128xf32, #tpu.memory_space<vmem>>
        %scatter3A_1503 = tpu.memref_squeeze %scatter3A_1502 : memref<1x32x128xf32, #tpu.memory_space<vmem>> -> memref<32x128xf32, #tpu.memory_space<vmem>>
        tpu.vector_store_idx %scatter3A_1503[%add3A_1432, %add3A_1101], %gather3A_1498 : memref<32x128xf32, #tpu.memory_space<vmem>>[vector<16xi32>, vector<16xi32>], vector<16xf32>,
        %add3A_1504 = arith.addi %get3A_1135, %add3A_1432 : vector<16xi32>
        %gather3A_1505 = arith.constant 1 : i32
        %gather3A_1506 = arith.constant 0 : i32
        %gather3A_1507 = arith.constant 0 : i32
        %gather3A_1508 = tpu.memref_slice %arg8[%gather3A_1505, %gather3A_1506, %gather3A_1507] : memref<2x128x128xf32, #tpu.memory_space<vmem>> -> memref<1x128x128xf32, #tpu.memory_space<vmem>>
        %gather3A_1509 = tpu.memref_squeeze %gather3A_1508 : memref<1x128x128xf32, #tpu.memory_space<vmem>> -> memref<128x128xf32, #tpu.memory_space<vmem>>
        %gather3A_1510 = tpu.vector_load_idx %gather3A_1509[%add3A_1104, %add3A_1504] : memref<128x128xf32, #tpu.memory_space<vmem>>[vector<16xi32>, vector<16xi32>], vector<16xf32>,
        %scatter3A_1511 = arith.constant 1 : i32
        %scatter3A_1512 = arith.constant 0 : i32
        %scatter3A_1513 = arith.constant 0 : i32
        %scatter3A_1514 = tpu.memref_slice %arg9[%scatter3A_1511, %scatter3A_1512, %scatter3A_1513] : memref<2x32x128xf32, #tpu.memory_space<vmem>> -> memref<1x32x128xf32, #tpu.memory_space<vmem>>
        %scatter3A_1515 = tpu.memref_squeeze %scatter3A_1514 : memref<1x32x128xf32, #tpu.memory_space<vmem>> -> memref<32x128xf32, #tpu.memory_space<vmem>>
        tpu.vector_store_idx %scatter3A_1515[%add3A_1432, %add3A_1104], %gather3A_1510 : memref<32x128xf32, #tpu.memory_space<vmem>>[vector<16xi32>, vector<16xi32>], vector<16xf32>,
        %add3A_1516 = arith.addi %get3A_1139, %add3A_1432 : vector<16xi32>
        %gather3A_1517 = arith.constant 1 : i32
        %gather3A_1518 = arith.constant 0 : i32
        %gather3A_1519 = arith.constant 0 : i32
        %gather3A_1520 = tpu.memref_slice %arg8[%gather3A_1517, %gather3A_1518, %gather3A_1519] : memref<2x128x128xf32, #tpu.memory_space<vmem>> -> memref<1x128x128xf32, #tpu.memory_space<vmem>>
        %gather3A_1521 = tpu.memref_squeeze %gather3A_1520 : memref<1x128x128xf32, #tpu.memory_space<vmem>> -> memref<128x128xf32, #tpu.memory_space<vmem>>
        %gather3A_1522 = tpu.vector_load_idx %gather3A_1521[%add3A_1107, %add3A_1516] : memref<128x128xf32, #tpu.memory_space<vmem>>[vector<16xi32>, vector<16xi32>], vector<16xf32>,
        %scatter3A_1523 = arith.constant 1 : i32
        %scatter3A_1524 = arith.constant 0 : i32
        %scatter3A_1525 = arith.constant 0 : i32
        %scatter3A_1526 = tpu.memref_slice %arg9[%scatter3A_1523, %scatter3A_1524, %scatter3A_1525] : memref<2x32x128xf32, #tpu.memory_space<vmem>> -> memref<1x32x128xf32, #tpu.memory_space<vmem>>
        %scatter3A_1527 = tpu.memref_squeeze %scatter3A_1526 : memref<1x32x128xf32, #tpu.memory_space<vmem>> -> memref<32x128xf32, #tpu.memory_space<vmem>>
        tpu.vector_store_idx %scatter3A_1527[%add3A_1432, %add3A_1107], %gather3A_1522 : memref<32x128xf32, #tpu.memory_space<vmem>>[vector<16xi32>, vector<16xi32>], vector<16xf32>,
        %add3A_1528 = arith.constant 16 : i32
        %add3A_1529 = vector.broadcast %add3A_1528 : i32 to vector<16xi32>
        %add3A_1530 = arith.addi %add3A_1529, %and3A_1429 : vector<16xi32>
        %add3A_1531 = arith.addi %get3A_1111, %add3A_1530 : vector<16xi32>
        %gather3A_1532 = arith.constant 1 : i32
        %gather3A_1533 = arith.constant 0 : i32
        %gather3A_1534 = arith.constant 0 : i32
        %gather3A_1535 = tpu.memref_slice %arg8[%gather3A_1532, %gather3A_1533, %gather3A_1534] : memref<2x128x128xf32, #tpu.memory_space<vmem>> -> memref<1x128x128xf32, #tpu.memory_space<vmem>>
        %gather3A_1536 = tpu.memref_squeeze %gather3A_1535 : memref<1x128x128xf32, #tpu.memory_space<vmem>> -> memref<128x128xf32, #tpu.memory_space<vmem>>
        %gather3A_1537 = tpu.vector_load_idx %gather3A_1536[%add3A_1086, %add3A_1531] : memref<128x128xf32, #tpu.memory_space<vmem>>[vector<16xi32>, vector<16xi32>], vector<16xf32>,
        %scatter3A_1538 = arith.constant 1 : i32
        %scatter3A_1539 = arith.constant 0 : i32
        %scatter3A_1540 = arith.constant 0 : i32
        %scatter3A_1541 = tpu.memref_slice %arg9[%scatter3A_1538, %scatter3A_1539, %scatter3A_1540] : memref<2x32x128xf32, #tpu.memory_space<vmem>> -> memref<1x32x128xf32, #tpu.memory_space<vmem>>
        %scatter3A_1542 = tpu.memref_squeeze %scatter3A_1541 : memref<1x32x128xf32, #tpu.memory_space<vmem>> -> memref<32x128xf32, #tpu.memory_space<vmem>>
        tpu.vector_store_idx %scatter3A_1542[%add3A_1530, %add3A_1086], %gather3A_1537 : memref<32x128xf32, #tpu.memory_space<vmem>>[vector<16xi32>, vector<16xi32>], vector<16xf32>,
        %add3A_1543 = arith.addi %get3A_1115, %add3A_1530 : vector<16xi32>
        %gather3A_1544 = arith.constant 1 : i32
        %gather3A_1545 = arith.constant 0 : i32
        %gather3A_1546 = arith.constant 0 : i32
        %gather3A_1547 = tpu.memref_slice %arg8[%gather3A_1544, %gather3A_1545, %gather3A_1546] : memref<2x128x128xf32, #tpu.memory_space<vmem>> -> memref<1x128x128xf32, #tpu.memory_space<vmem>>
        %gather3A_1548 = tpu.memref_squeeze %gather3A_1547 : memref<1x128x128xf32, #tpu.memory_space<vmem>> -> memref<128x128xf32, #tpu.memory_space<vmem>>
        %gather3A_1549 = tpu.vector_load_idx %gather3A_1548[%add3A_1089, %add3A_1543] : memref<128x128xf32, #tpu.memory_space<vmem>>[vector<16xi32>, vector<16xi32>], vector<16xf32>,
        %scatter3A_1550 = arith.constant 1 : i32
        %scatter3A_1551 = arith.constant 0 : i32
        %scatter3A_1552 = arith.constant 0 : i32
        %scatter3A_1553 = tpu.memref_slice %arg9[%scatter3A_1550, %scatter3A_1551, %scatter3A_1552] : memref<2x32x128xf32, #tpu.memory_space<vmem>> -> memref<1x32x128xf32, #tpu.memory_space<vmem>>
        %scatter3A_1554 = tpu.memref_squeeze %scatter3A_1553 : memref<1x32x128xf32, #tpu.memory_space<vmem>> -> memref<32x128xf32, #tpu.memory_space<vmem>>
        tpu.vector_store_idx %scatter3A_1554[%add3A_1530, %add3A_1089], %gather3A_1549 : memref<32x128xf32, #tpu.memory_space<vmem>>[vector<16xi32>, vector<16xi32>], vector<16xf32>,
        %add3A_1555 = arith.addi %get3A_1119, %add3A_1530 : vector<16xi32>
        %gather3A_1556 = arith.constant 1 : i32
        %gather3A_1557 = arith.constant 0 : i32
        %gather3A_1558 = arith.constant 0 : i32
        %gather3A_1559 = tpu.memref_slice %arg8[%gather3A_1556, %gather3A_1557, %gather3A_1558] : memref<2x128x128xf32, #tpu.memory_space<vmem>> -> memref<1x128x128xf32, #tpu.memory_space<vmem>>
        %gather3A_1560 = tpu.memref_squeeze %gather3A_1559 : memref<1x128x128xf32, #tpu.memory_space<vmem>> -> memref<128x128xf32, #tpu.memory_space<vmem>>
        %gather3A_1561 = tpu.vector_load_idx %gather3A_1560[%add3A_1092, %add3A_1555] : memref<128x128xf32, #tpu.memory_space<vmem>>[vector<16xi32>, vector<16xi32>], vector<16xf32>,
        %scatter3A_1562 = arith.constant 1 : i32
        %scatter3A_1563 = arith.constant 0 : i32
        %scatter3A_1564 = arith.constant 0 : i32
        %scatter3A_1565 = tpu.memref_slice %arg9[%scatter3A_1562, %scatter3A_1563, %scatter3A_1564] : memref<2x32x128xf32, #tpu.memory_space<vmem>> -> memref<1x32x128xf32, #tpu.memory_space<vmem>>
        %scatter3A_1566 = tpu.memref_squeeze %scatter3A_1565 : memref<1x32x128xf32, #tpu.memory_space<vmem>> -> memref<32x128xf32, #tpu.memory_space<vmem>>
        tpu.vector_store_idx %scatter3A_1566[%add3A_1530, %add3A_1092], %gather3A_1561 : memref<32x128xf32, #tpu.memory_space<vmem>>[vector<16xi32>, vector<16xi32>], vector<16xf32>,
        %add3A_1567 = arith.addi %get3A_1123, %add3A_1530 : vector<16xi32>
        %gather3A_1568 = arith.constant 1 : i32
        %gather3A_1569 = arith.constant 0 : i32
        %gather3A_1570 = arith.constant 0 : i32
        %gather3A_1571 = tpu.memref_slice %arg8[%gather3A_1568, %gather3A_1569, %gather3A_1570] : memref<2x128x128xf32, #tpu.memory_space<vmem>> -> memref<1x128x128xf32, #tpu.memory_space<vmem>>
        %gather3A_1572 = tpu.memref_squeeze %gather3A_1571 : memref<1x128x128xf32, #tpu.memory_space<vmem>> -> memref<128x128xf32, #tpu.memory_space<vmem>>
        %gather3A_1573 = tpu.vector_load_idx %gather3A_1572[%add3A_1095, %add3A_1567] : memref<128x128xf32, #tpu.memory_space<vmem>>[vector<16xi32>, vector<16xi32>], vector<16xf32>,
        %scatter3A_1574 = arith.constant 1 : i32
        %scatter3A_1575 = arith.constant 0 : i32
        %scatter3A_1576 = arith.constant 0 : i32
        %scatter3A_1577 = tpu.memref_slice %arg9[%scatter3A_1574, %scatter3A_1575, %scatter3A_1576] : memref<2x32x128xf32, #tpu.memory_space<vmem>> -> memref<1x32x128xf32, #tpu.memory_space<vmem>>
        %scatter3A_1578 = tpu.memref_squeeze %scatter3A_1577 : memref<1x32x128xf32, #tpu.memory_space<vmem>> -> memref<32x128xf32, #tpu.memory_space<vmem>>
        tpu.vector_store_idx %scatter3A_1578[%add3A_1530, %add3A_1095], %gather3A_1573 : memref<32x128xf32, #tpu.memory_space<vmem>>[vector<16xi32>, vector<16xi32>], vector<16xf32>,
        %add3A_1579 = arith.addi %get3A_1127, %add3A_1530 : vector<16xi32>
        %gather3A_1580 = arith.constant 1 : i32
        %gather3A_1581 = arith.constant 0 : i32
        %gather3A_1582 = arith.constant 0 : i32
        %gather3A_1583 = tpu.memref_slice %arg8[%gather3A_1580, %gather3A_1581, %gather3A_1582] : memref<2x128x128xf32, #tpu.memory_space<vmem>> -> memref<1x128x128xf32, #tpu.memory_space<vmem>>
        %gather3A_1584 = tpu.memref_squeeze %gather3A_1583 : memref<1x128x128xf32, #tpu.memory_space<vmem>> -> memref<128x128xf32, #tpu.memory_space<vmem>>
        %gather3A_1585 = tpu.vector_load_idx %gather3A_1584[%add3A_1098, %add3A_1579] : memref<128x128xf32, #tpu.memory_space<vmem>>[vector<16xi32>, vector<16xi32>], vector<16xf32>,
        %scatter3A_1586 = arith.constant 1 : i32
        %scatter3A_1587 = arith.constant 0 : i32
        %scatter3A_1588 = arith.constant 0 : i32
        %scatter3A_1589 = tpu.memref_slice %arg9[%scatter3A_1586, %scatter3A_1587, %scatter3A_1588] : memref<2x32x128xf32, #tpu.memory_space<vmem>> -> memref<1x32x128xf32, #tpu.memory_space<vmem>>
        %scatter3A_1590 = tpu.memref_squeeze %scatter3A_1589 : memref<1x32x128xf32, #tpu.memory_space<vmem>> -> memref<32x128xf32, #tpu.memory_space<vmem>>
        tpu.vector_store_idx %scatter3A_1590[%add3A_1530, %add3A_1098], %gather3A_1585 : memref<32x128xf32, #tpu.memory_space<vmem>>[vector<16xi32>, vector<16xi32>], vector<16xf32>,
        %add3A_1591 = arith.addi %get3A_1131, %add3A_1530 : vector<16xi32>
        %gather3A_1592 = arith.constant 1 : i32
        %gather3A_1593 = arith.constant 0 : i32
        %gather3A_1594 = arith.constant 0 : i32
        %gather3A_1595 = tpu.memref_slice %arg8[%gather3A_1592, %gather3A_1593, %gather3A_1594] : memref<2x128x128xf32, #tpu.memory_space<vmem>> -> memref<1x128x128xf32, #tpu.memory_space<vmem>>
        %gather3A_1596 = tpu.memref_squeeze %gather3A_1595 : memref<1x128x128xf32, #tpu.memory_space<vmem>> -> memref<128x128xf32, #tpu.memory_space<vmem>>
        %gather3A_1597 = tpu.vector_load_idx %gather3A_1596[%add3A_1101, %add3A_1591] : memref<128x128xf32, #tpu.memory_space<vmem>>[vector<16xi32>, vector<16xi32>], vector<16xf32>,
        %scatter3A_1598 = arith.constant 1 : i32
        %scatter3A_1599 = arith.constant 0 : i32
        %scatter3A_1600 = arith.constant 0 : i32
        %scatter3A_1601 = tpu.memref_slice %arg9[%scatter3A_1598, %scatter3A_1599, %scatter3A_1600] : memref<2x32x128xf32, #tpu.memory_space<vmem>> -> memref<1x32x128xf32, #tpu.memory_space<vmem>>
        %scatter3A_1602 = tpu.memref_squeeze %scatter3A_1601 : memref<1x32x128xf32, #tpu.memory_space<vmem>> -> memref<32x128xf32, #tpu.memory_space<vmem>>
        tpu.vector_store_idx %scatter3A_1602[%add3A_1530, %add3A_1101], %gather3A_1597 : memref<32x128xf32, #tpu.memory_space<vmem>>[vector<16xi32>, vector<16xi32>], vector<16xf32>,
        %add3A_1603 = arith.addi %get3A_1135, %add3A_1530 : vector<16xi32>
        %gather3A_1604 = arith.constant 1 : i32
        %gather3A_1605 = arith.constant 0 : i32
        %gather3A_1606 = arith.constant 0 : i32
        %gather3A_1607 = tpu.memref_slice %arg8[%gather3A_1604, %gather3A_1605, %gather3A_1606] : memref<2x128x128xf32, #tpu.memory_space<vmem>> -> memref<1x128x128xf32, #tpu.memory_space<vmem>>
        %gather3A_1608 = tpu.memref_squeeze %gather3A_1607 : memref<1x128x128xf32, #tpu.memory_space<vmem>> -> memref<128x128xf32, #tpu.memory_space<vmem>>
        %gather3A_1609 = tpu.vector_load_idx %gather3A_1608[%add3A_1104, %add3A_1603] : memref<128x128xf32, #tpu.memory_space<vmem>>[vector<16xi32>, vector<16xi32>], vector<16xf32>,
        %scatter3A_1610 = arith.constant 1 : i32
        %scatter3A_1611 = arith.constant 0 : i32
        %scatter3A_1612 = arith.constant 0 : i32
        %scatter3A_1613 = tpu.memref_slice %arg9[%scatter3A_1610, %scatter3A_1611, %scatter3A_1612] : memref<2x32x128xf32, #tpu.memory_space<vmem>> -> memref<1x32x128xf32, #tpu.memory_space<vmem>>
        %scatter3A_1614 = tpu.memref_squeeze %scatter3A_1613 : memref<1x32x128xf32, #tpu.memory_space<vmem>> -> memref<32x128xf32, #tpu.memory_space<vmem>>
        tpu.vector_store_idx %scatter3A_1614[%add3A_1530, %add3A_1104], %gather3A_1609 : memref<32x128xf32, #tpu.memory_space<vmem>>[vector<16xi32>, vector<16xi32>], vector<16xf32>,
        %add3A_1615 = arith.addi %get3A_1139, %add3A_1530 : vector<16xi32>
        %gather3A_1616 = arith.constant 1 : i32
        %gather3A_1617 = arith.constant 0 : i32
        %gather3A_1618 = arith.constant 0 : i32
        %gather3A_1619 = tpu.memref_slice %arg8[%gather3A_1616, %gather3A_1617, %gather3A_1618] : memref<2x128x128xf32, #tpu.memory_space<vmem>> -> memref<1x128x128xf32, #tpu.memory_space<vmem>>
        %gather3A_1620 = tpu.memref_squeeze %gather3A_1619 : memref<1x128x128xf32, #tpu.memory_space<vmem>> -> memref<128x128xf32, #tpu.memory_space<vmem>>
        %gather3A_1621 = tpu.vector_load_idx %gather3A_1620[%add3A_1107, %add3A_1615] : memref<128x128xf32, #tpu.memory_space<vmem>>[vector<16xi32>, vector<16xi32>], vector<16xf32>,
        %scatter3A_1622 = arith.constant 1 : i32
        %scatter3A_1623 = arith.constant 0 : i32
        %scatter3A_1624 = arith.constant 0 : i32
        %scatter3A_1625 = tpu.memref_slice %arg9[%scatter3A_1622, %scatter3A_1623, %scatter3A_1624] : memref<2x32x128xf32, #tpu.memory_space<vmem>> -> memref<1x32x128xf32, #tpu.memory_space<vmem>>
        %scatter3A_1626 = tpu.memref_squeeze %scatter3A_1625 : memref<1x32x128xf32, #tpu.memory_space<vmem>> -> memref<32x128xf32, #tpu.memory_space<vmem>>
        tpu.vector_store_idx %scatter3A_1626[%add3A_1530, %add3A_1107], %gather3A_1621 : memref<32x128xf32, #tpu.memory_space<vmem>>[vector<16xi32>, vector<16xi32>], vector<16xf32>,
      }
      %scan3A_1144 = arith.constant 16 : i32
      %mul3A_1145 = arith.constant 4 : i32
      %mul3A_1146 = arith.muli %add3A, %mul3A_1145 : i32
      %add3A_1147 = arith.addi %mul3A_1146, %select_n3A_1067 : i32
      %mul3A_1148 = arith.constant 128 : i32
      %mul3A_1149 = arith.muli %add3A_1147, %mul3A_1148 : i32
      %multiple_of3A_1150 = tpu.assume_multiple %mul3A_1149, 128 : i32
      %dma_start3A_1151 = arith.constant 1 : i32
      %dma_start3A_1152 = arith.constant 0 : i32
      %dma_start3A_1153 = arith.constant 0 : i32
      %dma_start3A_1154 = tpu.memref_slice %arg9[%dma_start3A_1151, %dma_start3A_1152, %dma_start3A_1153] : memref<2x32x128xf32, #tpu.memory_space<vmem>> -> memref<1x32x128xf32, #tpu.memory_space<vmem>>
      %dma_start3A_1155 = tpu.memref_squeeze %dma_start3A_1154 : memref<1x32x128xf32, #tpu.memory_space<vmem>> -> memref<32x128xf32, #tpu.memory_space<vmem>>
      %dma_start3A_1156 = arith.constant 0 : i32
      %dma_start3A_1157 = tpu.memref_slice %arg4[%select_n3A_1083, %dma_start3A_1156, %multiple_of3A_1150] : memref<50x32x16384xf32, #tpu.memory_space<hbm>> -> memref<1x32x128xf32, #tpu.memory_space<hbm>>
      %dma_start3A_1158 = tpu.memref_squeeze %dma_start3A_1157 : memref<1x32x128xf32, #tpu.memory_space<hbm>> -> memref<32x128xf32, #tpu.memory_space<hbm>>
      %dma_start3A_1159 = arith.constant 0 : i32
      %dma_start3A_1160 = tpu.memref_slice %arg4[%select_n3A_1083, %dma_start3A_1159, %multiple_of3A_1150] : memref<50x32x16384xf32, #tpu.memory_space<hbm>> -> memref<1x32x128xf32, #tpu.memory_space<hbm>>
      %dma_start3A_1161 = tpu.memref_squeeze %dma_start3A_1160 : memref<1x32x128xf32, #tpu.memory_space<hbm>> -> memref<32x128xf32, #tpu.memory_space<hbm>>
      %dma_start3A_1162 = arith.constant 0 : i32
      %dma_start3A_1163 = arith.constant 0 : i32
      %dma_start3A_1164 = tpu.memref_slice %arg9[%dma_start3A_1151, %dma_start3A_1162, %dma_start3A_1163] : memref<2x32x128xf32, #tpu.memory_space<vmem>> -> memref<1x32x128xf32, #tpu.memory_space<vmem>>
      %dma_start3A_1165 = tpu.memref_squeeze %dma_start3A_1164 : memref<1x32x128xf32, #tpu.memory_space<vmem>> -> memref<32x128xf32, #tpu.memory_space<vmem>>
      tpu.enqueue_dma source(%dma_start3A_1165 : memref<32x128xf32, #tpu.memory_space<vmem>>) target(%dma_start3A_1161 : memref<32x128xf32, #tpu.memory_space<hbm>>) target_semaphore(%arg13 : memref<!tpu.dma_semaphore, #tpu.memory_space<semaphore_mem>>)
      %add3A_1166 = arith.constant 2 : i32
      %add3A_1167 = arith.addi %add3A_1023, %add3A_1166 : i32
      %jit3A_1168 = arith.constant 50 : i32
      %div3A_1169 = arith.divsi %add3A_1167, %jit3A_1168 : i32
      %sign3A_1170 = arith.constant 0 : i32
      %sign3A_1171 = arith.cmpi sgt, %add3A_1167, %sign3A_1170 : i32
      %sign3A_1172 = arith.extui %sign3A_1171 : i1 to i32
      %sign3A_1173 = arith.constant 0 : i32
      %sign3A_1174 = arith.cmpi slt, %add3A_1167, %sign3A_1173 : i32
      %sign3A_1175 = arith.extui %sign3A_1174 : i1 to i32
      %sign3A_1176 = arith.subi %sign3A_1172, %sign3A_1175 : i32
      %sign3A_1177 = arith.constant 0 : i32
      %sign3A_1178 = arith.cmpi sgt, %jit3A_1168, %sign3A_1177 : i32
      %sign3A_1179 = arith.extui %sign3A_1178 : i1 to i32
      %sign3A_1180 = arith.constant 0 : i32
      %sign3A_1181 = arith.cmpi slt, %jit3A_1168, %sign3A_1180 : i32
      %sign3A_1182 = arith.extui %sign3A_1181 : i1 to i32
      %sign3A_1183 = arith.subi %sign3A_1179, %sign3A_1182 : i32
      %ne3A_1184 = arith.cmpi ne, %sign3A_1176, %sign3A_1183 : i32
      %rem3A_1185 = arith.remsi %add3A_1167, %jit3A_1168 : i32
      %ne3A_1186 = arith.constant 0 : i32
      %ne3A_1187 = arith.cmpi ne, %rem3A_1185, %ne3A_1186 : i32
      %and3A_1188 = arith.andi %ne3A_1184, %ne3A_1187 : i1
      %sub3A_1189 = arith.constant 1 : i32
      %sub3A_1190 = arith.subi %div3A_1169, %sub3A_1189 : i32
      %select_n3A_1191 = arith.select %and3A_1188, %sub3A_1190, %div3A_1169 : i32
      %jit3A_1192 = arith.constant 50 : i32
      %eq3A_1193 = arith.constant 0 : i32
      %eq3A_1194 = arith.cmpi eq, %jit3A_1192, %eq3A_1193 : i32
      %jit3A_1195 = arith.constant 1 : i32
      %select_n3A_1196 = arith.select %eq3A_1194, %jit3A_1195, %jit3A_1192 : i32
      %rem3A_1197 = arith.remsi %add3A_1167, %select_n3A_1196 : i32
      %ne3A_1198 = arith.constant 0 : i32
      %ne3A_1199 = arith.cmpi ne, %rem3A_1197, %ne3A_1198 : i32
      %lt3A_1200 = arith.constant 0 : i32
      %lt3A_1201 = arith.cmpi slt, %rem3A_1197, %lt3A_1200 : i32
      %lt3A_1202 = arith.constant 0 : i32
      %lt3A_1203 = arith.cmpi slt, %select_n3A_1196, %lt3A_1202 : i32
      %ne3A_1204 = arith.xori %lt3A_1201, %lt3A_1203 : i1
      %and3A_1205 = arith.andi %ne3A_1204, %ne3A_1199 : i1
      %add3A_1206 = arith.addi %rem3A_1197, %select_n3A_1196 : i32
      %select_n3A_1207 = arith.select %and3A_1205, %add3A_1206, %rem3A_1197 : i32
      %mul3A_1208 = arith.constant 6400 : i32
      %mul3A_1209 = arith.muli %select_n3A_1191, %mul3A_1208 : i32
      %add3A_1210 = arith.constant 0 : i32
      %add3A_1211 = arith.addi %mul3A_1209, %add3A_1210 : i32
      %add3A_1212 = arith.addi %add3A_1211, %select_n3A_1207 : i32
      %add3A_1213 = vector.broadcast %add3A_1212 : i32 to vector<16xi32>
      %add3A_1214 = arith.addi %mul3A_3, %add3A_1213 : vector<16xi32>
      %gather3A_1215 = tpu.vector_load_idx %arg5[%add3A_1214] : memref<25600xi32, #tpu.memory_space<vmem>>[vector<16xi32>], vector<16xi32>,
      %shift_right_arithmetic3A_1216 = arith.constant 2 : i32
      %shift_right_arithmetic3A_1217 = vector.broadcast %shift_right_arithmetic3A_1216 : i32 to vector<16xi32>
      %shift_right_arithmetic3A_1218 = arith.shrsi %gather3A_1215, %shift_right_arithmetic3A_1217 : vector<16xi32>
      %swap3A_1219 = arith.constant 1 : i32
      %swap3A_1220 = arith.index_cast %swap3A_1219 : i32 to index
      %swap3A_1221 = arith.constant 0 : index
      %swap3A_1222 = tpu.vector_load %arg6[%swap3A_1220, %swap3A_1221] {strides = array<i32>} : memref<2x128xi32, #tpu.memory_space<vmem>>, vector<16xi32>,
      tpu.vector_store %arg6[%swap3A_1220, %swap3A_1221], %shift_right_arithmetic3A_1218 {strides = array<i32>} : memref<2x128xi32, #tpu.memory_space<vmem>>, vector<16xi32>,
      %and3A_1223 = arith.constant 3 : i32
      %and3A_1224 = vector.broadcast %and3A_1223 : i32 to vector<16xi32>
      %and3A_1225 = arith.andi %gather3A_1215, %and3A_1224 : vector<16xi32>
      %shift_left3A_1226 = arith.constant 5 : i32
      %shift_left3A_1227 = vector.broadcast %shift_left3A_1226 : i32 to vector<16xi32>
      %shift_left3A_1228 = arith.shli %and3A_1225, %shift_left3A_1227 : vector<16xi32>
      %swap3A_1229 = arith.constant 1 : i32
      %swap3A_1230 = arith.index_cast %swap3A_1229 : i32 to index
      %swap3A_1231 = arith.constant 0 : index
      %swap3A_1232 = tpu.vector_load %arg7[%swap3A_1230, %swap3A_1231] {strides = array<i32>} : memref<2x128xi32, #tpu.memory_space<vmem>>, vector<16xi32>,
      tpu.vector_store %arg7[%swap3A_1230, %swap3A_1231], %shift_left3A_1228 {strides = array<i32>} : memref<2x128xi32, #tpu.memory_space<vmem>>, vector<16xi32>,
      %mul3A_1233 = arith.constant 6400 : i32
      %mul3A_1234 = arith.muli %select_n3A_1191, %mul3A_1233 : i32
      %add3A_1235 = arith.constant 800 : i32
      %add3A_1236 = arith.addi %mul3A_1234, %add3A_1235 : i32
      %add3A_1237 = arith.addi %add3A_1236, %select_n3A_1207 : i32
      %add3A_1238 = vector.broadcast %add3A_1237 : i32 to vector<16xi32>
      %add3A_1239 = arith.addi %mul3A_3, %add3A_1238 : vector<16xi32>
      %gather3A_1240 = tpu.vector_load_idx %arg5[%add3A_1239] : memref<25600xi32, #tpu.memory_space<vmem>>[vector<16xi32>], vector<16xi32>,
      %shift_right_arithmetic3A_1241 = arith.constant 2 : i32
      %shift_right_arithmetic3A_1242 = vector.broadcast %shift_right_arithmetic3A_1241 : i32 to vector<16xi32>
      %shift_right_arithmetic3A_1243 = arith.shrsi %gather3A_1240, %shift_right_arithmetic3A_1242 : vector<16xi32>
      %swap3A_1244 = arith.constant 1 : i32
      %swap3A_1245 = arith.index_cast %swap3A_1244 : i32 to index
      %swap3A_1246 = arith.constant 16 : index
      %swap3A_1247 = tpu.vector_load %arg6[%swap3A_1245, %swap3A_1246] {strides = array<i32>} : memref<2x128xi32, #tpu.memory_space<vmem>>, vector<16xi32>,
      tpu.vector_store %arg6[%swap3A_1245, %swap3A_1246], %shift_right_arithmetic3A_1243 {strides = array<i32>} : memref<2x128xi32, #tpu.memory_space<vmem>>, vector<16xi32>,
      %and3A_1248 = arith.constant 3 : i32
      %and3A_1249 = vector.broadcast %and3A_1248 : i32 to vector<16xi32>
      %and3A_1250 = arith.andi %gather3A_1240, %and3A_1249 : vector<16xi32>
      %shift_left3A_1251 = arith.constant 5 : i32
      %shift_left3A_1252 = vector.broadcast %shift_left3A_1251 : i32 to vector<16xi32>
      %shift_left3A_1253 = arith.shli %and3A_1250, %shift_left3A_1252 : vector<16xi32>
      %swap3A_1254 = arith.constant 1 : i32
      %swap3A_1255 = arith.index_cast %swap3A_1254 : i32 to index
      %swap3A_1256 = arith.constant 16 : index
      %swap3A_1257 = tpu.vector_load %arg7[%swap3A_1255, %swap3A_1256] {strides = array<i32>} : memref<2x128xi32, #tpu.memory_space<vmem>>, vector<16xi32>,
      tpu.vector_store %arg7[%swap3A_1255, %swap3A_1256], %shift_left3A_1253 {strides = array<i32>} : memref<2x128xi32, #tpu.memory_space<vmem>>, vector<16xi32>,
      %mul3A_1258 = arith.constant 6400 : i32
      %mul3A_1259 = arith.muli %select_n3A_1191, %mul3A_1258 : i32
      %add3A_1260 = arith.constant 1600 : i32
      %add3A_1261 = arith.addi %mul3A_1259, %add3A_1260 : i32
      %add3A_1262 = arith.addi %add3A_1261, %select_n3A_1207 : i32
      %add3A_1263 = vector.broadcast %add3A_1262 : i32 to vector<16xi32>
      %add3A_1264 = arith.addi %mul3A_3, %add3A_1263 : vector<16xi32>
      %gather3A_1265 = tpu.vector_load_idx %arg5[%add3A_1264] : memref<25600xi32, #tpu.memory_space<vmem>>[vector<16xi32>], vector<16xi32>,
      %shift_right_arithmetic3A_1266 = arith.constant 2 : i32
      %shift_right_arithmetic3A_1267 = vector.broadcast %shift_right_arithmetic3A_1266 : i32 to vector<16xi32>
      %shift_right_arithmetic3A_1268 = arith.shrsi %gather3A_1265, %shift_right_arithmetic3A_1267 : vector<16xi32>
      %swap3A_1269 = arith.constant 1 : i32
      %swap3A_1270 = arith.index_cast %swap3A_1269 : i32 to index
      %swap3A_1271 = arith.constant 32 : index
      %swap3A_1272 = tpu.vector_load %arg6[%swap3A_1270, %swap3A_1271] {strides = array<i32>} : memref<2x128xi32, #tpu.memory_space<vmem>>, vector<16xi32>,
      tpu.vector_store %arg6[%swap3A_1270, %swap3A_1271], %shift_right_arithmetic3A_1268 {strides = array<i32>} : memref<2x128xi32, #tpu.memory_space<vmem>>, vector<16xi32>,
      %and3A_1273 = arith.constant 3 : i32
      %and3A_1274 = vector.broadcast %and3A_1273 : i32 to vector<16xi32>
      %and3A_1275 = arith.andi %gather3A_1265, %and3A_1274 : vector<16xi32>
      %shift_left3A_1276 = arith.constant 5 : i32
      %shift_left3A_1277 = vector.broadcast %shift_left3A_1276 : i32 to vector<16xi32>
      %shift_left3A_1278 = arith.shli %and3A_1275, %shift_left3A_1277 : vector<16xi32>
      %swap3A_1279 = arith.constant 1 : i32
      %swap3A_1280 = arith.index_cast %swap3A_1279 : i32 to index
      %swap3A_1281 = arith.constant 32 : index
      %swap3A_1282 = tpu.vector_load %arg7[%swap3A_1280, %swap3A_1281] {strides = array<i32>} : memref<2x128xi32, #tpu.memory_space<vmem>>, vector<16xi32>,
      tpu.vector_store %arg7[%swap3A_1280, %swap3A_1281], %shift_left3A_1278 {strides = array<i32>} : memref<2x128xi32, #tpu.memory_space<vmem>>, vector<16xi32>,
      %mul3A_1283 = arith.constant 6400 : i32
      %mul3A_1284 = arith.muli %select_n3A_1191, %mul3A_1283 : i32
      %add3A_1285 = arith.constant 2400 : i32
      %add3A_1286 = arith.addi %mul3A_1284, %add3A_1285 : i32
      %add3A_1287 = arith.addi %add3A_1286, %select_n3A_1207 : i32
      %add3A_1288 = vector.broadcast %add3A_1287 : i32 to vector<16xi32>
      %add3A_1289 = arith.addi %mul3A_3, %add3A_1288 : vector<16xi32>
      %gather3A_1290 = tpu.vector_load_idx %arg5[%add3A_1289] : memref<25600xi32, #tpu.memory_space<vmem>>[vector<16xi32>], vector<16xi32>,
      %shift_right_arithmetic3A_1291 = arith.constant 2 : i32
      %shift_right_arithmetic3A_1292 = vector.broadcast %shift_right_arithmetic3A_1291 : i32 to vector<16xi32>
      %shift_right_arithmetic3A_1293 = arith.shrsi %gather3A_1290, %shift_right_arithmetic3A_1292 : vector<16xi32>
      %swap3A_1294 = arith.constant 1 : i32
      %swap3A_1295 = arith.index_cast %swap3A_1294 : i32 to index
      %swap3A_1296 = arith.constant 48 : index
      %swap3A_1297 = tpu.vector_load %arg6[%swap3A_1295, %swap3A_1296] {strides = array<i32>} : memref<2x128xi32, #tpu.memory_space<vmem>>, vector<16xi32>,
      tpu.vector_store %arg6[%swap3A_1295, %swap3A_1296], %shift_right_arithmetic3A_1293 {strides = array<i32>} : memref<2x128xi32, #tpu.memory_space<vmem>>, vector<16xi32>,
      %and3A_1298 = arith.constant 3 : i32
      %and3A_1299 = vector.broadcast %and3A_1298 : i32 to vector<16xi32>
      %and3A_1300 = arith.andi %gather3A_1290, %and3A_1299 : vector<16xi32>
      %shift_left3A_1301 = arith.constant 5 : i32
      %shift_left3A_1302 = vector.broadcast %shift_left3A_1301 : i32 to vector<16xi32>
      %shift_left3A_1303 = arith.shli %and3A_1300, %shift_left3A_1302 : vector<16xi32>
      %swap3A_1304 = arith.constant 1 : i32
      %swap3A_1305 = arith.index_cast %swap3A_1304 : i32 to index
      %swap3A_1306 = arith.constant 48 : index
      %swap3A_1307 = tpu.vector_load %arg7[%swap3A_1305, %swap3A_1306] {strides = array<i32>} : memref<2x128xi32, #tpu.memory_space<vmem>>, vector<16xi32>,
      tpu.vector_store %arg7[%swap3A_1305, %swap3A_1306], %shift_left3A_1303 {strides = array<i32>} : memref<2x128xi32, #tpu.memory_space<vmem>>, vector<16xi32>,
      %mul3A_1308 = arith.constant 6400 : i32
      %mul3A_1309 = arith.muli %select_n3A_1191, %mul3A_1308 : i32
      %add3A_1310 = arith.constant 3200 : i32
      %add3A_1311 = arith.addi %mul3A_1309, %add3A_1310 : i32
      %add3A_1312 = arith.addi %add3A_1311, %select_n3A_1207 : i32
      %add3A_1313 = vector.broadcast %add3A_1312 : i32 to vector<16xi32>
      %add3A_1314 = arith.addi %mul3A_3, %add3A_1313 : vector<16xi32>
      %gather3A_1315 = tpu.vector_load_idx %arg5[%add3A_1314] : memref<25600xi32, #tpu.memory_space<vmem>>[vector<16xi32>], vector<16xi32>,
      %shift_right_arithmetic3A_1316 = arith.constant 2 : i32
      %shift_right_arithmetic3A_1317 = vector.broadcast %shift_right_arithmetic3A_1316 : i32 to vector<16xi32>
      %shift_right_arithmetic3A_1318 = arith.shrsi %gather3A_1315, %shift_right_arithmetic3A_1317 : vector<16xi32>
      %swap3A_1319 = arith.constant 1 : i32
      %swap3A_1320 = arith.index_cast %swap3A_1319 : i32 to index
      %swap3A_1321 = arith.constant 64 : index
      %swap3A_1322 = tpu.vector_load %arg6[%swap3A_1320, %swap3A_1321] {strides = array<i32>} : memref<2x128xi32, #tpu.memory_space<vmem>>, vector<16xi32>,
      tpu.vector_store %arg6[%swap3A_1320, %swap3A_1321], %shift_right_arithmetic3A_1318 {strides = array<i32>} : memref<2x128xi32, #tpu.memory_space<vmem>>, vector<16xi32>,
      %and3A_1323 = arith.constant 3 : i32
      %and3A_1324 = vector.broadcast %and3A_1323 : i32 to vector<16xi32>
      %and3A_1325 = arith.andi %gather3A_1315, %and3A_1324 : vector<16xi32>
      %shift_left3A_1326 = arith.constant 5 : i32
      %shift_left3A_1327 = vector.broadcast %shift_left3A_1326 : i32 to vector<16xi32>
      %shift_left3A_1328 = arith.shli %and3A_1325, %shift_left3A_1327 : vector<16xi32>
      %swap3A_1329 = arith.constant 1 : i32
      %swap3A_1330 = arith.index_cast %swap3A_1329 : i32 to index
      %swap3A_1331 = arith.constant 64 : index
      %swap3A_1332 = tpu.vector_load %arg7[%swap3A_1330, %swap3A_1331] {strides = array<i32>} : memref<2x128xi32, #tpu.memory_space<vmem>>, vector<16xi32>,
      tpu.vector_store %arg7[%swap3A_1330, %swap3A_1331], %shift_left3A_1328 {strides = array<i32>} : memref<2x128xi32, #tpu.memory_space<vmem>>, vector<16xi32>,
      %mul3A_1333 = arith.constant 6400 : i32
      %mul3A_1334 = arith.muli %select_n3A_1191, %mul3A_1333 : i32
      %add3A_1335 = arith.constant 4000 : i32
      %add3A_1336 = arith.addi %mul3A_1334, %add3A_1335 : i32
      %add3A_1337 = arith.addi %add3A_1336, %select_n3A_1207 : i32
      %add3A_1338 = vector.broadcast %add3A_1337 : i32 to vector<16xi32>
      %add3A_1339 = arith.addi %mul3A_3, %add3A_1338 : vector<16xi32>
      %gather3A_1340 = tpu.vector_load_idx %arg5[%add3A_1339] : memref<25600xi32, #tpu.memory_space<vmem>>[vector<16xi32>], vector<16xi32>,
      %shift_right_arithmetic3A_1341 = arith.constant 2 : i32
      %shift_right_arithmetic3A_1342 = vector.broadcast %shift_right_arithmetic3A_1341 : i32 to vector<16xi32>
      %shift_right_arithmetic3A_1343 = arith.shrsi %gather3A_1340, %shift_right_arithmetic3A_1342 : vector<16xi32>
      %swap3A_1344 = arith.constant 1 : i32
      %swap3A_1345 = arith.index_cast %swap3A_1344 : i32 to index
      %swap3A_1346 = arith.constant 80 : index
      %swap3A_1347 = tpu.vector_load %arg6[%swap3A_1345, %swap3A_1346] {strides = array<i32>} : memref<2x128xi32, #tpu.memory_space<vmem>>, vector<16xi32>,
      tpu.vector_store %arg6[%swap3A_1345, %swap3A_1346], %shift_right_arithmetic3A_1343 {strides = array<i32>} : memref<2x128xi32, #tpu.memory_space<vmem>>, vector<16xi32>,
      %and3A_1348 = arith.constant 3 : i32
      %and3A_1349 = vector.broadcast %and3A_1348 : i32 to vector<16xi32>
      %and3A_1350 = arith.andi %gather3A_1340, %and3A_1349 : vector<16xi32>
      %shift_left3A_1351 = arith.constant 5 : i32
      %shift_left3A_1352 = vector.broadcast %shift_left3A_1351 : i32 to vector<16xi32>
      %shift_left3A_1353 = arith.shli %and3A_1350, %shift_left3A_1352 : vector<16xi32>
      %swap3A_1354 = arith.constant 1 : i32
      %swap3A_1355 = arith.index_cast %swap3A_1354 : i32 to index
      %swap3A_1356 = arith.constant 80 : index
      %swap3A_1357 = tpu.vector_load %arg7[%swap3A_1355, %swap3A_1356] {strides = array<i32>} : memref<2x128xi32, #tpu.memory_space<vmem>>, vector<16xi32>,
      tpu.vector_store %arg7[%swap3A_1355, %swap3A_1356], %shift_left3A_1353 {strides = array<i32>} : memref<2x128xi32, #tpu.memory_space<vmem>>, vector<16xi32>,
      %mul3A_1358 = arith.constant 6400 : i32
      %mul3A_1359 = arith.muli %select_n3A_1191, %mul3A_1358 : i32
      %add3A_1360 = arith.constant 4800 : i32
      %add3A_1361 = arith.addi %mul3A_1359, %add3A_1360 : i32
      %add3A_1362 = arith.addi %add3A_1361, %select_n3A_1207 : i32
      %add3A_1363 = vector.broadcast %add3A_1362 : i32 to vector<16xi32>
      %add3A_1364 = arith.addi %mul3A_3, %add3A_1363 : vector<16xi32>
      %gather3A_1365 = tpu.vector_load_idx %arg5[%add3A_1364] : memref<25600xi32, #tpu.memory_space<vmem>>[vector<16xi32>], vector<16xi32>,
      %shift_right_arithmetic3A_1366 = arith.constant 2 : i32
      %shift_right_arithmetic3A_1367 = vector.broadcast %shift_right_arithmetic3A_1366 : i32 to vector<16xi32>
      %shift_right_arithmetic3A_1368 = arith.shrsi %gather3A_1365, %shift_right_arithmetic3A_1367 : vector<16xi32>
      %swap3A_1369 = arith.constant 1 : i32
      %swap3A_1370 = arith.index_cast %swap3A_1369 : i32 to index
      %swap3A_1371 = arith.constant 96 : index
      %swap3A_1372 = tpu.vector_load %arg6[%swap3A_1370, %swap3A_1371] {strides = array<i32>} : memref<2x128xi32, #tpu.memory_space<vmem>>, vector<16xi32>,
      tpu.vector_store %arg6[%swap3A_1370, %swap3A_1371], %shift_right_arithmetic3A_1368 {strides = array<i32>} : memref<2x128xi32, #tpu.memory_space<vmem>>, vector<16xi32>,
      %and3A_1373 = arith.constant 3 : i32
      %and3A_1374 = vector.broadcast %and3A_1373 : i32 to vector<16xi32>
      %and3A_1375 = arith.andi %gather3A_1365, %and3A_1374 : vector<16xi32>
      %shift_left3A_1376 = arith.constant 5 : i32
      %shift_left3A_1377 = vector.broadcast %shift_left3A_1376 : i32 to vector<16xi32>
      %shift_left3A_1378 = arith.shli %and3A_1375, %shift_left3A_1377 : vector<16xi32>
      %swap3A_1379 = arith.constant 1 : i32
      %swap3A_1380 = arith.index_cast %swap3A_1379 : i32 to index
      %swap3A_1381 = arith.constant 96 : index
      %swap3A_1382 = tpu.vector_load %arg7[%swap3A_1380, %swap3A_1381] {strides = array<i32>} : memref<2x128xi32, #tpu.memory_space<vmem>>, vector<16xi32>,
      tpu.vector_store %arg7[%swap3A_1380, %swap3A_1381], %shift_left3A_1378 {strides = array<i32>} : memref<2x128xi32, #tpu.memory_space<vmem>>, vector<16xi32>,
      %mul3A_1383 = arith.constant 6400 : i32
      %mul3A_1384 = arith.muli %select_n3A_1191, %mul3A_1383 : i32
      %add3A_1385 = arith.constant 5600 : i32
      %add3A_1386 = arith.addi %mul3A_1384, %add3A_1385 : i32
      %add3A_1387 = arith.addi %add3A_1386, %select_n3A_1207 : i32
      %add3A_1388 = vector.broadcast %add3A_1387 : i32 to vector<16xi32>
      %add3A_1389 = arith.addi %mul3A_3, %add3A_1388 : vector<16xi32>
      %gather3A_1390 = tpu.vector_load_idx %arg5[%add3A_1389] : memref<25600xi32, #tpu.memory_space<vmem>>[vector<16xi32>], vector<16xi32>,
      %shift_right_arithmetic3A_1391 = arith.constant 2 : i32
      %shift_right_arithmetic3A_1392 = vector.broadcast %shift_right_arithmetic3A_1391 : i32 to vector<16xi32>
      %shift_right_arithmetic3A_1393 = arith.shrsi %gather3A_1390, %shift_right_arithmetic3A_1392 : vector<16xi32>
      %swap3A_1394 = arith.constant 1 : i32
      %swap3A_1395 = arith.index_cast %swap3A_1394 : i32 to index
      %swap3A_1396 = arith.constant 112 : index
      %swap3A_1397 = tpu.vector_load %arg6[%swap3A_1395, %swap3A_1396] {strides = array<i32>} : memref<2x128xi32, #tpu.memory_space<vmem>>, vector<16xi32>,
      tpu.vector_store %arg6[%swap3A_1395, %swap3A_1396], %shift_right_arithmetic3A_1393 {strides = array<i32>} : memref<2x128xi32, #tpu.memory_space<vmem>>, vector<16xi32>,
      %and3A_1398 = arith.constant 3 : i32
      %and3A_1399 = vector.broadcast %and3A_1398 : i32 to vector<16xi32>
      %and3A_1400 = arith.andi %gather3A_1390, %and3A_1399 : vector<16xi32>
      %shift_left3A_1401 = arith.constant 5 : i32
      %shift_left3A_1402 = vector.broadcast %shift_left3A_1401 : i32 to vector<16xi32>
      %shift_left3A_1403 = arith.shli %and3A_1400, %shift_left3A_1402 : vector<16xi32>
      %swap3A_1404 = arith.constant 1 : i32
      %swap3A_1405 = arith.index_cast %swap3A_1404 : i32 to index
      %swap3A_1406 = arith.constant 112 : index
      %swap3A_1407 = tpu.vector_load %arg7[%swap3A_1405, %swap3A_1406] {strides = array<i32>} : memref<2x128xi32, #tpu.memory_space<vmem>>, vector<16xi32>,
      tpu.vector_store %arg7[%swap3A_1405, %swap3A_1406], %shift_left3A_1403 {strides = array<i32>} : memref<2x128xi32, #tpu.memory_space<vmem>>, vector<16xi32>,
      %dma_start3A_1408 = arith.constant 1 : i32
      %dma_start3A_1409 = arith.constant 1 : i32
      %dma_start3A_1410 = arith.constant 0 : i32
      %dma_start3A_1411 = arith.constant 0 : i32
      %dma_start3A_1412 = tpu.memref_slice %arg8[%dma_start3A_1409, %dma_start3A_1410, %dma_start3A_1411] : memref<2x128x128xf32, #tpu.memory_space<vmem>> -> memref<1x128x128xf32, #tpu.memory_space<vmem>>
      %dma_start3A_1413 = tpu.memref_squeeze %dma_start3A_1412 : memref<1x128x128xf32, #tpu.memory_space<vmem>> -> memref<128x128xf32, #tpu.memory_space<vmem>>
      %dma_start3A_1414 = arith.constant 0 : i32
      %dma_start3A_1415 = tpu.memref_slice %arg6[%dma_start3A_1408, %dma_start3A_1414] : memref<2x128xi32, #tpu.memory_space<vmem>> -> memref<1x128xi32, #tpu.memory_space<vmem>>
      %dma_start3A_1416 = tpu.memref_squeeze %dma_start3A_1415 : memref<1x128xi32, #tpu.memory_space<vmem>> -> memref<128xi32, #tpu.memory_space<vmem>>
      %dma_start3A_1417 = arith.constant 0 : i32
      %dma_start3A_1418 = arith.constant 0 : i32
      %dma_start3A_1419 = tpu.memref_slice %arg3[%dma_start3A_1417, %dma_start3A_1418] : memref<250000x128xf32, #tpu.memory_space<hbm>> -> memref<250000x128xf32, #tpu.memory_space<hbm>>
      tpu.enqueue_indirect_dma source(%dma_start3A_1419 : memref<250000x128xf32, #tpu.memory_space<hbm>>) target(%dma_start3A_1413 : memref<128x128xf32, #tpu.memory_space<vmem>>) offsets(%dma_start3A_1416 : memref<128xi32, #tpu.memory_space<vmem>>) semaphore(%arg11 : memref<!tpu.dma_semaphore, #tpu.memory_space<semaphore_mem>>)
    }
    %scan3A_363 = arith.constant 99 : i32
    %dma_wait3A = arith.constant 0 : i32
    %dma_wait3A_364 = arith.constant 0 : i32
    %dma_wait3A_365 = arith.constant 0 : i32
    %dma_wait3A_366 = tpu.memref_slice %arg8[%dma_wait3A, %dma_wait3A_364, %dma_wait3A_365] : memref<2x128x128xf32, #tpu.memory_space<vmem>> -> memref<1x128x128xf32, #tpu.memory_space<vmem>>
    %dma_wait3A_367 = tpu.memref_squeeze %dma_wait3A_366 : memref<1x128x128xf32, #tpu.memory_space<vmem>> -> memref<128x128xf32, #tpu.memory_space<vmem>>
    %dma_wait3A_368 = arith.constant 0 : i32
    %dma_wait3A_369 = arith.constant 0 : i32
    %dma_wait3A_370 = tpu.memref_slice %arg3[%dma_wait3A_368, %dma_wait3A_369] : memref<250000x128xf32, #tpu.memory_space<hbm>> -> memref<128x128xf32, #tpu.memory_space<hbm>>
    %dma_wait3A_371 = arith.constant 0 : i32
    %dma_wait3A_372 = arith.constant 0 : i32
    %dma_wait3A_373 = tpu.memref_slice %arg8[%dma_wait3A, %dma_wait3A_371, %dma_wait3A_372] : memref<2x128x128xf32, #tpu.memory_space<vmem>> -> memref<1x128x128xf32, #tpu.memory_space<vmem>>
    %dma_wait3A_374 = tpu.memref_squeeze %dma_wait3A_373 : memref<1x128x128xf32, #tpu.memory_space<vmem>> -> memref<128x128xf32, #tpu.memory_space<vmem>>
    %dma_wait3A_375 = arith.constant 0 : i32
    %dma_wait3A_376 = arith.constant 0 : i32
    %dma_wait3A_377 = tpu.memref_slice %arg3[%dma_wait3A_375, %dma_wait3A_376] : memref<250000x128xf32, #tpu.memory_space<hbm>> -> memref<128x128xf32, #tpu.memory_space<hbm>>
    tpu.wait_dma2 semaphore(%arg10 : memref<!tpu.dma_semaphore, #tpu.memory_space<semaphore_mem>>) src(%dma_wait3A_377 : memref<128x128xf32, #tpu.memory_space<hbm>>) dst(%dma_wait3A_374 : memref<128x128xf32, #tpu.memory_space<vmem>>)
    %dma_wait3A_378 = arith.constant 0 : i32
    %dma_wait3A_379 = arith.constant 0 : i32
    %dma_wait3A_380 = arith.constant 0 : i32
    %dma_wait3A_381 = arith.constant 0 : i32
    %dma_wait3A_382 = tpu.memref_slice %arg9[%dma_wait3A_378, %dma_wait3A_380, %dma_wait3A_381] : memref<2x32x128xf32, #tpu.memory_space<vmem>> -> memref<1x32x128xf32, #tpu.memory_space<vmem>>
    %dma_wait3A_383 = tpu.memref_squeeze %dma_wait3A_382 : memref<1x32x128xf32, #tpu.memory_space<vmem>> -> memref<32x128xf32, #tpu.memory_space<vmem>>
    %dma_wait3A_384 = arith.constant 0 : i32
    %dma_wait3A_385 = arith.constant 0 : i32
    %dma_wait3A_386 = tpu.memref_slice %arg4[%dma_wait3A_379, %dma_wait3A_384, %dma_wait3A_385] : memref<50x32x16384xf32, #tpu.memory_space<hbm>> -> memref<1x32x128xf32, #tpu.memory_space<hbm>>
    %dma_wait3A_387 = tpu.memref_squeeze %dma_wait3A_386 : memref<1x32x128xf32, #tpu.memory_space<hbm>> -> memref<32x128xf32, #tpu.memory_space<hbm>>
    %dma_wait3A_388 = arith.constant 0 : i32
    %dma_wait3A_389 = arith.constant 0 : i32
    %dma_wait3A_390 = tpu.memref_slice %arg4[%dma_wait3A_379, %dma_wait3A_388, %dma_wait3A_389] : memref<50x32x16384xf32, #tpu.memory_space<hbm>> -> memref<1x32x128xf32, #tpu.memory_space<hbm>>
    %dma_wait3A_391 = tpu.memref_squeeze %dma_wait3A_390 : memref<1x32x128xf32, #tpu.memory_space<hbm>> -> memref<32x128xf32, #tpu.memory_space<hbm>>
    %dma_wait3A_392 = arith.constant 0 : i32
    %dma_wait3A_393 = arith.constant 0 : i32
    %dma_wait3A_394 = tpu.memref_slice %arg9[%dma_wait3A_378, %dma_wait3A_392, %dma_wait3A_393] : memref<2x32x128xf32, #tpu.memory_space<vmem>> -> memref<1x32x128xf32, #tpu.memory_space<vmem>>
    %dma_wait3A_395 = tpu.memref_squeeze %dma_wait3A_394 : memref<1x32x128xf32, #tpu.memory_space<vmem>> -> memref<32x128xf32, #tpu.memory_space<vmem>>
    tpu.wait_dma2 semaphore(%arg12 : memref<!tpu.dma_semaphore, #tpu.memory_space<semaphore_mem>>) src(%dma_wait3A_395 : memref<32x128xf32, #tpu.memory_space<vmem>>) dst(%dma_wait3A_391 : memref<32x128xf32, #tpu.memory_space<hbm>>)
    %add3A_396 = arith.constant 0 : i32
    %add3A_397 = vector.broadcast %add3A_396 : i32 to vector<16xi32>
    %add3A_398 = arith.addi %add3A_397, %iota3A : vector<16xi32>
    %add3A_399 = arith.constant 16 : i32
    %add3A_400 = vector.broadcast %add3A_399 : i32 to vector<16xi32>
    %add3A_401 = arith.addi %add3A_400, %iota3A : vector<16xi32>
    %add3A_402 = arith.constant 32 : i32
    %add3A_403 = vector.broadcast %add3A_402 : i32 to vector<16xi32>
    %add3A_404 = arith.addi %add3A_403, %iota3A : vector<16xi32>
    %add3A_405 = arith.constant 48 : i32
    %add3A_406 = vector.broadcast %add3A_405 : i32 to vector<16xi32>
    %add3A_407 = arith.addi %add3A_406, %iota3A : vector<16xi32>
    %add3A_408 = arith.constant 64 : i32
    %add3A_409 = vector.broadcast %add3A_408 : i32 to vector<16xi32>
    %add3A_410 = arith.addi %add3A_409, %iota3A : vector<16xi32>
    %add3A_411 = arith.constant 80 : i32
    %add3A_412 = vector.broadcast %add3A_411 : i32 to vector<16xi32>
    %add3A_413 = arith.addi %add3A_412, %iota3A : vector<16xi32>
    %add3A_414 = arith.constant 96 : i32
    %add3A_415 = vector.broadcast %add3A_414 : i32 to vector<16xi32>
    %add3A_416 = arith.addi %add3A_415, %iota3A : vector<16xi32>
    %add3A_417 = arith.constant 112 : i32
    %add3A_418 = vector.broadcast %add3A_417 : i32 to vector<16xi32>
    %add3A_419 = arith.addi %add3A_418, %iota3A : vector<16xi32>
    %get3A = arith.constant 0 : i32
    %get3A_420 = arith.index_cast %get3A : i32 to index
    %get3A_421 = arith.constant 0 : index
    %get3A_422 = tpu.vector_load %arg7[%get3A_420, %get3A_421] {strides = array<i32>} : memref<2x128xi32, #tpu.memory_space<vmem>>, vector<16xi32>,
    %get3A_423 = arith.constant 0 : i32
    %get3A_424 = arith.index_cast %get3A_423 : i32 to index
    %get3A_425 = arith.constant 16 : index
    %get3A_426 = tpu.vector_load %arg7[%get3A_424, %get3A_425] {strides = array<i32>} : memref<2x128xi32, #tpu.memory_space<vmem>>, vector<16xi32>,
    %get3A_427 = arith.constant 0 : i32
    %get3A_428 = arith.index_cast %get3A_427 : i32 to index
    %get3A_429 = arith.constant 32 : index
    %get3A_430 = tpu.vector_load %arg7[%get3A_428, %get3A_429] {strides = array<i32>} : memref<2x128xi32, #tpu.memory_space<vmem>>, vector<16xi32>,
    %get3A_431 = arith.constant 0 : i32
    %get3A_432 = arith.index_cast %get3A_431 : i32 to index
    %get3A_433 = arith.constant 48 : index
    %get3A_434 = tpu.vector_load %arg7[%get3A_432, %get3A_433] {strides = array<i32>} : memref<2x128xi32, #tpu.memory_space<vmem>>, vector<16xi32>,
    %get3A_435 = arith.constant 0 : i32
    %get3A_436 = arith.index_cast %get3A_435 : i32 to index
    %get3A_437 = arith.constant 64 : index
    %get3A_438 = tpu.vector_load %arg7[%get3A_436, %get3A_437] {strides = array<i32>} : memref<2x128xi32, #tpu.memory_space<vmem>>, vector<16xi32>,
    %get3A_439 = arith.constant 0 : i32
    %get3A_440 = arith.index_cast %get3A_439 : i32 to index
    %get3A_441 = arith.constant 80 : index
    %get3A_442 = tpu.vector_load %arg7[%get3A_440, %get3A_441] {strides = array<i32>} : memref<2x128xi32, #tpu.memory_space<vmem>>, vector<16xi32>,
    %get3A_443 = arith.constant 0 : i32
    %get3A_444 = arith.index_cast %get3A_443 : i32 to index
    %get3A_445 = arith.constant 96 : index
    %get3A_446 = tpu.vector_load %arg7[%get3A_444, %get3A_445] {strides = array<i32>} : memref<2x128xi32, #tpu.memory_space<vmem>>, vector<16xi32>,
    %get3A_447 = arith.constant 0 : i32
    %get3A_448 = arith.index_cast %get3A_447 : i32 to index
    %get3A_449 = arith.constant 112 : index
    %get3A_450 = tpu.vector_load %arg7[%get3A_448, %get3A_449] {strides = array<i32>} : memref<2x128xi32, #tpu.memory_space<vmem>>, vector<16xi32>,
    %scan3A_451 = arith.constant 0 : i32
    %scan3A_452 = arith.constant 16 : i32
    %scan3A_453 = arith.addi %scan3A_451, %scan3A_452 : i32
    %scan3A_454 = arith.constant 1 : i32
    scf.for %scan3A_631 = %scan3A_451 to %scan3A_453 step %scan3A_454  : i32 {
      %mul3A_632 = arith.constant 1 : i32
      %mul3A_633 = arith.muli %scan3A_631, %mul3A_632 : i32
      %add3A_634 = arith.constant 0 : i32
      %add3A_635 = arith.addi %add3A_634, %mul3A_633 : i32
      %add3A_636 = vector.broadcast %add3A_635 : i32 to vector<16xi32>
      %add3A_637 = arith.addi %iota3A, %add3A_636 : vector<16xi32>
      %and3A_638 = arith.constant 15 : i32
      %and3A_639 = vector.broadcast %and3A_638 : i32 to vector<16xi32>
      %and3A_640 = arith.andi %add3A_637, %and3A_639 : vector<16xi32>
      %add3A_641 = arith.constant 0 : i32
      %add3A_642 = vector.broadcast %add3A_641 : i32 to vector<16xi32>
      %add3A_643 = arith.addi %add3A_642, %and3A_640 : vector<16xi32>
      %add3A_644 = arith.addi %get3A_422, %add3A_643 : vector<16xi32>
      %gather3A_645 = arith.constant 0 : i32
      %gather3A_646 = arith.constant 0 : i32
      %gather3A_647 = arith.constant 0 : i32
      %gather3A_648 = tpu.memref_slice %arg8[%gather3A_645, %gather3A_646, %gather3A_647] : memref<2x128x128xf32, #tpu.memory_space<vmem>> -> memref<1x128x128xf32, #tpu.memory_space<vmem>>
      %gather3A_649 = tpu.memref_squeeze %gather3A_648 : memref<1x128x128xf32, #tpu.memory_space<vmem>> -> memref<128x128xf32, #tpu.memory_space<vmem>>
      %gather3A_650 = tpu.vector_load_idx %gather3A_649[%add3A_398, %add3A_644] : memref<128x128xf32, #tpu.memory_space<vmem>>[vector<16xi32>, vector<16xi32>], vector<16xf32>,
      %scatter3A = arith.constant 0 : i32
      %scatter3A_651 = arith.constant 0 : i32
      %scatter3A_652 = arith.constant 0 : i32
      %scatter3A_653 = tpu.memref_slice %arg9[%scatter3A, %scatter3A_651, %scatter3A_652] : memref<2x32x128xf32, #tpu.memory_space<vmem>> -> memref<1x32x128xf32, #tpu.memory_space<vmem>>
      %scatter3A_654 = tpu.memref_squeeze %scatter3A_653 : memref<1x32x128xf32, #tpu.memory_space<vmem>> -> memref<32x128xf32, #tpu.memory_space<vmem>>
      tpu.vector_store_idx %scatter3A_654[%add3A_643, %add3A_398], %gather3A_650 : memref<32x128xf32, #tpu.memory_space<vmem>>[vector<16xi32>, vector<16xi32>], vector<16xf32>,
      %add3A_655 = arith.addi %get3A_426, %add3A_643 : vector<16xi32>
      %gather3A_656 = arith.constant 0 : i32
      %gather3A_657 = arith.constant 0 : i32
      %gather3A_658 = arith.constant 0 : i32
      %gather3A_659 = tpu.memref_slice %arg8[%gather3A_656, %gather3A_657, %gather3A_658] : memref<2x128x128xf32, #tpu.memory_space<vmem>> -> memref<1x128x128xf32, #tpu.memory_space<vmem>>
      %gather3A_660 = tpu.memref_squeeze %gather3A_659 : memref<1x128x128xf32, #tpu.memory_space<vmem>> -> memref<128x128xf32, #tpu.memory_space<vmem>>
      %gather3A_661 = tpu.vector_load_idx %gather3A_660[%add3A_401, %add3A_655] : memref<128x128xf32, #tpu.memory_space<vmem>>[vector<16xi32>, vector<16xi32>], vector<16xf32>,
      %scatter3A_662 = arith.constant 0 : i32
      %scatter3A_663 = arith.constant 0 : i32
      %scatter3A_664 = arith.constant 0 : i32
      %scatter3A_665 = tpu.memref_slice %arg9[%scatter3A_662, %scatter3A_663, %scatter3A_664] : memref<2x32x128xf32, #tpu.memory_space<vmem>> -> memref<1x32x128xf32, #tpu.memory_space<vmem>>
      %scatter3A_666 = tpu.memref_squeeze %scatter3A_665 : memref<1x32x128xf32, #tpu.memory_space<vmem>> -> memref<32x128xf32, #tpu.memory_space<vmem>>
      tpu.vector_store_idx %scatter3A_666[%add3A_643, %add3A_401], %gather3A_661 : memref<32x128xf32, #tpu.memory_space<vmem>>[vector<16xi32>, vector<16xi32>], vector<16xf32>,
      %add3A_667 = arith.addi %get3A_430, %add3A_643 : vector<16xi32>
      %gather3A_668 = arith.constant 0 : i32
      %gather3A_669 = arith.constant 0 : i32
      %gather3A_670 = arith.constant 0 : i32
      %gather3A_671 = tpu.memref_slice %arg8[%gather3A_668, %gather3A_669, %gather3A_670] : memref<2x128x128xf32, #tpu.memory_space<vmem>> -> memref<1x128x128xf32, #tpu.memory_space<vmem>>
      %gather3A_672 = tpu.memref_squeeze %gather3A_671 : memref<1x128x128xf32, #tpu.memory_space<vmem>> -> memref<128x128xf32, #tpu.memory_space<vmem>>
      %gather3A_673 = tpu.vector_load_idx %gather3A_672[%add3A_404, %add3A_667] : memref<128x128xf32, #tpu.memory_space<vmem>>[vector<16xi32>, vector<16xi32>], vector<16xf32>,
      %scatter3A_674 = arith.constant 0 : i32
      %scatter3A_675 = arith.constant 0 : i32
      %scatter3A_676 = arith.constant 0 : i32
      %scatter3A_677 = tpu.memref_slice %arg9[%scatter3A_674, %scatter3A_675, %scatter3A_676] : memref<2x32x128xf32, #tpu.memory_space<vmem>> -> memref<1x32x128xf32, #tpu.memory_space<vmem>>
      %scatter3A_678 = tpu.memref_squeeze %scatter3A_677 : memref<1x32x128xf32, #tpu.memory_space<vmem>> -> memref<32x128xf32, #tpu.memory_space<vmem>>
      tpu.vector_store_idx %scatter3A_678[%add3A_643, %add3A_404], %gather3A_673 : memref<32x128xf32, #tpu.memory_space<vmem>>[vector<16xi32>, vector<16xi32>], vector<16xf32>,
      %add3A_679 = arith.addi %get3A_434, %add3A_643 : vector<16xi32>
      %gather3A_680 = arith.constant 0 : i32
      %gather3A_681 = arith.constant 0 : i32
      %gather3A_682 = arith.constant 0 : i32
      %gather3A_683 = tpu.memref_slice %arg8[%gather3A_680, %gather3A_681, %gather3A_682] : memref<2x128x128xf32, #tpu.memory_space<vmem>> -> memref<1x128x128xf32, #tpu.memory_space<vmem>>
      %gather3A_684 = tpu.memref_squeeze %gather3A_683 : memref<1x128x128xf32, #tpu.memory_space<vmem>> -> memref<128x128xf32, #tpu.memory_space<vmem>>
      %gather3A_685 = tpu.vector_load_idx %gather3A_684[%add3A_407, %add3A_679] : memref<128x128xf32, #tpu.memory_space<vmem>>[vector<16xi32>, vector<16xi32>], vector<16xf32>,
      %scatter3A_686 = arith.constant 0 : i32
      %scatter3A_687 = arith.constant 0 : i32
      %scatter3A_688 = arith.constant 0 : i32
      %scatter3A_689 = tpu.memref_slice %arg9[%scatter3A_686, %scatter3A_687, %scatter3A_688] : memref<2x32x128xf32, #tpu.memory_space<vmem>> -> memref<1x32x128xf32, #tpu.memory_space<vmem>>
      %scatter3A_690 = tpu.memref_squeeze %scatter3A_689 : memref<1x32x128xf32, #tpu.memory_space<vmem>> -> memref<32x128xf32, #tpu.memory_space<vmem>>
      tpu.vector_store_idx %scatter3A_690[%add3A_643, %add3A_407], %gather3A_685 : memref<32x128xf32, #tpu.memory_space<vmem>>[vector<16xi32>, vector<16xi32>], vector<16xf32>,
      %add3A_691 = arith.addi %get3A_438, %add3A_643 : vector<16xi32>
      %gather3A_692 = arith.constant 0 : i32
      %gather3A_693 = arith.constant 0 : i32
      %gather3A_694 = arith.constant 0 : i32
      %gather3A_695 = tpu.memref_slice %arg8[%gather3A_692, %gather3A_693, %gather3A_694] : memref<2x128x128xf32, #tpu.memory_space<vmem>> -> memref<1x128x128xf32, #tpu.memory_space<vmem>>
      %gather3A_696 = tpu.memref_squeeze %gather3A_695 : memref<1x128x128xf32, #tpu.memory_space<vmem>> -> memref<128x128xf32, #tpu.memory_space<vmem>>
      %gather3A_697 = tpu.vector_load_idx %gather3A_696[%add3A_410, %add3A_691] : memref<128x128xf32, #tpu.memory_space<vmem>>[vector<16xi32>, vector<16xi32>], vector<16xf32>,
      %scatter3A_698 = arith.constant 0 : i32
      %scatter3A_699 = arith.constant 0 : i32
      %scatter3A_700 = arith.constant 0 : i32
      %scatter3A_701 = tpu.memref_slice %arg9[%scatter3A_698, %scatter3A_699, %scatter3A_700] : memref<2x32x128xf32, #tpu.memory_space<vmem>> -> memref<1x32x128xf32, #tpu.memory_space<vmem>>
      %scatter3A_702 = tpu.memref_squeeze %scatter3A_701 : memref<1x32x128xf32, #tpu.memory_space<vmem>> -> memref<32x128xf32, #tpu.memory_space<vmem>>
      tpu.vector_store_idx %scatter3A_702[%add3A_643, %add3A_410], %gather3A_697 : memref<32x128xf32, #tpu.memory_space<vmem>>[vector<16xi32>, vector<16xi32>], vector<16xf32>,
      %add3A_703 = arith.addi %get3A_442, %add3A_643 : vector<16xi32>
      %gather3A_704 = arith.constant 0 : i32
      %gather3A_705 = arith.constant 0 : i32
      %gather3A_706 = arith.constant 0 : i32
      %gather3A_707 = tpu.memref_slice %arg8[%gather3A_704, %gather3A_705, %gather3A_706] : memref<2x128x128xf32, #tpu.memory_space<vmem>> -> memref<1x128x128xf32, #tpu.memory_space<vmem>>
      %gather3A_708 = tpu.memref_squeeze %gather3A_707 : memref<1x128x128xf32, #tpu.memory_space<vmem>> -> memref<128x128xf32, #tpu.memory_space<vmem>>
      %gather3A_709 = tpu.vector_load_idx %gather3A_708[%add3A_413, %add3A_703] : memref<128x128xf32, #tpu.memory_space<vmem>>[vector<16xi32>, vector<16xi32>], vector<16xf32>,
      %scatter3A_710 = arith.constant 0 : i32
      %scatter3A_711 = arith.constant 0 : i32
      %scatter3A_712 = arith.constant 0 : i32
      %scatter3A_713 = tpu.memref_slice %arg9[%scatter3A_710, %scatter3A_711, %scatter3A_712] : memref<2x32x128xf32, #tpu.memory_space<vmem>> -> memref<1x32x128xf32, #tpu.memory_space<vmem>>
      %scatter3A_714 = tpu.memref_squeeze %scatter3A_713 : memref<1x32x128xf32, #tpu.memory_space<vmem>> -> memref<32x128xf32, #tpu.memory_space<vmem>>
      tpu.vector_store_idx %scatter3A_714[%add3A_643, %add3A_413], %gather3A_709 : memref<32x128xf32, #tpu.memory_space<vmem>>[vector<16xi32>, vector<16xi32>], vector<16xf32>,
      %add3A_715 = arith.addi %get3A_446, %add3A_643 : vector<16xi32>
      %gather3A_716 = arith.constant 0 : i32
      %gather3A_717 = arith.constant 0 : i32
      %gather3A_718 = arith.constant 0 : i32
      %gather3A_719 = tpu.memref_slice %arg8[%gather3A_716, %gather3A_717, %gather3A_718] : memref<2x128x128xf32, #tpu.memory_space<vmem>> -> memref<1x128x128xf32, #tpu.memory_space<vmem>>
      %gather3A_720 = tpu.memref_squeeze %gather3A_719 : memref<1x128x128xf32, #tpu.memory_space<vmem>> -> memref<128x128xf32, #tpu.memory_space<vmem>>
      %gather3A_721 = tpu.vector_load_idx %gather3A_720[%add3A_416, %add3A_715] : memref<128x128xf32, #tpu.memory_space<vmem>>[vector<16xi32>, vector<16xi32>], vector<16xf32>,
      %scatter3A_722 = arith.constant 0 : i32
      %scatter3A_723 = arith.constant 0 : i32
      %scatter3A_724 = arith.constant 0 : i32
      %scatter3A_725 = tpu.memref_slice %arg9[%scatter3A_722, %scatter3A_723, %scatter3A_724] : memref<2x32x128xf32, #tpu.memory_space<vmem>> -> memref<1x32x128xf32, #tpu.memory_space<vmem>>
      %scatter3A_726 = tpu.memref_squeeze %scatter3A_725 : memref<1x32x128xf32, #tpu.memory_space<vmem>> -> memref<32x128xf32, #tpu.memory_space<vmem>>
      tpu.vector_store_idx %scatter3A_726[%add3A_643, %add3A_416], %gather3A_721 : memref<32x128xf32, #tpu.memory_space<vmem>>[vector<16xi32>, vector<16xi32>], vector<16xf32>,
      %add3A_727 = arith.addi %get3A_450, %add3A_643 : vector<16xi32>
      %gather3A_728 = arith.constant 0 : i32
      %gather3A_729 = arith.constant 0 : i32
      %gather3A_730 = arith.constant 0 : i32
      %gather3A_731 = tpu.memref_slice %arg8[%gather3A_728, %gather3A_729, %gather3A_730] : memref<2x128x128xf32, #tpu.memory_space<vmem>> -> memref<1x128x128xf32, #tpu.memory_space<vmem>>
      %gather3A_732 = tpu.memref_squeeze %gather3A_731 : memref<1x128x128xf32, #tpu.memory_space<vmem>> -> memref<128x128xf32, #tpu.memory_space<vmem>>
      %gather3A_733 = tpu.vector_load_idx %gather3A_732[%add3A_419, %add3A_727] : memref<128x128xf32, #tpu.memory_space<vmem>>[vector<16xi32>, vector<16xi32>], vector<16xf32>,
      %scatter3A_734 = arith.constant 0 : i32
      %scatter3A_735 = arith.constant 0 : i32
      %scatter3A_736 = arith.constant 0 : i32
      %scatter3A_737 = tpu.memref_slice %arg9[%scatter3A_734, %scatter3A_735, %scatter3A_736] : memref<2x32x128xf32, #tpu.memory_space<vmem>> -> memref<1x32x128xf32, #tpu.memory_space<vmem>>
      %scatter3A_738 = tpu.memref_squeeze %scatter3A_737 : memref<1x32x128xf32, #tpu.memory_space<vmem>> -> memref<32x128xf32, #tpu.memory_space<vmem>>
      tpu.vector_store_idx %scatter3A_738[%add3A_643, %add3A_419], %gather3A_733 : memref<32x128xf32, #tpu.memory_space<vmem>>[vector<16xi32>, vector<16xi32>], vector<16xf32>,
      %add3A_739 = arith.constant 16 : i32
      %add3A_740 = vector.broadcast %add3A_739 : i32 to vector<16xi32>
      %add3A_741 = arith.addi %add3A_740, %and3A_640 : vector<16xi32>
      %add3A_742 = arith.addi %get3A_422, %add3A_741 : vector<16xi32>
      %gather3A_743 = arith.constant 0 : i32
      %gather3A_744 = arith.constant 0 : i32
      %gather3A_745 = arith.constant 0 : i32
      %gather3A_746 = tpu.memref_slice %arg8[%gather3A_743, %gather3A_744, %gather3A_745] : memref<2x128x128xf32, #tpu.memory_space<vmem>> -> memref<1x128x128xf32, #tpu.memory_space<vmem>>
      %gather3A_747 = tpu.memref_squeeze %gather3A_746 : memref<1x128x128xf32, #tpu.memory_space<vmem>> -> memref<128x128xf32, #tpu.memory_space<vmem>>
      %gather3A_748 = tpu.vector_load_idx %gather3A_747[%add3A_398, %add3A_742] : memref<128x128xf32, #tpu.memory_space<vmem>>[vector<16xi32>, vector<16xi32>], vector<16xf32>,
      %scatter3A_749 = arith.constant 0 : i32
      %scatter3A_750 = arith.constant 0 : i32
      %scatter3A_751 = arith.constant 0 : i32
      %scatter3A_752 = tpu.memref_slice %arg9[%scatter3A_749, %scatter3A_750, %scatter3A_751] : memref<2x32x128xf32, #tpu.memory_space<vmem>> -> memref<1x32x128xf32, #tpu.memory_space<vmem>>
      %scatter3A_753 = tpu.memref_squeeze %scatter3A_752 : memref<1x32x128xf32, #tpu.memory_space<vmem>> -> memref<32x128xf32, #tpu.memory_space<vmem>>
      tpu.vector_store_idx %scatter3A_753[%add3A_741, %add3A_398], %gather3A_748 : memref<32x128xf32, #tpu.memory_space<vmem>>[vector<16xi32>, vector<16xi32>], vector<16xf32>,
      %add3A_754 = arith.addi %get3A_426, %add3A_741 : vector<16xi32>
      %gather3A_755 = arith.constant 0 : i32
      %gather3A_756 = arith.constant 0 : i32
      %gather3A_757 = arith.constant 0 : i32
      %gather3A_758 = tpu.memref_slice %arg8[%gather3A_755, %gather3A_756, %gather3A_757] : memref<2x128x128xf32, #tpu.memory_space<vmem>> -> memref<1x128x128xf32, #tpu.memory_space<vmem>>
      %gather3A_759 = tpu.memref_squeeze %gather3A_758 : memref<1x128x128xf32, #tpu.memory_space<vmem>> -> memref<128x128xf32, #tpu.memory_space<vmem>>
      %gather3A_760 = tpu.vector_load_idx %gather3A_759[%add3A_401, %add3A_754] : memref<128x128xf32, #tpu.memory_space<vmem>>[vector<16xi32>, vector<16xi32>], vector<16xf32>,
      %scatter3A_761 = arith.constant 0 : i32
      %scatter3A_762 = arith.constant 0 : i32
      %scatter3A_763 = arith.constant 0 : i32
      %scatter3A_764 = tpu.memref_slice %arg9[%scatter3A_761, %scatter3A_762, %scatter3A_763] : memref<2x32x128xf32, #tpu.memory_space<vmem>> -> memref<1x32x128xf32, #tpu.memory_space<vmem>>
      %scatter3A_765 = tpu.memref_squeeze %scatter3A_764 : memref<1x32x128xf32, #tpu.memory_space<vmem>> -> memref<32x128xf32, #tpu.memory_space<vmem>>
      tpu.vector_store_idx %scatter3A_765[%add3A_741, %add3A_401], %gather3A_760 : memref<32x128xf32, #tpu.memory_space<vmem>>[vector<16xi32>, vector<16xi32>], vector<16xf32>,
      %add3A_766 = arith.addi %get3A_430, %add3A_741 : vector<16xi32>
      %gather3A_767 = arith.constant 0 : i32
      %gather3A_768 = arith.constant 0 : i32
      %gather3A_769 = arith.constant 0 : i32
      %gather3A_770 = tpu.memref_slice %arg8[%gather3A_767, %gather3A_768, %gather3A_769] : memref<2x128x128xf32, #tpu.memory_space<vmem>> -> memref<1x128x128xf32, #tpu.memory_space<vmem>>
      %gather3A_771 = tpu.memref_squeeze %gather3A_770 : memref<1x128x128xf32, #tpu.memory_space<vmem>> -> memref<128x128xf32, #tpu.memory_space<vmem>>
      %gather3A_772 = tpu.vector_load_idx %gather3A_771[%add3A_404, %add3A_766] : memref<128x128xf32, #tpu.memory_space<vmem>>[vector<16xi32>, vector<16xi32>], vector<16xf32>,
      %scatter3A_773 = arith.constant 0 : i32
      %scatter3A_774 = arith.constant 0 : i32
      %scatter3A_775 = arith.constant 0 : i32
      %scatter3A_776 = tpu.memref_slice %arg9[%scatter3A_773, %scatter3A_774, %scatter3A_775] : memref<2x32x128xf32, #tpu.memory_space<vmem>> -> memref<1x32x128xf32, #tpu.memory_space<vmem>>
      %scatter3A_777 = tpu.memref_squeeze %scatter3A_776 : memref<1x32x128xf32, #tpu.memory_space<vmem>> -> memref<32x128xf32, #tpu.memory_space<vmem>>
      tpu.vector_store_idx %scatter3A_777[%add3A_741, %add3A_404], %gather3A_772 : memref<32x128xf32, #tpu.memory_space<vmem>>[vector<16xi32>, vector<16xi32>], vector<16xf32>,
      %add3A_778 = arith.addi %get3A_434, %add3A_741 : vector<16xi32>
      %gather3A_779 = arith.constant 0 : i32
      %gather3A_780 = arith.constant 0 : i32
      %gather3A_781 = arith.constant 0 : i32
      %gather3A_782 = tpu.memref_slice %arg8[%gather3A_779, %gather3A_780, %gather3A_781] : memref<2x128x128xf32, #tpu.memory_space<vmem>> -> memref<1x128x128xf32, #tpu.memory_space<vmem>>
      %gather3A_783 = tpu.memref_squeeze %gather3A_782 : memref<1x128x128xf32, #tpu.memory_space<vmem>> -> memref<128x128xf32, #tpu.memory_space<vmem>>
      %gather3A_784 = tpu.vector_load_idx %gather3A_783[%add3A_407, %add3A_778] : memref<128x128xf32, #tpu.memory_space<vmem>>[vector<16xi32>, vector<16xi32>], vector<16xf32>,
      %scatter3A_785 = arith.constant 0 : i32
      %scatter3A_786 = arith.constant 0 : i32
      %scatter3A_787 = arith.constant 0 : i32
      %scatter3A_788 = tpu.memref_slice %arg9[%scatter3A_785, %scatter3A_786, %scatter3A_787] : memref<2x32x128xf32, #tpu.memory_space<vmem>> -> memref<1x32x128xf32, #tpu.memory_space<vmem>>
      %scatter3A_789 = tpu.memref_squeeze %scatter3A_788 : memref<1x32x128xf32, #tpu.memory_space<vmem>> -> memref<32x128xf32, #tpu.memory_space<vmem>>
      tpu.vector_store_idx %scatter3A_789[%add3A_741, %add3A_407], %gather3A_784 : memref<32x128xf32, #tpu.memory_space<vmem>>[vector<16xi32>, vector<16xi32>], vector<16xf32>,
      %add3A_790 = arith.addi %get3A_438, %add3A_741 : vector<16xi32>
      %gather3A_791 = arith.constant 0 : i32
      %gather3A_792 = arith.constant 0 : i32
      %gather3A_793 = arith.constant 0 : i32
      %gather3A_794 = tpu.memref_slice %arg8[%gather3A_791, %gather3A_792, %gather3A_793] : memref<2x128x128xf32, #tpu.memory_space<vmem>> -> memref<1x128x128xf32, #tpu.memory_space<vmem>>
      %gather3A_795 = tpu.memref_squeeze %gather3A_794 : memref<1x128x128xf32, #tpu.memory_space<vmem>> -> memref<128x128xf32, #tpu.memory_space<vmem>>
      %gather3A_796 = tpu.vector_load_idx %gather3A_795[%add3A_410, %add3A_790] : memref<128x128xf32, #tpu.memory_space<vmem>>[vector<16xi32>, vector<16xi32>], vector<16xf32>,
      %scatter3A_797 = arith.constant 0 : i32
      %scatter3A_798 = arith.constant 0 : i32
      %scatter3A_799 = arith.constant 0 : i32
      %scatter3A_800 = tpu.memref_slice %arg9[%scatter3A_797, %scatter3A_798, %scatter3A_799] : memref<2x32x128xf32, #tpu.memory_space<vmem>> -> memref<1x32x128xf32, #tpu.memory_space<vmem>>
      %scatter3A_801 = tpu.memref_squeeze %scatter3A_800 : memref<1x32x128xf32, #tpu.memory_space<vmem>> -> memref<32x128xf32, #tpu.memory_space<vmem>>
      tpu.vector_store_idx %scatter3A_801[%add3A_741, %add3A_410], %gather3A_796 : memref<32x128xf32, #tpu.memory_space<vmem>>[vector<16xi32>, vector<16xi32>], vector<16xf32>,
      %add3A_802 = arith.addi %get3A_442, %add3A_741 : vector<16xi32>
      %gather3A_803 = arith.constant 0 : i32
      %gather3A_804 = arith.constant 0 : i32
      %gather3A_805 = arith.constant 0 : i32
      %gather3A_806 = tpu.memref_slice %arg8[%gather3A_803, %gather3A_804, %gather3A_805] : memref<2x128x128xf32, #tpu.memory_space<vmem>> -> memref<1x128x128xf32, #tpu.memory_space<vmem>>
      %gather3A_807 = tpu.memref_squeeze %gather3A_806 : memref<1x128x128xf32, #tpu.memory_space<vmem>> -> memref<128x128xf32, #tpu.memory_space<vmem>>
      %gather3A_808 = tpu.vector_load_idx %gather3A_807[%add3A_413, %add3A_802] : memref<128x128xf32, #tpu.memory_space<vmem>>[vector<16xi32>, vector<16xi32>], vector<16xf32>,
      %scatter3A_809 = arith.constant 0 : i32
      %scatter3A_810 = arith.constant 0 : i32
      %scatter3A_811 = arith.constant 0 : i32
      %scatter3A_812 = tpu.memref_slice %arg9[%scatter3A_809, %scatter3A_810, %scatter3A_811] : memref<2x32x128xf32, #tpu.memory_space<vmem>> -> memref<1x32x128xf32, #tpu.memory_space<vmem>>
      %scatter3A_813 = tpu.memref_squeeze %scatter3A_812 : memref<1x32x128xf32, #tpu.memory_space<vmem>> -> memref<32x128xf32, #tpu.memory_space<vmem>>
      tpu.vector_store_idx %scatter3A_813[%add3A_741, %add3A_413], %gather3A_808 : memref<32x128xf32, #tpu.memory_space<vmem>>[vector<16xi32>, vector<16xi32>], vector<16xf32>,
      %add3A_814 = arith.addi %get3A_446, %add3A_741 : vector<16xi32>
      %gather3A_815 = arith.constant 0 : i32
      %gather3A_816 = arith.constant 0 : i32
      %gather3A_817 = arith.constant 0 : i32
      %gather3A_818 = tpu.memref_slice %arg8[%gather3A_815, %gather3A_816, %gather3A_817] : memref<2x128x128xf32, #tpu.memory_space<vmem>> -> memref<1x128x128xf32, #tpu.memory_space<vmem>>
      %gather3A_819 = tpu.memref_squeeze %gather3A_818 : memref<1x128x128xf32, #tpu.memory_space<vmem>> -> memref<128x128xf32, #tpu.memory_space<vmem>>
      %gather3A_820 = tpu.vector_load_idx %gather3A_819[%add3A_416, %add3A_814] : memref<128x128xf32, #tpu.memory_space<vmem>>[vector<16xi32>, vector<16xi32>], vector<16xf32>,
      %scatter3A_821 = arith.constant 0 : i32
      %scatter3A_822 = arith.constant 0 : i32
      %scatter3A_823 = arith.constant 0 : i32
      %scatter3A_824 = tpu.memref_slice %arg9[%scatter3A_821, %scatter3A_822, %scatter3A_823] : memref<2x32x128xf32, #tpu.memory_space<vmem>> -> memref<1x32x128xf32, #tpu.memory_space<vmem>>
      %scatter3A_825 = tpu.memref_squeeze %scatter3A_824 : memref<1x32x128xf32, #tpu.memory_space<vmem>> -> memref<32x128xf32, #tpu.memory_space<vmem>>
      tpu.vector_store_idx %scatter3A_825[%add3A_741, %add3A_416], %gather3A_820 : memref<32x128xf32, #tpu.memory_space<vmem>>[vector<16xi32>, vector<16xi32>], vector<16xf32>,
      %add3A_826 = arith.addi %get3A_450, %add3A_741 : vector<16xi32>
      %gather3A_827 = arith.constant 0 : i32
      %gather3A_828 = arith.constant 0 : i32
      %gather3A_829 = arith.constant 0 : i32
      %gather3A_830 = tpu.memref_slice %arg8[%gather3A_827, %gather3A_828, %gather3A_829] : memref<2x128x128xf32, #tpu.memory_space<vmem>> -> memref<1x128x128xf32, #tpu.memory_space<vmem>>
      %gather3A_831 = tpu.memref_squeeze %gather3A_830 : memref<1x128x128xf32, #tpu.memory_space<vmem>> -> memref<128x128xf32, #tpu.memory_space<vmem>>
      %gather3A_832 = tpu.vector_load_idx %gather3A_831[%add3A_419, %add3A_826] : memref<128x128xf32, #tpu.memory_space<vmem>>[vector<16xi32>, vector<16xi32>], vector<16xf32>,
      %scatter3A_833 = arith.constant 0 : i32
      %scatter3A_834 = arith.constant 0 : i32
      %scatter3A_835 = arith.constant 0 : i32
      %scatter3A_836 = tpu.memref_slice %arg9[%scatter3A_833, %scatter3A_834, %scatter3A_835] : memref<2x32x128xf32, #tpu.memory_space<vmem>> -> memref<1x32x128xf32, #tpu.memory_space<vmem>>
      %scatter3A_837 = tpu.memref_squeeze %scatter3A_836 : memref<1x32x128xf32, #tpu.memory_space<vmem>> -> memref<32x128xf32, #tpu.memory_space<vmem>>
      tpu.vector_store_idx %scatter3A_837[%add3A_741, %add3A_419], %gather3A_832 : memref<32x128xf32, #tpu.memory_space<vmem>>[vector<16xi32>, vector<16xi32>], vector<16xf32>,
    }
    %scan3A_455 = arith.constant 16 : i32
    %mul3A_456 = arith.constant 4 : i32
    %mul3A_457 = arith.muli %add3A, %mul3A_456 : i32
    %add3A_458 = arith.constant 3 : i32
    %add3A_459 = arith.addi %mul3A_457, %add3A_458 : i32
    %mul3A_460 = arith.constant 128 : i32
    %mul3A_461 = arith.muli %add3A_459, %mul3A_460 : i32
    %multiple_of3A = tpu.assume_multiple %mul3A_461, 128 : i32
    %dma_start3A_462 = arith.constant 0 : i32
    %dma_start3A_463 = arith.constant 48 : i32
    %dma_start3A_464 = arith.constant 0 : i32
    %dma_start3A_465 = arith.constant 0 : i32
    %dma_start3A_466 = tpu.memref_slice %arg9[%dma_start3A_462, %dma_start3A_464, %dma_start3A_465] : memref<2x32x128xf32, #tpu.memory_space<vmem>> -> memref<1x32x128xf32, #tpu.memory_space<vmem>>
    %dma_start3A_467 = tpu.memref_squeeze %dma_start3A_466 : memref<1x32x128xf32, #tpu.memory_space<vmem>> -> memref<32x128xf32, #tpu.memory_space<vmem>>
    %dma_start3A_468 = arith.constant 0 : i32
    %dma_start3A_469 = tpu.memref_slice %arg4[%dma_start3A_463, %dma_start3A_468, %multiple_of3A] : memref<50x32x16384xf32, #tpu.memory_space<hbm>> -> memref<1x32x128xf32, #tpu.memory_space<hbm>>
    %dma_start3A_470 = tpu.memref_squeeze %dma_start3A_469 : memref<1x32x128xf32, #tpu.memory_space<hbm>> -> memref<32x128xf32, #tpu.memory_space<hbm>>
    %dma_start3A_471 = arith.constant 0 : i32
    %dma_start3A_472 = tpu.memref_slice %arg4[%dma_start3A_463, %dma_start3A_471, %multiple_of3A] : memref<50x32x16384xf32, #tpu.memory_space<hbm>> -> memref<1x32x128xf32, #tpu.memory_space<hbm>>
    %dma_start3A_473 = tpu.memref_squeeze %dma_start3A_472 : memref<1x32x128xf32, #tpu.memory_space<hbm>> -> memref<32x128xf32, #tpu.memory_space<hbm>>
    %dma_start3A_474 = arith.constant 0 : i32
    %dma_start3A_475 = arith.constant 0 : i32
    %dma_start3A_476 = tpu.memref_slice %arg9[%dma_start3A_462, %dma_start3A_474, %dma_start3A_475] : memref<2x32x128xf32, #tpu.memory_space<vmem>> -> memref<1x32x128xf32, #tpu.memory_space<vmem>>
    %dma_start3A_477 = tpu.memref_squeeze %dma_start3A_476 : memref<1x32x128xf32, #tpu.memory_space<vmem>> -> memref<32x128xf32, #tpu.memory_space<vmem>>
    tpu.enqueue_dma source(%dma_start3A_477 : memref<32x128xf32, #tpu.memory_space<vmem>>) target(%dma_start3A_473 : memref<32x128xf32, #tpu.memory_space<hbm>>) target_semaphore(%arg12 : memref<!tpu.dma_semaphore, #tpu.memory_space<semaphore_mem>>)
    %dma_wait3A_478 = arith.constant 1 : i32
    %dma_wait3A_479 = arith.constant 0 : i32
    %dma_wait3A_480 = arith.constant 0 : i32
    %dma_wait3A_481 = tpu.memref_slice %arg8[%dma_wait3A_478, %dma_wait3A_479, %dma_wait3A_480] : memref<2x128x128xf32, #tpu.memory_space<vmem>> -> memref<1x128x128xf32, #tpu.memory_space<vmem>>
    %dma_wait3A_482 = tpu.memref_squeeze %dma_wait3A_481 : memref<1x128x128xf32, #tpu.memory_space<vmem>> -> memref<128x128xf32, #tpu.memory_space<vmem>>
    %dma_wait3A_483 = arith.constant 0 : i32
    %dma_wait3A_484 = arith.constant 0 : i32
    %dma_wait3A_485 = tpu.memref_slice %arg3[%dma_wait3A_483, %dma_wait3A_484] : memref<250000x128xf32, #tpu.memory_space<hbm>> -> memref<128x128xf32, #tpu.memory_space<hbm>>
    %dma_wait3A_486 = arith.constant 0 : i32
    %dma_wait3A_487 = arith.constant 0 : i32
    %dma_wait3A_488 = tpu.memref_slice %arg8[%dma_wait3A_478, %dma_wait3A_486, %dma_wait3A_487] : memref<2x128x128xf32, #tpu.memory_space<vmem>> -> memref<1x128x128xf32, #tpu.memory_space<vmem>>
    %dma_wait3A_489 = tpu.memref_squeeze %dma_wait3A_488 : memref<1x128x128xf32, #tpu.memory_space<vmem>> -> memref<128x128xf32, #tpu.memory_space<vmem>>
    %dma_wait3A_490 = arith.constant 0 : i32
    %dma_wait3A_491 = arith.constant 0 : i32
    %dma_wait3A_492 = tpu.memref_slice %arg3[%dma_wait3A_490, %dma_wait3A_491] : memref<250000x128xf32, #tpu.memory_space<hbm>> -> memref<128x128xf32, #tpu.memory_space<hbm>>
    tpu.wait_dma2 semaphore(%arg11 : memref<!tpu.dma_semaphore, #tpu.memory_space<semaphore_mem>>) src(%dma_wait3A_492 : memref<128x128xf32, #tpu.memory_space<hbm>>) dst(%dma_wait3A_489 : memref<128x128xf32, #tpu.memory_space<vmem>>)
    %dma_wait3A_493 = arith.constant 1 : i32
    %dma_wait3A_494 = arith.constant 0 : i32
    %dma_wait3A_495 = arith.constant 0 : i32
    %dma_wait3A_496 = arith.constant 0 : i32
    %dma_wait3A_497 = tpu.memref_slice %arg9[%dma_wait3A_493, %dma_wait3A_495, %dma_wait3A_496] : memref<2x32x128xf32, #tpu.memory_space<vmem>> -> memref<1x32x128xf32, #tpu.memory_space<vmem>>
    %dma_wait3A_498 = tpu.memref_squeeze %dma_wait3A_497 : memref<1x32x128xf32, #tpu.memory_space<vmem>> -> memref<32x128xf32, #tpu.memory_space<vmem>>
    %dma_wait3A_499 = arith.constant 0 : i32
    %dma_wait3A_500 = arith.constant 0 : i32
    %dma_wait3A_501 = tpu.memref_slice %arg4[%dma_wait3A_494, %dma_wait3A_499, %dma_wait3A_500] : memref<50x32x16384xf32, #tpu.memory_space<hbm>> -> memref<1x32x128xf32, #tpu.memory_space<hbm>>
    %dma_wait3A_502 = tpu.memref_squeeze %dma_wait3A_501 : memref<1x32x128xf32, #tpu.memory_space<hbm>> -> memref<32x128xf32, #tpu.memory_space<hbm>>
    %dma_wait3A_503 = arith.constant 0 : i32
    %dma_wait3A_504 = arith.constant 0 : i32
    %dma_wait3A_505 = tpu.memref_slice %arg4[%dma_wait3A_494, %dma_wait3A_503, %dma_wait3A_504] : memref<50x32x16384xf32, #tpu.memory_space<hbm>> -> memref<1x32x128xf32, #tpu.memory_space<hbm>>
    %dma_wait3A_506 = tpu.memref_squeeze %dma_wait3A_505 : memref<1x32x128xf32, #tpu.memory_space<hbm>> -> memref<32x128xf32, #tpu.memory_space<hbm>>
    %dma_wait3A_507 = arith.constant 0 : i32
    %dma_wait3A_508 = arith.constant 0 : i32
    %dma_wait3A_509 = tpu.memref_slice %arg9[%dma_wait3A_493, %dma_wait3A_507, %dma_wait3A_508] : memref<2x32x128xf32, #tpu.memory_space<vmem>> -> memref<1x32x128xf32, #tpu.memory_space<vmem>>
    %dma_wait3A_510 = tpu.memref_squeeze %dma_wait3A_509 : memref<1x32x128xf32, #tpu.memory_space<vmem>> -> memref<32x128xf32, #tpu.memory_space<vmem>>
    tpu.wait_dma2 semaphore(%arg13 : memref<!tpu.dma_semaphore, #tpu.memory_space<semaphore_mem>>) src(%dma_wait3A_510 : memref<32x128xf32, #tpu.memory_space<vmem>>) dst(%dma_wait3A_506 : memref<32x128xf32, #tpu.memory_space<hbm>>)
    %add3A_511 = arith.constant 0 : i32
    %add3A_512 = vector.broadcast %add3A_511 : i32 to vector<16xi32>
    %add3A_513 = arith.addi %add3A_512, %iota3A : vector<16xi32>
    %add3A_514 = arith.constant 16 : i32
    %add3A_515 = vector.broadcast %add3A_514 : i32 to vector<16xi32>
    %add3A_516 = arith.addi %add3A_515, %iota3A : vector<16xi32>
    %add3A_517 = arith.constant 32 : i32
    %add3A_518 = vector.broadcast %add3A_517 : i32 to vector<16xi32>
    %add3A_519 = arith.addi %add3A_518, %iota3A : vector<16xi32>
    %add3A_520 = arith.constant 48 : i32
    %add3A_521 = vector.broadcast %add3A_520 : i32 to vector<16xi32>
    %add3A_522 = arith.addi %add3A_521, %iota3A : vector<16xi32>
    %add3A_523 = arith.constant 64 : i32
    %add3A_524 = vector.broadcast %add3A_523 : i32 to vector<16xi32>
    %add3A_525 = arith.addi %add3A_524, %iota3A : vector<16xi32>
    %add3A_526 = arith.constant 80 : i32
    %add3A_527 = vector.broadcast %add3A_526 : i32 to vector<16xi32>
    %add3A_528 = arith.addi %add3A_527, %iota3A : vector<16xi32>
    %add3A_529 = arith.constant 96 : i32
    %add3A_530 = vector.broadcast %add3A_529 : i32 to vector<16xi32>
    %add3A_531 = arith.addi %add3A_530, %iota3A : vector<16xi32>
    %add3A_532 = arith.constant 112 : i32
    %add3A_533 = vector.broadcast %add3A_532 : i32 to vector<16xi32>
    %add3A_534 = arith.addi %add3A_533, %iota3A : vector<16xi32>
    %get3A_535 = arith.constant 1 : i32
    %get3A_536 = arith.index_cast %get3A_535 : i32 to index
    %get3A_537 = arith.constant 0 : index
    %get3A_538 = tpu.vector_load %arg7[%get3A_536, %get3A_537] {strides = array<i32>} : memref<2x128xi32, #tpu.memory_space<vmem>>, vector<16xi32>,
    %get3A_539 = arith.constant 1 : i32
    %get3A_540 = arith.index_cast %get3A_539 : i32 to index
    %get3A_541 = arith.constant 16 : index
    %get3A_542 = tpu.vector_load %arg7[%get3A_540, %get3A_541] {strides = array<i32>} : memref<2x128xi32, #tpu.memory_space<vmem>>, vector<16xi32>,
    %get3A_543 = arith.constant 1 : i32
    %get3A_544 = arith.index_cast %get3A_543 : i32 to index
    %get3A_545 = arith.constant 32 : index
    %get3A_546 = tpu.vector_load %arg7[%get3A_544, %get3A_545] {strides = array<i32>} : memref<2x128xi32, #tpu.memory_space<vmem>>, vector<16xi32>,
    %get3A_547 = arith.constant 1 : i32
    %get3A_548 = arith.index_cast %get3A_547 : i32 to index
    %get3A_549 = arith.constant 48 : index
    %get3A_550 = tpu.vector_load %arg7[%get3A_548, %get3A_549] {strides = array<i32>} : memref<2x128xi32, #tpu.memory_space<vmem>>, vector<16xi32>,
    %get3A_551 = arith.constant 1 : i32
    %get3A_552 = arith.index_cast %get3A_551 : i32 to index
    %get3A_553 = arith.constant 64 : index
    %get3A_554 = tpu.vector_load %arg7[%get3A_552, %get3A_553] {strides = array<i32>} : memref<2x128xi32, #tpu.memory_space<vmem>>, vector<16xi32>,
    %get3A_555 = arith.constant 1 : i32
    %get3A_556 = arith.index_cast %get3A_555 : i32 to index
    %get3A_557 = arith.constant 80 : index
    %get3A_558 = tpu.vector_load %arg7[%get3A_556, %get3A_557] {strides = array<i32>} : memref<2x128xi32, #tpu.memory_space<vmem>>, vector<16xi32>,
    %get3A_559 = arith.constant 1 : i32
    %get3A_560 = arith.index_cast %get3A_559 : i32 to index
    %get3A_561 = arith.constant 96 : index
    %get3A_562 = tpu.vector_load %arg7[%get3A_560, %get3A_561] {strides = array<i32>} : memref<2x128xi32, #tpu.memory_space<vmem>>, vector<16xi32>,
    %get3A_563 = arith.constant 1 : i32
    %get3A_564 = arith.index_cast %get3A_563 : i32 to index
    %get3A_565 = arith.constant 112 : index
    %get3A_566 = tpu.vector_load %arg7[%get3A_564, %get3A_565] {strides = array<i32>} : memref<2x128xi32, #tpu.memory_space<vmem>>, vector<16xi32>,
    %scan3A_567 = arith.constant 0 : i32
    %scan3A_568 = arith.constant 16 : i32
    %scan3A_569 = arith.addi %scan3A_567, %scan3A_568 : i32
    %scan3A_570 = arith.constant 1 : i32
    scf.for %scan3A_631 = %scan3A_567 to %scan3A_569 step %scan3A_570  : i32 {
      %mul3A_632 = arith.constant 1 : i32
      %mul3A_633 = arith.muli %scan3A_631, %mul3A_632 : i32
      %add3A_634 = arith.constant 0 : i32
      %add3A_635 = arith.addi %add3A_634, %mul3A_633 : i32
      %add3A_636 = vector.broadcast %add3A_635 : i32 to vector<16xi32>
      %add3A_637 = arith.addi %iota3A, %add3A_636 : vector<16xi32>
      %and3A_638 = arith.constant 15 : i32
      %and3A_639 = vector.broadcast %and3A_638 : i32 to vector<16xi32>
      %and3A_640 = arith.andi %add3A_637, %and3A_639 : vector<16xi32>
      %add3A_641 = arith.constant 0 : i32
      %add3A_642 = vector.broadcast %add3A_641 : i32 to vector<16xi32>
      %add3A_643 = arith.addi %add3A_642, %and3A_640 : vector<16xi32>
      %add3A_644 = arith.addi %get3A_538, %add3A_643 : vector<16xi32>
      %gather3A_645 = arith.constant 1 : i32
      %gather3A_646 = arith.constant 0 : i32
      %gather3A_647 = arith.constant 0 : i32
      %gather3A_648 = tpu.memref_slice %arg8[%gather3A_645, %gather3A_646, %gather3A_647] : memref<2x128x128xf32, #tpu.memory_space<vmem>> -> memref<1x128x128xf32, #tpu.memory_space<vmem>>
      %gather3A_649 = tpu.memref_squeeze %gather3A_648 : memref<1x128x128xf32, #tpu.memory_space<vmem>> -> memref<128x128xf32, #tpu.memory_space<vmem>>
      %gather3A_650 = tpu.vector_load_idx %gather3A_649[%add3A_513, %add3A_644] : memref<128x128xf32, #tpu.memory_space<vmem>>[vector<16xi32>, vector<16xi32>], vector<16xf32>,
      %scatter3A = arith.constant 1 : i32
      %scatter3A_651 = arith.constant 0 : i32
      %scatter3A_652 = arith.constant 0 : i32
      %scatter3A_653 = tpu.memref_slice %arg9[%scatter3A, %scatter3A_651, %scatter3A_652] : memref<2x32x128xf32, #tpu.memory_space<vmem>> -> memref<1x32x128xf32, #tpu.memory_space<vmem>>
      %scatter3A_654 = tpu.memref_squeeze %scatter3A_653 : memref<1x32x128xf32, #tpu.memory_space<vmem>> -> memref<32x128xf32, #tpu.memory_space<vmem>>
      tpu.vector_store_idx %scatter3A_654[%add3A_643, %add3A_513], %gather3A_650 : memref<32x128xf32, #tpu.memory_space<vmem>>[vector<16xi32>, vector<16xi32>], vector<16xf32>,
      %add3A_655 = arith.addi %get3A_542, %add3A_643 : vector<16xi32>
      %gather3A_656 = arith.constant 1 : i32
      %gather3A_657 = arith.constant 0 : i32
      %gather3A_658 = arith.constant 0 : i32
      %gather3A_659 = tpu.memref_slice %arg8[%gather3A_656, %gather3A_657, %gather3A_658] : memref<2x128x128xf32, #tpu.memory_space<vmem>> -> memref<1x128x128xf32, #tpu.memory_space<vmem>>
      %gather3A_660 = tpu.memref_squeeze %gather3A_659 : memref<1x128x128xf32, #tpu.memory_space<vmem>> -> memref<128x128xf32, #tpu.memory_space<vmem>>
      %gather3A_661 = tpu.vector_load_idx %gather3A_660[%add3A_516, %add3A_655] : memref<128x128xf32, #tpu.memory_space<vmem>>[vector<16xi32>, vector<16xi32>], vector<16xf32>,
      %scatter3A_662 = arith.constant 1 : i32
      %scatter3A_663 = arith.constant 0 : i32
      %scatter3A_664 = arith.constant 0 : i32
      %scatter3A_665 = tpu.memref_slice %arg9[%scatter3A_662, %scatter3A_663, %scatter3A_664] : memref<2x32x128xf32, #tpu.memory_space<vmem>> -> memref<1x32x128xf32, #tpu.memory_space<vmem>>
      %scatter3A_666 = tpu.memref_squeeze %scatter3A_665 : memref<1x32x128xf32, #tpu.memory_space<vmem>> -> memref<32x128xf32, #tpu.memory_space<vmem>>
      tpu.vector_store_idx %scatter3A_666[%add3A_643, %add3A_516], %gather3A_661 : memref<32x128xf32, #tpu.memory_space<vmem>>[vector<16xi32>, vector<16xi32>], vector<16xf32>,
      %add3A_667 = arith.addi %get3A_546, %add3A_643 : vector<16xi32>
      %gather3A_668 = arith.constant 1 : i32
      %gather3A_669 = arith.constant 0 : i32
      %gather3A_670 = arith.constant 0 : i32
      %gather3A_671 = tpu.memref_slice %arg8[%gather3A_668, %gather3A_669, %gather3A_670] : memref<2x128x128xf32, #tpu.memory_space<vmem>> -> memref<1x128x128xf32, #tpu.memory_space<vmem>>
      %gather3A_672 = tpu.memref_squeeze %gather3A_671 : memref<1x128x128xf32, #tpu.memory_space<vmem>> -> memref<128x128xf32, #tpu.memory_space<vmem>>
      %gather3A_673 = tpu.vector_load_idx %gather3A_672[%add3A_519, %add3A_667] : memref<128x128xf32, #tpu.memory_space<vmem>>[vector<16xi32>, vector<16xi32>], vector<16xf32>,
      %scatter3A_674 = arith.constant 1 : i32
      %scatter3A_675 = arith.constant 0 : i32
      %scatter3A_676 = arith.constant 0 : i32
      %scatter3A_677 = tpu.memref_slice %arg9[%scatter3A_674, %scatter3A_675, %scatter3A_676] : memref<2x32x128xf32, #tpu.memory_space<vmem>> -> memref<1x32x128xf32, #tpu.memory_space<vmem>>
      %scatter3A_678 = tpu.memref_squeeze %scatter3A_677 : memref<1x32x128xf32, #tpu.memory_space<vmem>> -> memref<32x128xf32, #tpu.memory_space<vmem>>
      tpu.vector_store_idx %scatter3A_678[%add3A_643, %add3A_519], %gather3A_673 : memref<32x128xf32, #tpu.memory_space<vmem>>[vector<16xi32>, vector<16xi32>], vector<16xf32>,
      %add3A_679 = arith.addi %get3A_550, %add3A_643 : vector<16xi32>
      %gather3A_680 = arith.constant 1 : i32
      %gather3A_681 = arith.constant 0 : i32
      %gather3A_682 = arith.constant 0 : i32
      %gather3A_683 = tpu.memref_slice %arg8[%gather3A_680, %gather3A_681, %gather3A_682] : memref<2x128x128xf32, #tpu.memory_space<vmem>> -> memref<1x128x128xf32, #tpu.memory_space<vmem>>
      %gather3A_684 = tpu.memref_squeeze %gather3A_683 : memref<1x128x128xf32, #tpu.memory_space<vmem>> -> memref<128x128xf32, #tpu.memory_space<vmem>>
      %gather3A_685 = tpu.vector_load_idx %gather3A_684[%add3A_522, %add3A_679] : memref<128x128xf32, #tpu.memory_space<vmem>>[vector<16xi32>, vector<16xi32>], vector<16xf32>,
      %scatter3A_686 = arith.constant 1 : i32
      %scatter3A_687 = arith.constant 0 : i32
      %scatter3A_688 = arith.constant 0 : i32
      %scatter3A_689 = tpu.memref_slice %arg9[%scatter3A_686, %scatter3A_687, %scatter3A_688] : memref<2x32x128xf32, #tpu.memory_space<vmem>> -> memref<1x32x128xf32, #tpu.memory_space<vmem>>
      %scatter3A_690 = tpu.memref_squeeze %scatter3A_689 : memref<1x32x128xf32, #tpu.memory_space<vmem>> -> memref<32x128xf32, #tpu.memory_space<vmem>>
      tpu.vector_store_idx %scatter3A_690[%add3A_643, %add3A_522], %gather3A_685 : memref<32x128xf32, #tpu.memory_space<vmem>>[vector<16xi32>, vector<16xi32>], vector<16xf32>,
      %add3A_691 = arith.addi %get3A_554, %add3A_643 : vector<16xi32>
      %gather3A_692 = arith.constant 1 : i32
      %gather3A_693 = arith.constant 0 : i32
      %gather3A_694 = arith.constant 0 : i32
      %gather3A_695 = tpu.memref_slice %arg8[%gather3A_692, %gather3A_693, %gather3A_694] : memref<2x128x128xf32, #tpu.memory_space<vmem>> -> memref<1x128x128xf32, #tpu.memory_space<vmem>>
      %gather3A_696 = tpu.memref_squeeze %gather3A_695 : memref<1x128x128xf32, #tpu.memory_space<vmem>> -> memref<128x128xf32, #tpu.memory_space<vmem>>
      %gather3A_697 = tpu.vector_load_idx %gather3A_696[%add3A_525, %add3A_691] : memref<128x128xf32, #tpu.memory_space<vmem>>[vector<16xi32>, vector<16xi32>], vector<16xf32>,
      %scatter3A_698 = arith.constant 1 : i32
      %scatter3A_699 = arith.constant 0 : i32
      %scatter3A_700 = arith.constant 0 : i32
      %scatter3A_701 = tpu.memref_slice %arg9[%scatter3A_698, %scatter3A_699, %scatter3A_700] : memref<2x32x128xf32, #tpu.memory_space<vmem>> -> memref<1x32x128xf32, #tpu.memory_space<vmem>>
      %scatter3A_702 = tpu.memref_squeeze %scatter3A_701 : memref<1x32x128xf32, #tpu.memory_space<vmem>> -> memref<32x128xf32, #tpu.memory_space<vmem>>
      tpu.vector_store_idx %scatter3A_702[%add3A_643, %add3A_525], %gather3A_697 : memref<32x128xf32, #tpu.memory_space<vmem>>[vector<16xi32>, vector<16xi32>], vector<16xf32>,
      %add3A_703 = arith.addi %get3A_558, %add3A_643 : vector<16xi32>
      %gather3A_704 = arith.constant 1 : i32
      %gather3A_705 = arith.constant 0 : i32
      %gather3A_706 = arith.constant 0 : i32
      %gather3A_707 = tpu.memref_slice %arg8[%gather3A_704, %gather3A_705, %gather3A_706] : memref<2x128x128xf32, #tpu.memory_space<vmem>> -> memref<1x128x128xf32, #tpu.memory_space<vmem>>
      %gather3A_708 = tpu.memref_squeeze %gather3A_707 : memref<1x128x128xf32, #tpu.memory_space<vmem>> -> memref<128x128xf32, #tpu.memory_space<vmem>>
      %gather3A_709 = tpu.vector_load_idx %gather3A_708[%add3A_528, %add3A_703] : memref<128x128xf32, #tpu.memory_space<vmem>>[vector<16xi32>, vector<16xi32>], vector<16xf32>,
      %scatter3A_710 = arith.constant 1 : i32
      %scatter3A_711 = arith.constant 0 : i32
      %scatter3A_712 = arith.constant 0 : i32
      %scatter3A_713 = tpu.memref_slice %arg9[%scatter3A_710, %scatter3A_711, %scatter3A_712] : memref<2x32x128xf32, #tpu.memory_space<vmem>> -> memref<1x32x128xf32, #tpu.memory_space<vmem>>
      %scatter3A_714 = tpu.memref_squeeze %scatter3A_713 : memref<1x32x128xf32, #tpu.memory_space<vmem>> -> memref<32x128xf32, #tpu.memory_space<vmem>>
      tpu.vector_store_idx %scatter3A_714[%add3A_643, %add3A_528], %gather3A_709 : memref<32x128xf32, #tpu.memory_space<vmem>>[vector<16xi32>, vector<16xi32>], vector<16xf32>,
      %add3A_715 = arith.addi %get3A_562, %add3A_643 : vector<16xi32>
      %gather3A_716 = arith.constant 1 : i32
      %gather3A_717 = arith.constant 0 : i32
      %gather3A_718 = arith.constant 0 : i32
      %gather3A_719 = tpu.memref_slice %arg8[%gather3A_716, %gather3A_717, %gather3A_718] : memref<2x128x128xf32, #tpu.memory_space<vmem>> -> memref<1x128x128xf32, #tpu.memory_space<vmem>>
      %gather3A_720 = tpu.memref_squeeze %gather3A_719 : memref<1x128x128xf32, #tpu.memory_space<vmem>> -> memref<128x128xf32, #tpu.memory_space<vmem>>
      %gather3A_721 = tpu.vector_load_idx %gather3A_720[%add3A_531, %add3A_715] : memref<128x128xf32, #tpu.memory_space<vmem>>[vector<16xi32>, vector<16xi32>], vector<16xf32>,
      %scatter3A_722 = arith.constant 1 : i32
      %scatter3A_723 = arith.constant 0 : i32
      %scatter3A_724 = arith.constant 0 : i32
      %scatter3A_725 = tpu.memref_slice %arg9[%scatter3A_722, %scatter3A_723, %scatter3A_724] : memref<2x32x128xf32, #tpu.memory_space<vmem>> -> memref<1x32x128xf32, #tpu.memory_space<vmem>>
      %scatter3A_726 = tpu.memref_squeeze %scatter3A_725 : memref<1x32x128xf32, #tpu.memory_space<vmem>> -> memref<32x128xf32, #tpu.memory_space<vmem>>
      tpu.vector_store_idx %scatter3A_726[%add3A_643, %add3A_531], %gather3A_721 : memref<32x128xf32, #tpu.memory_space<vmem>>[vector<16xi32>, vector<16xi32>], vector<16xf32>,
      %add3A_727 = arith.addi %get3A_566, %add3A_643 : vector<16xi32>
      %gather3A_728 = arith.constant 1 : i32
      %gather3A_729 = arith.constant 0 : i32
      %gather3A_730 = arith.constant 0 : i32
      %gather3A_731 = tpu.memref_slice %arg8[%gather3A_728, %gather3A_729, %gather3A_730] : memref<2x128x128xf32, #tpu.memory_space<vmem>> -> memref<1x128x128xf32, #tpu.memory_space<vmem>>
      %gather3A_732 = tpu.memref_squeeze %gather3A_731 : memref<1x128x128xf32, #tpu.memory_space<vmem>> -> memref<128x128xf32, #tpu.memory_space<vmem>>
      %gather3A_733 = tpu.vector_load_idx %gather3A_732[%add3A_534, %add3A_727] : memref<128x128xf32, #tpu.memory_space<vmem>>[vector<16xi32>, vector<16xi32>], vector<16xf32>,
      %scatter3A_734 = arith.constant 1 : i32
      %scatter3A_735 = arith.constant 0 : i32
      %scatter3A_736 = arith.constant 0 : i32
      %scatter3A_737 = tpu.memref_slice %arg9[%scatter3A_734, %scatter3A_735, %scatter3A_736] : memref<2x32x128xf32, #tpu.memory_space<vmem>> -> memref<1x32x128xf32, #tpu.memory_space<vmem>>
      %scatter3A_738 = tpu.memref_squeeze %scatter3A_737 : memref<1x32x128xf32, #tpu.memory_space<vmem>> -> memref<32x128xf32, #tpu.memory_space<vmem>>
      tpu.vector_store_idx %scatter3A_738[%add3A_643, %add3A_534], %gather3A_733 : memref<32x128xf32, #tpu.memory_space<vmem>>[vector<16xi32>, vector<16xi32>], vector<16xf32>,
      %add3A_739 = arith.constant 16 : i32
      %add3A_740 = vector.broadcast %add3A_739 : i32 to vector<16xi32>
      %add3A_741 = arith.addi %add3A_740, %and3A_640 : vector<16xi32>
      %add3A_742 = arith.addi %get3A_538, %add3A_741 : vector<16xi32>
      %gather3A_743 = arith.constant 1 : i32
      %gather3A_744 = arith.constant 0 : i32
      %gather3A_745 = arith.constant 0 : i32
      %gather3A_746 = tpu.memref_slice %arg8[%gather3A_743, %gather3A_744, %gather3A_745] : memref<2x128x128xf32, #tpu.memory_space<vmem>> -> memref<1x128x128xf32, #tpu.memory_space<vmem>>
      %gather3A_747 = tpu.memref_squeeze %gather3A_746 : memref<1x128x128xf32, #tpu.memory_space<vmem>> -> memref<128x128xf32, #tpu.memory_space<vmem>>
      %gather3A_748 = tpu.vector_load_idx %gather3A_747[%add3A_513, %add3A_742] : memref<128x128xf32, #tpu.memory_space<vmem>>[vector<16xi32>, vector<16xi32>], vector<16xf32>,
      %scatter3A_749 = arith.constant 1 : i32
      %scatter3A_750 = arith.constant 0 : i32
      %scatter3A_751 = arith.constant 0 : i32
      %scatter3A_752 = tpu.memref_slice %arg9[%scatter3A_749, %scatter3A_750, %scatter3A_751] : memref<2x32x128xf32, #tpu.memory_space<vmem>> -> memref<1x32x128xf32, #tpu.memory_space<vmem>>
      %scatter3A_753 = tpu.memref_squeeze %scatter3A_752 : memref<1x32x128xf32, #tpu.memory_space<vmem>> -> memref<32x128xf32, #tpu.memory_space<vmem>>
      tpu.vector_store_idx %scatter3A_753[%add3A_741, %add3A_513], %gather3A_748 : memref<32x128xf32, #tpu.memory_space<vmem>>[vector<16xi32>, vector<16xi32>], vector<16xf32>,
      %add3A_754 = arith.addi %get3A_542, %add3A_741 : vector<16xi32>
      %gather3A_755 = arith.constant 1 : i32
      %gather3A_756 = arith.constant 0 : i32
      %gather3A_757 = arith.constant 0 : i32
      %gather3A_758 = tpu.memref_slice %arg8[%gather3A_755, %gather3A_756, %gather3A_757] : memref<2x128x128xf32, #tpu.memory_space<vmem>> -> memref<1x128x128xf32, #tpu.memory_space<vmem>>
      %gather3A_759 = tpu.memref_squeeze %gather3A_758 : memref<1x128x128xf32, #tpu.memory_space<vmem>> -> memref<128x128xf32, #tpu.memory_space<vmem>>
      %gather3A_760 = tpu.vector_load_idx %gather3A_759[%add3A_516, %add3A_754] : memref<128x128xf32, #tpu.memory_space<vmem>>[vector<16xi32>, vector<16xi32>], vector<16xf32>,
      %scatter3A_761 = arith.constant 1 : i32
      %scatter3A_762 = arith.constant 0 : i32
      %scatter3A_763 = arith.constant 0 : i32
      %scatter3A_764 = tpu.memref_slice %arg9[%scatter3A_761, %scatter3A_762, %scatter3A_763] : memref<2x32x128xf32, #tpu.memory_space<vmem>> -> memref<1x32x128xf32, #tpu.memory_space<vmem>>
      %scatter3A_765 = tpu.memref_squeeze %scatter3A_764 : memref<1x32x128xf32, #tpu.memory_space<vmem>> -> memref<32x128xf32, #tpu.memory_space<vmem>>
      tpu.vector_store_idx %scatter3A_765[%add3A_741, %add3A_516], %gather3A_760 : memref<32x128xf32, #tpu.memory_space<vmem>>[vector<16xi32>, vector<16xi32>], vector<16xf32>,
      %add3A_766 = arith.addi %get3A_546, %add3A_741 : vector<16xi32>
      %gather3A_767 = arith.constant 1 : i32
      %gather3A_768 = arith.constant 0 : i32
      %gather3A_769 = arith.constant 0 : i32
      %gather3A_770 = tpu.memref_slice %arg8[%gather3A_767, %gather3A_768, %gather3A_769] : memref<2x128x128xf32, #tpu.memory_space<vmem>> -> memref<1x128x128xf32, #tpu.memory_space<vmem>>
      %gather3A_771 = tpu.memref_squeeze %gather3A_770 : memref<1x128x128xf32, #tpu.memory_space<vmem>> -> memref<128x128xf32, #tpu.memory_space<vmem>>
      %gather3A_772 = tpu.vector_load_idx %gather3A_771[%add3A_519, %add3A_766] : memref<128x128xf32, #tpu.memory_space<vmem>>[vector<16xi32>, vector<16xi32>], vector<16xf32>,
      %scatter3A_773 = arith.constant 1 : i32
      %scatter3A_774 = arith.constant 0 : i32
      %scatter3A_775 = arith.constant 0 : i32
      %scatter3A_776 = tpu.memref_slice %arg9[%scatter3A_773, %scatter3A_774, %scatter3A_775] : memref<2x32x128xf32, #tpu.memory_space<vmem>> -> memref<1x32x128xf32, #tpu.memory_space<vmem>>
      %scatter3A_777 = tpu.memref_squeeze %scatter3A_776 : memref<1x32x128xf32, #tpu.memory_space<vmem>> -> memref<32x128xf32, #tpu.memory_space<vmem>>
      tpu.vector_store_idx %scatter3A_777[%add3A_741, %add3A_519], %gather3A_772 : memref<32x128xf32, #tpu.memory_space<vmem>>[vector<16xi32>, vector<16xi32>], vector<16xf32>,
      %add3A_778 = arith.addi %get3A_550, %add3A_741 : vector<16xi32>
      %gather3A_779 = arith.constant 1 : i32
      %gather3A_780 = arith.constant 0 : i32
      %gather3A_781 = arith.constant 0 : i32
      %gather3A_782 = tpu.memref_slice %arg8[%gather3A_779, %gather3A_780, %gather3A_781] : memref<2x128x128xf32, #tpu.memory_space<vmem>> -> memref<1x128x128xf32, #tpu.memory_space<vmem>>
      %gather3A_783 = tpu.memref_squeeze %gather3A_782 : memref<1x128x128xf32, #tpu.memory_space<vmem>> -> memref<128x128xf32, #tpu.memory_space<vmem>>
      %gather3A_784 = tpu.vector_load_idx %gather3A_783[%add3A_522, %add3A_778] : memref<128x128xf32, #tpu.memory_space<vmem>>[vector<16xi32>, vector<16xi32>], vector<16xf32>,
      %scatter3A_785 = arith.constant 1 : i32
      %scatter3A_786 = arith.constant 0 : i32
      %scatter3A_787 = arith.constant 0 : i32
      %scatter3A_788 = tpu.memref_slice %arg9[%scatter3A_785, %scatter3A_786, %scatter3A_787] : memref<2x32x128xf32, #tpu.memory_space<vmem>> -> memref<1x32x128xf32, #tpu.memory_space<vmem>>
      %scatter3A_789 = tpu.memref_squeeze %scatter3A_788 : memref<1x32x128xf32, #tpu.memory_space<vmem>> -> memref<32x128xf32, #tpu.memory_space<vmem>>
      tpu.vector_store_idx %scatter3A_789[%add3A_741, %add3A_522], %gather3A_784 : memref<32x128xf32, #tpu.memory_space<vmem>>[vector<16xi32>, vector<16xi32>], vector<16xf32>,
      %add3A_790 = arith.addi %get3A_554, %add3A_741 : vector<16xi32>
      %gather3A_791 = arith.constant 1 : i32
      %gather3A_792 = arith.constant 0 : i32
      %gather3A_793 = arith.constant 0 : i32
      %gather3A_794 = tpu.memref_slice %arg8[%gather3A_791, %gather3A_792, %gather3A_793] : memref<2x128x128xf32, #tpu.memory_space<vmem>> -> memref<1x128x128xf32, #tpu.memory_space<vmem>>
      %gather3A_795 = tpu.memref_squeeze %gather3A_794 : memref<1x128x128xf32, #tpu.memory_space<vmem>> -> memref<128x128xf32, #tpu.memory_space<vmem>>
      %gather3A_796 = tpu.vector_load_idx %gather3A_795[%add3A_525, %add3A_790] : memref<128x128xf32, #tpu.memory_space<vmem>>[vector<16xi32>, vector<16xi32>], vector<16xf32>,
      %scatter3A_797 = arith.constant 1 : i32
      %scatter3A_798 = arith.constant 0 : i32
      %scatter3A_799 = arith.constant 0 : i32
      %scatter3A_800 = tpu.memref_slice %arg9[%scatter3A_797, %scatter3A_798, %scatter3A_799] : memref<2x32x128xf32, #tpu.memory_space<vmem>> -> memref<1x32x128xf32, #tpu.memory_space<vmem>>
      %scatter3A_801 = tpu.memref_squeeze %scatter3A_800 : memref<1x32x128xf32, #tpu.memory_space<vmem>> -> memref<32x128xf32, #tpu.memory_space<vmem>>
      tpu.vector_store_idx %scatter3A_801[%add3A_741, %add3A_525], %gather3A_796 : memref<32x128xf32, #tpu.memory_space<vmem>>[vector<16xi32>, vector<16xi32>], vector<16xf32>,
      %add3A_802 = arith.addi %get3A_558, %add3A_741 : vector<16xi32>
      %gather3A_803 = arith.constant 1 : i32
      %gather3A_804 = arith.constant 0 : i32
      %gather3A_805 = arith.constant 0 : i32
      %gather3A_806 = tpu.memref_slice %arg8[%gather3A_803, %gather3A_804, %gather3A_805] : memref<2x128x128xf32, #tpu.memory_space<vmem>> -> memref<1x128x128xf32, #tpu.memory_space<vmem>>
      %gather3A_807 = tpu.memref_squeeze %gather3A_806 : memref<1x128x128xf32, #tpu.memory_space<vmem>> -> memref<128x128xf32, #tpu.memory_space<vmem>>
      %gather3A_808 = tpu.vector_load_idx %gather3A_807[%add3A_528, %add3A_802] : memref<128x128xf32, #tpu.memory_space<vmem>>[vector<16xi32>, vector<16xi32>], vector<16xf32>,
      %scatter3A_809 = arith.constant 1 : i32
      %scatter3A_810 = arith.constant 0 : i32
      %scatter3A_811 = arith.constant 0 : i32
      %scatter3A_812 = tpu.memref_slice %arg9[%scatter3A_809, %scatter3A_810, %scatter3A_811] : memref<2x32x128xf32, #tpu.memory_space<vmem>> -> memref<1x32x128xf32, #tpu.memory_space<vmem>>
      %scatter3A_813 = tpu.memref_squeeze %scatter3A_812 : memref<1x32x128xf32, #tpu.memory_space<vmem>> -> memref<32x128xf32, #tpu.memory_space<vmem>>
      tpu.vector_store_idx %scatter3A_813[%add3A_741, %add3A_528], %gather3A_808 : memref<32x128xf32, #tpu.memory_space<vmem>>[vector<16xi32>, vector<16xi32>], vector<16xf32>,
      %add3A_814 = arith.addi %get3A_562, %add3A_741 : vector<16xi32>
      %gather3A_815 = arith.constant 1 : i32
      %gather3A_816 = arith.constant 0 : i32
      %gather3A_817 = arith.constant 0 : i32
      %gather3A_818 = tpu.memref_slice %arg8[%gather3A_815, %gather3A_816, %gather3A_817] : memref<2x128x128xf32, #tpu.memory_space<vmem>> -> memref<1x128x128xf32, #tpu.memory_space<vmem>>
      %gather3A_819 = tpu.memref_squeeze %gather3A_818 : memref<1x128x128xf32, #tpu.memory_space<vmem>> -> memref<128x128xf32, #tpu.memory_space<vmem>>
      %gather3A_820 = tpu.vector_load_idx %gather3A_819[%add3A_531, %add3A_814] : memref<128x128xf32, #tpu.memory_space<vmem>>[vector<16xi32>, vector<16xi32>], vector<16xf32>,
      %scatter3A_821 = arith.constant 1 : i32
      %scatter3A_822 = arith.constant 0 : i32
      %scatter3A_823 = arith.constant 0 : i32
      %scatter3A_824 = tpu.memref_slice %arg9[%scatter3A_821, %scatter3A_822, %scatter3A_823] : memref<2x32x128xf32, #tpu.memory_space<vmem>> -> memref<1x32x128xf32, #tpu.memory_space<vmem>>
      %scatter3A_825 = tpu.memref_squeeze %scatter3A_824 : memref<1x32x128xf32, #tpu.memory_space<vmem>> -> memref<32x128xf32, #tpu.memory_space<vmem>>
      tpu.vector_store_idx %scatter3A_825[%add3A_741, %add3A_531], %gather3A_820 : memref<32x128xf32, #tpu.memory_space<vmem>>[vector<16xi32>, vector<16xi32>], vector<16xf32>,
      %add3A_826 = arith.addi %get3A_566, %add3A_741 : vector<16xi32>
      %gather3A_827 = arith.constant 1 : i32
      %gather3A_828 = arith.constant 0 : i32
      %gather3A_829 = arith.constant 0 : i32
      %gather3A_830 = tpu.memref_slice %arg8[%gather3A_827, %gather3A_828, %gather3A_829] : memref<2x128x128xf32, #tpu.memory_space<vmem>> -> memref<1x128x128xf32, #tpu.memory_space<vmem>>
      %gather3A_831 = tpu.memref_squeeze %gather3A_830 : memref<1x128x128xf32, #tpu.memory_space<vmem>> -> memref<128x128xf32, #tpu.memory_space<vmem>>
      %gather3A_832 = tpu.vector_load_idx %gather3A_831[%add3A_534, %add3A_826] : memref<128x128xf32, #tpu.memory_space<vmem>>[vector<16xi32>, vector<16xi32>], vector<16xf32>,
      %scatter3A_833 = arith.constant 1 : i32
      %scatter3A_834 = arith.constant 0 : i32
      %scatter3A_835 = arith.constant 0 : i32
      %scatter3A_836 = tpu.memref_slice %arg9[%scatter3A_833, %scatter3A_834, %scatter3A_835] : memref<2x32x128xf32, #tpu.memory_space<vmem>> -> memref<1x32x128xf32, #tpu.memory_space<vmem>>
      %scatter3A_837 = tpu.memref_squeeze %scatter3A_836 : memref<1x32x128xf32, #tpu.memory_space<vmem>> -> memref<32x128xf32, #tpu.memory_space<vmem>>
      tpu.vector_store_idx %scatter3A_837[%add3A_741, %add3A_534], %gather3A_832 : memref<32x128xf32, #tpu.memory_space<vmem>>[vector<16xi32>, vector<16xi32>], vector<16xf32>,
    }
    %scan3A_571 = arith.constant 16 : i32
    %mul3A_572 = arith.constant 4 : i32
    %mul3A_573 = arith.muli %add3A, %mul3A_572 : i32
    %add3A_574 = arith.constant 3 : i32
    %add3A_575 = arith.addi %mul3A_573, %add3A_574 : i32
    %mul3A_576 = arith.constant 128 : i32
    %mul3A_577 = arith.muli %add3A_575, %mul3A_576 : i32
    %multiple_of3A_578 = tpu.assume_multiple %mul3A_577, 128 : i32
    %dma_start3A_579 = arith.constant 1 : i32
    %dma_start3A_580 = arith.constant 49 : i32
    %dma_start3A_581 = arith.constant 0 : i32
    %dma_start3A_582 = arith.constant 0 : i32
    %dma_start3A_583 = tpu.memref_slice %arg9[%dma_start3A_579, %dma_start3A_581, %dma_start3A_582] : memref<2x32x128xf32, #tpu.memory_space<vmem>> -> memref<1x32x128xf32, #tpu.memory_space<vmem>>
    %dma_start3A_584 = tpu.memref_squeeze %dma_start3A_583 : memref<1x32x128xf32, #tpu.memory_space<vmem>> -> memref<32x128xf32, #tpu.memory_space<vmem>>
    %dma_start3A_585 = arith.constant 0 : i32
    %dma_start3A_586 = tpu.memref_slice %arg4[%dma_start3A_580, %dma_start3A_585, %multiple_of3A_578] : memref<50x32x16384xf32, #tpu.memory_space<hbm>> -> memref<1x32x128xf32, #tpu.memory_space<hbm>>
    %dma_start3A_587 = tpu.memref_squeeze %dma_start3A_586 : memref<1x32x128xf32, #tpu.memory_space<hbm>> -> memref<32x128xf32, #tpu.memory_space<hbm>>
    %dma_start3A_588 = arith.constant 0 : i32
    %dma_start3A_589 = tpu.memref_slice %arg4[%dma_start3A_580, %dma_start3A_588, %multiple_of3A_578] : memref<50x32x16384xf32, #tpu.memory_space<hbm>> -> memref<1x32x128xf32, #tpu.memory_space<hbm>>
    %dma_start3A_590 = tpu.memref_squeeze %dma_start3A_589 : memref<1x32x128xf32, #tpu.memory_space<hbm>> -> memref<32x128xf32, #tpu.memory_space<hbm>>
    %dma_start3A_591 = arith.constant 0 : i32
    %dma_start3A_592 = arith.constant 0 : i32
    %dma_start3A_593 = tpu.memref_slice %arg9[%dma_start3A_579, %dma_start3A_591, %dma_start3A_592] : memref<2x32x128xf32, #tpu.memory_space<vmem>> -> memref<1x32x128xf32, #tpu.memory_space<vmem>>
    %dma_start3A_594 = tpu.memref_squeeze %dma_start3A_593 : memref<1x32x128xf32, #tpu.memory_space<vmem>> -> memref<32x128xf32, #tpu.memory_space<vmem>>
    tpu.enqueue_dma source(%dma_start3A_594 : memref<32x128xf32, #tpu.memory_space<vmem>>) target(%dma_start3A_590 : memref<32x128xf32, #tpu.memory_space<hbm>>) target_semaphore(%arg13 : memref<!tpu.dma_semaphore, #tpu.memory_space<semaphore_mem>>)
    %dma_wait3A_595 = arith.constant 0 : i32
    %dma_wait3A_596 = arith.constant 0 : i32
    %dma_wait3A_597 = arith.constant 0 : i32
    %dma_wait3A_598 = arith.constant 0 : i32
    %dma_wait3A_599 = tpu.memref_slice %arg9[%dma_wait3A_595, %dma_wait3A_597, %dma_wait3A_598] : memref<2x32x128xf32, #tpu.memory_space<vmem>> -> memref<1x32x128xf32, #tpu.memory_space<vmem>>
    %dma_wait3A_600 = tpu.memref_squeeze %dma_wait3A_599 : memref<1x32x128xf32, #tpu.memory_space<vmem>> -> memref<32x128xf32, #tpu.memory_space<vmem>>
    %dma_wait3A_601 = arith.constant 0 : i32
    %dma_wait3A_602 = arith.constant 0 : i32
    %dma_wait3A_603 = tpu.memref_slice %arg4[%dma_wait3A_596, %dma_wait3A_601, %dma_wait3A_602] : memref<50x32x16384xf32, #tpu.memory_space<hbm>> -> memref<1x32x128xf32, #tpu.memory_space<hbm>>
    %dma_wait3A_604 = tpu.memref_squeeze %dma_wait3A_603 : memref<1x32x128xf32, #tpu.memory_space<hbm>> -> memref<32x128xf32, #tpu.memory_space<hbm>>
    %dma_wait3A_605 = arith.constant 0 : i32
    %dma_wait3A_606 = arith.constant 0 : i32
    %dma_wait3A_607 = tpu.memref_slice %arg4[%dma_wait3A_596, %dma_wait3A_605, %dma_wait3A_606] : memref<50x32x16384xf32, #tpu.memory_space<hbm>> -> memref<1x32x128xf32, #tpu.memory_space<hbm>>
    %dma_wait3A_608 = tpu.memref_squeeze %dma_wait3A_607 : memref<1x32x128xf32, #tpu.memory_space<hbm>> -> memref<32x128xf32, #tpu.memory_space<hbm>>
    %dma_wait3A_609 = arith.constant 0 : i32
    %dma_wait3A_610 = arith.constant 0 : i32
    %dma_wait3A_611 = tpu.memref_slice %arg9[%dma_wait3A_595, %dma_wait3A_609, %dma_wait3A_610] : memref<2x32x128xf32, #tpu.memory_space<vmem>> -> memref<1x32x128xf32, #tpu.memory_space<vmem>>
    %dma_wait3A_612 = tpu.memref_squeeze %dma_wait3A_611 : memref<1x32x128xf32, #tpu.memory_space<vmem>> -> memref<32x128xf32, #tpu.memory_space<vmem>>
    tpu.wait_dma2 semaphore(%arg12 : memref<!tpu.dma_semaphore, #tpu.memory_space<semaphore_mem>>) src(%dma_wait3A_612 : memref<32x128xf32, #tpu.memory_space<vmem>>) dst(%dma_wait3A_608 : memref<32x128xf32, #tpu.memory_space<hbm>>)
    %dma_wait3A_613 = arith.constant 1 : i32
    %dma_wait3A_614 = arith.constant 0 : i32
    %dma_wait3A_615 = arith.constant 0 : i32
    %dma_wait3A_616 = arith.constant 0 : i32
    %dma_wait3A_617 = tpu.memref_slice %arg9[%dma_wait3A_613, %dma_wait3A_615, %dma_wait3A_616] : memref<2x32x128xf32, #tpu.memory_space<vmem>> -> memref<1x32x128xf32, #tpu.memory_space<vmem>>
    %dma_wait3A_618 = tpu.memref_squeeze %dma_wait3A_617 : memref<1x32x128xf32, #tpu.memory_space<vmem>> -> memref<32x128xf32, #tpu.memory_space<vmem>>
    %dma_wait3A_619 = arith.constant 0 : i32
    %dma_wait3A_620 = arith.constant 0 : i32
    %dma_wait3A_621 = tpu.memref_slice %arg4[%dma_wait3A_614, %dma_wait3A_619, %dma_wait3A_620] : memref<50x32x16384xf32, #tpu.memory_space<hbm>> -> memref<1x32x128xf32, #tpu.memory_space<hbm>>
    %dma_wait3A_622 = tpu.memref_squeeze %dma_wait3A_621 : memref<1x32x128xf32, #tpu.memory_space<hbm>> -> memref<32x128xf32, #tpu.memory_space<hbm>>
    %dma_wait3A_623 = arith.constant 0 : i32
    %dma_wait3A_624 = arith.constant 0 : i32
    %dma_wait3A_625 = tpu.memref_slice %arg4[%dma_wait3A_614, %dma_wait3A_623, %dma_wait3A_624] : memref<50x32x16384xf32, #tpu.memory_space<hbm>> -> memref<1x32x128xf32, #tpu.memory_space<hbm>>
    %dma_wait3A_626 = tpu.memref_squeeze %dma_wait3A_625 : memref<1x32x128xf32, #tpu.memory_space<hbm>> -> memref<32x128xf32, #tpu.memory_space<hbm>>
    %dma_wait3A_627 = arith.constant 0 : i32
    %dma_wait3A_628 = arith.constant 0 : i32
    %dma_wait3A_629 = tpu.memref_slice %arg9[%dma_wait3A_613, %dma_wait3A_627, %dma_wait3A_628] : memref<2x32x128xf32, #tpu.memory_space<vmem>> -> memref<1x32x128xf32, #tpu.memory_space<vmem>>
    %dma_wait3A_630 = tpu.memref_squeeze %dma_wait3A_629 : memref<1x32x128xf32, #tpu.memory_space<vmem>> -> memref<32x128xf32, #tpu.memory_space<vmem>>
    tpu.wait_dma2 semaphore(%arg13 : memref<!tpu.dma_semaphore, #tpu.memory_space<semaphore_mem>>) src(%dma_wait3A_630 : memref<32x128xf32, #tpu.memory_space<vmem>>) dst(%dma_wait3A_626 : memref<32x128xf32, #tpu.memory_space<hbm>>)
    return
  }
}

#map = affine_map<(d0, d1) -> (0, 0)>
#map1 = affine_map<(d0, d1) -> (0)>
module attributes {stable_mosaic.version = 14 : i64} {
  func.func @_relayout_body(%arg0: i32, %arg1: i32, %arg2: memref<32x1000000xf32, #tpu.memory_space<hbm>>, %arg3: memref<2048xf32, #tpu.memory_space<hbm>>, %arg4: memref<32000000xf32, #tpu.memory_space<hbm>>, %arg5: memref<32x128xf32, #tpu.memory_space<vmem>>, %arg6: memref<32x128xf32, #tpu.memory_space<vmem>>, %arg7: memref<4096xf32, #tpu.memory_space<vmem>>, %arg8: memref<4096xf32, #tpu.memory_space<vmem>>, %arg9: memref<!tpu.dma_semaphore, #tpu.memory_space<semaphore_mem>>, %arg10: memref<!tpu.dma_semaphore, #tpu.memory_space<semaphore_mem>>, %arg11: memref<!tpu.dma_semaphore, #tpu.memory_space<semaphore_mem>>, %arg12: memref<!tpu.dma_semaphore, #tpu.memory_space<semaphore_mem>>) attributes {dimension_semantics = [#tpu.dimension_semantics<core_parallel>, #tpu.dimension_semantics<subcore_parallel>], iteration_bounds = array<i64: 2, 16>, scalar_prefetch = 0 : i64, scratch_operands = 8 : i64, tpu.core_type = #tpu.core_type<sc_vector_subcore>, window_params = [{transform_indices = #map}, {transform_indices = #map1}, {transform_indices = #map1}]} {
    %mul3A = arith.constant 2 : i32
    %mul3A_0 = arith.muli %arg1, %mul3A : i32
    %add3A = arith.addi %mul3A_0, %arg0 : i32
    %iota3A = tpu.iota {dimensions = array<i32: 0>} : vector<16xi32>
    %mul3A_1 = arith.constant 32 : i32
    %mul3A_2 = vector.broadcast %mul3A_1 : i32 to vector<16xi32>
    %mul3A_3 = arith.muli %iota3A, %mul3A_2 : vector<16xi32>
    %iota3A_4 = tpu.iota {dimensions = array<i32: 0>} : vector<16xi32>
    %add3A_5 = arith.constant 0 : i32
    %add3A_6 = vector.broadcast %add3A_5 : i32 to vector<16xi32>
    %add3A_7 = arith.addi %add3A_6, %iota3A_4 : vector<16xi32>
    %add3A_8 = arith.constant 16 : i32
    %add3A_9 = vector.broadcast %add3A_8 : i32 to vector<16xi32>
    %add3A_10 = arith.addi %add3A_9, %iota3A_4 : vector<16xi32>
    %add3A_11 = arith.constant 32 : i32
    %add3A_12 = vector.broadcast %add3A_11 : i32 to vector<16xi32>
    %add3A_13 = arith.addi %add3A_12, %iota3A_4 : vector<16xi32>
    %add3A_14 = arith.constant 48 : i32
    %add3A_15 = vector.broadcast %add3A_14 : i32 to vector<16xi32>
    %add3A_16 = arith.addi %add3A_15, %iota3A_4 : vector<16xi32>
    %add3A_17 = arith.constant 64 : i32
    %add3A_18 = vector.broadcast %add3A_17 : i32 to vector<16xi32>
    %add3A_19 = arith.addi %add3A_18, %iota3A_4 : vector<16xi32>
    %add3A_20 = arith.constant 80 : i32
    %add3A_21 = vector.broadcast %add3A_20 : i32 to vector<16xi32>
    %add3A_22 = arith.addi %add3A_21, %iota3A_4 : vector<16xi32>
    %add3A_23 = arith.constant 96 : i32
    %add3A_24 = vector.broadcast %add3A_23 : i32 to vector<16xi32>
    %add3A_25 = arith.addi %add3A_24, %iota3A_4 : vector<16xi32>
    %add3A_26 = arith.constant 112 : i32
    %add3A_27 = vector.broadcast %add3A_26 : i32 to vector<16xi32>
    %add3A_28 = arith.addi %add3A_27, %iota3A_4 : vector<16xi32>
    %add3A_29 = arith.constant 0 : i32
    %add3A_30 = vector.broadcast %add3A_29 : i32 to vector<16xi32>
    %add3A_31 = arith.addi %add3A_30, %iota3A_4 : vector<16xi32>
    %mul3A_32 = arith.constant 32 : i32
    %mul3A_33 = vector.broadcast %mul3A_32 : i32 to vector<16xi32>
    %mul3A_34 = arith.muli %add3A_31, %mul3A_33 : vector<16xi32>
    %add3A_35 = arith.constant 16 : i32
    %add3A_36 = vector.broadcast %add3A_35 : i32 to vector<16xi32>
    %add3A_37 = arith.addi %add3A_36, %iota3A_4 : vector<16xi32>
    %mul3A_38 = arith.constant 32 : i32
    %mul3A_39 = vector.broadcast %mul3A_38 : i32 to vector<16xi32>
    %mul3A_40 = arith.muli %add3A_37, %mul3A_39 : vector<16xi32>
    %add3A_41 = arith.constant 32 : i32
    %add3A_42 = vector.broadcast %add3A_41 : i32 to vector<16xi32>
    %add3A_43 = arith.addi %add3A_42, %iota3A_4 : vector<16xi32>
    %mul3A_44 = arith.constant 32 : i32
    %mul3A_45 = vector.broadcast %mul3A_44 : i32 to vector<16xi32>
    %mul3A_46 = arith.muli %add3A_43, %mul3A_45 : vector<16xi32>
    %add3A_47 = arith.constant 48 : i32
    %add3A_48 = vector.broadcast %add3A_47 : i32 to vector<16xi32>
    %add3A_49 = arith.addi %add3A_48, %iota3A_4 : vector<16xi32>
    %mul3A_50 = arith.constant 32 : i32
    %mul3A_51 = vector.broadcast %mul3A_50 : i32 to vector<16xi32>
    %mul3A_52 = arith.muli %add3A_49, %mul3A_51 : vector<16xi32>
    %add3A_53 = arith.constant 64 : i32
    %add3A_54 = vector.broadcast %add3A_53 : i32 to vector<16xi32>
    %add3A_55 = arith.addi %add3A_54, %iota3A_4 : vector<16xi32>
    %mul3A_56 = arith.constant 32 : i32
    %mul3A_57 = vector.broadcast %mul3A_56 : i32 to vector<16xi32>
    %mul3A_58 = arith.muli %add3A_55, %mul3A_57 : vector<16xi32>
    %add3A_59 = arith.constant 80 : i32
    %add3A_60 = vector.broadcast %add3A_59 : i32 to vector<16xi32>
    %add3A_61 = arith.addi %add3A_60, %iota3A_4 : vector<16xi32>
    %mul3A_62 = arith.constant 32 : i32
    %mul3A_63 = vector.broadcast %mul3A_62 : i32 to vector<16xi32>
    %mul3A_64 = arith.muli %add3A_61, %mul3A_63 : vector<16xi32>
    %add3A_65 = arith.constant 96 : i32
    %add3A_66 = vector.broadcast %add3A_65 : i32 to vector<16xi32>
    %add3A_67 = arith.addi %add3A_66, %iota3A_4 : vector<16xi32>
    %mul3A_68 = arith.constant 32 : i32
    %mul3A_69 = vector.broadcast %mul3A_68 : i32 to vector<16xi32>
    %mul3A_70 = arith.muli %add3A_67, %mul3A_69 : vector<16xi32>
    %add3A_71 = arith.constant 112 : i32
    %add3A_72 = vector.broadcast %add3A_71 : i32 to vector<16xi32>
    %add3A_73 = arith.addi %add3A_72, %iota3A_4 : vector<16xi32>
    %mul3A_74 = arith.constant 32 : i32
    %mul3A_75 = vector.broadcast %mul3A_74 : i32 to vector<16xi32>
    %mul3A_76 = arith.muli %add3A_73, %mul3A_75 : vector<16xi32>
    %add3A_77 = arith.constant 0 : i32
    %add3A_78 = arith.addi %add3A, %add3A_77 : i32
    %mul3A_79 = arith.constant 128 : i32
    %mul3A_80 = arith.muli %add3A_78, %mul3A_79 : i32
    %multiple_of3A = tpu.assume_multiple %mul3A_80, 128 : i32
    %dma_start3A = arith.constant 0 : i32
    %dma_start3A_81 = tpu.memref_slice %arg2[%dma_start3A, %multiple_of3A] : memref<32x1000000xf32, #tpu.memory_space<hbm>> -> memref<32x128xf32, #tpu.memory_space<hbm>>
    %dma_start3A_82 = arith.constant 0 : i32
    %dma_start3A_83 = tpu.memref_slice %arg2[%dma_start3A_82, %multiple_of3A] : memref<32x1000000xf32, #tpu.memory_space<hbm>> -> memref<32x128xf32, #tpu.memory_space<hbm>>
    tpu.enqueue_dma source(%dma_start3A_83 : memref<32x128xf32, #tpu.memory_space<hbm>>) target(%arg5 : memref<32x128xf32, #tpu.memory_space<vmem>>) target_semaphore(%arg9 : memref<!tpu.dma_semaphore, #tpu.memory_space<semaphore_mem>>)
    %add3A_84 = arith.constant 32 : i32
    %add3A_85 = arith.addi %add3A, %add3A_84 : i32
    %mul3A_86 = arith.constant 128 : i32
    %mul3A_87 = arith.muli %add3A_85, %mul3A_86 : i32
    %multiple_of3A_88 = tpu.assume_multiple %mul3A_87, 128 : i32
    %dma_start3A_89 = arith.constant 0 : i32
    %dma_start3A_90 = tpu.memref_slice %arg2[%dma_start3A_89, %multiple_of3A_88] : memref<32x1000000xf32, #tpu.memory_space<hbm>> -> memref<32x128xf32, #tpu.memory_space<hbm>>
    %dma_start3A_91 = arith.constant 0 : i32
    %dma_start3A_92 = tpu.memref_slice %arg2[%dma_start3A_91, %multiple_of3A_88] : memref<32x1000000xf32, #tpu.memory_space<hbm>> -> memref<32x128xf32, #tpu.memory_space<hbm>>
    tpu.enqueue_dma source(%dma_start3A_92 : memref<32x128xf32, #tpu.memory_space<hbm>>) target(%arg6 : memref<32x128xf32, #tpu.memory_space<vmem>>) target_semaphore(%arg10 : memref<!tpu.dma_semaphore, #tpu.memory_space<semaphore_mem>>)
    %scan3A = arith.constant 0 : i32
    %scan3A_93 = arith.constant 122 : i32
    %scan3A_94 = arith.addi %scan3A, %scan3A_93 : i32
    %scan3A_95 = arith.constant 1 : i32
    scf.for %scan3A_110 = %scan3A to %scan3A_94 step %scan3A_95  : i32 {
      %mul3A_111 = arith.constant 2 : i32
      %mul3A_112 = arith.muli %scan3A_110, %mul3A_111 : i32
      %add3A_113 = arith.constant 0 : i32
      %add3A_114 = arith.addi %add3A_113, %mul3A_112 : i32
      %add3A_115 = arith.constant 0 : i32
      %add3A_116 = arith.addi %add3A_114, %add3A_115 : i32
      %mul3A_117 = arith.constant 32 : i32
      %mul3A_118 = arith.muli %add3A_116, %mul3A_117 : i32
      %add3A_119 = arith.addi %add3A, %mul3A_118 : i32
      %dma_wait3A_120 = arith.constant 0 : i32
      %dma_wait3A_121 = arith.constant 0 : i32
      %dma_wait3A_122 = tpu.memref_slice %arg2[%dma_wait3A_120, %dma_wait3A_121] : memref<32x1000000xf32, #tpu.memory_space<hbm>> -> memref<32x128xf32, #tpu.memory_space<hbm>>
      %dma_wait3A_123 = arith.constant 0 : i32
      %dma_wait3A_124 = arith.constant 0 : i32
      %dma_wait3A_125 = tpu.memref_slice %arg2[%dma_wait3A_123, %dma_wait3A_124] : memref<32x1000000xf32, #tpu.memory_space<hbm>> -> memref<32x128xf32, #tpu.memory_space<hbm>>
      tpu.wait_dma2 semaphore(%arg9 : memref<!tpu.dma_semaphore, #tpu.memory_space<semaphore_mem>>) src(%dma_wait3A_125 : memref<32x128xf32, #tpu.memory_space<hbm>>) dst(%arg5 : memref<32x128xf32, #tpu.memory_space<vmem>>)
      %gt3A = arith.constant 0 : i32
      %gt3A_126 = arith.cmpi sgt, %add3A_114, %gt3A : i32
      %convert_element_type3A_127 = arith.extui %gt3A_126 : i1 to i32
      %cond3A_128 = arith.constant 0 : i32
      %cond3A_129 = arith.cmpi ne, %convert_element_type3A_127, %cond3A_128 : i32
      scf.if %cond3A_129 {
        %dma_wait3A_178 = arith.constant 0 : i32
        %dma_wait3A_179 = tpu.memref_slice %arg4[%dma_wait3A_178] : memref<32000000xf32, #tpu.memory_space<hbm>> -> memref<4096xf32, #tpu.memory_space<hbm>>
        %dma_wait3A_180 = arith.constant 0 : i32
        %dma_wait3A_181 = tpu.memref_slice %arg4[%dma_wait3A_180] : memref<32000000xf32, #tpu.memory_space<hbm>> -> memref<4096xf32, #tpu.memory_space<hbm>>
        tpu.wait_dma2 semaphore(%arg11 : memref<!tpu.dma_semaphore, #tpu.memory_space<semaphore_mem>>) src(%arg7 : memref<4096xf32, #tpu.memory_space<vmem>>) dst(%dma_wait3A_181 : memref<4096xf32, #tpu.memory_space<hbm>>)
      } else {
      }
      %scan3A_130 = arith.constant 0 : i32
      %scan3A_131 = arith.constant 16 : i32
      %scan3A_132 = arith.addi %scan3A_130, %scan3A_131 : i32
      %scan3A_133 = arith.constant 1 : i32
      scf.for %scan3A_178 = %scan3A_130 to %scan3A_132 step %scan3A_133  : i32 {
        %mul3A_179 = arith.constant 1 : i32
        %mul3A_180 = arith.muli %scan3A_178, %mul3A_179 : i32
        %add3A_181 = arith.constant 0 : i32
        %add3A_182 = arith.addi %add3A_181, %mul3A_180 : i32
        %add3A_183 = vector.broadcast %add3A_182 : i32 to vector<16xi32>
        %add3A_184 = arith.addi %iota3A_4, %add3A_183 : vector<16xi32>
        %and3A = arith.constant 15 : i32
        %and3A_185 = vector.broadcast %and3A : i32 to vector<16xi32>
        %and3A_186 = arith.andi %add3A_184, %and3A_185 : vector<16xi32>
        %add3A_187 = arith.constant 0 : i32
        %add3A_188 = vector.broadcast %add3A_187 : i32 to vector<16xi32>
        %add3A_189 = arith.addi %add3A_188, %and3A_186 : vector<16xi32>
        %gather3A = tpu.vector_load_idx %arg5[%add3A_189, %add3A_7] : memref<32x128xf32, #tpu.memory_space<vmem>>[vector<16xi32>, vector<16xi32>], vector<16xf32>,
        %add3A_190 = arith.addi %mul3A_34, %add3A_189 : vector<16xi32>
        tpu.vector_store_idx %arg7[%add3A_190], %gather3A : memref<4096xf32, #tpu.memory_space<vmem>>[vector<16xi32>], vector<16xf32>,
        %gather3A_191 = tpu.vector_load_idx %arg5[%add3A_189, %add3A_10] : memref<32x128xf32, #tpu.memory_space<vmem>>[vector<16xi32>, vector<16xi32>], vector<16xf32>,
        %add3A_192 = arith.addi %mul3A_40, %add3A_189 : vector<16xi32>
        tpu.vector_store_idx %arg7[%add3A_192], %gather3A_191 : memref<4096xf32, #tpu.memory_space<vmem>>[vector<16xi32>], vector<16xf32>,
        %gather3A_193 = tpu.vector_load_idx %arg5[%add3A_189, %add3A_13] : memref<32x128xf32, #tpu.memory_space<vmem>>[vector<16xi32>, vector<16xi32>], vector<16xf32>,
        %add3A_194 = arith.addi %mul3A_46, %add3A_189 : vector<16xi32>
        tpu.vector_store_idx %arg7[%add3A_194], %gather3A_193 : memref<4096xf32, #tpu.memory_space<vmem>>[vector<16xi32>], vector<16xf32>,
        %gather3A_195 = tpu.vector_load_idx %arg5[%add3A_189, %add3A_16] : memref<32x128xf32, #tpu.memory_space<vmem>>[vector<16xi32>, vector<16xi32>], vector<16xf32>,
        %add3A_196 = arith.addi %mul3A_52, %add3A_189 : vector<16xi32>
        tpu.vector_store_idx %arg7[%add3A_196], %gather3A_195 : memref<4096xf32, #tpu.memory_space<vmem>>[vector<16xi32>], vector<16xf32>,
        %gather3A_197 = tpu.vector_load_idx %arg5[%add3A_189, %add3A_19] : memref<32x128xf32, #tpu.memory_space<vmem>>[vector<16xi32>, vector<16xi32>], vector<16xf32>,
        %add3A_198 = arith.addi %mul3A_58, %add3A_189 : vector<16xi32>
        tpu.vector_store_idx %arg7[%add3A_198], %gather3A_197 : memref<4096xf32, #tpu.memory_space<vmem>>[vector<16xi32>], vector<16xf32>,
        %gather3A_199 = tpu.vector_load_idx %arg5[%add3A_189, %add3A_22] : memref<32x128xf32, #tpu.memory_space<vmem>>[vector<16xi32>, vector<16xi32>], vector<16xf32>,
        %add3A_200 = arith.addi %mul3A_64, %add3A_189 : vector<16xi32>
        tpu.vector_store_idx %arg7[%add3A_200], %gather3A_199 : memref<4096xf32, #tpu.memory_space<vmem>>[vector<16xi32>], vector<16xf32>,
        %gather3A_201 = tpu.vector_load_idx %arg5[%add3A_189, %add3A_25] : memref<32x128xf32, #tpu.memory_space<vmem>>[vector<16xi32>, vector<16xi32>], vector<16xf32>,
        %add3A_202 = arith.addi %mul3A_70, %add3A_189 : vector<16xi32>
        tpu.vector_store_idx %arg7[%add3A_202], %gather3A_201 : memref<4096xf32, #tpu.memory_space<vmem>>[vector<16xi32>], vector<16xf32>,
        %gather3A_203 = tpu.vector_load_idx %arg5[%add3A_189, %add3A_28] : memref<32x128xf32, #tpu.memory_space<vmem>>[vector<16xi32>, vector<16xi32>], vector<16xf32>,
        %add3A_204 = arith.addi %mul3A_76, %add3A_189 : vector<16xi32>
        tpu.vector_store_idx %arg7[%add3A_204], %gather3A_203 : memref<4096xf32, #tpu.memory_space<vmem>>[vector<16xi32>], vector<16xf32>,
        %add3A_205 = arith.constant 16 : i32
        %add3A_206 = vector.broadcast %add3A_205 : i32 to vector<16xi32>
        %add3A_207 = arith.addi %add3A_206, %and3A_186 : vector<16xi32>
        %gather3A_208 = tpu.vector_load_idx %arg5[%add3A_207, %add3A_7] : memref<32x128xf32, #tpu.memory_space<vmem>>[vector<16xi32>, vector<16xi32>], vector<16xf32>,
        %add3A_209 = arith.addi %mul3A_34, %add3A_207 : vector<16xi32>
        tpu.vector_store_idx %arg7[%add3A_209], %gather3A_208 : memref<4096xf32, #tpu.memory_space<vmem>>[vector<16xi32>], vector<16xf32>,
        %gather3A_210 = tpu.vector_load_idx %arg5[%add3A_207, %add3A_10] : memref<32x128xf32, #tpu.memory_space<vmem>>[vector<16xi32>, vector<16xi32>], vector<16xf32>,
        %add3A_211 = arith.addi %mul3A_40, %add3A_207 : vector<16xi32>
        tpu.vector_store_idx %arg7[%add3A_211], %gather3A_210 : memref<4096xf32, #tpu.memory_space<vmem>>[vector<16xi32>], vector<16xf32>,
        %gather3A_212 = tpu.vector_load_idx %arg5[%add3A_207, %add3A_13] : memref<32x128xf32, #tpu.memory_space<vmem>>[vector<16xi32>, vector<16xi32>], vector<16xf32>,
        %add3A_213 = arith.addi %mul3A_46, %add3A_207 : vector<16xi32>
        tpu.vector_store_idx %arg7[%add3A_213], %gather3A_212 : memref<4096xf32, #tpu.memory_space<vmem>>[vector<16xi32>], vector<16xf32>,
        %gather3A_214 = tpu.vector_load_idx %arg5[%add3A_207, %add3A_16] : memref<32x128xf32, #tpu.memory_space<vmem>>[vector<16xi32>, vector<16xi32>], vector<16xf32>,
        %add3A_215 = arith.addi %mul3A_52, %add3A_207 : vector<16xi32>
        tpu.vector_store_idx %arg7[%add3A_215], %gather3A_214 : memref<4096xf32, #tpu.memory_space<vmem>>[vector<16xi32>], vector<16xf32>,
        %gather3A_216 = tpu.vector_load_idx %arg5[%add3A_207, %add3A_19] : memref<32x128xf32, #tpu.memory_space<vmem>>[vector<16xi32>, vector<16xi32>], vector<16xf32>,
        %add3A_217 = arith.addi %mul3A_58, %add3A_207 : vector<16xi32>
        tpu.vector_store_idx %arg7[%add3A_217], %gather3A_216 : memref<4096xf32, #tpu.memory_space<vmem>>[vector<16xi32>], vector<16xf32>,
        %gather3A_218 = tpu.vector_load_idx %arg5[%add3A_207, %add3A_22] : memref<32x128xf32, #tpu.memory_space<vmem>>[vector<16xi32>, vector<16xi32>], vector<16xf32>,
        %add3A_219 = arith.addi %mul3A_64, %add3A_207 : vector<16xi32>
        tpu.vector_store_idx %arg7[%add3A_219], %gather3A_218 : memref<4096xf32, #tpu.memory_space<vmem>>[vector<16xi32>], vector<16xf32>,
        %gather3A_220 = tpu.vector_load_idx %arg5[%add3A_207, %add3A_25] : memref<32x128xf32, #tpu.memory_space<vmem>>[vector<16xi32>, vector<16xi32>], vector<16xf32>,
        %add3A_221 = arith.addi %mul3A_70, %add3A_207 : vector<16xi32>
        tpu.vector_store_idx %arg7[%add3A_221], %gather3A_220 : memref<4096xf32, #tpu.memory_space<vmem>>[vector<16xi32>], vector<16xf32>,
        %gather3A_222 = tpu.vector_load_idx %arg5[%add3A_207, %add3A_28] : memref<32x128xf32, #tpu.memory_space<vmem>>[vector<16xi32>, vector<16xi32>], vector<16xf32>,
        %add3A_223 = arith.addi %mul3A_76, %add3A_207 : vector<16xi32>
        tpu.vector_store_idx %arg7[%add3A_223], %gather3A_222 : memref<4096xf32, #tpu.memory_space<vmem>>[vector<16xi32>], vector<16xf32>,
      }
      %scan3A_134 = arith.constant 16 : i32
      %mul3A_135 = arith.constant 4096 : i32
      %mul3A_136 = arith.muli %add3A_119, %mul3A_135 : i32
      %dma_start3A_137 = tpu.memref_slice %arg4[%mul3A_136] : memref<32000000xf32, #tpu.memory_space<hbm>> -> memref<4096xf32, #tpu.memory_space<hbm>>
      %dma_start3A_138 = tpu.memref_slice %arg4[%mul3A_136] : memref<32000000xf32, #tpu.memory_space<hbm>> -> memref<4096xf32, #tpu.memory_space<hbm>>
      tpu.enqueue_dma source(%arg7 : memref<4096xf32, #tpu.memory_space<vmem>>) target(%dma_start3A_138 : memref<4096xf32, #tpu.memory_space<hbm>>) target_semaphore(%arg11 : memref<!tpu.dma_semaphore, #tpu.memory_space<semaphore_mem>>)
      %add3A_139 = arith.constant 2 : i32
      %add3A_140 = arith.addi %add3A_116, %add3A_139 : i32
      %lt3A_141 = arith.constant 244 : i32
      %lt3A_142 = arith.cmpi slt, %add3A_140, %lt3A_141 : i32
      %convert_element_type3A_143 = arith.extui %lt3A_142 : i1 to i32
      %cond3A_144 = arith.constant 0 : i32
      %cond3A_145 = arith.cmpi ne, %convert_element_type3A_143, %cond3A_144 : i32
      scf.if %cond3A_145 {
        %add3A_178 = arith.constant 2 : i32
        %add3A_179 = arith.addi %add3A_116, %add3A_178 : i32
        %mul3A_180 = arith.constant 32 : i32
        %mul3A_181 = arith.muli %add3A_179, %mul3A_180 : i32
        %add3A_182 = arith.addi %add3A, %mul3A_181 : i32
        %mul3A_183 = arith.constant 128 : i32
        %mul3A_184 = arith.muli %add3A_182, %mul3A_183 : i32
        %multiple_of3A_185 = tpu.assume_multiple %mul3A_184, 128 : i32
        %dma_start3A_186 = arith.constant 0 : i32
        %dma_start3A_187 = tpu.memref_slice %arg2[%dma_start3A_186, %multiple_of3A_185] : memref<32x1000000xf32, #tpu.memory_space<hbm>> -> memref<32x128xf32, #tpu.memory_space<hbm>>
        %dma_start3A_188 = arith.constant 0 : i32
        %dma_start3A_189 = tpu.memref_slice %arg2[%dma_start3A_188, %multiple_of3A_185] : memref<32x1000000xf32, #tpu.memory_space<hbm>> -> memref<32x128xf32, #tpu.memory_space<hbm>>
        tpu.enqueue_dma source(%dma_start3A_189 : memref<32x128xf32, #tpu.memory_space<hbm>>) target(%arg5 : memref<32x128xf32, #tpu.memory_space<vmem>>) target_semaphore(%arg9 : memref<!tpu.dma_semaphore, #tpu.memory_space<semaphore_mem>>)
      } else {
      }
      %add3A_146 = arith.constant 1 : i32
      %add3A_147 = arith.addi %add3A_114, %add3A_146 : i32
      %mul3A_148 = arith.constant 32 : i32
      %mul3A_149 = arith.muli %add3A_147, %mul3A_148 : i32
      %add3A_150 = arith.addi %add3A, %mul3A_149 : i32
      %dma_wait3A_151 = arith.constant 0 : i32
      %dma_wait3A_152 = arith.constant 0 : i32
      %dma_wait3A_153 = tpu.memref_slice %arg2[%dma_wait3A_151, %dma_wait3A_152] : memref<32x1000000xf32, #tpu.memory_space<hbm>> -> memref<32x128xf32, #tpu.memory_space<hbm>>
      %dma_wait3A_154 = arith.constant 0 : i32
      %dma_wait3A_155 = arith.constant 0 : i32
      %dma_wait3A_156 = tpu.memref_slice %arg2[%dma_wait3A_154, %dma_wait3A_155] : memref<32x1000000xf32, #tpu.memory_space<hbm>> -> memref<32x128xf32, #tpu.memory_space<hbm>>
      tpu.wait_dma2 semaphore(%arg10 : memref<!tpu.dma_semaphore, #tpu.memory_space<semaphore_mem>>) src(%dma_wait3A_156 : memref<32x128xf32, #tpu.memory_space<hbm>>) dst(%arg6 : memref<32x128xf32, #tpu.memory_space<vmem>>)
      %gt3A_157 = arith.constant 0 : i32
      %gt3A_158 = arith.cmpi sgt, %add3A_114, %gt3A_157 : i32
      %convert_element_type3A_159 = arith.extui %gt3A_158 : i1 to i32
      %cond3A_160 = arith.constant 0 : i32
      %cond3A_161 = arith.cmpi ne, %convert_element_type3A_159, %cond3A_160 : i32
      scf.if %cond3A_161 {
        %dma_wait3A_178 = arith.constant 0 : i32
        %dma_wait3A_179 = tpu.memref_slice %arg4[%dma_wait3A_178] : memref<32000000xf32, #tpu.memory_space<hbm>> -> memref<4096xf32, #tpu.memory_space<hbm>>
        %dma_wait3A_180 = arith.constant 0 : i32
        %dma_wait3A_181 = tpu.memref_slice %arg4[%dma_wait3A_180] : memref<32000000xf32, #tpu.memory_space<hbm>> -> memref<4096xf32, #tpu.memory_space<hbm>>
        tpu.wait_dma2 semaphore(%arg12 : memref<!tpu.dma_semaphore, #tpu.memory_space<semaphore_mem>>) src(%arg8 : memref<4096xf32, #tpu.memory_space<vmem>>) dst(%dma_wait3A_181 : memref<4096xf32, #tpu.memory_space<hbm>>)
      } else {
      }
      %scan3A_162 = arith.constant 0 : i32
      %scan3A_163 = arith.constant 16 : i32
      %scan3A_164 = arith.addi %scan3A_162, %scan3A_163 : i32
      %scan3A_165 = arith.constant 1 : i32
      scf.for %scan3A_178 = %scan3A_162 to %scan3A_164 step %scan3A_165  : i32 {
        %mul3A_179 = arith.constant 1 : i32
        %mul3A_180 = arith.muli %scan3A_178, %mul3A_179 : i32
        %add3A_181 = arith.constant 0 : i32
        %add3A_182 = arith.addi %add3A_181, %mul3A_180 : i32
        %add3A_183 = vector.broadcast %add3A_182 : i32 to vector<16xi32>
        %add3A_184 = arith.addi %iota3A_4, %add3A_183 : vector<16xi32>
        %and3A = arith.constant 15 : i32
        %and3A_185 = vector.broadcast %and3A : i32 to vector<16xi32>
        %and3A_186 = arith.andi %add3A_184, %and3A_185 : vector<16xi32>
        %add3A_187 = arith.constant 0 : i32
        %add3A_188 = vector.broadcast %add3A_187 : i32 to vector<16xi32>
        %add3A_189 = arith.addi %add3A_188, %and3A_186 : vector<16xi32>
        %gather3A = tpu.vector_load_idx %arg6[%add3A_189, %add3A_7] : memref<32x128xf32, #tpu.memory_space<vmem>>[vector<16xi32>, vector<16xi32>], vector<16xf32>,
        %add3A_190 = arith.addi %mul3A_34, %add3A_189 : vector<16xi32>
        tpu.vector_store_idx %arg8[%add3A_190], %gather3A : memref<4096xf32, #tpu.memory_space<vmem>>[vector<16xi32>], vector<16xf32>,
        %gather3A_191 = tpu.vector_load_idx %arg6[%add3A_189, %add3A_10] : memref<32x128xf32, #tpu.memory_space<vmem>>[vector<16xi32>, vector<16xi32>], vector<16xf32>,
        %add3A_192 = arith.addi %mul3A_40, %add3A_189 : vector<16xi32>
        tpu.vector_store_idx %arg8[%add3A_192], %gather3A_191 : memref<4096xf32, #tpu.memory_space<vmem>>[vector<16xi32>], vector<16xf32>,
        %gather3A_193 = tpu.vector_load_idx %arg6[%add3A_189, %add3A_13] : memref<32x128xf32, #tpu.memory_space<vmem>>[vector<16xi32>, vector<16xi32>], vector<16xf32>,
        %add3A_194 = arith.addi %mul3A_46, %add3A_189 : vector<16xi32>
        tpu.vector_store_idx %arg8[%add3A_194], %gather3A_193 : memref<4096xf32, #tpu.memory_space<vmem>>[vector<16xi32>], vector<16xf32>,
        %gather3A_195 = tpu.vector_load_idx %arg6[%add3A_189, %add3A_16] : memref<32x128xf32, #tpu.memory_space<vmem>>[vector<16xi32>, vector<16xi32>], vector<16xf32>,
        %add3A_196 = arith.addi %mul3A_52, %add3A_189 : vector<16xi32>
        tpu.vector_store_idx %arg8[%add3A_196], %gather3A_195 : memref<4096xf32, #tpu.memory_space<vmem>>[vector<16xi32>], vector<16xf32>,
        %gather3A_197 = tpu.vector_load_idx %arg6[%add3A_189, %add3A_19] : memref<32x128xf32, #tpu.memory_space<vmem>>[vector<16xi32>, vector<16xi32>], vector<16xf32>,
        %add3A_198 = arith.addi %mul3A_58, %add3A_189 : vector<16xi32>
        tpu.vector_store_idx %arg8[%add3A_198], %gather3A_197 : memref<4096xf32, #tpu.memory_space<vmem>>[vector<16xi32>], vector<16xf32>,
        %gather3A_199 = tpu.vector_load_idx %arg6[%add3A_189, %add3A_22] : memref<32x128xf32, #tpu.memory_space<vmem>>[vector<16xi32>, vector<16xi32>], vector<16xf32>,
        %add3A_200 = arith.addi %mul3A_64, %add3A_189 : vector<16xi32>
        tpu.vector_store_idx %arg8[%add3A_200], %gather3A_199 : memref<4096xf32, #tpu.memory_space<vmem>>[vector<16xi32>], vector<16xf32>,
        %gather3A_201 = tpu.vector_load_idx %arg6[%add3A_189, %add3A_25] : memref<32x128xf32, #tpu.memory_space<vmem>>[vector<16xi32>, vector<16xi32>], vector<16xf32>,
        %add3A_202 = arith.addi %mul3A_70, %add3A_189 : vector<16xi32>
        tpu.vector_store_idx %arg8[%add3A_202], %gather3A_201 : memref<4096xf32, #tpu.memory_space<vmem>>[vector<16xi32>], vector<16xf32>,
        %gather3A_203 = tpu.vector_load_idx %arg6[%add3A_189, %add3A_28] : memref<32x128xf32, #tpu.memory_space<vmem>>[vector<16xi32>, vector<16xi32>], vector<16xf32>,
        %add3A_204 = arith.addi %mul3A_76, %add3A_189 : vector<16xi32>
        tpu.vector_store_idx %arg8[%add3A_204], %gather3A_203 : memref<4096xf32, #tpu.memory_space<vmem>>[vector<16xi32>], vector<16xf32>,
        %add3A_205 = arith.constant 16 : i32
        %add3A_206 = vector.broadcast %add3A_205 : i32 to vector<16xi32>
        %add3A_207 = arith.addi %add3A_206, %and3A_186 : vector<16xi32>
        %gather3A_208 = tpu.vector_load_idx %arg6[%add3A_207, %add3A_7] : memref<32x128xf32, #tpu.memory_space<vmem>>[vector<16xi32>, vector<16xi32>], vector<16xf32>,
        %add3A_209 = arith.addi %mul3A_34, %add3A_207 : vector<16xi32>
        tpu.vector_store_idx %arg8[%add3A_209], %gather3A_208 : memref<4096xf32, #tpu.memory_space<vmem>>[vector<16xi32>], vector<16xf32>,
        %gather3A_210 = tpu.vector_load_idx %arg6[%add3A_207, %add3A_10] : memref<32x128xf32, #tpu.memory_space<vmem>>[vector<16xi32>, vector<16xi32>], vector<16xf32>,
        %add3A_211 = arith.addi %mul3A_40, %add3A_207 : vector<16xi32>
        tpu.vector_store_idx %arg8[%add3A_211], %gather3A_210 : memref<4096xf32, #tpu.memory_space<vmem>>[vector<16xi32>], vector<16xf32>,
        %gather3A_212 = tpu.vector_load_idx %arg6[%add3A_207, %add3A_13] : memref<32x128xf32, #tpu.memory_space<vmem>>[vector<16xi32>, vector<16xi32>], vector<16xf32>,
        %add3A_213 = arith.addi %mul3A_46, %add3A_207 : vector<16xi32>
        tpu.vector_store_idx %arg8[%add3A_213], %gather3A_212 : memref<4096xf32, #tpu.memory_space<vmem>>[vector<16xi32>], vector<16xf32>,
        %gather3A_214 = tpu.vector_load_idx %arg6[%add3A_207, %add3A_16] : memref<32x128xf32, #tpu.memory_space<vmem>>[vector<16xi32>, vector<16xi32>], vector<16xf32>,
        %add3A_215 = arith.addi %mul3A_52, %add3A_207 : vector<16xi32>
        tpu.vector_store_idx %arg8[%add3A_215], %gather3A_214 : memref<4096xf32, #tpu.memory_space<vmem>>[vector<16xi32>], vector<16xf32>,
        %gather3A_216 = tpu.vector_load_idx %arg6[%add3A_207, %add3A_19] : memref<32x128xf32, #tpu.memory_space<vmem>>[vector<16xi32>, vector<16xi32>], vector<16xf32>,
        %add3A_217 = arith.addi %mul3A_58, %add3A_207 : vector<16xi32>
        tpu.vector_store_idx %arg8[%add3A_217], %gather3A_216 : memref<4096xf32, #tpu.memory_space<vmem>>[vector<16xi32>], vector<16xf32>,
        %gather3A_218 = tpu.vector_load_idx %arg6[%add3A_207, %add3A_22] : memref<32x128xf32, #tpu.memory_space<vmem>>[vector<16xi32>, vector<16xi32>], vector<16xf32>,
        %add3A_219 = arith.addi %mul3A_64, %add3A_207 : vector<16xi32>
        tpu.vector_store_idx %arg8[%add3A_219], %gather3A_218 : memref<4096xf32, #tpu.memory_space<vmem>>[vector<16xi32>], vector<16xf32>,
        %gather3A_220 = tpu.vector_load_idx %arg6[%add3A_207, %add3A_25] : memref<32x128xf32, #tpu.memory_space<vmem>>[vector<16xi32>, vector<16xi32>], vector<16xf32>,
        %add3A_221 = arith.addi %mul3A_70, %add3A_207 : vector<16xi32>
        tpu.vector_store_idx %arg8[%add3A_221], %gather3A_220 : memref<4096xf32, #tpu.memory_space<vmem>>[vector<16xi32>], vector<16xf32>,
        %gather3A_222 = tpu.vector_load_idx %arg6[%add3A_207, %add3A_28] : memref<32x128xf32, #tpu.memory_space<vmem>>[vector<16xi32>, vector<16xi32>], vector<16xf32>,
        %add3A_223 = arith.addi %mul3A_76, %add3A_207 : vector<16xi32>
        tpu.vector_store_idx %arg8[%add3A_223], %gather3A_222 : memref<4096xf32, #tpu.memory_space<vmem>>[vector<16xi32>], vector<16xf32>,
      }
      %scan3A_166 = arith.constant 16 : i32
      %mul3A_167 = arith.constant 4096 : i32
      %mul3A_168 = arith.muli %add3A_150, %mul3A_167 : i32
      %dma_start3A_169 = tpu.memref_slice %arg4[%mul3A_168] : memref<32000000xf32, #tpu.memory_space<hbm>> -> memref<4096xf32, #tpu.memory_space<hbm>>
      %dma_start3A_170 = tpu.memref_slice %arg4[%mul3A_168] : memref<32000000xf32, #tpu.memory_space<hbm>> -> memref<4096xf32, #tpu.memory_space<hbm>>
      tpu.enqueue_dma source(%arg8 : memref<4096xf32, #tpu.memory_space<vmem>>) target(%dma_start3A_170 : memref<4096xf32, #tpu.memory_space<hbm>>) target_semaphore(%arg12 : memref<!tpu.dma_semaphore, #tpu.memory_space<semaphore_mem>>)
      %add3A_171 = arith.constant 2 : i32
      %add3A_172 = arith.addi %add3A_147, %add3A_171 : i32
      %lt3A_173 = arith.constant 244 : i32
      %lt3A_174 = arith.cmpi slt, %add3A_172, %lt3A_173 : i32
      %convert_element_type3A_175 = arith.extui %lt3A_174 : i1 to i32
      %cond3A_176 = arith.constant 0 : i32
      %cond3A_177 = arith.cmpi ne, %convert_element_type3A_175, %cond3A_176 : i32
      scf.if %cond3A_177 {
        %add3A_178 = arith.constant 2 : i32
        %add3A_179 = arith.addi %add3A_147, %add3A_178 : i32
        %mul3A_180 = arith.constant 32 : i32
        %mul3A_181 = arith.muli %add3A_179, %mul3A_180 : i32
        %add3A_182 = arith.addi %add3A, %mul3A_181 : i32
        %mul3A_183 = arith.constant 128 : i32
        %mul3A_184 = arith.muli %add3A_182, %mul3A_183 : i32
        %multiple_of3A_185 = tpu.assume_multiple %mul3A_184, 128 : i32
        %dma_start3A_186 = arith.constant 0 : i32
        %dma_start3A_187 = tpu.memref_slice %arg2[%dma_start3A_186, %multiple_of3A_185] : memref<32x1000000xf32, #tpu.memory_space<hbm>> -> memref<32x128xf32, #tpu.memory_space<hbm>>
        %dma_start3A_188 = arith.constant 0 : i32
        %dma_start3A_189 = tpu.memref_slice %arg2[%dma_start3A_188, %multiple_of3A_185] : memref<32x1000000xf32, #tpu.memory_space<hbm>> -> memref<32x128xf32, #tpu.memory_space<hbm>>
        tpu.enqueue_dma source(%dma_start3A_189 : memref<32x128xf32, #tpu.memory_space<hbm>>) target(%arg6 : memref<32x128xf32, #tpu.memory_space<vmem>>) target_semaphore(%arg10 : memref<!tpu.dma_semaphore, #tpu.memory_space<semaphore_mem>>)
      } else {
      }
    }
    %scan3A_96 = arith.constant 122 : i32
    %dma_wait3A = arith.constant 0 : i32
    %dma_wait3A_97 = tpu.memref_slice %arg4[%dma_wait3A] : memref<32000000xf32, #tpu.memory_space<hbm>> -> memref<4096xf32, #tpu.memory_space<hbm>>
    %dma_wait3A_98 = arith.constant 0 : i32
    %dma_wait3A_99 = tpu.memref_slice %arg4[%dma_wait3A_98] : memref<32000000xf32, #tpu.memory_space<hbm>> -> memref<4096xf32, #tpu.memory_space<hbm>>
    tpu.wait_dma2 semaphore(%arg11 : memref<!tpu.dma_semaphore, #tpu.memory_space<semaphore_mem>>) src(%arg7 : memref<4096xf32, #tpu.memory_space<vmem>>) dst(%dma_wait3A_99 : memref<4096xf32, #tpu.memory_space<hbm>>)
    %dma_wait3A_100 = arith.constant 0 : i32
    %dma_wait3A_101 = tpu.memref_slice %arg4[%dma_wait3A_100] : memref<32000000xf32, #tpu.memory_space<hbm>> -> memref<4096xf32, #tpu.memory_space<hbm>>
    %dma_wait3A_102 = arith.constant 0 : i32
    %dma_wait3A_103 = tpu.memref_slice %arg4[%dma_wait3A_102] : memref<32000000xf32, #tpu.memory_space<hbm>> -> memref<4096xf32, #tpu.memory_space<hbm>>
    tpu.wait_dma2 semaphore(%arg12 : memref<!tpu.dma_semaphore, #tpu.memory_space<semaphore_mem>>) src(%arg8 : memref<4096xf32, #tpu.memory_space<vmem>>) dst(%dma_wait3A_103 : memref<4096xf32, #tpu.memory_space<hbm>>)
    %lt3A = arith.constant 4 : i32
    %lt3A_104 = arith.cmpi slt, %add3A, %lt3A : i32
    %convert_element_type3A = arith.extui %lt3A_104 : i1 to i32
    %cond3A = arith.constant 0 : i32
    %cond3A_105 = arith.cmpi ne, %convert_element_type3A, %cond3A : i32
    scf.if %cond3A_105 {
      %add3A_110 = arith.constant 7808 : i32
      %add3A_111 = arith.addi %add3A, %add3A_110 : i32
      %mul3A_112 = arith.constant 128 : i32
      %mul3A_113 = arith.muli %add3A_111, %mul3A_112 : i32
      %multiple_of3A_114 = tpu.assume_multiple %mul3A_113, 128 : i32
      "tpu.region"() ({
        %run_scoped3A = tpu.sem_alloc : memref<!tpu.dma_semaphore, #tpu.memory_space<semaphore_mem>>
        %dma_start3A_122 = arith.constant 0 : i32
        %dma_start3A_123 = tpu.memref_slice %arg2[%dma_start3A_122, %multiple_of3A_114] : memref<32x1000000xf32, #tpu.memory_space<hbm>> -> memref<32x128xf32, #tpu.memory_space<hbm>>
        %dma_start3A_124 = arith.constant 0 : i32
        %dma_start3A_125 = tpu.memref_slice %arg2[%dma_start3A_124, %multiple_of3A_114] : memref<32x1000000xf32, #tpu.memory_space<hbm>> -> memref<32x128xf32, #tpu.memory_space<hbm>>
        tpu.enqueue_dma source(%dma_start3A_125 : memref<32x128xf32, #tpu.memory_space<hbm>>) target(%arg5 : memref<32x128xf32, #tpu.memory_space<vmem>>) target_semaphore(%run_scoped3A : memref<!tpu.dma_semaphore, #tpu.memory_space<semaphore_mem>>)
        %dma_wait3A_126 = arith.constant 0 : i32
        %dma_wait3A_127 = tpu.memref_slice %arg2[%dma_wait3A_126, %multiple_of3A_114] : memref<32x1000000xf32, #tpu.memory_space<hbm>> -> memref<32x128xf32, #tpu.memory_space<hbm>>
        %dma_wait3A_128 = arith.constant 0 : i32
        %dma_wait3A_129 = tpu.memref_slice %arg2[%dma_wait3A_128, %multiple_of3A_114] : memref<32x1000000xf32, #tpu.memory_space<hbm>> -> memref<32x128xf32, #tpu.memory_space<hbm>>
        tpu.wait_dma2 semaphore(%run_scoped3A : memref<!tpu.dma_semaphore, #tpu.memory_space<semaphore_mem>>) src(%dma_wait3A_129 : memref<32x128xf32, #tpu.memory_space<hbm>>) dst(%arg5 : memref<32x128xf32, #tpu.memory_space<vmem>>)
        tpu.yield
      }) : () -> ()
      %scan3A_115 = arith.constant 0 : i32
      %scan3A_116 = arith.constant 16 : i32
      %scan3A_117 = arith.addi %scan3A_115, %scan3A_116 : i32
      %scan3A_118 = arith.constant 1 : i32
      scf.for %scan3A_122 = %scan3A_115 to %scan3A_117 step %scan3A_118  : i32 {
        %mul3A_123 = arith.constant 1 : i32
        %mul3A_124 = arith.muli %scan3A_122, %mul3A_123 : i32
        %add3A_125 = arith.constant 0 : i32
        %add3A_126 = arith.addi %add3A_125, %mul3A_124 : i32
        %add3A_127 = vector.broadcast %add3A_126 : i32 to vector<16xi32>
        %add3A_128 = arith.addi %iota3A_4, %add3A_127 : vector<16xi32>
        %and3A = arith.constant 15 : i32
        %and3A_129 = vector.broadcast %and3A : i32 to vector<16xi32>
        %and3A_130 = arith.andi %add3A_128, %and3A_129 : vector<16xi32>
        %add3A_131 = arith.constant 0 : i32
        %add3A_132 = vector.broadcast %add3A_131 : i32 to vector<16xi32>
        %add3A_133 = arith.addi %add3A_132, %and3A_130 : vector<16xi32>
        %gather3A = tpu.vector_load_idx %arg5[%add3A_133, %add3A_7] : memref<32x128xf32, #tpu.memory_space<vmem>>[vector<16xi32>, vector<16xi32>], vector<16xf32>,
        %add3A_134 = arith.addi %mul3A_34, %add3A_133 : vector<16xi32>
        tpu.vector_store_idx %arg7[%add3A_134], %gather3A : memref<4096xf32, #tpu.memory_space<vmem>>[vector<16xi32>], vector<16xf32>,
        %gather3A_135 = tpu.vector_load_idx %arg5[%add3A_133, %add3A_10] : memref<32x128xf32, #tpu.memory_space<vmem>>[vector<16xi32>, vector<16xi32>], vector<16xf32>,
        %add3A_136 = arith.addi %mul3A_40, %add3A_133 : vector<16xi32>
        tpu.vector_store_idx %arg7[%add3A_136], %gather3A_135 : memref<4096xf32, #tpu.memory_space<vmem>>[vector<16xi32>], vector<16xf32>,
        %gather3A_137 = tpu.vector_load_idx %arg5[%add3A_133, %add3A_13] : memref<32x128xf32, #tpu.memory_space<vmem>>[vector<16xi32>, vector<16xi32>], vector<16xf32>,
        %add3A_138 = arith.addi %mul3A_46, %add3A_133 : vector<16xi32>
        tpu.vector_store_idx %arg7[%add3A_138], %gather3A_137 : memref<4096xf32, #tpu.memory_space<vmem>>[vector<16xi32>], vector<16xf32>,
        %gather3A_139 = tpu.vector_load_idx %arg5[%add3A_133, %add3A_16] : memref<32x128xf32, #tpu.memory_space<vmem>>[vector<16xi32>, vector<16xi32>], vector<16xf32>,
        %add3A_140 = arith.addi %mul3A_52, %add3A_133 : vector<16xi32>
        tpu.vector_store_idx %arg7[%add3A_140], %gather3A_139 : memref<4096xf32, #tpu.memory_space<vmem>>[vector<16xi32>], vector<16xf32>,
        %gather3A_141 = tpu.vector_load_idx %arg5[%add3A_133, %add3A_19] : memref<32x128xf32, #tpu.memory_space<vmem>>[vector<16xi32>, vector<16xi32>], vector<16xf32>,
        %add3A_142 = arith.addi %mul3A_58, %add3A_133 : vector<16xi32>
        tpu.vector_store_idx %arg7[%add3A_142], %gather3A_141 : memref<4096xf32, #tpu.memory_space<vmem>>[vector<16xi32>], vector<16xf32>,
        %gather3A_143 = tpu.vector_load_idx %arg5[%add3A_133, %add3A_22] : memref<32x128xf32, #tpu.memory_space<vmem>>[vector<16xi32>, vector<16xi32>], vector<16xf32>,
        %add3A_144 = arith.addi %mul3A_64, %add3A_133 : vector<16xi32>
        tpu.vector_store_idx %arg7[%add3A_144], %gather3A_143 : memref<4096xf32, #tpu.memory_space<vmem>>[vector<16xi32>], vector<16xf32>,
        %gather3A_145 = tpu.vector_load_idx %arg5[%add3A_133, %add3A_25] : memref<32x128xf32, #tpu.memory_space<vmem>>[vector<16xi32>, vector<16xi32>], vector<16xf32>,
        %add3A_146 = arith.addi %mul3A_70, %add3A_133 : vector<16xi32>
        tpu.vector_store_idx %arg7[%add3A_146], %gather3A_145 : memref<4096xf32, #tpu.memory_space<vmem>>[vector<16xi32>], vector<16xf32>,
        %gather3A_147 = tpu.vector_load_idx %arg5[%add3A_133, %add3A_28] : memref<32x128xf32, #tpu.memory_space<vmem>>[vector<16xi32>, vector<16xi32>], vector<16xf32>,
        %add3A_148 = arith.addi %mul3A_76, %add3A_133 : vector<16xi32>
        tpu.vector_store_idx %arg7[%add3A_148], %gather3A_147 : memref<4096xf32, #tpu.memory_space<vmem>>[vector<16xi32>], vector<16xf32>,
        %add3A_149 = arith.constant 16 : i32
        %add3A_150 = vector.broadcast %add3A_149 : i32 to vector<16xi32>
        %add3A_151 = arith.addi %add3A_150, %and3A_130 : vector<16xi32>
        %gather3A_152 = tpu.vector_load_idx %arg5[%add3A_151, %add3A_7] : memref<32x128xf32, #tpu.memory_space<vmem>>[vector<16xi32>, vector<16xi32>], vector<16xf32>,
        %add3A_153 = arith.addi %mul3A_34, %add3A_151 : vector<16xi32>
        tpu.vector_store_idx %arg7[%add3A_153], %gather3A_152 : memref<4096xf32, #tpu.memory_space<vmem>>[vector<16xi32>], vector<16xf32>,
        %gather3A_154 = tpu.vector_load_idx %arg5[%add3A_151, %add3A_10] : memref<32x128xf32, #tpu.memory_space<vmem>>[vector<16xi32>, vector<16xi32>], vector<16xf32>,
        %add3A_155 = arith.addi %mul3A_40, %add3A_151 : vector<16xi32>
        tpu.vector_store_idx %arg7[%add3A_155], %gather3A_154 : memref<4096xf32, #tpu.memory_space<vmem>>[vector<16xi32>], vector<16xf32>,
        %gather3A_156 = tpu.vector_load_idx %arg5[%add3A_151, %add3A_13] : memref<32x128xf32, #tpu.memory_space<vmem>>[vector<16xi32>, vector<16xi32>], vector<16xf32>,
        %add3A_157 = arith.addi %mul3A_46, %add3A_151 : vector<16xi32>
        tpu.vector_store_idx %arg7[%add3A_157], %gather3A_156 : memref<4096xf32, #tpu.memory_space<vmem>>[vector<16xi32>], vector<16xf32>,
        %gather3A_158 = tpu.vector_load_idx %arg5[%add3A_151, %add3A_16] : memref<32x128xf32, #tpu.memory_space<vmem>>[vector<16xi32>, vector<16xi32>], vector<16xf32>,
        %add3A_159 = arith.addi %mul3A_52, %add3A_151 : vector<16xi32>
        tpu.vector_store_idx %arg7[%add3A_159], %gather3A_158 : memref<4096xf32, #tpu.memory_space<vmem>>[vector<16xi32>], vector<16xf32>,
        %gather3A_160 = tpu.vector_load_idx %arg5[%add3A_151, %add3A_19] : memref<32x128xf32, #tpu.memory_space<vmem>>[vector<16xi32>, vector<16xi32>], vector<16xf32>,
        %add3A_161 = arith.addi %mul3A_58, %add3A_151 : vector<16xi32>
        tpu.vector_store_idx %arg7[%add3A_161], %gather3A_160 : memref<4096xf32, #tpu.memory_space<vmem>>[vector<16xi32>], vector<16xf32>,
        %gather3A_162 = tpu.vector_load_idx %arg5[%add3A_151, %add3A_22] : memref<32x128xf32, #tpu.memory_space<vmem>>[vector<16xi32>, vector<16xi32>], vector<16xf32>,
        %add3A_163 = arith.addi %mul3A_64, %add3A_151 : vector<16xi32>
        tpu.vector_store_idx %arg7[%add3A_163], %gather3A_162 : memref<4096xf32, #tpu.memory_space<vmem>>[vector<16xi32>], vector<16xf32>,
        %gather3A_164 = tpu.vector_load_idx %arg5[%add3A_151, %add3A_25] : memref<32x128xf32, #tpu.memory_space<vmem>>[vector<16xi32>, vector<16xi32>], vector<16xf32>,
        %add3A_165 = arith.addi %mul3A_70, %add3A_151 : vector<16xi32>
        tpu.vector_store_idx %arg7[%add3A_165], %gather3A_164 : memref<4096xf32, #tpu.memory_space<vmem>>[vector<16xi32>], vector<16xf32>,
        %gather3A_166 = tpu.vector_load_idx %arg5[%add3A_151, %add3A_28] : memref<32x128xf32, #tpu.memory_space<vmem>>[vector<16xi32>, vector<16xi32>], vector<16xf32>,
        %add3A_167 = arith.addi %mul3A_76, %add3A_151 : vector<16xi32>
        tpu.vector_store_idx %arg7[%add3A_167], %gather3A_166 : memref<4096xf32, #tpu.memory_space<vmem>>[vector<16xi32>], vector<16xf32>,
      }
      %scan3A_119 = arith.constant 16 : i32
      %mul3A_120 = arith.constant 4096 : i32
      %mul3A_121 = arith.muli %add3A_111, %mul3A_120 : i32
      "tpu.region"() ({
        %run_scoped3A = tpu.sem_alloc : memref<!tpu.dma_semaphore, #tpu.memory_space<semaphore_mem>>
        %dma_start3A_122 = tpu.memref_slice %arg4[%mul3A_121] : memref<32000000xf32, #tpu.memory_space<hbm>> -> memref<4096xf32, #tpu.memory_space<hbm>>
        %dma_start3A_123 = tpu.memref_slice %arg4[%mul3A_121] : memref<32000000xf32, #tpu.memory_space<hbm>> -> memref<4096xf32, #tpu.memory_space<hbm>>
        tpu.enqueue_dma source(%arg7 : memref<4096xf32, #tpu.memory_space<vmem>>) target(%dma_start3A_123 : memref<4096xf32, #tpu.memory_space<hbm>>) target_semaphore(%run_scoped3A : memref<!tpu.dma_semaphore, #tpu.memory_space<semaphore_mem>>)
        %dma_wait3A_124 = tpu.memref_slice %arg4[%mul3A_121] : memref<32000000xf32, #tpu.memory_space<hbm>> -> memref<4096xf32, #tpu.memory_space<hbm>>
        %dma_wait3A_125 = tpu.memref_slice %arg4[%mul3A_121] : memref<32000000xf32, #tpu.memory_space<hbm>> -> memref<4096xf32, #tpu.memory_space<hbm>>
        tpu.wait_dma2 semaphore(%run_scoped3A : memref<!tpu.dma_semaphore, #tpu.memory_space<semaphore_mem>>) src(%arg7 : memref<4096xf32, #tpu.memory_space<vmem>>) dst(%dma_wait3A_125 : memref<4096xf32, #tpu.memory_space<hbm>>)
        tpu.yield
      }) : () -> ()
    } else {
    }
    %eq3A = arith.constant 4 : i32
    %eq3A_106 = arith.cmpi eq, %add3A, %eq3A : i32
    %convert_element_type3A_107 = arith.extui %eq3A_106 : i1 to i32
    %cond3A_108 = arith.constant 0 : i32
    %cond3A_109 = arith.cmpi ne, %convert_element_type3A_107, %cond3A_108 : i32
    scf.if %cond3A_109 {
      "tpu.region"() ({
        %run_scoped3A = tpu.sem_alloc : memref<!tpu.dma_semaphore, #tpu.memory_space<semaphore_mem>>
        %dma_start3A_110 = arith.constant 31997952 : i32
        %dma_start3A_111 = tpu.memref_slice %arg4[%dma_start3A_110] : memref<32000000xf32, #tpu.memory_space<hbm>> -> memref<2048xf32, #tpu.memory_space<hbm>>
        tpu.enqueue_dma source(%arg3 : memref<2048xf32, #tpu.memory_space<hbm>>) target(%dma_start3A_111 : memref<2048xf32, #tpu.memory_space<hbm>>) target_semaphore(%run_scoped3A : memref<!tpu.dma_semaphore, #tpu.memory_space<semaphore_mem>>)
        %dma_wait3A_112 = arith.constant 31997952 : i32
        %dma_wait3A_113 = tpu.memref_slice %arg4[%dma_wait3A_112] : memref<32000000xf32, #tpu.memory_space<hbm>> -> memref<2048xf32, #tpu.memory_space<hbm>>
        tpu.wait_dma2 semaphore(%run_scoped3A : memref<!tpu.dma_semaphore, #tpu.memory_space<semaphore_mem>>) src(%arg3 : memref<2048xf32, #tpu.memory_space<hbm>>) dst(%dma_wait3A_113 : memref<2048xf32, #tpu.memory_space<hbm>>)
        tpu.yield
      }) : () -> ()
    } else {
    }
    return
  }
}

</mosaic_0001>

<sc_bundles>
// kernel: kernel.4.cloned.1.call-start
scs
__scs_entry_jumppad:
0x0: {  	(pc) =	sbr.rel $0x88, $3  }
0x1: {  	(tag) =	ssettag $0x0;
	lr =	simm.s32 $0x1  }
0x2: {  	[smem:$0x3F9F] =	sst lr;
	_ =	strace $0xD0000000  }
0x3: {  	_ = 	snop  }
0x4: {  	_ = 	snop  }
0x5: {  	_ = 	snop  }
0x6: {  	_ = 	snop  }
0x7: {  	_ = 	snop  }
__scs_overlays_trampoline_lowered:
0x8: {  	[smem:$0x3FAE] =	sst s0  }
0x9: {  	[smem:$0x3FAF] =	sst s1  }
0xa: {  	[smem:$0x3FB0] =	sst s2  }
0xb: {  	[smem:$0x3FB1] =	sst s3  }
0xc: {  	[smem:$0x3FB2] =	sst s4  }
0xd: {  	[smem:$0x3FB3] =	sst s5  }
0xe: {  	[smem:$0x3FB4] =	sst s6  }
0xf: {  	[smem:$0x3FB5] =	sst s7  }
0x10: {  	[smem:$0x3FB6] =	sst s8  }
0x11: {  	[smem:$0x3FB7] =	sst s9;
	s0 =	simm.s32 @!p0 $0x0  }
0x12: {  	s1 =	sld [smem:$0x3F9D];
	s0 =	simm.s32 @p0 $0x1  }
0x13: {  	[smem:$0x3FB8] =	sst s0;
	s0 =	simm.s32 @!p1 $0x0  }
0x14: {  	s2 =	sld [smem:$0x3F9C];
	s0 =	simm.s32 @p1 $0x1  }
0x15: {  	[smem:$0x3FB9] =	sst s0;
	s0 =	simm.s32 @!p2 $0x0  }
0x16: {  	s3 =	sld [smem:$0x3FDB];
	s0 =	simm.s32 @p2 $0x1  }
0x17: {  	s4 =	simm.s32 $0x1BF5;
	[smem:$0x3FBB] =	sst s0  }
0x18: {  	s0 =	sld [smem:$0x3F9E];
	_ =	swait.ge [sflag:s4], $0x0  }
0x19: {  	s7 =	sld [smem:$0x3F9F]  }
0x1a: {  	s8 =	sadd.s32 $0xFFFFE003, lr  }
0x1b: {  	s9 =	sadd.s32 $0xFFFFFEF7, lr;
	s5 =	simm.s32 $0xFFFFFFFF;
	p2 =	slt.u32 s8, $0xFFFFF086  }
0x1c: {  	p1 =	slt.u32 s9, $0xF7A;
	s5 =	simm.s32 @!p2 $0x0  }
0x1d: {  	s5 =	simm.s32 @p1 $0x1;
	p0 =	seq.s32 s7, s2  }
0x1e: {  	s7 =	smul.u32 @!p0 $0xF7A, s2;
	p2 =	seq.s32 @!p0 s5, $0x0  }
0x1f: {  	s9 =	smul.u32 $0xF7A, s1;
	s8 =	simm.s32 @!p0 $0x1BF5;
	p2 =	por !p2, p0  }
0x20: {  	[sflag:s8] =	ssyncset.s32 @!p0 $0xFFFFF086;
	s6 =	sadd.s32 @!p0 s3, s7;
	s7 =	simm.s32 @!p0 $0x108  }
0x21: {  	s3 =	sadd.s32 s3, s9;
	s6 =	sadd.s32 @!p0 $0x88, s6;
	s7 =	simm.s32 @p2 $0x1082  }
0x22: {  	[simem:s7], [sflag:s8] =	dma.local @!p0 [hbm:s6], $0xF7A  }
0x23: {  	s9 =	sor.u32 $0xD0000000, s2;
	s6 =	simm.s32 $0x108;
	_ =	swait.ge @!p0 [sflag:s8], $0x0  }
0x24: {  	s3 =	sadd.s32 $0x88, s3;
	s6 =	simm.s32 @!p1 $0x1082;
	[sflag:s4] =	ssyncset.s32 $0xFFFFF086  }
0x25: {  	[simem:s6], [sflag:s4] =	dma.local [hbm:s3], $0xF7A  }
0x26: {  	[smem:$0x3F9F] =	sst s1;
	(tag) =	ssettag s2;
	_ =	strace s9  }
0x27: {  	s1 =	sld [smem:$0x3FAF]  }
0x28: {  	s2 =	sld [smem:$0x3FB0]  }
0x29: {  	s4 =	sld [smem:$0x3FB2]  }
0x2a: {  	p0 =	seq.s32 s5, $0x0;
	s5 =	sld [smem:$0x3FB3]  }
0x2b: {  	s6 =	sld [smem:$0x3FB4]  }
0x2c: {  	s7 =	sld [smem:$0x3FB5]  }
0x2d: {  	s3 =	simm.s32 $0x108;
	s8 =	sld [smem:$0x3FB6]  }
0x2e: {  	s3 =	simm.s32 @!p0 $0x1082;
	s9 =	sld [smem:$0x3FB7]  }
0x2f: {  	lr =	sadd.s32 s0, s3;
	s0 =	sld [smem:$0x3FAE]  }
0x30: {  	s3 =	sld [smem:$0x3FB1]  }
0x31: {  	[smem:$0x3FBA] =	sst s10  }
0x32: {  	s10 =	sld [smem:$0x3FB8];
	_ =	sdelay $0x3  }
0x33: {  	p0 =	seq.s32 s10, $0x1;
	s10 =	sld [smem:$0x3FBA];
	_ =	sdelay $0x3  }
0x34: {  	[smem:$0x3FBA] =	sst s10  }
0x35: {  	s10 =	sld [smem:$0x3FB9];
	_ =	sdelay $0x3  }
0x36: {  	p1 =	seq.s32 s10, $0x1;
	s10 =	sld [smem:$0x3FBA];
	_ =	sdelay $0x3  }
0x37: {  	[smem:$0x3FBA] =	sst s10  }
0x38: {  	s10 =	sld [smem:$0x3FBB]  }
0x39: {  	_ = 	snop;
	(pc) =	sbr.ind lr, $3  }
0x3a: {  	_ = 	snop  }
0x3b: {  	_ = 	snop  }
0x3c: {  	p2 =	seq.s32 s10, $0x1;
	s10 =	sld [smem:$0x3FBA]  }
0x3d: {  	_ =	shalt  }
0x3e: {  	_ =	shalt  }
0x3f: {  	_ =	shalt  }
0x40: {  	_ =	shalt  }
0x41: {  	_ =	shalt  }
0x42: {  	_ =	shalt  }
0x43: {  	_ =	shalt  }
0x44: {  	_ =	shalt  }
0x45: {  	_ =	shalt  }
0x46: {  	_ =	shalt  }
0x47: {  	_ =	shalt  }
0x48: {  	_ =	shalt  }
0x49: {  	_ =	shalt  }
0x4a: {  	_ =	shalt  }
0x4b: {  	_ =	shalt  }
0x4c: {  	_ =	shalt  }
0x4d: {  	_ =	shalt  }
0x4e: {  	_ =	shalt  }
0x4f: {  	_ =	shalt  }
0x50: {  	_ =	shalt  }
0x51: {  	_ =	shalt  }
0x52: {  	_ =	shalt  }
0x53: {  	_ =	shalt  }
0x54: {  	_ =	shalt  }
0x55: {  	_ =	shalt  }
0x56: {  	_ =	shalt  }
0x57: {  	_ =	shalt  }
0x58: {  	_ =	shalt  }
0x59: {  	_ =	shalt  }
0x5a: {  	_ =	shalt  }
0x5b: {  	_ =	shalt  }
0x5c: {  	_ =	shalt  }
0x5d: {  	_ =	shalt  }
0x5e: {  	_ =	shalt  }
0x5f: {  	_ =	shalt  }
0x60: {  	_ =	shalt  }
0x61: {  	_ =	shalt  }
0x62: {  	_ =	shalt  }
0x63: {  	_ =	shalt  }
0x64: {  	_ =	shalt  }
0x65: {  	_ =	shalt  }
0x66: {  	_ =	shalt  }
0x67: {  	_ =	shalt  }
0x68: {  	_ =	shalt  }
0x69: {  	_ =	shalt  }
0x6a: {  	_ =	shalt  }
0x6b: {  	_ =	shalt  }
0x6c: {  	_ =	shalt  }
0x6d: {  	_ =	shalt  }
0x6e: {  	_ =	shalt  }
0x6f: {  	_ =	shalt  }
0x70: {  	_ =	shalt  }
0x71: {  	_ =	shalt  }
0x72: {  	_ =	shalt  }
0x73: {  	_ =	shalt  }
0x74: {  	_ =	shalt  }
0x75: {  	_ =	shalt  }
0x76: {  	_ =	shalt  }
0x77: {  	_ =	shalt  }
0x78: {  	_ =	shalt  }
0x79: {  	_ =	shalt  }
0x7a: {  	_ =	shalt  }
0x7b: {  	_ =	shalt  }
0x7c: {  	_ =	shalt  }
0x7d: {  	_ =	shalt  }
0x7e: {  	_ =	shalt  }
0x7f: {  	_ =	shalt  }
0x80: {  	_ =	shalt  }
0x81: {  	_ =	shalt  }
0x82: {  	_ =	shalt  }
0x83: {  	_ =	shalt  }
0x84: {  	_ =	shalt  }
0x85: {  	_ =	shalt  }
0x86: {  	_ =	shalt  }
0x87: {  	_ =	shalt  }
.Lfunc_end0:
.L_simem_size_0:
called_computation_lowered:
.L_overlay_start_0:
0x88: {  	s2 =	sld [smem:$0x3FD9]  }
0x89: {  	s3 =	sld [smem:$0x3FFE];
	_ =	sdelay $0x1  }
0x8a: {  	s1 =	srdreg.scid  }
0x8b: {  	s0 =	sand.u32 $0x1, s1  }
0x8c: {  	s17 =	sshll.u32 s0, $0xA;
	s2 =	sadd.s32 s3, s2  }
0x8d: {  	s2 =	sadd.s32 s2, s17  }
0x8e: {  	[smem:$0x3FC6] =	sst s2  }
0x8f: {  	_ = 	snop  }
0x90: {  	s2 =	sld [smem:$0x3FC8]  }
0x91: {  	s18 =	sld [smem:$0x3FD0];
	(tm) =	ssettm $0x1  }
0x92: {  	s4 =	sld [smem:$0x3FFB];
	_ =	sdelay $0x3  }
0x93: {  	_ =	strace s4  }
0x94: {  	s4 =	sld [smem:$0x3FFC];
	_ =	sdelay $0x3  }
0x95: {  	_ =	strace s4  }
0x96: {  	s4 =	sld [smem:$0x3FFD];
	_ =	sdelay $0x3  }
0x97: {  	_ =	strace s4  }
0x98: {  	_ =	strace $0x8FFFFFFF  }
0x99: {  	s19 =	sld [smem:$0x3FDB];
	_ =	sdelay $0x1  }
0x9a: {  	s5 =	simm.s32 $_scs_section_size  }
0x9b: {  	s6 =	simm.s32 $_size__tile_overlayer_lowered;
	s7 =	simm.s32 $_tile_overlayer_lowered  }
0x9c: {  	s22 =	simm.s32 $0x1BFF;
	s21 =	sshll.u32 s7, $0x1;
	s4 =	sadd.s32 s5, s19  }
0x9d: {  	s8 =	simm.s32 $0x0;
	s20 =	sshll.u32 s6, $0x1;
	s6 =	sadd.s32 s21, s4  }
0x9e: {  	[timem:s8], [sflag:s22] =	dma.local [hbm:s6], s20  }
0x9f: {  	_ =	swait.ge [sflag:s22], s20  }
0xa0: {  	s5 =	ssub.s32 $0x0, s20;
	[sflag:s22] =	ssyncset.done $0x0  }
0xa1: {  	[sflag:s22] =	ssyncadd.s32 s5;
	_ =	sdelay $0x1  }
0xa2: {  	s23 =	simm.s32 $0x1B8B  }
0xa3: {  	_ =	swait.ge [sflag:s23], $0x1  }
0xa4: {  	[sflag:s23] =	ssyncset.done $0x0  }
0xa5: {  	s25 =	simm.s32 $0x1B8E;
	s24 =	sld [smem:$0x3FFE];
	[sflag:s23] =	ssyncadd.s32 $0xFFFFFFFF  }
0xa6: {  	s26 =	simm.s32 $execute0_lowered;
	[smem:$0x3FD2] =	sst s25  }
0xa7: {  	s6 =	sshll.u32 s26, $0x1;
	_ =	strace $0x80000046;
	[dreg:$0x1] =	wrdreg $0xFFFFFFFF  }
0xa8: {  	s28 =	simm.s32 $_size_execute0_lowered;
	s4 =	sadd.s32 s4, s6;
	[dreg:$0x0] =	wrdreg $0x0  }
0xa9: {  	s6 =	sshll.u32 s28, $0x1;
	[dreg:$0x2] =	wrdreg s4  }
0xaa: {  	[dreg:$0x3] =	wrdreg s6  }
0xab: {  	[dreg:$0x4] =	wrdreg $0xC0  }
0xac: {  	_ =	task [dreg:s8], $0x5FFFF  }
0xad: {  	[dreg:$0x1] =	wrdreg $0xFFFFFFFF  }
0xae: {  	[dreg:$0x0] =	wrdreg $0x60  }
0xaf: {  	[dreg:$0x2] =	wrdreg s2  }
0xb0: {  	[dreg:$0x3] =	wrdreg s18  }
0xb1: {  	[dreg:$0x4] =	wrdreg s24  }
0xb2: {  	[dreg:$0x5] =	wrdreg $0x9  }
0xb3: {  	_ =	task.clear_ibuf [dreg:s8], $0x6FFFF;
	_ =	strace $0x90000046  }
0xb4: {  	s29 =	simm.s32 $0x9;
	_ =	strace $0x80000048  }
0xb5: {  	_ =	swait.ge [sflag:s29], $0x1  }
0xb6: {  	[sflag:s29] =	ssyncadd.s32 $0xFFFFFFFF  }
0xb7: {  	_ =	strace $0x90000048  }
0xb8: {  	_ =	sfence  }
0xb9: {  	s30 =	sld [smem:$0x0];
	_ =	sdelay $0x2  }
0xba: {  	s31 =	sshll.u32 s1, $0xD;
	s1 =	sshrl.u32 s1, $0x2  }
0xbb: {  	s3 =	sand.u32 $0x4000, s31;
	s1 =	sadd.s32 s1, s30  }
0xbc: {  	s0 =	sor.u32 s3, s0;
	s1 =	sshll.u32 s1, $0x11  }
0xbd: {  	s0 =	sor.u32 s1, s0  }
0xbe: {  	s0 =	sadd.s32 $0x8F2B, s0  }
0xbf: {  	[sflag:s0] =	ssyncadd.remote.s32 $0x1  }
0xc0: {  	_ =	sfence.sel $0xFFFF  }
0xc1: {  	[dreg:$0x0] =	wrdreg $0xFFFFFFFF;
	(pc) =	sbr.abs _section_cstart, $3  }
0xc2: {  	[dreg:$0x1] =	wrdreg $0xFFFFFFFF  }
0xc3: {  	_ =	task.clear_ibuf [dreg:s8], $0x2FFFF;
	_ =	strace $0x9FFFFFFF  }
0xc4: {  	(tm) =	ssettm $0x7FFFFFFF  }
0xc5: {  	_ =	shalt  }
tec
execute0_lowered:
.L_overlay_start_1:
0x0: {  	(tag) =	ssettag $0x1  }
0x1: {  	s10 =	rddreg [dreg:$0x0]  }
0x2: {  	s2 =	rddreg [dreg:$0x1]  }
0x3: {  	s12 =	rddreg [dreg:$0x2]  }
0x4: {  	s0 =	rddreg [dreg:$0x3]  }
0x5: {  	s4 =	srdreg.scid;
	s1 =	stileid.u32  }
0x6: {  	s3 =	simm.s32 $0x0;
	s16 =	simm.s32 $0x7A1400;
	s17 =	simm.s32 $0x1000  }
0x7: {  	v0 =	vlaneseq.u32;
	s18 =	simm.s32 $0x1;
	s19 =	simm.s32 $0x2000;
	s20 =	simm.s32 $0x2  }
0x8: {  	s21 =	simm.s32 $0x4;
	s22 =	simm.s32 $0x3000;
	s23 =	simm.s32 $0x3;
	v1 =	vmul.u32 $0x20, v0  }
0x9: {  	s24 =	simm.s32 $0x5;
	s4 =	sand.u32 $0x1, s4;
	s5 =	sshll.u32 s1, $0x1;
	v2 =	vor.u32 $0x10, v0;
	v4 =	vor.u32 $0x20, v0;
	v6 =	vor.u32 $0x30, v0  }
0xa: {  	[smem:$0x7FF] =	sst s3;
	v8 =	vor.u32 $0x40, v0;
	v10 =	vor.u32 $0x50, v0;
	v12 =	vor.u32 $0x60, v0;
	p0 =	sgt.u32 s1, $0x1;
	s25 =	sor.u32 s4, s5  }
0xb: {  	v14 =	vor.u32 $0x70, v0;
	v16 =	vor.u32 $0x800, v0;
	v18 =	vor.u32 $0x810, v0;
	_ =	strace $0x80000047;
	s6 =	ssub.s32 $0x2, s4;
	s4 =	sadd.s32 $0xA00, s12  }
0xc: {  	v20 =	vor.u32 $0x820, v0;
	v22 =	vor.u32 $0x830, v0;
	v24 =	vor.u32 $0x840, v0;
	s12 =	sadd.s32 $0x3D1200, s12;
	s5 =	sshll.u32 s25, $0x7;
	s7 =	sshrl.u32 s6, $0x1  }
0xd: {  	v26 =	vor.u32 $0x850, v0;
	v28 =	vor.u32 $0x860, v0;
	v30 =	vor.u32 $0x870, v0;
	s14 =	sshll.u32 s25, $0x9;
	s11 =	sor.u32 $0x1E80, s25;
	p1 =	sne.s32 s25, $0x4  }
.Ltmp0:
0xe: {  	v3 =	vor.u32 $0x200, v1;
	v5 =	vor.u32 $0x400, v1;
	v7 =	vor.u32 $0x600, v1;
	s25 =	simm.s32 $0x0;
	s5 =	sadd.s32 s10, s5;
	(pc) =	sbr.rel .LBB2_1-.Ltmp0, $4  }
0xf: {  	v9 =	vor.u32 $0x800, v1;
	v11 =	vor.u32 $0xA00, v1;
	v13 =	vor.u32 $0xC00, v1;
	s13 =	ssub.s32 s6, s7;
	s7 =	sadd.s32 s4, s14;
	s15 =	sshll.u32 s11, $0x7  }
0x10: {  	v15 =	vor.u32 $0xE00, v1;
	v17 =	vor.u32 $0x10, v1;
	v19 =	vor.u32 $0x210, v1;
	s11 =	sshll.u32 s11, $0x9;
	s14 =	sor.u32 $0x4000, s14;
	s6 =	sadd.s32 $0x1000, s5  }
0x11: {  	v21 =	vor.u32 $0x410, v1;
	v23 =	vor.u32 $0x610, v1;
	v25 =	vor.u32 $0x810, v1;
	s8 =	sadd.s32 $0x2000, s5;
	s9 =	sadd.s32 $0x3000, s5;
	s10 =	sadd.s32 s10, s15  }
0x12: {  	v27 =	vor.u32 $0xA10, v1;
	v29 =	vor.u32 $0xC10, v1;
	v31 =	vor.u32 $0xE10, v1;
	s11 =	sadd.s32 s4, s11;
	s13 =	smax.u32 s13, $0x1;
	s15 =	simm.s32 $0x400  }
.LBB2_16:
0x13: {  	s26 =	sshll.u32 @!p1 s1, $0x6;
	s25 =	sadd.s32 $0x1, s25  }
0x14: {  	s26 =	sor.u32 @!p1 $0x1C05, s26;
	p2 =	sne.s32 s25, s13  }
0x15: {  	[hbm:s12], [sflag:s26] =	dma.local @!p1 [hbm:s2], $0x100  }
.Ltmp1:
0x16: {  	_ = 	snop;
	(pc) =	sbr.rel @!p2 .LBB2_17-.Ltmp1, $4  }
0x17: {  	s26 =	simm.s32 @!p1 $0x5  }
0x18: {  	_ =	swait.ge @!p1 [sflag:s26], $0x100  }
0x19: {  	[sflag:s26] =	ssyncset.done @!p1 $0x0  }
0x1a: {  	[sflag:s26] =	ssyncadd.s32 @!p1 $0xFFFFFF00  }
.LBB2_1:
0x1b: {  	[tilespmem:s3], [sflag:$0x1] =	stream.strided.gather [hbm4b:s5+s15], $0x1000, s16, s15, $0x38;
	[tilespmem:$0x4000] =	vst v63  }
0x1c: {  	s26 =	simm.s32 $0x0  }
0x1d: {  	[tilespmem:s17], [sflag:$0x2] =	stream.strided.gather [hbm4b:s6+s15], $0x1000, s16, s15, $0x38;
	[tilespmem:$0x4000] =	vst v63  }
.LBB2_2:
0x1e: {  	s28 =	simm.s32 $0x0  }
0x1f: {  	v32 =	vadd.s32 s28, v0  }
0x20: {  	v33 =	vand.u32 $0xF, v32  }
0x21: {  	_ =	swait.ge [sflag:s18], $0x1000;
	v34 =	vshll.u32 v33, $0x7  }
0x22: {  	p2 =	seq.s32 s26, $0x0;
	[sflag:s18] =	ssyncset.done $0x0;
	v35 =	vor.u32 v0, v34  }
0x23: {  	s28 =	simm.s32 @!p2 $0x3;
	[sflag:s18] =	ssyncadd.s32 $0xFFFFF000  }
0x24: {  	_ =	swait.ge @!p2 [sflag:s28], $0x1000  }
0x25: {  	[sflag:s28] =	ssyncset.done @!p2 $0x0  }
0x26: {  	[sflag:s28] =	ssyncadd.s32 @!p2 $0xFFFFF000  }
0x27: {  	v36 =	vor.u32 v1, v33;
	v35 =	vld.idx.msk [tilespmem:v35+s3+$0x0], $0xffff  }
0x28: {  	v37 =	vor.u32 v2, v34;
	_ =	sdelay $0x3  }
0x29: {  	[tilespmem:v36+s19+$0x0] =	vst.idx.msk $0xffff, v35  }
0x2a: {  	v62 =	vor.u32 v3, v33;
	v35 =	vld.idx.msk [tilespmem:v37+s3+$0x0], $0xffff  }
0x2b: {  	v63 =	vor.u32 v4, v34;
	_ =	sdelay $0x3  }
0x2c: {  	[tilespmem:v62+s19+$0x0] =	vst.idx.msk $0xffff, v35  }
0x2d: {  	v40 =	vor.u32 v5, v33;
	v35 =	vld.idx.msk [tilespmem:v63+s3+$0x0], $0xffff  }
0x2e: {  	v41 =	vor.u32 v6, v34;
	_ =	sdelay $0x3  }
0x2f: {  	[tilespmem:v40+s19+$0x0] =	vst.idx.msk $0xffff, v35  }
0x30: {  	v42 =	vor.u32 v7, v33;
	v35 =	vld.idx.msk [tilespmem:v41+s3+$0x0], $0xffff  }
0x31: {  	v43 =	vor.u32 v8, v34;
	_ =	sdelay $0x3  }
0x32: {  	[tilespmem:v42+s19+$0x0] =	vst.idx.msk $0xffff, v35  }
0x33: {  	v44 =	vor.u32 v9, v33;
	v35 =	vld.idx.msk [tilespmem:v43+s3+$0x0], $0xffff  }
0x34: {  	v45 =	vor.u32 v10, v34;
	_ =	sdelay $0x3  }
0x35: {  	[tilespmem:v44+s19+$0x0] =	vst.idx.msk $0xffff, v35  }
0x36: {  	v46 =	vor.u32 v11, v33;
	v35 =	vld.idx.msk [tilespmem:v45+s3+$0x0], $0xffff  }
0x37: {  	v47 =	vor.u32 v12, v34;
	_ =	sdelay $0x3  }
0x38: {  	[tilespmem:v46+s19+$0x0] =	vst.idx.msk $0xffff, v35  }
0x39: {  	v48 =	vor.u32 v13, v33;
	v35 =	vld.idx.msk [tilespmem:v47+s3+$0x0], $0xffff  }
0x3a: {  	v49 =	vor.u32 v14, v34;
	_ =	sdelay $0x3  }
0x3b: {  	[tilespmem:v48+s19+$0x0] =	vst.idx.msk $0xffff, v35  }
0x3c: {  	v33 =	vor.u32 v15, v33;
	v35 =	vld.idx.msk [tilespmem:v49+s3+$0x0], $0xffff  }
0x3d: {  	v50 =	vor.u32 v16, v34;
	_ =	sdelay $0x3  }
0x3e: {  	[tilespmem:v33+s19+$0x0] =	vst.idx.msk $0xffff, v35  }
0x3f: {  	v51 =	vor.u32 v17, v32;
	v33 =	vld.idx.msk [tilespmem:v50+s3+$0x0], $0xffff  }
0x40: {  	v52 =	vor.u32 v18, v34;
	_ =	sdelay $0x3  }
0x41: {  	[tilespmem:v51+s19+$0x0] =	vst.idx.msk $0xffff, v33  }
0x42: {  	v53 =	vor.u32 v19, v32;
	v33 =	vld.idx.msk [tilespmem:v52+s3+$0x0], $0xffff  }
0x43: {  	v54 =	vor.u32 v20, v34;
	_ =	sdelay $0x3  }
0x44: {  	[tilespmem:v53+s19+$0x0] =	vst.idx.msk $0xffff, v33  }
0x45: {  	v55 =	vor.u32 v21, v32;
	v33 =	vld.idx.msk [tilespmem:v54+s3+$0x0], $0xffff  }
0x46: {  	v56 =	vor.u32 v22, v34;
	_ =	sdelay $0x3  }
0x47: {  	[tilespmem:v55+s19+$0x0] =	vst.idx.msk $0xffff, v33  }
0x48: {  	v57 =	vor.u32 v23, v32;
	v33 =	vld.idx.msk [tilespmem:v56+s3+$0x0], $0xffff  }
0x49: {  	v58 =	vor.u32 v24, v34;
	_ =	sdelay $0x3  }
0x4a: {  	[tilespmem:v57+s19+$0x0] =	vst.idx.msk $0xffff, v33  }
0x4b: {  	v59 =	vor.u32 v25, v32;
	v33 =	vld.idx.msk [tilespmem:v58+s3+$0x0], $0xffff  }
0x4c: {  	v60 =	vor.u32 v26, v34;
	_ =	sdelay $0x3  }
0x4d: {  	[tilespmem:v59+s19+$0x0] =	vst.idx.msk $0xffff, v33  }
0x4e: {  	v61 =	vor.u32 v27, v32;
	v33 =	vld.idx.msk [tilespmem:v60+s3+$0x0], $0xffff  }
0x4f: {  	v62 =	vor.u32 v28, v34;
	_ =	sdelay $0x3  }
0x50: {  	[tilespmem:v61+s19+$0x0] =	vst.idx.msk $0xffff, v33  }
0x51: {  	v63 =	vor.u32 v29, v32;
	v35 =	vld.idx.msk [tilespmem:v62+s3+$0x0], $0xffff  }
0x52: {  	v33 =	vor.u32 v30, v34;
	_ =	sdelay $0x2  }
0x53: {  	s29 =	simm.s32 $0x1  }
0x54: {  	s28 =	sshll.u32 s26, $0xD;
	v34 =	vadd.s32 s29, v0;
	s29 =	simm.s32 $0x2;
	[tilespmem:v63+s19+$0x0] =	vst.idx.msk $0xffff, v35  }
.LBB2_3:
0x55: {  	p3 =	sne.s32 s29, $0xF;
	v35 =	vand.u32 $0xF, v34;
	v36 =	vld.idx.msk [tilespmem:v33+s3+$0x0], $0xffff  }
0x56: {  	v37 =	vor.u32 v31, v32;
	v32 =	vmov v34;
	v33 =	vshll.u32 v35, $0x7  }
0x57: {  	v34 =	vor.u32 v0, v33;
	_ =	sdelay $0x3  }
0x58: {  	[tilespmem:v37+s19+$0x0] =	vst.idx.msk $0xffff, v36  }
0x59: {  	v34 =	vld.idx.msk [tilespmem:v34+s3+$0x0], $0xffff  }
0x5a: {  	v36 =	vor.u32 v1, v35  }
0x5b: {  	v37 =	vor.u32 v2, v33;
	_ =	sdelay $0x3  }
0x5c: {  	[tilespmem:v36+s19+$0x0] =	vst.idx.msk $0xffff, v34  }
0x5d: {  	v34 =	vld.idx.msk [tilespmem:v37+s3+$0x0], $0xffff  }
0x5e: {  	v36 =	vor.u32 v3, v35  }
0x5f: {  	v37 =	vor.u32 v4, v33;
	_ =	sdelay $0x3  }
0x60: {  	[tilespmem:v36+s19+$0x0] =	vst.idx.msk $0xffff, v34  }
0x61: {  	v34 =	vld.idx.msk [tilespmem:v37+s3+$0x0], $0xffff  }
0x62: {  	v36 =	vor.u32 v5, v35  }
0x63: {  	v37 =	vor.u32 v6, v33;
	_ =	sdelay $0x3  }
0x64: {  	[tilespmem:v36+s19+$0x0] =	vst.idx.msk $0xffff, v34  }
0x65: {  	v34 =	vld.idx.msk [tilespmem:v37+s3+$0x0], $0xffff  }
0x66: {  	v36 =	vor.u32 v7, v35  }
0x67: {  	v37 =	vor.u32 v8, v33;
	_ =	sdelay $0x3  }
0x68: {  	[tilespmem:v36+s19+$0x0] =	vst.idx.msk $0xffff, v34  }
0x69: {  	v34 =	vld.idx.msk [tilespmem:v37+s3+$0x0], $0xffff  }
0x6a: {  	v36 =	vor.u32 v9, v35  }
0x6b: {  	v37 =	vor.u32 v10, v33;
	_ =	sdelay $0x3  }
0x6c: {  	[tilespmem:v36+s19+$0x0] =	vst.idx.msk $0xffff, v34  }
0x6d: {  	v34 =	vld.idx.msk [tilespmem:v37+s3+$0x0], $0xffff  }
0x6e: {  	v36 =	vor.u32 v11, v35  }
0x6f: {  	v37 =	vor.u32 v12, v33;
	_ =	sdelay $0x3  }
0x70: {  	[tilespmem:v36+s19+$0x0] =	vst.idx.msk $0xffff, v34  }
0x71: {  	v34 =	vld.idx.msk [tilespmem:v37+s3+$0x0], $0xffff  }
0x72: {  	v36 =	vor.u32 v13, v35  }
0x73: {  	v37 =	vor.u32 v14, v33;
	_ =	sdelay $0x3  }
0x74: {  	[tilespmem:v36+s19+$0x0] =	vst.idx.msk $0xffff, v34  }
0x75: {  	v34 =	vld.idx.msk [tilespmem:v37+s3+$0x0], $0xffff  }
0x76: {  	v35 =	vor.u32 v15, v35  }
0x77: {  	v36 =	vor.u32 v16, v33;
	_ =	sdelay $0x3  }
0x78: {  	[tilespmem:v35+s19+$0x0] =	vst.idx.msk $0xffff, v34  }
0x79: {  	v34 =	vld.idx.msk [tilespmem:v36+s3+$0x0], $0xffff  }
0x7a: {  	v35 =	vor.u32 v17, v32  }
0x7b: {  	v36 =	vor.u32 v18, v33;
	_ =	sdelay $0x3  }
0x7c: {  	[tilespmem:v35+s19+$0x0] =	vst.idx.msk $0xffff, v34  }
0x7d: {  	v34 =	vld.idx.msk [tilespmem:v36+s3+$0x0], $0xffff  }
0x7e: {  	v35 =	vor.u32 v19, v32  }
0x7f: {  	v36 =	vor.u32 v20, v33;
	_ =	sdelay $0x3  }
0x80: {  	[tilespmem:v35+s19+$0x0] =	vst.idx.msk $0xffff, v34  }
0x81: {  	v34 =	vld.idx.msk [tilespmem:v36+s3+$0x0], $0xffff  }
0x82: {  	v35 =	vor.u32 v21, v32  }
0x83: {  	v36 =	vor.u32 v22, v33;
	_ =	sdelay $0x3  }
0x84: {  	[tilespmem:v35+s19+$0x0] =	vst.idx.msk $0xffff, v34  }
0x85: {  	v34 =	vld.idx.msk [tilespmem:v36+s3+$0x0], $0xffff  }
0x86: {  	v35 =	vor.u32 v23, v32  }
0x87: {  	v36 =	vor.u32 v24, v33;
	_ =	sdelay $0x3  }
0x88: {  	[tilespmem:v35+s19+$0x0] =	vst.idx.msk $0xffff, v34  }
0x89: {  	v34 =	vld.idx.msk [tilespmem:v36+s3+$0x0], $0xffff  }
0x8a: {  	v35 =	vor.u32 v25, v32  }
0x8b: {  	v36 =	vor.u32 v26, v33;
	_ =	sdelay $0x3  }
0x8c: {  	[tilespmem:v35+s19+$0x0] =	vst.idx.msk $0xffff, v34  }
0x8d: {  	v34 =	vld.idx.msk [tilespmem:v36+s3+$0x0], $0xffff  }
0x8e: {  	v35 =	vor.u32 v27, v32  }
0x8f: {  	v36 =	vor.u32 v28, v33;
	_ =	sdelay $0x3  }
0x90: {  	[tilespmem:v35+s19+$0x0] =	vst.idx.msk $0xffff, v34  }
0x91: {  	v35 =	vld.idx.msk [tilespmem:v36+s3+$0x0], $0xffff  }
0x92: {  	v36 =	vor.u32 v29, v32  }
.Ltmp2:
0x93: {  	v33 =	vor.u32 v30, v33;
	(pc) =	sbr.rel @p3 .LBB2_3-.Ltmp2, $2  }
0x94: {  	_ =	sdelay $0x2  }
0x95: {  	v34 =	vadd.s32 s29, v0;
	s29 =	sadd.s32 $0x1, s29;
	[tilespmem:v36+s19+$0x0] =	vst.idx.msk $0xffff, v35  }
0x96: {  	_ =	sdelay $0x2  }
0x97: {  	v35 =	vand.u32 $0xF, v34  }
0x98: {  	v33 =	vld.idx.msk [tilespmem:v33+s3+$0x0], $0xffff;
	v32 =	vor.u32 v31, v32;
	v36 =	vshll.u32 v35, $0x7  }
0x99: {  	v37 =	vor.u32 v0, v36;
	_ =	sdelay $0x3  }
0x9a: {  	[tilespmem:v32+s19+$0x0] =	vst.idx.msk $0xffff, v33  }
0x9b: {  	v57 =	vor.u32 v1, v35;
	v32 =	vld.idx.msk [tilespmem:v37+s3+$0x0], $0xffff  }
0x9c: {  	v58 =	vor.u32 v2, v36;
	_ =	sdelay $0x3  }
0x9d: {  	[tilespmem:v57+s19+$0x0] =	vst.idx.msk $0xffff, v32  }
0x9e: {  	v59 =	vor.u32 v3, v35;
	v32 =	vld.idx.msk [tilespmem:v58+s3+$0x0], $0xffff  }
0x9f: {  	v60 =	vor.u32 v4, v36;
	_ =	sdelay $0x3  }
0xa0: {  	[tilespmem:v59+s19+$0x0] =	vst.idx.msk $0xffff, v32  }
0xa1: {  	v61 =	vor.u32 v5, v35;
	v32 =	vld.idx.msk [tilespmem:v60+s3+$0x0], $0xffff  }
0xa2: {  	v62 =	vor.u32 v6, v36;
	_ =	sdelay $0x3  }
0xa3: {  	[tilespmem:v61+s19+$0x0] =	vst.idx.msk $0xffff, v32  }
0xa4: {  	v63 =	vor.u32 v7, v35;
	v32 =	vld.idx.msk [tilespmem:v62+s3+$0x0], $0xffff  }
0xa5: {  	v40 =	vor.u32 v8, v36;
	_ =	sdelay $0x3  }
0xa6: {  	[tilespmem:v63+s19+$0x0] =	vst.idx.msk $0xffff, v32  }
0xa7: {  	v41 =	vor.u32 v9, v35;
	v32 =	vld.idx.msk [tilespmem:v40+s3+$0x0], $0xffff  }
0xa8: {  	v42 =	vor.u32 v10, v36;
	_ =	sdelay $0x3  }
0xa9: {  	[tilespmem:v41+s19+$0x0] =	vst.idx.msk $0xffff, v32  }
0xaa: {  	v43 =	vor.u32 v11, v35;
	v32 =	vld.idx.msk [tilespmem:v42+s3+$0x0], $0xffff  }
0xab: {  	v44 =	vor.u32 v12, v36;
	_ =	sdelay $0x3  }
0xac: {  	[tilespmem:v43+s19+$0x0] =	vst.idx.msk $0xffff, v32  }
0xad: {  	v45 =	vor.u32 v13, v35;
	v32 =	vld.idx.msk [tilespmem:v44+s3+$0x0], $0xffff  }
0xae: {  	v46 =	vor.u32 v14, v36;
	_ =	sdelay $0x3  }
0xaf: {  	[tilespmem:v45+s19+$0x0] =	vst.idx.msk $0xffff, v32  }
0xb0: {  	v47 =	vor.u32 v15, v35;
	v32 =	vld.idx.msk [tilespmem:v46+s3+$0x0], $0xffff  }
0xb1: {  	v48 =	vor.u32 v16, v36;
	_ =	sdelay $0x3  }
0xb2: {  	[tilespmem:v47+s19+$0x0] =	vst.idx.msk $0xffff, v32  }
0xb3: {  	v49 =	vor.u32 v17, v34;
	v32 =	vld.idx.msk [tilespmem:v48+s3+$0x0], $0xffff  }
0xb4: {  	v50 =	vor.u32 v18, v36;
	_ =	sdelay $0x3  }
0xb5: {  	[tilespmem:v49+s19+$0x0] =	vst.idx.msk $0xffff, v32  }
0xb6: {  	v51 =	vor.u32 v19, v34;
	v32 =	vld.idx.msk [tilespmem:v50+s3+$0x0], $0xffff  }
0xb7: {  	v52 =	vor.u32 v20, v36;
	_ =	sdelay $0x3  }
0xb8: {  	[tilespmem:v51+s19+$0x0] =	vst.idx.msk $0xffff, v32  }
0xb9: {  	v53 =	vor.u32 v21, v34;
	v32 =	vld.idx.msk [tilespmem:v52+s3+$0x0], $0xffff  }
0xba: {  	v54 =	vor.u32 v22, v36;
	_ =	sdelay $0x3  }
0xbb: {  	[tilespmem:v53+s19+$0x0] =	vst.idx.msk $0xffff, v32  }
0xbc: {  	v55 =	vor.u32 v23, v34;
	v32 =	vld.idx.msk [tilespmem:v54+s3+$0x0], $0xffff  }
0xbd: {  	v56 =	vor.u32 v24, v36;
	_ =	sdelay $0x3  }
0xbe: {  	[tilespmem:v55+s19+$0x0] =	vst.idx.msk $0xffff, v32  }
0xbf: {  	v57 =	vor.u32 v25, v34;
	v32 =	vld.idx.msk [tilespmem:v56+s3+$0x0], $0xffff  }
0xc0: {  	v58 =	vor.u32 v26, v36;
	_ =	sdelay $0x3  }
0xc1: {  	[tilespmem:v57+s19+$0x0] =	vst.idx.msk $0xffff, v32  }
0xc2: {  	v59 =	vor.u32 v27, v34;
	v32 =	vld.idx.msk [tilespmem:v58+s3+$0x0], $0xffff  }
0xc3: {  	v60 =	vor.u32 v28, v36;
	_ =	sdelay $0x3  }
0xc4: {  	[tilespmem:v59+s19+$0x0] =	vst.idx.msk $0xffff, v32  }
0xc5: {  	v61 =	vor.u32 v29, v34;
	v32 =	vld.idx.msk [tilespmem:v60+s3+$0x0], $0xffff  }
0xc6: {  	v62 =	vor.u32 v30, v36;
	_ =	sdelay $0x3  }
0xc7: {  	[tilespmem:v61+s19+$0x0] =	vst.idx.msk $0xffff, v32  }
0xc8: {  	v63 =	vor.u32 v31, v34;
	v32 =	vld.idx.msk [tilespmem:v62+s3+$0x0], $0xffff  }
0xc9: {  	p3 =	sne.s32 s26, $0x79  }
.Ltmp3:
0xca: {  	_ = 	snop;
	(pc) =	sbr.rel @p3 .LBB2_6-.Ltmp3, $4  }
0xcb: {  	_ = 	snop  }
0xcc: {  	s29 =	sshll.u32 s26, $0xF  }
0xcd: {  	s30 =	sadd.s32 s29, s7;
	[tilespmem:v63+s19+$0x0] =	vst.idx.msk $0xffff, v32  }
0xce: {  	[hbm4b:s30+s3] =	stream.linear.scatter [tilespmem:s19], [sflag:$0x3], $0x1000, $0x38;
	[tilespmem:$0x4000] =	vst v63  }
.Ltmp4:
0xcf: {  	(pc) =	sbr.rel .LBB2_7-.Ltmp4, $4  }
0xd0: {  	_ = 	snop  }
0xd1: {  	_ =	swait.ge [sflag:s20], $0x1000  }
0xd2: {  	[sflag:s20] =	ssyncset.done $0x0  }
0xd3: {  	[sflag:s20] =	ssyncadd.s32 $0xFFFFF000  }
.LBB2_6:
.Ltmp5:
0xd4: {  	s30 =	sadd.s32 s28, s8;
	(pc) =	sbr.rel @p2 .LBB2_8-.Ltmp5, $4  }
0xd5: {  	[tilespmem:s3], [sflag:$0x1] =	stream.strided.gather [hbm4b:s30+s15], $0x1000, s16, s15, $0x38;
	[tilespmem:$0x4000] =	vst v63  }
0xd6: {  	_ =	swait.ge [sflag:s20], $0x1000  }
0xd7: {  	[sflag:s20] =	ssyncset.done $0x0  }
0xd8: {  	[sflag:s20] =	ssyncadd.s32 $0xFFFFF000  }
.LBB2_7:
0xd9: {  	_ =	swait.ge [sflag:s21], $0x1000  }
0xda: {  	[sflag:s21] =	ssyncset.done $0x0  }
0xdb: {  	[sflag:s21] =	ssyncadd.s32 $0xFFFFF000  }
.LBB2_8:
0xdc: {  	s30 =	simm.s32 $0x0  }
0xdd: {  	v32 =	vadd.s32 s30, v0  }
0xde: {  	v33 =	vand.u32 $0xF, v32  }
0xdf: {  	v34 =	vshll.u32 v33, $0x7  }
0xe0: {  	v35 =	vor.u32 v0, v34;
	_ =	sdelay $0x4  }
0xe1: {  	v36 =	vor.u32 v1, v33;
	v35 =	vld.idx.msk [tilespmem:v35+s17+$0x0], $0xffff  }
0xe2: {  	v37 =	vor.u32 v2, v34;
	_ =	sdelay $0x3  }
0xe3: {  	[tilespmem:v36+s22+$0x0] =	vst.idx.msk $0xffff, v35  }
0xe4: {  	v62 =	vor.u32 v3, v33;
	v35 =	vld.idx.msk [tilespmem:v37+s17+$0x0], $0xffff  }
0xe5: {  	v63 =	vor.u32 v4, v34;
	_ =	sdelay $0x3  }
0xe6: {  	[tilespmem:v62+s22+$0x0] =	vst.idx.msk $0xffff, v35  }
0xe7: {  	v40 =	vor.u32 v5, v33;
	v35 =	vld.idx.msk [tilespmem:v63+s17+$0x0], $0xffff  }
0xe8: {  	v41 =	vor.u32 v6, v34;
	_ =	sdelay $0x3  }
0xe9: {  	[tilespmem:v40+s22+$0x0] =	vst.idx.msk $0xffff, v35  }
0xea: {  	v42 =	vor.u32 v7, v33;
	v35 =	vld.idx.msk [tilespmem:v41+s17+$0x0], $0xffff  }
0xeb: {  	v43 =	vor.u32 v8, v34;
	_ =	sdelay $0x3  }
0xec: {  	[tilespmem:v42+s22+$0x0] =	vst.idx.msk $0xffff, v35  }
0xed: {  	v44 =	vor.u32 v9, v33;
	v35 =	vld.idx.msk [tilespmem:v43+s17+$0x0], $0xffff  }
0xee: {  	v45 =	vor.u32 v10, v34;
	_ =	sdelay $0x3  }
0xef: {  	[tilespmem:v44+s22+$0x0] =	vst.idx.msk $0xffff, v35  }
0xf0: {  	v46 =	vor.u32 v11, v33;
	v35 =	vld.idx.msk [tilespmem:v45+s17+$0x0], $0xffff  }
0xf1: {  	v47 =	vor.u32 v12, v34;
	_ =	sdelay $0x3  }
0xf2: {  	[tilespmem:v46+s22+$0x0] =	vst.idx.msk $0xffff, v35  }
0xf3: {  	v48 =	vor.u32 v13, v33;
	v35 =	vld.idx.msk [tilespmem:v47+s17+$0x0], $0xffff  }
0xf4: {  	v49 =	vor.u32 v14, v34;
	_ =	sdelay $0x3  }
0xf5: {  	[tilespmem:v48+s22+$0x0] =	vst.idx.msk $0xffff, v35  }
0xf6: {  	v33 =	vor.u32 v15, v33;
	v35 =	vld.idx.msk [tilespmem:v49+s17+$0x0], $0xffff  }
0xf7: {  	v50 =	vor.u32 v16, v34;
	_ =	sdelay $0x3  }
0xf8: {  	[tilespmem:v33+s22+$0x0] =	vst.idx.msk $0xffff, v35  }
0xf9: {  	v51 =	vor.u32 v17, v32;
	v33 =	vld.idx.msk [tilespmem:v50+s17+$0x0], $0xffff  }
0xfa: {  	v52 =	vor.u32 v18, v34;
	_ =	sdelay $0x3  }
0xfb: {  	[tilespmem:v51+s22+$0x0] =	vst.idx.msk $0xffff, v33  }
0xfc: {  	v53 =	vor.u32 v19, v32;
	v33 =	vld.idx.msk [tilespmem:v52+s17+$0x0], $0xffff  }
0xfd: {  	v54 =	vor.u32 v20, v34;
	_ =	sdelay $0x3  }
0xfe: {  	[tilespmem:v53+s22+$0x0] =	vst.idx.msk $0xffff, v33  }
0xff: {  	v55 =	vor.u32 v21, v32;
	v33 =	vld.idx.msk [tilespmem:v54+s17+$0x0], $0xffff  }
0x100: {  	v56 =	vor.u32 v22, v34;
	_ =	sdelay $0x3  }
0x101: {  	[tilespmem:v55+s22+$0x0] =	vst.idx.msk $0xffff, v33  }
0x102: {  	v57 =	vor.u32 v23, v32;
	v33 =	vld.idx.msk [tilespmem:v56+s17+$0x0], $0xffff  }
0x103: {  	v58 =	vor.u32 v24, v34;
	_ =	sdelay $0x3  }
0x104: {  	[tilespmem:v57+s22+$0x0] =	vst.idx.msk $0xffff, v33  }
0x105: {  	v59 =	vor.u32 v25, v32;
	v33 =	vld.idx.msk [tilespmem:v58+s17+$0x0], $0xffff  }
0x106: {  	v60 =	vor.u32 v26, v34;
	_ =	sdelay $0x3  }
0x107: {  	[tilespmem:v59+s22+$0x0] =	vst.idx.msk $0xffff, v33  }
0x108: {  	v61 =	vor.u32 v27, v32;
	v33 =	vld.idx.msk [tilespmem:v60+s17+$0x0], $0xffff  }
0x109: {  	v62 =	vor.u32 v28, v34;
	_ =	sdelay $0x3  }
0x10a: {  	[tilespmem:v61+s22+$0x0] =	vst.idx.msk $0xffff, v33  }
0x10b: {  	v63 =	vor.u32 v29, v32;
	v35 =	vld.idx.msk [tilespmem:v62+s17+$0x0], $0xffff  }
0x10c: {  	v33 =	vor.u32 v30, v34;
	_ =	sdelay $0x2  }
0x10d: {  	s30 =	simm.s32 $0x1  }
0x10e: {  	v34 =	vadd.s32 s30, v0;
	s30 =	simm.s32 $0x2;
	[tilespmem:v63+s22+$0x0] =	vst.idx.msk $0xffff, v35  }
.LBB2_9:
0x10f: {  	p2 =	sne.s32 s30, $0xF;
	v35 =	vand.u32 $0xF, v34;
	v36 =	vld.idx.msk [tilespmem:v33+s17+$0x0], $0xffff  }
0x110: {  	v37 =	vor.u32 v31, v32;
	v32 =	vmov v34;
	v33 =	vshll.u32 v35, $0x7  }
0x111: {  	v34 =	vor.u32 v0, v33;
	_ =	sdelay $0x3  }
0x112: {  	[tilespmem:v37+s22+$0x0] =	vst.idx.msk $0xffff, v36  }
0x113: {  	v34 =	vld.idx.msk [tilespmem:v34+s17+$0x0], $0xffff  }
0x114: {  	v36 =	vor.u32 v1, v35  }
0x115: {  	v37 =	vor.u32 v2, v33;
	_ =	sdelay $0x3  }
0x116: {  	[tilespmem:v36+s22+$0x0] =	vst.idx.msk $0xffff, v34  }
0x117: {  	v34 =	vld.idx.msk [tilespmem:v37+s17+$0x0], $0xffff  }
0x118: {  	v36 =	vor.u32 v3, v35  }
0x119: {  	v37 =	vor.u32 v4, v33;
	_ =	sdelay $0x3  }
0x11a: {  	[tilespmem:v36+s22+$0x0] =	vst.idx.msk $0xffff, v34  }
0x11b: {  	v34 =	vld.idx.msk [tilespmem:v37+s17+$0x0], $0xffff  }
0x11c: {  	v36 =	vor.u32 v5, v35  }
0x11d: {  	v37 =	vor.u32 v6, v33;
	_ =	sdelay $0x3  }
0x11e: {  	[tilespmem:v36+s22+$0x0] =	vst.idx.msk $0xffff, v34  }
0x11f: {  	v34 =	vld.idx.msk [tilespmem:v37+s17+$0x0], $0xffff  }
0x120: {  	v36 =	vor.u32 v7, v35  }
0x121: {  	v37 =	vor.u32 v8, v33;
	_ =	sdelay $0x3  }
0x122: {  	[tilespmem:v36+s22+$0x0] =	vst.idx.msk $0xffff, v34  }
0x123: {  	v34 =	vld.idx.msk [tilespmem:v37+s17+$0x0], $0xffff  }
0x124: {  	v36 =	vor.u32 v9, v35  }
0x125: {  	v37 =	vor.u32 v10, v33;
	_ =	sdelay $0x3  }
0x126: {  	[tilespmem:v36+s22+$0x0] =	vst.idx.msk $0xffff, v34  }
0x127: {  	v34 =	vld.idx.msk [tilespmem:v37+s17+$0x0], $0xffff  }
0x128: {  	v36 =	vor.u32 v11, v35  }
0x129: {  	v37 =	vor.u32 v12, v33;
	_ =	sdelay $0x3  }
0x12a: {  	[tilespmem:v36+s22+$0x0] =	vst.idx.msk $0xffff, v34  }
0x12b: {  	v34 =	vld.idx.msk [tilespmem:v37+s17+$0x0], $0xffff  }
0x12c: {  	v36 =	vor.u32 v13, v35  }
0x12d: {  	v37 =	vor.u32 v14, v33;
	_ =	sdelay $0x3  }
0x12e: {  	[tilespmem:v36+s22+$0x0] =	vst.idx.msk $0xffff, v34  }
0x12f: {  	v34 =	vld.idx.msk [tilespmem:v37+s17+$0x0], $0xffff  }
0x130: {  	v35 =	vor.u32 v15, v35  }
0x131: {  	v36 =	vor.u32 v16, v33;
	_ =	sdelay $0x3  }
0x132: {  	[tilespmem:v35+s22+$0x0] =	vst.idx.msk $0xffff, v34  }
0x133: {  	v34 =	vld.idx.msk [tilespmem:v36+s17+$0x0], $0xffff  }
0x134: {  	v35 =	vor.u32 v17, v32  }
0x135: {  	v36 =	vor.u32 v18, v33;
	_ =	sdelay $0x3  }
0x136: {  	[tilespmem:v35+s22+$0x0] =	vst.idx.msk $0xffff, v34  }
0x137: {  	v34 =	vld.idx.msk [tilespmem:v36+s17+$0x0], $0xffff  }
0x138: {  	v35 =	vor.u32 v19, v32  }
0x139: {  	v36 =	vor.u32 v20, v33;
	_ =	sdelay $0x3  }
0x13a: {  	[tilespmem:v35+s22+$0x0] =	vst.idx.msk $0xffff, v34  }
0x13b: {  	v34 =	vld.idx.msk [tilespmem:v36+s17+$0x0], $0xffff  }
0x13c: {  	v35 =	vor.u32 v21, v32  }
0x13d: {  	v36 =	vor.u32 v22, v33;
	_ =	sdelay $0x3  }
0x13e: {  	[tilespmem:v35+s22+$0x0] =	vst.idx.msk $0xffff, v34  }
0x13f: {  	v34 =	vld.idx.msk [tilespmem:v36+s17+$0x0], $0xffff  }
0x140: {  	v35 =	vor.u32 v23, v32  }
0x141: {  	v36 =	vor.u32 v24, v33;
	_ =	sdelay $0x3  }
0x142: {  	[tilespmem:v35+s22+$0x0] =	vst.idx.msk $0xffff, v34  }
0x143: {  	v34 =	vld.idx.msk [tilespmem:v36+s17+$0x0], $0xffff  }
0x144: {  	v35 =	vor.u32 v25, v32  }
0x145: {  	v36 =	vor.u32 v26, v33;
	_ =	sdelay $0x3  }
0x146: {  	[tilespmem:v35+s22+$0x0] =	vst.idx.msk $0xffff, v34  }
0x147: {  	v34 =	vld.idx.msk [tilespmem:v36+s17+$0x0], $0xffff  }
0x148: {  	v35 =	vor.u32 v27, v32  }
0x149: {  	v36 =	vor.u32 v28, v33;
	_ =	sdelay $0x3  }
0x14a: {  	[tilespmem:v35+s22+$0x0] =	vst.idx.msk $0xffff, v34  }
0x14b: {  	v35 =	vld.idx.msk [tilespmem:v36+s17+$0x0], $0xffff  }
0x14c: {  	v36 =	vor.u32 v29, v32  }
.Ltmp6:
0x14d: {  	v33 =	vor.u32 v30, v33;
	(pc) =	sbr.rel @p2 .LBB2_9-.Ltmp6, $2  }
0x14e: {  	_ =	sdelay $0x2  }
0x14f: {  	v34 =	vadd.s32 s30, v0;
	s30 =	sadd.s32 $0x1, s30;
	[tilespmem:v36+s22+$0x0] =	vst.idx.msk $0xffff, v35  }
0x150: {  	_ =	sdelay $0x2  }
0x151: {  	v35 =	vand.u32 $0xF, v34  }
0x152: {  	v33 =	vld.idx.msk [tilespmem:v33+s17+$0x0], $0xffff;
	v32 =	vor.u32 v31, v32;
	v36 =	vshll.u32 v35, $0x7  }
0x153: {  	v37 =	vor.u32 v0, v36;
	_ =	sdelay $0x3  }
0x154: {  	[tilespmem:v32+s22+$0x0] =	vst.idx.msk $0xffff, v33  }
0x155: {  	v57 =	vor.u32 v1, v35;
	v32 =	vld.idx.msk [tilespmem:v37+s17+$0x0], $0xffff  }
0x156: {  	v58 =	vor.u32 v2, v36;
	_ =	sdelay $0x3  }
0x157: {  	[tilespmem:v57+s22+$0x0] =	vst.idx.msk $0xffff, v32  }
0x158: {  	v59 =	vor.u32 v3, v35;
	v32 =	vld.idx.msk [tilespmem:v58+s17+$0x0], $0xffff  }
0x159: {  	v60 =	vor.u32 v4, v36;
	_ =	sdelay $0x3  }
0x15a: {  	[tilespmem:v59+s22+$0x0] =	vst.idx.msk $0xffff, v32  }
0x15b: {  	v61 =	vor.u32 v5, v35;
	v32 =	vld.idx.msk [tilespmem:v60+s17+$0x0], $0xffff  }
0x15c: {  	v62 =	vor.u32 v6, v36;
	_ =	sdelay $0x3  }
0x15d: {  	[tilespmem:v61+s22+$0x0] =	vst.idx.msk $0xffff, v32  }
0x15e: {  	v63 =	vor.u32 v7, v35;
	v32 =	vld.idx.msk [tilespmem:v62+s17+$0x0], $0xffff  }
0x15f: {  	v40 =	vor.u32 v8, v36;
	_ =	sdelay $0x3  }
0x160: {  	[tilespmem:v63+s22+$0x0] =	vst.idx.msk $0xffff, v32  }
0x161: {  	v41 =	vor.u32 v9, v35;
	v32 =	vld.idx.msk [tilespmem:v40+s17+$0x0], $0xffff  }
0x162: {  	v42 =	vor.u32 v10, v36;
	_ =	sdelay $0x3  }
0x163: {  	[tilespmem:v41+s22+$0x0] =	vst.idx.msk $0xffff, v32  }
0x164: {  	v43 =	vor.u32 v11, v35;
	v32 =	vld.idx.msk [tilespmem:v42+s17+$0x0], $0xffff  }
0x165: {  	v44 =	vor.u32 v12, v36;
	_ =	sdelay $0x3  }
0x166: {  	[tilespmem:v43+s22+$0x0] =	vst.idx.msk $0xffff, v32  }
0x167: {  	v45 =	vor.u32 v13, v35;
	v32 =	vld.idx.msk [tilespmem:v44+s17+$0x0], $0xffff  }
0x168: {  	v46 =	vor.u32 v14, v36;
	_ =	sdelay $0x3  }
0x169: {  	[tilespmem:v45+s22+$0x0] =	vst.idx.msk $0xffff, v32  }
0x16a: {  	v47 =	vor.u32 v15, v35;
	v32 =	vld.idx.msk [tilespmem:v46+s17+$0x0], $0xffff  }
0x16b: {  	v48 =	vor.u32 v16, v36;
	_ =	sdelay $0x3  }
0x16c: {  	[tilespmem:v47+s22+$0x0] =	vst.idx.msk $0xffff, v32  }
0x16d: {  	v49 =	vor.u32 v17, v34;
	v32 =	vld.idx.msk [tilespmem:v48+s17+$0x0], $0xffff  }
0x16e: {  	v50 =	vor.u32 v18, v36;
	_ =	sdelay $0x3  }
0x16f: {  	[tilespmem:v49+s22+$0x0] =	vst.idx.msk $0xffff, v32  }
0x170: {  	v51 =	vor.u32 v19, v34;
	v32 =	vld.idx.msk [tilespmem:v50+s17+$0x0], $0xffff  }
0x171: {  	v52 =	vor.u32 v20, v36;
	_ =	sdelay $0x3  }
0x172: {  	[tilespmem:v51+s22+$0x0] =	vst.idx.msk $0xffff, v32  }
0x173: {  	v53 =	vor.u32 v21, v34;
	v32 =	vld.idx.msk [tilespmem:v52+s17+$0x0], $0xffff  }
0x174: {  	v54 =	vor.u32 v22, v36;
	_ =	sdelay $0x3  }
0x175: {  	[tilespmem:v53+s22+$0x0] =	vst.idx.msk $0xffff, v32  }
0x176: {  	v55 =	vor.u32 v23, v34;
	v32 =	vld.idx.msk [tilespmem:v54+s17+$0x0], $0xffff  }
0x177: {  	v56 =	vor.u32 v24, v36;
	_ =	sdelay $0x3  }
0x178: {  	[tilespmem:v55+s22+$0x0] =	vst.idx.msk $0xffff, v32  }
0x179: {  	v57 =	vor.u32 v25, v34;
	v32 =	vld.idx.msk [tilespmem:v56+s17+$0x0], $0xffff  }
0x17a: {  	v58 =	vor.u32 v26, v36;
	_ =	sdelay $0x3  }
0x17b: {  	[tilespmem:v57+s22+$0x0] =	vst.idx.msk $0xffff, v32  }
0x17c: {  	v59 =	vor.u32 v27, v34;
	v32 =	vld.idx.msk [tilespmem:v58+s17+$0x0], $0xffff  }
0x17d: {  	v60 =	vor.u32 v28, v36;
	_ =	sdelay $0x3  }
0x17e: {  	[tilespmem:v59+s22+$0x0] =	vst.idx.msk $0xffff, v32  }
0x17f: {  	v61 =	vor.u32 v29, v34;
	v32 =	vld.idx.msk [tilespmem:v60+s17+$0x0], $0xffff  }
0x180: {  	v62 =	vor.u32 v30, v36;
	_ =	sdelay $0x3  }
0x181: {  	[tilespmem:v61+s22+$0x0] =	vst.idx.msk $0xffff, v32  }
0x182: {  	v63 =	vor.u32 v31, v34;
	v32 =	vld.idx.msk [tilespmem:v62+s17+$0x0], $0xffff  }
0x183: {  	p2 =	seq.s32 s26, $0x79  }
.Ltmp7:
0x184: {  	_ = 	snop;
	(pc) =	sbr.rel @p2 .LBB2_12-.Ltmp7, $4  }
0x185: {  	_ = 	snop  }
0x186: {  	s29 =	sor.u32 s14, s29  }
0x187: {  	s29 =	sadd.s32 s4, s29;
	[tilespmem:v63+s22+$0x0] =	vst.idx.msk $0xffff, v32  }
0x188: {  	[hbm4b:s29+s3] =	stream.linear.scatter [tilespmem:s22], [sflag:$0x4], $0x1000, $0x38;
	[tilespmem:$0x4000] =	vst v63  }
.Ltmp8:
0x189: {  	(pc) =	sbr.rel .LBB2_2-.Ltmp8, $3  }
0x18a: {  	_ =	sdelay $0x1  }
0x18b: {  	s28 =	sadd.s32 s28, s9;
	s26 =	sadd.s32 $0x1, s26  }
0x18c: {  	[tilespmem:s17], [sflag:$0x2] =	stream.strided.gather [hbm4b:s28+s15], $0x1000, s16, s15, $0x38;
	[tilespmem:$0x4000] =	vst v63  }
.LBB2_12:
0x18d: {  	_ =	swait.ge [sflag:s23], $0x1000  }
.Ltmp9:
0x18e: {  	[sflag:s23] =	ssyncset.done $0x0;
	(pc) =	sbr.rel @p0 .LBB2_16-.Ltmp9, $4  }
0x18f: {  	[sflag:s23] =	ssyncadd.s32 $0xFFFFF000  }
0x190: {  	_ =	swait.ge [sflag:s21], $0x1000  }
0x191: {  	[sflag:s21] =	ssyncset.done $0x0  }
0x192: {  	[sflag:s21] =	ssyncadd.s32 $0xFFFFF000  }
0x193: {  	s26 =	simm.s32 $0x0  }
0x194: {  	v32 =	vadd.s32 s26, v0  }
0x195: {  	v33 =	vand.u32 $0xF, v32  }
0x196: {  	v34 =	vshll.u32 v33, $0x7  }
0x197: {  	v35 =	vor.u32 v0, v34  }
0x198: {  	[tilespmem:s26], [sflag:$0x5] =	stream.strided.gather [hbm4b:s10+s15], $0x1000, s16, s15, $0x38;
	[tilespmem:$0x4000] =	vst v63  }
0x199: {  	_ =	swait.ge [sflag:s24], $0x1000  }
0x19a: {  	[sflag:s24] =	ssyncset.done $0x0  }
0x19b: {  	[sflag:s24] =	ssyncadd.s32 $0xFFFFF000  }
0x19c: {  	v36 =	vor.u32 v1, v33;
	v35 =	vld.idx.msk [tilespmem:v35+s3+$0x0], $0xffff  }
0x19d: {  	v37 =	vor.u32 v2, v34;
	_ =	sdelay $0x3  }
0x19e: {  	[tilespmem:v36+s19+$0x0] =	vst.idx.msk $0xffff, v35  }
0x19f: {  	v62 =	vor.u32 v3, v33;
	v35 =	vld.idx.msk [tilespmem:v37+s3+$0x0], $0xffff  }
0x1a0: {  	v63 =	vor.u32 v4, v34;
	_ =	sdelay $0x3  }
0x1a1: {  	[tilespmem:v62+s19+$0x0] =	vst.idx.msk $0xffff, v35  }
0x1a2: {  	v40 =	vor.u32 v5, v33;
	v35 =	vld.idx.msk [tilespmem:v63+s3+$0x0], $0xffff  }
0x1a3: {  	v41 =	vor.u32 v6, v34;
	_ =	sdelay $0x3  }
0x1a4: {  	[tilespmem:v40+s19+$0x0] =	vst.idx.msk $0xffff, v35  }
0x1a5: {  	v42 =	vor.u32 v7, v33;
	v35 =	vld.idx.msk [tilespmem:v41+s3+$0x0], $0xffff  }
0x1a6: {  	v43 =	vor.u32 v8, v34;
	_ =	sdelay $0x3  }
0x1a7: {  	[tilespmem:v42+s19+$0x0] =	vst.idx.msk $0xffff, v35  }
0x1a8: {  	v44 =	vor.u32 v9, v33;
	v35 =	vld.idx.msk [tilespmem:v43+s3+$0x0], $0xffff  }
0x1a9: {  	v45 =	vor.u32 v10, v34;
	_ =	sdelay $0x3  }
0x1aa: {  	[tilespmem:v44+s19+$0x0] =	vst.idx.msk $0xffff, v35  }
0x1ab: {  	v46 =	vor.u32 v11, v33;
	v35 =	vld.idx.msk [tilespmem:v45+s3+$0x0], $0xffff  }
0x1ac: {  	v47 =	vor.u32 v12, v34;
	_ =	sdelay $0x3  }
0x1ad: {  	[tilespmem:v46+s19+$0x0] =	vst.idx.msk $0xffff, v35  }
0x1ae: {  	v48 =	vor.u32 v13, v33;
	v35 =	vld.idx.msk [tilespmem:v47+s3+$0x0], $0xffff  }
0x1af: {  	v49 =	vor.u32 v14, v34;
	_ =	sdelay $0x3  }
0x1b0: {  	[tilespmem:v48+s19+$0x0] =	vst.idx.msk $0xffff, v35  }
0x1b1: {  	v33 =	vor.u32 v15, v33;
	v35 =	vld.idx.msk [tilespmem:v49+s3+$0x0], $0xffff  }
0x1b2: {  	v50 =	vor.u32 v16, v34;
	_ =	sdelay $0x3  }
0x1b3: {  	[tilespmem:v33+s19+$0x0] =	vst.idx.msk $0xffff, v35  }
0x1b4: {  	v51 =	vor.u32 v17, v32;
	v33 =	vld.idx.msk [tilespmem:v50+s3+$0x0], $0xffff  }
0x1b5: {  	v52 =	vor.u32 v18, v34;
	_ =	sdelay $0x3  }
0x1b6: {  	[tilespmem:v51+s19+$0x0] =	vst.idx.msk $0xffff, v33  }
0x1b7: {  	v53 =	vor.u32 v19, v32;
	v33 =	vld.idx.msk [tilespmem:v52+s3+$0x0], $0xffff  }
0x1b8: {  	v54 =	vor.u32 v20, v34;
	_ =	sdelay $0x3  }
0x1b9: {  	[tilespmem:v53+s19+$0x0] =	vst.idx.msk $0xffff, v33  }
0x1ba: {  	v55 =	vor.u32 v21, v32;
	v33 =	vld.idx.msk [tilespmem:v54+s3+$0x0], $0xffff  }
0x1bb: {  	v56 =	vor.u32 v22, v34;
	_ =	sdelay $0x3  }
0x1bc: {  	[tilespmem:v55+s19+$0x0] =	vst.idx.msk $0xffff, v33  }
0x1bd: {  	v57 =	vor.u32 v23, v32;
	v33 =	vld.idx.msk [tilespmem:v56+s3+$0x0], $0xffff  }
0x1be: {  	v58 =	vor.u32 v24, v34;
	_ =	sdelay $0x3  }
0x1bf: {  	[tilespmem:v57+s19+$0x0] =	vst.idx.msk $0xffff, v33  }
0x1c0: {  	v59 =	vor.u32 v25, v32;
	v33 =	vld.idx.msk [tilespmem:v58+s3+$0x0], $0xffff  }
0x1c1: {  	v60 =	vor.u32 v26, v34;
	_ =	sdelay $0x3  }
0x1c2: {  	[tilespmem:v59+s19+$0x0] =	vst.idx.msk $0xffff, v33  }
0x1c3: {  	v61 =	vor.u32 v27, v32;
	v33 =	vld.idx.msk [tilespmem:v60+s3+$0x0], $0xffff  }
0x1c4: {  	v62 =	vor.u32 v28, v34;
	_ =	sdelay $0x3  }
0x1c5: {  	[tilespmem:v61+s19+$0x0] =	vst.idx.msk $0xffff, v33  }
0x1c6: {  	v63 =	vor.u32 v29, v32;
	v35 =	vld.idx.msk [tilespmem:v62+s3+$0x0], $0xffff  }
0x1c7: {  	v33 =	vor.u32 v30, v34;
	_ =	sdelay $0x2  }
0x1c8: {  	s31 =	simm.s32 $0x1  }
0x1c9: {  	s26 =	simm.s32 $0x2;
	v34 =	vadd.s32 s31, v0;
	[tilespmem:v63+s19+$0x0] =	vst.idx.msk $0xffff, v35  }
.LBB2_14:
0x1ca: {  	p2 =	sne.s32 s26, $0xF;
	v35 =	vand.u32 $0xF, v34;
	v36 =	vld.idx.msk [tilespmem:v33+s3+$0x0], $0xffff  }
0x1cb: {  	v37 =	vor.u32 v31, v32;
	v32 =	vmov v34;
	v33 =	vshll.u32 v35, $0x7  }
0x1cc: {  	v34 =	vor.u32 v0, v33;
	_ =	sdelay $0x3  }
0x1cd: {  	[tilespmem:v37+s19+$0x0] =	vst.idx.msk $0xffff, v36  }
0x1ce: {  	v34 =	vld.idx.msk [tilespmem:v34+s3+$0x0], $0xffff  }
0x1cf: {  	v36 =	vor.u32 v1, v35  }
0x1d0: {  	v37 =	vor.u32 v2, v33;
	_ =	sdelay $0x3  }
0x1d1: {  	[tilespmem:v36+s19+$0x0] =	vst.idx.msk $0xffff, v34  }
0x1d2: {  	v34 =	vld.idx.msk [tilespmem:v37+s3+$0x0], $0xffff  }
0x1d3: {  	v36 =	vor.u32 v3, v35  }
0x1d4: {  	v37 =	vor.u32 v4, v33;
	_ =	sdelay $0x3  }
0x1d5: {  	[tilespmem:v36+s19+$0x0] =	vst.idx.msk $0xffff, v34  }
0x1d6: {  	v34 =	vld.idx.msk [tilespmem:v37+s3+$0x0], $0xffff  }
0x1d7: {  	v36 =	vor.u32 v5, v35  }
0x1d8: {  	v37 =	vor.u32 v6, v33;
	_ =	sdelay $0x3  }
0x1d9: {  	[tilespmem:v36+s19+$0x0] =	vst.idx.msk $0xffff, v34  }
0x1da: {  	v34 =	vld.idx.msk [tilespmem:v37+s3+$0x0], $0xffff  }
0x1db: {  	v36 =	vor.u32 v7, v35  }
0x1dc: {  	v37 =	vor.u32 v8, v33;
	_ =	sdelay $0x3  }
0x1dd: {  	[tilespmem:v36+s19+$0x0] =	vst.idx.msk $0xffff, v34  }
0x1de: {  	v34 =	vld.idx.msk [tilespmem:v37+s3+$0x0], $0xffff  }
0x1df: {  	v36 =	vor.u32 v9, v35  }
0x1e0: {  	v37 =	vor.u32 v10, v33;
	_ =	sdelay $0x3  }
0x1e1: {  	[tilespmem:v36+s19+$0x0] =	vst.idx.msk $0xffff, v34  }
0x1e2: {  	v34 =	vld.idx.msk [tilespmem:v37+s3+$0x0], $0xffff  }
0x1e3: {  	v36 =	vor.u32 v11, v35  }
0x1e4: {  	v37 =	vor.u32 v12, v33;
	_ =	sdelay $0x3  }
0x1e5: {  	[tilespmem:v36+s19+$0x0] =	vst.idx.msk $0xffff, v34  }
0x1e6: {  	v34 =	vld.idx.msk [tilespmem:v37+s3+$0x0], $0xffff  }
0x1e7: {  	v36 =	vor.u32 v13, v35  }
0x1e8: {  	v37 =	vor.u32 v14, v33;
	_ =	sdelay $0x3  }
0x1e9: {  	[tilespmem:v36+s19+$0x0] =	vst.idx.msk $0xffff, v34  }
0x1ea: {  	v34 =	vld.idx.msk [tilespmem:v37+s3+$0x0], $0xffff  }
0x1eb: {  	v35 =	vor.u32 v15, v35  }
0x1ec: {  	v36 =	vor.u32 v16, v33;
	_ =	sdelay $0x3  }
0x1ed: {  	[tilespmem:v35+s19+$0x0] =	vst.idx.msk $0xffff, v34  }
0x1ee: {  	v34 =	vld.idx.msk [tilespmem:v36+s3+$0x0], $0xffff  }
0x1ef: {  	v35 =	vor.u32 v17, v32  }
0x1f0: {  	v36 =	vor.u32 v18, v33;
	_ =	sdelay $0x3  }
0x1f1: {  	[tilespmem:v35+s19+$0x0] =	vst.idx.msk $0xffff, v34  }
0x1f2: {  	v34 =	vld.idx.msk [tilespmem:v36+s3+$0x0], $0xffff  }
0x1f3: {  	v35 =	vor.u32 v19, v32  }
0x1f4: {  	v36 =	vor.u32 v20, v33;
	_ =	sdelay $0x3  }
0x1f5: {  	[tilespmem:v35+s19+$0x0] =	vst.idx.msk $0xffff, v34  }
0x1f6: {  	v34 =	vld.idx.msk [tilespmem:v36+s3+$0x0], $0xffff  }
0x1f7: {  	v35 =	vor.u32 v21, v32  }
0x1f8: {  	v36 =	vor.u32 v22, v33;
	_ =	sdelay $0x3  }
0x1f9: {  	[tilespmem:v35+s19+$0x0] =	vst.idx.msk $0xffff, v34  }
0x1fa: {  	v34 =	vld.idx.msk [tilespmem:v36+s3+$0x0], $0xffff  }
0x1fb: {  	v35 =	vor.u32 v23, v32  }
0x1fc: {  	v36 =	vor.u32 v24, v33;
	_ =	sdelay $0x3  }
0x1fd: {  	[tilespmem:v35+s19+$0x0] =	vst.idx.msk $0xffff, v34  }
0x1fe: {  	v34 =	vld.idx.msk [tilespmem:v36+s3+$0x0], $0xffff  }
0x1ff: {  	v35 =	vor.u32 v25, v32  }
0x200: {  	v36 =	vor.u32 v26, v33;
	_ =	sdelay $0x3  }
0x201: {  	[tilespmem:v35+s19+$0x0] =	vst.idx.msk $0xffff, v34  }
0x202: {  	v34 =	vld.idx.msk [tilespmem:v36+s3+$0x0], $0xffff  }
0x203: {  	v35 =	vor.u32 v27, v32  }
0x204: {  	v36 =	vor.u32 v28, v33;
	_ =	sdelay $0x3  }
0x205: {  	[tilespmem:v35+s19+$0x0] =	vst.idx.msk $0xffff, v34  }
0x206: {  	v35 =	vld.idx.msk [tilespmem:v36+s3+$0x0], $0xffff  }
0x207: {  	v36 =	vor.u32 v29, v32  }
.Ltmp10:
0x208: {  	v33 =	vor.u32 v30, v33;
	(pc) =	sbr.rel @p2 .LBB2_14-.Ltmp10, $2  }
0x209: {  	_ =	sdelay $0x2  }
0x20a: {  	v34 =	vadd.s32 s26, v0;
	s26 =	sadd.s32 $0x1, s26;
	[tilespmem:v36+s19+$0x0] =	vst.idx.msk $0xffff, v35  }
0x20b: {  	_ =	sdelay $0x2  }
0x20c: {  	v35 =	vand.u32 $0xF, v34  }
0x20d: {  	v33 =	vld.idx.msk [tilespmem:v33+s3+$0x0], $0xffff;
	v32 =	vor.u32 v31, v32;
	v36 =	vshll.u32 v35, $0x7  }
0x20e: {  	v37 =	vor.u32 v0, v36;
	_ =	sdelay $0x3  }
0x20f: {  	[tilespmem:v32+s19+$0x0] =	vst.idx.msk $0xffff, v33  }
0x210: {  	v57 =	vor.u32 v1, v35;
	v32 =	vld.idx.msk [tilespmem:v37+s3+$0x0], $0xffff  }
0x211: {  	v58 =	vor.u32 v2, v36;
	_ =	sdelay $0x3  }
0x212: {  	[tilespmem:v57+s19+$0x0] =	vst.idx.msk $0xffff, v32  }
0x213: {  	v59 =	vor.u32 v3, v35;
	v32 =	vld.idx.msk [tilespmem:v58+s3+$0x0], $0xffff  }
0x214: {  	v60 =	vor.u32 v4, v36;
	_ =	sdelay $0x3  }
0x215: {  	[tilespmem:v59+s19+$0x0] =	vst.idx.msk $0xffff, v32  }
0x216: {  	v61 =	vor.u32 v5, v35;
	v32 =	vld.idx.msk [tilespmem:v60+s3+$0x0], $0xffff  }
0x217: {  	v62 =	vor.u32 v6, v36;
	_ =	sdelay $0x3  }
0x218: {  	[tilespmem:v61+s19+$0x0] =	vst.idx.msk $0xffff, v32  }
0x219: {  	v63 =	vor.u32 v7, v35;
	v32 =	vld.idx.msk [tilespmem:v62+s3+$0x0], $0xffff  }
0x21a: {  	v40 =	vor.u32 v8, v36;
	_ =	sdelay $0x3  }
0x21b: {  	[tilespmem:v63+s19+$0x0] =	vst.idx.msk $0xffff, v32  }
0x21c: {  	v41 =	vor.u32 v9, v35;
	v32 =	vld.idx.msk [tilespmem:v40+s3+$0x0], $0xffff  }
0x21d: {  	v42 =	vor.u32 v10, v36;
	_ =	sdelay $0x3  }
0x21e: {  	[tilespmem:v41+s19+$0x0] =	vst.idx.msk $0xffff, v32  }
0x21f: {  	v43 =	vor.u32 v11, v35;
	v32 =	vld.idx.msk [tilespmem:v42+s3+$0x0], $0xffff  }
0x220: {  	v44 =	vor.u32 v12, v36;
	_ =	sdelay $0x3  }
0x221: {  	[tilespmem:v43+s19+$0x0] =	vst.idx.msk $0xffff, v32  }
0x222: {  	v45 =	vor.u32 v13, v35;
	v32 =	vld.idx.msk [tilespmem:v44+s3+$0x0], $0xffff  }
0x223: {  	v46 =	vor.u32 v14, v36;
	_ =	sdelay $0x3  }
0x224: {  	[tilespmem:v45+s19+$0x0] =	vst.idx.msk $0xffff, v32  }
0x225: {  	v47 =	vor.u32 v15, v35;
	v32 =	vld.idx.msk [tilespmem:v46+s3+$0x0], $0xffff  }
0x226: {  	v48 =	vor.u32 v16, v36;
	_ =	sdelay $0x3  }
0x227: {  	[tilespmem:v47+s19+$0x0] =	vst.idx.msk $0xffff, v32  }
0x228: {  	v49 =	vor.u32 v17, v34;
	v32 =	vld.idx.msk [tilespmem:v48+s3+$0x0], $0xffff  }
0x229: {  	v50 =	vor.u32 v18, v36;
	_ =	sdelay $0x3  }
0x22a: {  	[tilespmem:v49+s19+$0x0] =	vst.idx.msk $0xffff, v32  }
0x22b: {  	v51 =	vor.u32 v19, v34;
	v32 =	vld.idx.msk [tilespmem:v50+s3+$0x0], $0xffff  }
0x22c: {  	v52 =	vor.u32 v20, v36;
	_ =	sdelay $0x3  }
0x22d: {  	[tilespmem:v51+s19+$0x0] =	vst.idx.msk $0xffff, v32  }
0x22e: {  	v53 =	vor.u32 v21, v34;
	v32 =	vld.idx.msk [tilespmem:v52+s3+$0x0], $0xffff  }
0x22f: {  	v54 =	vor.u32 v22, v36;
	_ =	sdelay $0x3  }
0x230: {  	[tilespmem:v53+s19+$0x0] =	vst.idx.msk $0xffff, v32  }
0x231: {  	v55 =	vor.u32 v23, v34;
	v32 =	vld.idx.msk [tilespmem:v54+s3+$0x0], $0xffff  }
0x232: {  	v56 =	vor.u32 v24, v36;
	_ =	sdelay $0x3  }
0x233: {  	[tilespmem:v55+s19+$0x0] =	vst.idx.msk $0xffff, v32  }
0x234: {  	v57 =	vor.u32 v25, v34;
	v32 =	vld.idx.msk [tilespmem:v56+s3+$0x0], $0xffff  }
0x235: {  	v58 =	vor.u32 v26, v36;
	_ =	sdelay $0x3  }
0x236: {  	[tilespmem:v57+s19+$0x0] =	vst.idx.msk $0xffff, v32  }
0x237: {  	v59 =	vor.u32 v27, v34;
	v32 =	vld.idx.msk [tilespmem:v58+s3+$0x0], $0xffff  }
0x238: {  	v60 =	vor.u32 v28, v36;
	_ =	sdelay $0x3  }
0x239: {  	[tilespmem:v59+s19+$0x0] =	vst.idx.msk $0xffff, v32  }
0x23a: {  	v61 =	vor.u32 v29, v34;
	v32 =	vld.idx.msk [tilespmem:v60+s3+$0x0], $0xffff  }
0x23b: {  	v62 =	vor.u32 v30, v36;
	_ =	sdelay $0x3  }
0x23c: {  	[tilespmem:v61+s19+$0x0] =	vst.idx.msk $0xffff, v32  }
0x23d: {  	v63 =	vor.u32 v31, v34;
	v32 =	vld.idx.msk [tilespmem:v62+s3+$0x0], $0xffff;
	_ =	sdelay $0x4  }
.Ltmp11:
0x23e: {  	[tilespmem:v63+s19+$0x0] =	vst.idx.msk $0xffff, v32;
	(pc) =	sbr.rel .LBB2_16-.Ltmp11, $4  }
0x23f: {  	[hbm4b:s11+s3] =	stream.linear.scatter [tilespmem:s19], [sflag:$0x5], $0x1000, $0x38;
	[tilespmem:$0x4000] =	vst v63  }
0x240: {  	_ =	swait.ge [sflag:s24], $0x1000  }
0x241: {  	[sflag:s24] =	ssyncset.done $0x0  }
0x242: {  	[sflag:s24] =	ssyncadd.s32 $0xFFFFF000  }
.LBB2_17:
0x243: {  	_ =	sfence.sel $0x180000  }
0x244: {  	[bflag:$0x0] =	sbarrier.arrive $0xFFFF  }
0x245: {  	p0 =	sne.s32 s1, $0x0;
	_ =	strace $0x90000047  }
0x246: {  	s0 =	sadd.s32 @!p0 $0x100000, s0;
	[bflag:$0x2] =	sbarrier.arrive $0xFFFF  }
0x247: {  	[sflag:s0] =	ssyncadd.tile.s32 @!p0 $0x1;
	_ =	shalt  }
.Lfunc_end2:
_tile_overlayer_lowered:
.L_overlay_start_2:
0x248: {  	(tag) =	ssettag $0x2  }
0x249: {  	s0 =	rddreg [dreg:$0x0];
	s2 =	stileid.u32  }
0x24a: {  	s1 =	rddreg [dreg:$0x1];
	p0 =	sne.s32 s2, $0x0  }
0x24b: {  	s3 =	rddreg [dreg:$0x2];
	[bflag:$0x3] =	sbarrier.arrive $0xFFFF;
	s2 =	simm.s32 @!p0 $0x1C05  }
0x24c: {  	[timem:s3], [sflag:s2] =	dma.local @!p0 [hbm:s0], s1  }
0x24d: {  	s0 =	simm.s32 @!p0 $0x5  }
0x24e: {  	_ =	swait.ge @!p0 [sflag:s0], s1  }
0x24f: {  	s1 =	ssub.s32 @!p0 $0x0, s1;
	[sflag:s0] =	ssyncset.done @!p0 $0x0  }
0x250: {  	[sflag:s0] =	ssyncadd.s32 @!p0 s1  }
0x251: {  	[bflag:$0x3] =	sbarrier.arrive $0xFFFF  }
0x252: {  	_ =	shalt  }

// kernel: kernel.7.cloned.1.call-start
scs
__scs_entry_jumppad:
0x0: {  	(pc) =	sbr.rel $0x88, $3  }
0x1: {  	(tag) =	ssettag $0x0;
	lr =	simm.s32 $0x1  }
0x2: {  	[smem:$0x3F9F] =	sst lr;
	_ =	strace $0xD0000000  }
0x3: {  	_ = 	snop  }
0x4: {  	_ = 	snop  }
0x5: {  	_ = 	snop  }
0x6: {  	_ = 	snop  }
0x7: {  	_ = 	snop  }
__scs_overlays_trampoline_lowered:
0x8: {  	[smem:$0x3FAE] =	sst s0  }
0x9: {  	[smem:$0x3FAF] =	sst s1  }
0xa: {  	[smem:$0x3FB0] =	sst s2  }
0xb: {  	[smem:$0x3FB1] =	sst s3  }
0xc: {  	[smem:$0x3FB2] =	sst s4  }
0xd: {  	[smem:$0x3FB3] =	sst s5  }
0xe: {  	[smem:$0x3FB4] =	sst s6  }
0xf: {  	[smem:$0x3FB5] =	sst s7  }
0x10: {  	[smem:$0x3FB6] =	sst s8  }
0x11: {  	[smem:$0x3FB7] =	sst s9;
	s0 =	simm.s32 @!p0 $0x0  }
0x12: {  	s1 =	sld [smem:$0x3F9D];
	s0 =	simm.s32 @p0 $0x1  }
0x13: {  	[smem:$0x3FB8] =	sst s0;
	s0 =	simm.s32 @!p1 $0x0  }
0x14: {  	s2 =	sld [smem:$0x3F9C];
	s0 =	simm.s32 @p1 $0x1  }
0x15: {  	[smem:$0x3FB9] =	sst s0;
	s0 =	simm.s32 @!p2 $0x0  }
0x16: {  	s3 =	sld [smem:$0x3FDB];
	s0 =	simm.s32 @p2 $0x1  }
0x17: {  	s4 =	simm.s32 $0x1BF5;
	[smem:$0x3FBB] =	sst s0  }
0x18: {  	s0 =	sld [smem:$0x3F9E];
	_ =	swait.ge [sflag:s4], $0x0  }
0x19: {  	s7 =	sld [smem:$0x3F9F]  }
0x1a: {  	s8 =	sadd.s32 $0xFFFFE003, lr  }
0x1b: {  	s9 =	sadd.s32 $0xFFFFFEF7, lr;
	s5 =	simm.s32 $0xFFFFFFFF;
	p2 =	slt.u32 s8, $0xFFFFF086  }
0x1c: {  	p1 =	slt.u32 s9, $0xF7A;
	s5 =	simm.s32 @!p2 $0x0  }
0x1d: {  	s5 =	simm.s32 @p1 $0x1;
	p0 =	seq.s32 s7, s2  }
0x1e: {  	s7 =	smul.u32 @!p0 $0xF7A, s2;
	p2 =	seq.s32 @!p0 s5, $0x0  }
0x1f: {  	s9 =	smul.u32 $0xF7A, s1;
	s8 =	simm.s32 @!p0 $0x1BF5;
	p2 =	por !p2, p0  }
0x20: {  	[sflag:s8] =	ssyncset.s32 @!p0 $0xFFFFF086;
	s6 =	sadd.s32 @!p0 s3, s7;
	s7 =	simm.s32 @!p0 $0x108  }
0x21: {  	s3 =	sadd.s32 s3, s9;
	s6 =	sadd.s32 @!p0 $0x88, s6;
	s7 =	simm.s32 @p2 $0x1082  }
0x22: {  	[simem:s7], [sflag:s8] =	dma.local @!p0 [hbm:s6], $0xF7A  }
0x23: {  	s9 =	sor.u32 $0xD0000000, s2;
	s6 =	simm.s32 $0x108;
	_ =	swait.ge @!p0 [sflag:s8], $0x0  }
0x24: {  	s3 =	sadd.s32 $0x88, s3;
	s6 =	simm.s32 @!p1 $0x1082;
	[sflag:s4] =	ssyncset.s32 $0xFFFFF086  }
0x25: {  	[simem:s6], [sflag:s4] =	dma.local [hbm:s3], $0xF7A  }
0x26: {  	[smem:$0x3F9F] =	sst s1;
	(tag) =	ssettag s2;
	_ =	strace s9  }
0x27: {  	s1 =	sld [smem:$0x3FAF]  }
0x28: {  	s2 =	sld [smem:$0x3FB0]  }
0x29: {  	s4 =	sld [smem:$0x3FB2]  }
0x2a: {  	p0 =	seq.s32 s5, $0x0;
	s5 =	sld [smem:$0x3FB3]  }
0x2b: {  	s6 =	sld [smem:$0x3FB4]  }
0x2c: {  	s7 =	sld [smem:$0x3FB5]  }
0x2d: {  	s3 =	simm.s32 $0x108;
	s8 =	sld [smem:$0x3FB6]  }
0x2e: {  	s3 =	simm.s32 @!p0 $0x1082;
	s9 =	sld [smem:$0x3FB7]  }
0x2f: {  	lr =	sadd.s32 s0, s3;
	s0 =	sld [smem:$0x3FAE]  }
0x30: {  	s3 =	sld [smem:$0x3FB1]  }
0x31: {  	[smem:$0x3FBA] =	sst s10  }
0x32: {  	s10 =	sld [smem:$0x3FB8];
	_ =	sdelay $0x3  }
0x33: {  	p0 =	seq.s32 s10, $0x1;
	s10 =	sld [smem:$0x3FBA];
	_ =	sdelay $0x3  }
0x34: {  	[smem:$0x3FBA] =	sst s10  }
0x35: {  	s10 =	sld [smem:$0x3FB9];
	_ =	sdelay $0x3  }
0x36: {  	p1 =	seq.s32 s10, $0x1;
	s10 =	sld [smem:$0x3FBA];
	_ =	sdelay $0x3  }
0x37: {  	[smem:$0x3FBA] =	sst s10  }
0x38: {  	s10 =	sld [smem:$0x3FBB]  }
0x39: {  	_ = 	snop;
	(pc) =	sbr.ind lr, $3  }
0x3a: {  	_ = 	snop  }
0x3b: {  	_ = 	snop  }
0x3c: {  	p2 =	seq.s32 s10, $0x1;
	s10 =	sld [smem:$0x3FBA]  }
0x3d: {  	_ =	shalt  }
0x3e: {  	_ =	shalt  }
0x3f: {  	_ =	shalt  }
0x40: {  	_ =	shalt  }
0x41: {  	_ =	shalt  }
0x42: {  	_ =	shalt  }
0x43: {  	_ =	shalt  }
0x44: {  	_ =	shalt  }
0x45: {  	_ =	shalt  }
0x46: {  	_ =	shalt  }
0x47: {  	_ =	shalt  }
0x48: {  	_ =	shalt  }
0x49: {  	_ =	shalt  }
0x4a: {  	_ =	shalt  }
0x4b: {  	_ =	shalt  }
0x4c: {  	_ =	shalt  }
0x4d: {  	_ =	shalt  }
0x4e: {  	_ =	shalt  }
0x4f: {  	_ =	shalt  }
0x50: {  	_ =	shalt  }
0x51: {  	_ =	shalt  }
0x52: {  	_ =	shalt  }
0x53: {  	_ =	shalt  }
0x54: {  	_ =	shalt  }
0x55: {  	_ =	shalt  }
0x56: {  	_ =	shalt  }
0x57: {  	_ =	shalt  }
0x58: {  	_ =	shalt  }
0x59: {  	_ =	shalt  }
0x5a: {  	_ =	shalt  }
0x5b: {  	_ =	shalt  }
0x5c: {  	_ =	shalt  }
0x5d: {  	_ =	shalt  }
0x5e: {  	_ =	shalt  }
0x5f: {  	_ =	shalt  }
0x60: {  	_ =	shalt  }
0x61: {  	_ =	shalt  }
0x62: {  	_ =	shalt  }
0x63: {  	_ =	shalt  }
0x64: {  	_ =	shalt  }
0x65: {  	_ =	shalt  }
0x66: {  	_ =	shalt  }
0x67: {  	_ =	shalt  }
0x68: {  	_ =	shalt  }
0x69: {  	_ =	shalt  }
0x6a: {  	_ =	shalt  }
0x6b: {  	_ =	shalt  }
0x6c: {  	_ =	shalt  }
0x6d: {  	_ =	shalt  }
0x6e: {  	_ =	shalt  }
0x6f: {  	_ =	shalt  }
0x70: {  	_ =	shalt  }
0x71: {  	_ =	shalt  }
0x72: {  	_ =	shalt  }
0x73: {  	_ =	shalt  }
0x74: {  	_ =	shalt  }
0x75: {  	_ =	shalt  }
0x76: {  	_ =	shalt  }
0x77: {  	_ =	shalt  }
0x78: {  	_ =	shalt  }
0x79: {  	_ =	shalt  }
0x7a: {  	_ =	shalt  }
0x7b: {  	_ =	shalt  }
0x7c: {  	_ =	shalt  }
0x7d: {  	_ =	shalt  }
0x7e: {  	_ =	shalt  }
0x7f: {  	_ =	shalt  }
0x80: {  	_ =	shalt  }
0x81: {  	_ =	shalt  }
0x82: {  	_ =	shalt  }
0x83: {  	_ =	shalt  }
0x84: {  	_ =	shalt  }
0x85: {  	_ =	shalt  }
0x86: {  	_ =	shalt  }
0x87: {  	_ =	shalt  }
.Lfunc_end0:
.L_simem_size_0:
called_computation.1_lowered:
.L_overlay_start_0:
0x88: {  	s2 =	sld [smem:$0x3FD9]  }
0x89: {  	s3 =	sld [smem:$0x3FFE];
	_ =	sdelay $0x1  }
0x8a: {  	s1 =	srdreg.scid  }
0x8b: {  	s0 =	sand.u32 $0x1, s1  }
0x8c: {  	s17 =	sshll.u32 s0, $0xA;
	s2 =	sadd.s32 s3, s2  }
0x8d: {  	s2 =	sadd.s32 s2, s17  }
0x8e: {  	[smem:$0x3FC6] =	sst s2  }
0x8f: {  	_ = 	snop  }
0x90: {  	s2 =	sld [smem:$0x3FD0];
	(tm) =	ssettm $0x1  }
0x91: {  	s18 =	sld [smem:$0x3FFB];
	_ =	sdelay $0x3  }
0x92: {  	_ =	strace s18  }
0x93: {  	s3 =	sld [smem:$0x3FFC];
	_ =	sdelay $0x3  }
0x94: {  	_ =	strace s3  }
0x95: {  	s3 =	sld [smem:$0x3FFD];
	_ =	sdelay $0x3  }
0x96: {  	_ =	strace s3  }
0x97: {  	_ =	strace $0x8FFFFFFF  }
0x98: {  	s19 =	sld [smem:$0x3FDB];
	_ =	sdelay $0x1  }
0x99: {  	s4 =	simm.s32 $_scs_section_size  }
0x9a: {  	s5 =	simm.s32 $_size__tile_overlayer_lowered;
	s6 =	simm.s32 $_tile_overlayer_lowered  }
0x9b: {  	s22 =	simm.s32 $0x1BFF;
	s21 =	sshll.u32 s6, $0x1;
	s3 =	sadd.s32 s4, s19  }
0x9c: {  	s7 =	simm.s32 $0x0;
	s20 =	sshll.u32 s5, $0x1;
	s5 =	sadd.s32 s21, s3  }
0x9d: {  	[timem:s7], [sflag:s22] =	dma.local [hbm:s5], s20  }
0x9e: {  	_ =	swait.ge [sflag:s22], s20  }
0x9f: {  	s4 =	ssub.s32 $0x0, s20;
	[sflag:s22] =	ssyncset.done $0x0  }
0xa0: {  	[sflag:s22] =	ssyncadd.s32 s4;
	_ =	sdelay $0x1  }
0xa1: {  	s23 =	simm.s32 $0x1B8B  }
0xa2: {  	_ =	swait.ge [sflag:s23], $0x1  }
0xa3: {  	[sflag:s23] =	ssyncset.done $0x0  }
0xa4: {  	s25 =	simm.s32 $0x1B8E;
	s24 =	sld [smem:$0x3FFE];
	[sflag:s23] =	ssyncadd.s32 $0xFFFFFFFF  }
0xa5: {  	s26 =	simm.s32 $execute0_lowered;
	[smem:$0x3FD2] =	sst s25  }
0xa6: {  	s5 =	sshll.u32 s26, $0x1;
	_ =	strace $0x80000049;
	[dreg:$0x1] =	wrdreg $0xFFFFFFFF  }
0xa7: {  	s28 =	simm.s32 $_size_execute0_lowered;
	s3 =	sadd.s32 s3, s5;
	[dreg:$0x0] =	wrdreg $0x0  }
0xa8: {  	s5 =	sshll.u32 s28, $0x1;
	[dreg:$0x2] =	wrdreg s3  }
0xa9: {  	[dreg:$0x3] =	wrdreg s5  }
0xaa: {  	[dreg:$0x4] =	wrdreg $0xC0  }
0xab: {  	_ =	task [dreg:s7], $0x5FFFF  }
0xac: {  	[dreg:$0x1] =	wrdreg $0xFFFFFFFF  }
0xad: {  	[dreg:$0x0] =	wrdreg $0x60  }
0xae: {  	[dreg:$0x2] =	wrdreg s24  }
0xaf: {  	[dreg:$0x3] =	wrdreg s2  }
0xb0: {  	[dreg:$0x4] =	wrdreg $0x9  }
0xb1: {  	_ =	task.clear_ibuf [dreg:s7], $0x5FFFF;
	_ =	strace $0x90000049  }
0xb2: {  	s29 =	simm.s32 $0x9;
	_ =	strace $0x8000004B  }
0xb3: {  	_ =	swait.ge [sflag:s29], $0x1  }
0xb4: {  	[sflag:s29] =	ssyncadd.s32 $0xFFFFFFFF  }
0xb5: {  	_ =	strace $0x9000004B  }
0xb6: {  	_ =	sfence  }
0xb7: {  	s30 =	sld [smem:$0x0];
	_ =	sdelay $0x2  }
0xb8: {  	s31 =	sshll.u32 s1, $0xD;
	s1 =	sshrl.u32 s1, $0x2  }
0xb9: {  	s3 =	sand.u32 $0x4000, s31;
	s1 =	sadd.s32 s1, s30  }
0xba: {  	s0 =	sor.u32 s3, s0;
	s1 =	sshll.u32 s1, $0x11  }
0xbb: {  	s0 =	sor.u32 s1, s0  }
0xbc: {  	s0 =	sadd.s32 $0x8F2B, s0  }
0xbd: {  	[sflag:s0] =	ssyncadd.remote.s32 $0x1  }
0xbe: {  	_ =	sfence.sel $0xFFFF  }
0xbf: {  	[dreg:$0x0] =	wrdreg $0xFFFFFFFF;
	(pc) =	sbr.abs _section_cstart, $3  }
0xc0: {  	[dreg:$0x1] =	wrdreg $0xFFFFFFFF  }
0xc1: {  	_ =	task.clear_ibuf [dreg:s7], $0x2FFFF;
	_ =	strace $0x9FFFFFFF  }
0xc2: {  	(tm) =	ssettm $0x7FFFFFFF  }
0xc3: {  	_ =	shalt  }
tec
execute0_lowered:
.L_overlay_start_1:
0x0: {  	(tag) =	ssettag $0x1  }
0x1: {  	s7 =	rddreg [dreg:$0x0];
	s1 =	srdreg.scid  }
0x2: {  	s0 =	stileid.u32;
	s2 =	rddreg [dreg:$0x1];
	v0 =	vlaneseq.u32  }
0x3: {  	s3 =	simm.s32 $0x0;
	s11 =	simm.s32 $0x80;
	s12 =	simm.s32 $0x6400;
	v1 =	vmul.u32 $0x32, v0  }
0x4: {  	s13 =	simm.s32 $0x6600;
	s14 =	simm.s32 $0x6480;
	s15 =	simm.s32 $0xA600;
	v13 =	vmul.u32 $0x80, v0;
	v19 =	vor.u32 $0x10, v0;
	v21 =	vor.u32 $0x20, v0  }
0x5: {  	s16 =	simm.s32 $0x1;
	s17 =	simm.s32 $0xE600;
	s18 =	simm.s32 $0x400;
	v23 =	vor.u32 $0x30, v0;
	v25 =	vor.u32 $0x40, v0;
	v27 =	vor.u32 $0x50, v0  }
0x6: {  	s19 =	simm.s32 $0x20000;
	s20 =	simm.s32 $0x2;
	s21 =	simm.s32 $0xF600;
	v29 =	vor.u32 $0x60, v0;
	v31 =	vor.u32 $0x70, v0;
	v2 =	vadd.s32 $0x320, v1  }
0x7: {  	s22 =	simm.s32 $0x3;
	s4 =	sand.u32 $0x1, s1;
	s5 =	sshll.u32 s0, $0x1;
	v3 =	vadd.s32 $0x640, v1;
	v4 =	vadd.s32 $0x960, v1;
	v5 =	vadd.s32 $0xC80, v1  }
0x8: {  	s23 =	simm.s32 $0x4;
	s24 =	simm.s32 $0x0;
	s5 =	sor.u32 s4, s5;
	v6 =	vadd.s32 $0xFA0, v1;
	v7 =	vadd.s32 $0x12C0, v1;
	v8 =	vadd.s32 $0x15E0, v1  }
0x9: {  	[smem:$0x7FF] =	sst s3;
	s8 =	ssub.s32 $0x2, s4;
	s6 =	smul.u32 $0xC80, s5;
	v10 =	vadd.s32 $0x321, v1;
	v11 =	vadd.s32 $0x641, v1;
	v12 =	vadd.s32 $0x961, v1  }
0xa: {  	_ =	strace $0x8000004A;
	s4 =	sshll.u32 s5, $0x9;
	s9 =	sshrl.u32 s8, $0x1;
	v14 =	vadd.s32 $0xC81, v1;
	v15 =	vadd.s32 $0xFA1, v1;
	v16 =	vadd.s32 $0x12C1, v1  }
0xb: {  	v17 =	vadd.s32 $0x15E1, v1;
	v18 =	vor.u32 $0x800, v13;
	v20 =	vor.u32 $0x1000, v13;
	s10 =	sadd.s32 s4, s2;
	s9 =	ssub.s32 s8, s9;
	s6 =	sadd.s32 s6, s7  }
0xc: {  	v22 =	vor.u32 $0x1800, v13;
	v24 =	vor.u32 $0x2000, v13;
	v26 =	vor.u32 $0x2800, v13;
	s7 =	sadd.s32 $0xA00, s7;
	s8 =	sadd.s32 $0x310180, s10;
	s9 =	smax.u32 s9, $0x1  }
0xd: {  	v9 =	vor.u32 $0x1, v1;
	v28 =	vor.u32 $0x3000, v13;
	v30 =	vor.u32 $0x3800, v13;
	s5 =	sadd.s32 $0x3D1400, s6;
	s6 =	sadd.s32 $0x300180, s10;
	s10 =	simm.s32 $0x5  }
.LBB2_1:
0xe: {  	[tilespmem:s3], [sflag:$0x5] =	stream.linear.gather [hbm4b:s5+s3], $0x6400, $0x38;
	[tilespmem:$0x10600] =	vst v63  }
0xf: {  	_ =	swait.ge [sflag:s10], $0x6400  }
0x10: {  	[sflag:s10] =	ssyncset.done $0x0  }
0x11: {  	[sflag:s10] =	ssyncadd.s32 $0xFFFF9C00  }
0x12: {  	v32 =	vld.idx.msk [tilespmem:v1+s3+$0x0], $0xffff;
	_ =	sdelay $0x4  }
0x13: {  	v33 =	vshra.s32 v32, $0x2;
	v32 =	vshll.u32 v32, $0x5  }
0x14: {  	[tilespmem:$0x6400] =	vst v33;
	v32 =	vand.u32 $0x60, v32  }
0x15: {  	[tilespmem:$0x6500] =	vst v32  }
0x16: {  	v32 =	vld.idx.msk [tilespmem:v2+s3+$0x0], $0xffff;
	_ =	sdelay $0x4  }
0x17: {  	v49 =	vshra.s32 v32, $0x2;
	v32 =	vshll.u32 v32, $0x5  }
0x18: {  	[tilespmem:$0x6410] =	vst v49;
	v32 =	vand.u32 $0x60, v32  }
0x19: {  	[tilespmem:$0x6510] =	vst v32  }
0x1a: {  	v32 =	vld.idx.msk [tilespmem:v3+s3+$0x0], $0xffff;
	_ =	sdelay $0x4  }
0x1b: {  	v50 =	vshra.s32 v32, $0x2;
	v32 =	vshll.u32 v32, $0x5  }
0x1c: {  	[tilespmem:$0x6420] =	vst v50;
	v32 =	vand.u32 $0x60, v32  }
0x1d: {  	[tilespmem:$0x6520] =	vst v32  }
0x1e: {  	v32 =	vld.idx.msk [tilespmem:v4+s3+$0x0], $0xffff;
	_ =	sdelay $0x4  }
0x1f: {  	v51 =	vshra.s32 v32, $0x2;
	v32 =	vshll.u32 v32, $0x5  }
0x20: {  	[tilespmem:$0x6430] =	vst v51;
	v32 =	vand.u32 $0x60, v32  }
0x21: {  	[tilespmem:$0x6530] =	vst v32  }
0x22: {  	v32 =	vld.idx.msk [tilespmem:v5+s3+$0x0], $0xffff;
	_ =	sdelay $0x4  }
0x23: {  	v52 =	vshra.s32 v32, $0x2;
	v32 =	vshll.u32 v32, $0x5  }
0x24: {  	[tilespmem:$0x6440] =	vst v52;
	v32 =	vand.u32 $0x60, v32  }
0x25: {  	[tilespmem:$0x6540] =	vst v32  }
0x26: {  	v32 =	vld.idx.msk [tilespmem:v6+s3+$0x0], $0xffff;
	_ =	sdelay $0x4  }
0x27: {  	v53 =	vshra.s32 v32, $0x2;
	v32 =	vshll.u32 v32, $0x5  }
0x28: {  	[tilespmem:$0x6450] =	vst v53;
	v32 =	vand.u32 $0x60, v32  }
0x29: {  	[tilespmem:$0x6550] =	vst v32  }
0x2a: {  	v32 =	vld.idx.msk [tilespmem:v7+s3+$0x0], $0xffff;
	_ =	sdelay $0x4  }
0x2b: {  	v54 =	vshra.s32 v32, $0x2;
	v32 =	vshll.u32 v32, $0x5  }
0x2c: {  	[tilespmem:$0x6460] =	vst v54;
	v32 =	vand.u32 $0x60, v32  }
0x2d: {  	[tilespmem:$0x6560] =	vst v32  }
0x2e: {  	v32 =	vld.idx.msk [tilespmem:v8+s3+$0x0], $0xffff;
	_ =	sdelay $0x4  }
0x2f: {  	v55 =	vshra.s32 v32, $0x2;
	v32 =	vshll.u32 v32, $0x5  }
0x30: {  	[tilespmem:$0x6470] =	vst v55;
	v32 =	vand.u32 $0x60, v32  }
0x31: {  	[tilespmem:$0x6570] =	vst v32  }
0x32: {  	[tilespmem:s13], [sflag:$0x1] =	stream.indirect.gather [hbm4b:s7+s11], $0x80, s12, s11, $0xb8;
	[tilespmem:$0x10600] =	vst v63  }
0x33: {  	v32 =	vld.idx.msk [tilespmem:v9+s3+$0x0], $0xffff;
	_ =	sdelay $0x4  }
0x34: {  	v56 =	vshra.s32 v32, $0x2;
	v32 =	vshll.u32 v32, $0x5  }
0x35: {  	[tilespmem:$0x6480] =	vst v56;
	v32 =	vand.u32 $0x60, v32  }
0x36: {  	[tilespmem:$0x6580] =	vst v32  }
0x37: {  	v32 =	vld.idx.msk [tilespmem:v10+s3+$0x0], $0xffff;
	_ =	sdelay $0x4  }
0x38: {  	v57 =	vshra.s32 v32, $0x2;
	v32 =	vshll.u32 v32, $0x5  }
0x39: {  	[tilespmem:$0x6490] =	vst v57;
	v32 =	vand.u32 $0x60, v32  }
0x3a: {  	[tilespmem:$0x6590] =	vst v32  }
0x3b: {  	v32 =	vld.idx.msk [tilespmem:v11+s3+$0x0], $0xffff;
	_ =	sdelay $0x4  }
0x3c: {  	v58 =	vshra.s32 v32, $0x2;
	v32 =	vshll.u32 v32, $0x5  }
0x3d: {  	[tilespmem:$0x64A0] =	vst v58;
	v32 =	vand.u32 $0x60, v32  }
0x3e: {  	[tilespmem:$0x65A0] =	vst v32  }
0x3f: {  	v32 =	vld.idx.msk [tilespmem:v12+s3+$0x0], $0xffff;
	_ =	sdelay $0x4  }
0x40: {  	v59 =	vshra.s32 v32, $0x2;
	v32 =	vshll.u32 v32, $0x5  }
0x41: {  	[tilespmem:$0x64B0] =	vst v59;
	v32 =	vand.u32 $0x60, v32  }
0x42: {  	[tilespmem:$0x65B0] =	vst v32  }
0x43: {  	v32 =	vld.idx.msk [tilespmem:v14+s3+$0x0], $0xffff;
	_ =	sdelay $0x4  }
0x44: {  	v60 =	vshra.s32 v32, $0x2;
	v32 =	vshll.u32 v32, $0x5  }
0x45: {  	[tilespmem:$0x64C0] =	vst v60;
	v32 =	vand.u32 $0x60, v32  }
0x46: {  	[tilespmem:$0x65C0] =	vst v32  }
0x47: {  	v32 =	vld.idx.msk [tilespmem:v15+s3+$0x0], $0xffff;
	_ =	sdelay $0x4  }
0x48: {  	v61 =	vshra.s32 v32, $0x2;
	v32 =	vshll.u32 v32, $0x5  }
0x49: {  	[tilespmem:$0x64D0] =	vst v61;
	v32 =	vand.u32 $0x60, v32  }
0x4a: {  	[tilespmem:$0x65D0] =	vst v32  }
0x4b: {  	v32 =	vld.idx.msk [tilespmem:v16+s3+$0x0], $0xffff;
	_ =	sdelay $0x4  }
0x4c: {  	v62 =	vshra.s32 v32, $0x2;
	v32 =	vshll.u32 v32, $0x5  }
0x4d: {  	[tilespmem:$0x64E0] =	vst v62;
	v32 =	vand.u32 $0x60, v32  }
0x4e: {  	[tilespmem:$0x65E0] =	vst v32  }
0x4f: {  	v32 =	vld.idx.msk [tilespmem:v17+s3+$0x0], $0xffff;
	_ =	sdelay $0x4  }
0x50: {  	v63 =	vshra.s32 v32, $0x2;
	v32 =	vshll.u32 v32, $0x5  }
0x51: {  	[tilespmem:$0x64F0] =	vst v63;
	v32 =	vand.u32 $0x60, v32  }
0x52: {  	s25 =	simm.s32 $0x0;
	[tilespmem:$0x65F0] =	vst v32  }
0x53: {  	[tilespmem:s15], [sflag:$0x2] =	stream.indirect.gather [hbm4b:s7+s11], $0x80, s14, s11, $0xb8;
	[tilespmem:$0x10600] =	vst v63  }
.LBB2_2:
0x54: {  	_ =	swait.ge [sflag:s16], $0x4000  }
0x55: {  	p0 =	seq.s32 s25, $0x0;
	[sflag:s16] =	ssyncset.done $0x0  }
0x56: {  	s26 =	simm.s32 @!p0 $0x3;
	[sflag:s16] =	ssyncadd.s32 $0xFFFFC000  }
0x57: {  	_ =	swait.ge @!p0 [sflag:s26], $0x1000  }
0x58: {  	[sflag:s26] =	ssyncset.done @!p0 $0x0  }
0x59: {  	[sflag:s26] =	ssyncadd.s32 @!p0 $0xFFFFF000  }
0x5a: {  	v39 =	vld [tilespmem:$0x6500];
	_ =	sdelay $0x1  }
0x5b: {  	s31 =	simm.s32 $0x0  }
0x5c: {  	v40 =	vadd.s32 s31, v0  }
0x5d: {  	v41 =	vand.u32 $0xF, v40  }
0x5e: {  	v32 =	vadd.s32 v39, v41  }
0x5f: {  	v38 =	vld [tilespmem:$0x6510];
	v32 =	vadd.s32 v13, v32;
	_ =	sdelay $0x3  }
0x60: {  	v42 =	vshll.u32 v41, $0x7;
	v37 =	vld [tilespmem:$0x6520]  }
0x61: {  	v44 =	vor.u32 v0, v42;
	v54 =	vadd.s32 v38, v41;
	v43 =	vld.idx.msk [tilespmem:v32+s13+$0x0], $0xffff  }
0x62: {  	v35 =	vld [tilespmem:$0x6530];
	v45 =	vadd.s32 v18, v54  }
0x63: {  	v36 =	vld [tilespmem:$0x6540]  }
0x64: {  	v34 =	vld [tilespmem:$0x6550]  }
0x65: {  	v33 =	vld [tilespmem:$0x6560]  }
0x66: {  	v32 =	vld [tilespmem:$0x6570];
	[tilespmem:v44+s17+$0x0] =	vst.idx.msk $0xffff, v43  }
0x67: {  	v55 =	vor.u32 v19, v42;
	v56 =	vadd.s32 v37, v41;
	v43 =	vld.idx.msk [tilespmem:v45+s13+$0x0], $0xffff  }
0x68: {  	v45 =	vadd.s32 v20, v56;
	_ =	sdelay $0x3  }
0x69: {  	[tilespmem:v55+s17+$0x0] =	vst.idx.msk $0xffff, v43  }
0x6a: {  	v57 =	vor.u32 v21, v42;
	v58 =	vadd.s32 v35, v41;
	v43 =	vld.idx.msk [tilespmem:v45+s13+$0x0], $0xffff  }
0x6b: {  	v45 =	vadd.s32 v22, v58;
	_ =	sdelay $0x3  }
0x6c: {  	[tilespmem:v57+s17+$0x0] =	vst.idx.msk $0xffff, v43  }
0x6d: {  	v59 =	vor.u32 v23, v42;
	v60 =	vadd.s32 v36, v41;
	v43 =	vld.idx.msk [tilespmem:v45+s13+$0x0], $0xffff  }
0x6e: {  	v45 =	vadd.s32 v24, v60;
	_ =	sdelay $0x3  }
0x6f: {  	[tilespmem:v59+s17+$0x0] =	vst.idx.msk $0xffff, v43  }
0x70: {  	v61 =	vor.u32 v25, v42;
	v62 =	vadd.s32 v34, v41;
	v43 =	vld.idx.msk [tilespmem:v45+s13+$0x0], $0xffff  }
0x71: {  	v45 =	vadd.s32 v26, v62;
	_ =	sdelay $0x3  }
0x72: {  	[tilespmem:v61+s17+$0x0] =	vst.idx.msk $0xffff, v43  }
0x73: {  	v63 =	vor.u32 v27, v42;
	v48 =	vadd.s32 v33, v41;
	v43 =	vld.idx.msk [tilespmem:v45+s13+$0x0], $0xffff  }
0x74: {  	v45 =	vadd.s32 v28, v48;
	_ =	sdelay $0x3  }
0x75: {  	[tilespmem:v63+s17+$0x0] =	vst.idx.msk $0xffff, v43  }
0x76: {  	v49 =	vor.u32 v29, v42;
	v41 =	vadd.s32 v32, v41;
	v43 =	vld.idx.msk [tilespmem:v45+s13+$0x0], $0xffff  }
0x77: {  	v41 =	vadd.s32 v30, v41;
	_ =	sdelay $0x3  }
0x78: {  	v40 =	vor.u32 $0x10, v40;
	[tilespmem:v49+s17+$0x0] =	vst.idx.msk $0xffff, v43  }
0x79: {  	v42 =	vor.u32 v31, v42;
	v50 =	vadd.s32 v39, v40;
	v41 =	vld.idx.msk [tilespmem:v41+s13+$0x0], $0xffff  }
0x7a: {  	v43 =	vadd.s32 v13, v50;
	_ =	sdelay $0x3  }
0x7b: {  	[tilespmem:v42+s17+$0x0] =	vst.idx.msk $0xffff, v41;
	v41 =	vshll.u32 v40, $0x7  }
0x7c: {  	v52 =	vadd.s32 v38, v40;
	v42 =	vld.idx.msk [tilespmem:v43+s13+$0x0], $0xffff;
	v51 =	vor.u32 v0, v41  }
0x7d: {  	v44 =	vadd.s32 v18, v52;
	_ =	sdelay $0x3  }
0x7e: {  	[tilespmem:v51+s17+$0x0] =	vst.idx.msk $0xffff, v42  }
0x7f: {  	v54 =	vadd.s32 v37, v40;
	v53 =	vor.u32 v19, v41;
	v42 =	vld.idx.msk [tilespmem:v44+s13+$0x0], $0xffff  }
0x80: {  	v44 =	vadd.s32 v20, v54;
	_ =	sdelay $0x3  }
0x81: {  	[tilespmem:v53+s17+$0x0] =	vst.idx.msk $0xffff, v42  }
0x82: {  	v56 =	vadd.s32 v35, v40;
	v55 =	vor.u32 v21, v41;
	v42 =	vld.idx.msk [tilespmem:v44+s13+$0x0], $0xffff  }
0x83: {  	v44 =	vadd.s32 v22, v56;
	_ =	sdelay $0x3  }
0x84: {  	[tilespmem:v55+s17+$0x0] =	vst.idx.msk $0xffff, v42  }
0x85: {  	v58 =	vadd.s32 v36, v40;
	v57 =	vor.u32 v23, v41;
	v42 =	vld.idx.msk [tilespmem:v44+s13+$0x0], $0xffff  }
0x86: {  	v44 =	vadd.s32 v24, v58;
	_ =	sdelay $0x3  }
0x87: {  	[tilespmem:v57+s17+$0x0] =	vst.idx.msk $0xffff, v42  }
0x88: {  	v60 =	vadd.s32 v34, v40;
	v59 =	vor.u32 v25, v41;
	v42 =	vld.idx.msk [tilespmem:v44+s13+$0x0], $0xffff  }
0x89: {  	v44 =	vadd.s32 v26, v60;
	_ =	sdelay $0x3  }
0x8a: {  	[tilespmem:v59+s17+$0x0] =	vst.idx.msk $0xffff, v42  }
0x8b: {  	v62 =	vadd.s32 v33, v40;
	v61 =	vor.u32 v27, v41;
	v42 =	vld.idx.msk [tilespmem:v44+s13+$0x0], $0xffff  }
0x8c: {  	v44 =	vadd.s32 v28, v62;
	_ =	sdelay $0x3  }
0x8d: {  	[tilespmem:v61+s17+$0x0] =	vst.idx.msk $0xffff, v42  }
0x8e: {  	v40 =	vadd.s32 v32, v40;
	v63 =	vor.u32 v29, v41;
	v43 =	vld.idx.msk [tilespmem:v44+s13+$0x0], $0xffff  }
0x8f: {  	v42 =	vadd.s32 v30, v40;
	_ =	sdelay $0x2  }
0x90: {  	s28 =	simm.s32 $0x1  }
0x91: {  	s26 =	sshll.u32 s25, $0x1;
	v40 =	vadd.s32 s28, v0;
	s28 =	simm.s32 $0x2;
	[tilespmem:v63+s17+$0x0] =	vst.idx.msk $0xffff, v43  }
.LBB2_3:
0x92: {  	p1 =	sne.s32 s28, $0xF;
	v43 =	vand.u32 $0xF, v40;
	v42 =	vld.idx.msk [tilespmem:v42+s13+$0x0], $0xffff  }
0x93: {  	v41 =	vor.u32 v31, v41;
	v44 =	vadd.s32 v39, v43  }
0x94: {  	v44 =	vadd.s32 v13, v44;
	_ =	sdelay $0x3  }
0x95: {  	[tilespmem:v41+s17+$0x0] =	vst.idx.msk $0xffff, v42  }
0x96: {  	v42 =	vshll.u32 v43, $0x7;
	v41 =	vld.idx.msk [tilespmem:v44+s13+$0x0], $0xffff  }
0x97: {  	v45 =	vadd.s32 v38, v43;
	v44 =	vor.u32 v0, v42  }
0x98: {  	v45 =	vadd.s32 v18, v45;
	_ =	sdelay $0x3  }
0x99: {  	[tilespmem:v44+s17+$0x0] =	vst.idx.msk $0xffff, v41  }
0x9a: {  	v41 =	vld.idx.msk [tilespmem:v45+s13+$0x0], $0xffff  }
0x9b: {  	v44 =	vor.u32 v19, v42;
	v45 =	vadd.s32 v37, v43  }
0x9c: {  	v45 =	vadd.s32 v20, v45;
	_ =	sdelay $0x3  }
0x9d: {  	[tilespmem:v44+s17+$0x0] =	vst.idx.msk $0xffff, v41  }
0x9e: {  	v41 =	vld.idx.msk [tilespmem:v45+s13+$0x0], $0xffff  }
0x9f: {  	v44 =	vor.u32 v21, v42;
	v45 =	vadd.s32 v35, v43  }
0xa0: {  	v45 =	vadd.s32 v22, v45;
	_ =	sdelay $0x3  }
0xa1: {  	[tilespmem:v44+s17+$0x0] =	vst.idx.msk $0xffff, v41  }
0xa2: {  	v41 =	vld.idx.msk [tilespmem:v45+s13+$0x0], $0xffff  }
0xa3: {  	v44 =	vor.u32 v23, v42;
	v45 =	vadd.s32 v36, v43  }
0xa4: {  	v45 =	vadd.s32 v24, v45;
	_ =	sdelay $0x3  }
0xa5: {  	[tilespmem:v44+s17+$0x0] =	vst.idx.msk $0xffff, v41  }
0xa6: {  	v41 =	vld.idx.msk [tilespmem:v45+s13+$0x0], $0xffff  }
0xa7: {  	v44 =	vor.u32 v25, v42;
	v45 =	vadd.s32 v34, v43  }
0xa8: {  	v45 =	vadd.s32 v26, v45;
	_ =	sdelay $0x3  }
0xa9: {  	[tilespmem:v44+s17+$0x0] =	vst.idx.msk $0xffff, v41  }
0xaa: {  	v41 =	vld.idx.msk [tilespmem:v45+s13+$0x0], $0xffff  }
0xab: {  	v44 =	vor.u32 v27, v42;
	v45 =	vadd.s32 v33, v43  }
0xac: {  	v45 =	vadd.s32 v28, v45;
	_ =	sdelay $0x3  }
0xad: {  	[tilespmem:v44+s17+$0x0] =	vst.idx.msk $0xffff, v41  }
0xae: {  	v41 =	vld.idx.msk [tilespmem:v45+s13+$0x0], $0xffff  }
0xaf: {  	v43 =	vadd.s32 v32, v43;
	v44 =	vor.u32 v29, v42  }
0xb0: {  	v43 =	vadd.s32 v30, v43;
	_ =	sdelay $0x3  }
0xb1: {  	[tilespmem:v44+s17+$0x0] =	vst.idx.msk $0xffff, v41  }
0xb2: {  	v40 =	vor.u32 $0x10, v40;
	v41 =	vld.idx.msk [tilespmem:v43+s13+$0x0], $0xffff  }
0xb3: {  	v42 =	vor.u32 v31, v42;
	v43 =	vadd.s32 v39, v40  }
0xb4: {  	v43 =	vadd.s32 v13, v43;
	_ =	sdelay $0x3  }
0xb5: {  	[tilespmem:v42+s17+$0x0] =	vst.idx.msk $0xffff, v41  }
0xb6: {  	v41 =	vshll.u32 v40, $0x7;
	v42 =	vld.idx.msk [tilespmem:v43+s13+$0x0], $0xffff  }
0xb7: {  	v44 =	vadd.s32 v38, v40;
	v43 =	vor.u32 v0, v41  }
0xb8: {  	v44 =	vadd.s32 v18, v44;
	_ =	sdelay $0x3  }
0xb9: {  	[tilespmem:v43+s17+$0x0] =	vst.idx.msk $0xffff, v42  }
0xba: {  	v42 =	vld.idx.msk [tilespmem:v44+s13+$0x0], $0xffff  }
0xbb: {  	v43 =	vor.u32 v19, v41;
	v44 =	vadd.s32 v37, v40  }
0xbc: {  	v44 =	vadd.s32 v20, v44;
	_ =	sdelay $0x3  }
0xbd: {  	[tilespmem:v43+s17+$0x0] =	vst.idx.msk $0xffff, v42  }
0xbe: {  	v42 =	vld.idx.msk [tilespmem:v44+s13+$0x0], $0xffff  }
0xbf: {  	v43 =	vor.u32 v21, v41;
	v44 =	vadd.s32 v35, v40  }
0xc0: {  	v44 =	vadd.s32 v22, v44;
	_ =	sdelay $0x3  }
0xc1: {  	[tilespmem:v43+s17+$0x0] =	vst.idx.msk $0xffff, v42  }
0xc2: {  	v42 =	vld.idx.msk [tilespmem:v44+s13+$0x0], $0xffff  }
0xc3: {  	v43 =	vor.u32 v23, v41;
	v44 =	vadd.s32 v36, v40  }
0xc4: {  	v44 =	vadd.s32 v24, v44;
	_ =	sdelay $0x3  }
0xc5: {  	[tilespmem:v43+s17+$0x0] =	vst.idx.msk $0xffff, v42  }
0xc6: {  	v42 =	vld.idx.msk [tilespmem:v44+s13+$0x0], $0xffff  }
0xc7: {  	v43 =	vor.u32 v25, v41;
	v44 =	vadd.s32 v34, v40  }
0xc8: {  	v44 =	vadd.s32 v26, v44;
	_ =	sdelay $0x3  }
0xc9: {  	[tilespmem:v43+s17+$0x0] =	vst.idx.msk $0xffff, v42  }
0xca: {  	v42 =	vld.idx.msk [tilespmem:v44+s13+$0x0], $0xffff  }
0xcb: {  	v43 =	vor.u32 v27, v41;
	v44 =	vadd.s32 v33, v40  }
0xcc: {  	v44 =	vadd.s32 v28, v44;
	_ =	sdelay $0x3  }
0xcd: {  	[tilespmem:v43+s17+$0x0] =	vst.idx.msk $0xffff, v42  }
0xce: {  	v43 =	vld.idx.msk [tilespmem:v44+s13+$0x0], $0xffff  }
0xcf: {  	v40 =	vadd.s32 v32, v40;
	v44 =	vor.u32 v29, v41  }
.Ltmp0:
0xd0: {  	v42 =	vadd.s32 v30, v40;
	(pc) =	sbr.rel @p1 .LBB2_3-.Ltmp0, $2  }
0xd1: {  	_ =	sdelay $0x2  }
0xd2: {  	v40 =	vadd.s32 s28, v0;
	s28 =	sadd.s32 $0x1, s28;
	[tilespmem:v44+s17+$0x0] =	vst.idx.msk $0xffff, v43  }
0xd3: {  	_ =	sdelay $0x2  }
0xd4: {  	v43 =	vand.u32 $0xF, v40  }
0xd5: {  	v42 =	vld.idx.msk [tilespmem:v42+s13+$0x0], $0xffff;
	v41 =	vor.u32 v31, v41;
	v44 =	vadd.s32 v39, v43  }
0xd6: {  	v44 =	vadd.s32 v13, v44;
	_ =	sdelay $0x3  }
0xd7: {  	v51 =	vshll.u32 v43, $0x7;
	[tilespmem:v41+s17+$0x0] =	vst.idx.msk $0xffff, v42  }
0xd8: {  	v45 =	vadd.s32 v38, v43;
	v52 =	vor.u32 v0, v51;
	v42 =	vld.idx.msk [tilespmem:v44+s13+$0x0], $0xffff  }
0xd9: {  	v45 =	vadd.s32 v18, v45;
	_ =	sdelay $0x3  }
0xda: {  	[tilespmem:v52+s17+$0x0] =	vst.idx.msk $0xffff, v42  }
0xdb: {  	v54 =	vadd.s32 v37, v43;
	v53 =	vor.u32 v19, v51;
	v42 =	vld.idx.msk [tilespmem:v45+s13+$0x0], $0xffff  }
0xdc: {  	v45 =	vadd.s32 v20, v54;
	_ =	sdelay $0x3  }
0xdd: {  	[tilespmem:v53+s17+$0x0] =	vst.idx.msk $0xffff, v42  }
0xde: {  	v56 =	vadd.s32 v35, v43;
	v55 =	vor.u32 v21, v51;
	v42 =	vld.idx.msk [tilespmem:v45+s13+$0x0], $0xffff  }
0xdf: {  	v45 =	vadd.s32 v22, v56;
	_ =	sdelay $0x3  }
0xe0: {  	[tilespmem:v55+s17+$0x0] =	vst.idx.msk $0xffff, v42  }
0xe1: {  	v58 =	vadd.s32 v36, v43;
	v57 =	vor.u32 v23, v51;
	v42 =	vld.idx.msk [tilespmem:v45+s13+$0x0], $0xffff  }
0xe2: {  	v45 =	vadd.s32 v24, v58;
	_ =	sdelay $0x3  }
0xe3: {  	[tilespmem:v57+s17+$0x0] =	vst.idx.msk $0xffff, v42  }
0xe4: {  	v60 =	vadd.s32 v34, v43;
	v59 =	vor.u32 v25, v51;
	v42 =	vld.idx.msk [tilespmem:v45+s13+$0x0], $0xffff  }
0xe5: {  	v45 =	vadd.s32 v26, v60;
	_ =	sdelay $0x3  }
0xe6: {  	[tilespmem:v59+s17+$0x0] =	vst.idx.msk $0xffff, v42  }
0xe7: {  	v62 =	vadd.s32 v33, v43;
	v61 =	vor.u32 v27, v51;
	v42 =	vld.idx.msk [tilespmem:v45+s13+$0x0], $0xffff  }
0xe8: {  	v45 =	vadd.s32 v28, v62;
	_ =	sdelay $0x3  }
0xe9: {  	[tilespmem:v61+s17+$0x0] =	vst.idx.msk $0xffff, v42  }
0xea: {  	v43 =	vadd.s32 v32, v43;
	v63 =	vor.u32 v29, v51;
	v42 =	vld.idx.msk [tilespmem:v45+s13+$0x0], $0xffff  }
0xeb: {  	v43 =	vadd.s32 v30, v43;
	_ =	sdelay $0x3  }
0xec: {  	v45 =	vor.u32 $0x10, v40;
	[tilespmem:v63+s17+$0x0] =	vst.idx.msk $0xffff, v42  }
0xed: {  	v41 =	vor.u32 v31, v51;
	v46 =	vadd.s32 v39, v45;
	v42 =	vld.idx.msk [tilespmem:v43+s13+$0x0], $0xffff  }
0xee: {  	v39 =	vadd.s32 v13, v46;
	_ =	sdelay $0x3  }
0xef: {  	v47 =	vshll.u32 v45, $0x7;
	[tilespmem:v41+s17+$0x0] =	vst.idx.msk $0xffff, v42  }
0xf0: {  	v49 =	vadd.s32 v38, v45;
	v48 =	vor.u32 v0, v47;
	v39 =	vld.idx.msk [tilespmem:v39+s13+$0x0], $0xffff  }
0xf1: {  	v38 =	vadd.s32 v18, v49;
	_ =	sdelay $0x3  }
0xf2: {  	[tilespmem:v48+s17+$0x0] =	vst.idx.msk $0xffff, v39  }
0xf3: {  	v51 =	vadd.s32 v37, v45;
	v50 =	vor.u32 v19, v47;
	v38 =	vld.idx.msk [tilespmem:v38+s13+$0x0], $0xffff  }
0xf4: {  	v37 =	vadd.s32 v20, v51;
	_ =	sdelay $0x3  }
0xf5: {  	[tilespmem:v50+s17+$0x0] =	vst.idx.msk $0xffff, v38  }
0xf6: {  	v53 =	vadd.s32 v35, v45;
	v52 =	vor.u32 v21, v47;
	v37 =	vld.idx.msk [tilespmem:v37+s13+$0x0], $0xffff  }
0xf7: {  	v35 =	vadd.s32 v22, v53;
	_ =	sdelay $0x3  }
0xf8: {  	[tilespmem:v52+s17+$0x0] =	vst.idx.msk $0xffff, v37  }
0xf9: {  	v55 =	vadd.s32 v36, v45;
	v54 =	vor.u32 v23, v47;
	v35 =	vld.idx.msk [tilespmem:v35+s13+$0x0], $0xffff  }
0xfa: {  	v36 =	vadd.s32 v24, v55;
	_ =	sdelay $0x3  }
0xfb: {  	[tilespmem:v54+s17+$0x0] =	vst.idx.msk $0xffff, v35  }
0xfc: {  	v57 =	vadd.s32 v34, v45;
	v56 =	vor.u32 v25, v47;
	v35 =	vld.idx.msk [tilespmem:v36+s13+$0x0], $0xffff  }
0xfd: {  	v34 =	vadd.s32 v26, v57;
	_ =	sdelay $0x3  }
0xfe: {  	[tilespmem:v56+s17+$0x0] =	vst.idx.msk $0xffff, v35  }
0xff: {  	v59 =	vadd.s32 v33, v45;
	v58 =	vor.u32 v27, v47;
	v34 =	vld.idx.msk [tilespmem:v34+s13+$0x0], $0xffff  }
0x100: {  	v33 =	vadd.s32 v28, v59;
	_ =	sdelay $0x3  }
0x101: {  	[tilespmem:v58+s17+$0x0] =	vst.idx.msk $0xffff, v34  }
0x102: {  	s28 =	sadd.s32 $0x2, s26;
	v61 =	vadd.s32 v32, v45;
	v60 =	vor.u32 v29, v47;
	v33 =	vld.idx.msk [tilespmem:v33+s13+$0x0], $0xffff  }
0x103: {  	s29 =	smulhi.u32 $0x51EB851F, s28;
	v32 =	vadd.s32 v30, v61  }
0x104: {  	s30 =	smul.u32 $0x29, s26  }
0x105: {  	s31 =	smul.u32 $0x29, s25;
	s29 =	sshrl.u32 s29, $0x4  }
0x106: {  	s30 =	sshrl.u32 s30, $0xB;
	s1 =	smul.u32 $0x32, s29  }
0x107: {  	s30 =	sand.u32 $0x1F, s30;
	s29 =	smul.u32 $0x1900, s29;
	[tilespmem:v60+s17+$0x0] =	vst.idx.msk $0xffff, v33  }
0x108: {  	s1 =	ssub.s32 s28, s1;
	s28 =	smul.u32 $0x32, s30;
	v62 =	vor.u32 v31, v47;
	v32 =	vld.idx.msk [tilespmem:v32+s13+$0x0], $0xffff  }
0x109: {  	s30 =	sshrl.u32 s31, $0x3;
	s1 =	sor.u32 s1, s29  }
0x10a: {  	s29 =	sand.u32 $0x1F80, s30;
	s28 =	ssub.s32 s26, s28;
	v63 =	vadd.s32 s1, v1  }
0x10b: {  	s30 =	sand.u32 $0xFF, s28;
	s28 =	sadd.s32 s4, s29  }
0x10c: {  	s29 =	sshll.u32 s30, $0x10;
	s30 =	sadd.s32 s2, s28  }
0x10d: {  	s29 =	sadd.s32 s29, s30;
	[tilespmem:v62+s17+$0x0] =	vst.idx.msk $0xffff, v32  }
0x10e: {  	[hbm4b:s29+s18] =	stream.strided.scatter [tilespmem:s17], [sflag:$0x3], $0x1000, s19, s18, $0x38;
	[tilespmem:$0x10600] =	vst v63  }
0x10f: {  	v32 =	vld.idx.msk [tilespmem:v63+s3+$0x0], $0xffff;
	_ =	sdelay $0x1  }
0x110: {  	s29 =	sadd.s32 $0x320, s1  }
0x111: {  	v36 =	vadd.s32 s29, v1;
	_ =	sdelay $0x1  }
0x112: {  	v34 =	vshra.s32 v32, $0x2;
	v32 =	vshll.u32 v32, $0x5  }
0x113: {  	[tilespmem:$0x6400] =	vst v34;
	v32 =	vand.u32 $0x60, v32  }
0x114: {  	[tilespmem:$0x6500] =	vst v32  }
0x115: {  	v32 =	vld.idx.msk [tilespmem:v36+s3+$0x0], $0xffff;
	_ =	sdelay $0x1  }
0x116: {  	s29 =	sadd.s32 $0x640, s1  }
0x117: {  	v37 =	vadd.s32 s29, v1;
	_ =	sdelay $0x1  }
0x118: {  	v38 =	vshra.s32 v32, $0x2;
	v32 =	vshll.u32 v32, $0x5  }
0x119: {  	[tilespmem:$0x6410] =	vst v38;
	v32 =	vand.u32 $0x60, v32  }
0x11a: {  	[tilespmem:$0x6510] =	vst v32  }
0x11b: {  	v32 =	vld.idx.msk [tilespmem:v37+s3+$0x0], $0xffff;
	_ =	sdelay $0x1  }
0x11c: {  	s29 =	sadd.s32 $0x960, s1  }
0x11d: {  	v39 =	vadd.s32 s29, v1;
	_ =	sdelay $0x1  }
0x11e: {  	v40 =	vshra.s32 v32, $0x2;
	v32 =	vshll.u32 v32, $0x5  }
0x11f: {  	[tilespmem:$0x6420] =	vst v40;
	v32 =	vand.u32 $0x60, v32  }
0x120: {  	[tilespmem:$0x6520] =	vst v32  }
0x121: {  	v32 =	vld.idx.msk [tilespmem:v39+s3+$0x0], $0xffff;
	_ =	sdelay $0x1  }
0x122: {  	s29 =	sadd.s32 $0xC80, s1  }
0x123: {  	v41 =	vadd.s32 s29, v1;
	_ =	sdelay $0x1  }
0x124: {  	v42 =	vshra.s32 v32, $0x2;
	v32 =	vshll.u32 v32, $0x5  }
0x125: {  	[tilespmem:$0x6430] =	vst v42;
	v32 =	vand.u32 $0x60, v32  }
0x126: {  	[tilespmem:$0x6530] =	vst v32  }
0x127: {  	v32 =	vld.idx.msk [tilespmem:v41+s3+$0x0], $0xffff;
	_ =	sdelay $0x1  }
0x128: {  	s29 =	sadd.s32 $0xFA0, s1  }
0x129: {  	v43 =	vadd.s32 s29, v1;
	_ =	sdelay $0x1  }
0x12a: {  	v44 =	vshra.s32 v32, $0x2;
	v32 =	vshll.u32 v32, $0x5  }
0x12b: {  	[tilespmem:$0x6440] =	vst v44;
	v32 =	vand.u32 $0x60, v32  }
0x12c: {  	[tilespmem:$0x6540] =	vst v32  }
0x12d: {  	v32 =	vld.idx.msk [tilespmem:v43+s3+$0x0], $0xffff;
	_ =	sdelay $0x1  }
0x12e: {  	s29 =	sadd.s32 $0x12C0, s1  }
0x12f: {  	v45 =	vadd.s32 s29, v1;
	_ =	sdelay $0x1  }
0x130: {  	v46 =	vshra.s32 v32, $0x2;
	v32 =	vshll.u32 v32, $0x5  }
0x131: {  	[tilespmem:$0x6450] =	vst v46;
	v32 =	vand.u32 $0x60, v32  }
0x132: {  	[tilespmem:$0x6550] =	vst v32  }
0x133: {  	v32 =	vld.idx.msk [tilespmem:v45+s3+$0x0], $0xffff;
	_ =	sdelay $0x1  }
0x134: {  	s1 =	sadd.s32 $0x15E0, s1  }
0x135: {  	v47 =	vadd.s32 s1, v1;
	_ =	sdelay $0x1  }
0x136: {  	v48 =	vshra.s32 v32, $0x2;
	v32 =	vshll.u32 v32, $0x5  }
0x137: {  	[tilespmem:$0x6460] =	vst v48;
	v32 =	vand.u32 $0x60, v32  }
0x138: {  	[tilespmem:$0x6560] =	vst v32  }
0x139: {  	v32 =	vld.idx.msk [tilespmem:v47+s3+$0x0], $0xffff;
	_ =	sdelay $0x4  }
0x13a: {  	v33 =	vshra.s32 v32, $0x2;
	v32 =	vshll.u32 v32, $0x5  }
0x13b: {  	[tilespmem:$0x6470] =	vst v33;
	v32 =	vand.u32 $0x60, v32  }
0x13c: {  	[tilespmem:$0x6570] =	vst v32  }
0x13d: {  	[tilespmem:s13], [sflag:$0x1] =	stream.indirect.gather [hbm4b:s7+s11], $0x80, s12, s11, $0xb8;
	[tilespmem:$0x10600] =	vst v63  }
0x13e: {  	_ =	swait.ge [sflag:s20], $0x4000  }
0x13f: {  	[sflag:s20] =	ssyncset.done $0x0  }
0x140: {  	s1 =	simm.s32 @!p0 $0x4;
	[sflag:s20] =	ssyncadd.s32 $0xFFFFC000  }
0x141: {  	_ =	swait.ge @!p0 [sflag:s1], $0x1000  }
0x142: {  	[sflag:s1] =	ssyncset.done @!p0 $0x0  }
0x143: {  	[sflag:s1] =	ssyncadd.s32 @!p0 $0xFFFFF000  }
0x144: {  	v39 =	vld [tilespmem:$0x6580];
	_ =	sdelay $0x1  }
0x145: {  	s31 =	simm.s32 $0x0  }
0x146: {  	v40 =	vadd.s32 s31, v0  }
0x147: {  	v41 =	vand.u32 $0xF, v40  }
0x148: {  	v49 =	vadd.s32 v39, v41  }
0x149: {  	v38 =	vld [tilespmem:$0x6590];
	v32 =	vadd.s32 v13, v49;
	_ =	sdelay $0x3  }
0x14a: {  	v50 =	vshll.u32 v41, $0x7;
	v37 =	vld [tilespmem:$0x65A0]  }
0x14b: {  	v52 =	vor.u32 v0, v50;
	v53 =	vadd.s32 v38, v41;
	v51 =	vld.idx.msk [tilespmem:v32+s15+$0x0], $0xffff  }
0x14c: {  	v35 =	vld [tilespmem:$0x65B0];
	v54 =	vadd.s32 v18, v53  }
0x14d: {  	v36 =	vld [tilespmem:$0x65C0]  }
0x14e: {  	v34 =	vld [tilespmem:$0x65D0]  }
0x14f: {  	v33 =	vld [tilespmem:$0x65E0]  }
0x150: {  	v32 =	vld [tilespmem:$0x65F0];
	[tilespmem:v52+s21+$0x0] =	vst.idx.msk $0xffff, v51  }
0x151: {  	v55 =	vor.u32 v19, v50;
	v56 =	vadd.s32 v37, v41;
	v43 =	vld.idx.msk [tilespmem:v54+s15+$0x0], $0xffff  }
0x152: {  	v45 =	vadd.s32 v20, v56;
	_ =	sdelay $0x3  }
0x153: {  	[tilespmem:v55+s21+$0x0] =	vst.idx.msk $0xffff, v43  }
0x154: {  	v57 =	vor.u32 v21, v50;
	v58 =	vadd.s32 v35, v41;
	v43 =	vld.idx.msk [tilespmem:v45+s15+$0x0], $0xffff  }
0x155: {  	v45 =	vadd.s32 v22, v58;
	_ =	sdelay $0x3  }
0x156: {  	[tilespmem:v57+s21+$0x0] =	vst.idx.msk $0xffff, v43  }
0x157: {  	v59 =	vor.u32 v23, v50;
	v60 =	vadd.s32 v36, v41;
	v43 =	vld.idx.msk [tilespmem:v45+s15+$0x0], $0xffff  }
0x158: {  	v45 =	vadd.s32 v24, v60;
	_ =	sdelay $0x3  }
0x159: {  	[tilespmem:v59+s21+$0x0] =	vst.idx.msk $0xffff, v43  }
0x15a: {  	v61 =	vor.u32 v25, v50;
	v62 =	vadd.s32 v34, v41;
	v43 =	vld.idx.msk [tilespmem:v45+s15+$0x0], $0xffff  }
0x15b: {  	v45 =	vadd.s32 v26, v62;
	_ =	sdelay $0x3  }
0x15c: {  	[tilespmem:v61+s21+$0x0] =	vst.idx.msk $0xffff, v43  }
0x15d: {  	v63 =	vor.u32 v27, v50;
	v48 =	vadd.s32 v33, v41;
	v43 =	vld.idx.msk [tilespmem:v45+s15+$0x0], $0xffff  }
0x15e: {  	v45 =	vadd.s32 v28, v48;
	_ =	sdelay $0x3  }
0x15f: {  	[tilespmem:v63+s21+$0x0] =	vst.idx.msk $0xffff, v43  }
0x160: {  	v49 =	vor.u32 v29, v50;
	v41 =	vadd.s32 v32, v41;
	v43 =	vld.idx.msk [tilespmem:v45+s15+$0x0], $0xffff  }
0x161: {  	v41 =	vadd.s32 v30, v41;
	_ =	sdelay $0x3  }
0x162: {  	v40 =	vor.u32 $0x10, v40;
	[tilespmem:v49+s21+$0x0] =	vst.idx.msk $0xffff, v43  }
0x163: {  	v42 =	vor.u32 v31, v50;
	v50 =	vadd.s32 v39, v40;
	v41 =	vld.idx.msk [tilespmem:v41+s15+$0x0], $0xffff  }
0x164: {  	v43 =	vadd.s32 v13, v50;
	_ =	sdelay $0x3  }
0x165: {  	[tilespmem:v42+s21+$0x0] =	vst.idx.msk $0xffff, v41;
	v41 =	vshll.u32 v40, $0x7  }
0x166: {  	v52 =	vadd.s32 v38, v40;
	v42 =	vld.idx.msk [tilespmem:v43+s15+$0x0], $0xffff;
	v51 =	vor.u32 v0, v41  }
0x167: {  	v44 =	vadd.s32 v18, v52;
	_ =	sdelay $0x3  }
0x168: {  	[tilespmem:v51+s21+$0x0] =	vst.idx.msk $0xffff, v42  }
0x169: {  	v54 =	vadd.s32 v37, v40;
	v53 =	vor.u32 v19, v41;
	v42 =	vld.idx.msk [tilespmem:v44+s15+$0x0], $0xffff  }
0x16a: {  	v44 =	vadd.s32 v20, v54;
	_ =	sdelay $0x3  }
0x16b: {  	[tilespmem:v53+s21+$0x0] =	vst.idx.msk $0xffff, v42  }
0x16c: {  	v56 =	vadd.s32 v35, v40;
	v55 =	vor.u32 v21, v41;
	v42 =	vld.idx.msk [tilespmem:v44+s15+$0x0], $0xffff  }
0x16d: {  	v44 =	vadd.s32 v22, v56;
	_ =	sdelay $0x3  }
0x16e: {  	[tilespmem:v55+s21+$0x0] =	vst.idx.msk $0xffff, v42  }
0x16f: {  	v58 =	vadd.s32 v36, v40;
	v57 =	vor.u32 v23, v41;
	v42 =	vld.idx.msk [tilespmem:v44+s15+$0x0], $0xffff  }
0x170: {  	v44 =	vadd.s32 v24, v58;
	_ =	sdelay $0x3  }
0x171: {  	[tilespmem:v57+s21+$0x0] =	vst.idx.msk $0xffff, v42  }
0x172: {  	v60 =	vadd.s32 v34, v40;
	v59 =	vor.u32 v25, v41;
	v42 =	vld.idx.msk [tilespmem:v44+s15+$0x0], $0xffff  }
0x173: {  	v44 =	vadd.s32 v26, v60;
	_ =	sdelay $0x3  }
0x174: {  	[tilespmem:v59+s21+$0x0] =	vst.idx.msk $0xffff, v42  }
0x175: {  	v62 =	vadd.s32 v33, v40;
	v61 =	vor.u32 v27, v41;
	v42 =	vld.idx.msk [tilespmem:v44+s15+$0x0], $0xffff  }
0x176: {  	v44 =	vadd.s32 v28, v62;
	_ =	sdelay $0x3  }
0x177: {  	[tilespmem:v61+s21+$0x0] =	vst.idx.msk $0xffff, v42  }
0x178: {  	v40 =	vadd.s32 v32, v40;
	v63 =	vor.u32 v29, v41;
	v43 =	vld.idx.msk [tilespmem:v44+s15+$0x0], $0xffff  }
0x179: {  	v42 =	vadd.s32 v30, v40;
	_ =	sdelay $0x2  }
0x17a: {  	s31 =	simm.s32 $0x1  }
0x17b: {  	s30 =	simm.s32 $0x2;
	s29 =	sor.u32 $0x1, s26;
	v40 =	vadd.s32 s31, v0;
	[tilespmem:v63+s21+$0x0] =	vst.idx.msk $0xffff, v43  }
.LBB2_5:
0x17c: {  	p0 =	sne.s32 s30, $0xF;
	v43 =	vand.u32 $0xF, v40;
	v42 =	vld.idx.msk [tilespmem:v42+s15+$0x0], $0xffff  }
0x17d: {  	v41 =	vor.u32 v31, v41;
	v44 =	vadd.s32 v39, v43  }
0x17e: {  	v44 =	vadd.s32 v13, v44;
	_ =	sdelay $0x3  }
0x17f: {  	[tilespmem:v41+s21+$0x0] =	vst.idx.msk $0xffff, v42  }
0x180: {  	v42 =	vshll.u32 v43, $0x7;
	v41 =	vld.idx.msk [tilespmem:v44+s15+$0x0], $0xffff  }
0x181: {  	v45 =	vadd.s32 v38, v43;
	v44 =	vor.u32 v0, v42  }
0x182: {  	v45 =	vadd.s32 v18, v45;
	_ =	sdelay $0x3  }
0x183: {  	[tilespmem:v44+s21+$0x0] =	vst.idx.msk $0xffff, v41  }
0x184: {  	v41 =	vld.idx.msk [tilespmem:v45+s15+$0x0], $0xffff  }
0x185: {  	v44 =	vor.u32 v19, v42;
	v45 =	vadd.s32 v37, v43  }
0x186: {  	v45 =	vadd.s32 v20, v45;
	_ =	sdelay $0x3  }
0x187: {  	[tilespmem:v44+s21+$0x0] =	vst.idx.msk $0xffff, v41  }
0x188: {  	v41 =	vld.idx.msk [tilespmem:v45+s15+$0x0], $0xffff  }
0x189: {  	v44 =	vor.u32 v21, v42;
	v45 =	vadd.s32 v35, v43  }
0x18a: {  	v45 =	vadd.s32 v22, v45;
	_ =	sdelay $0x3  }
0x18b: {  	[tilespmem:v44+s21+$0x0] =	vst.idx.msk $0xffff, v41  }
0x18c: {  	v41 =	vld.idx.msk [tilespmem:v45+s15+$0x0], $0xffff  }
0x18d: {  	v44 =	vor.u32 v23, v42;
	v45 =	vadd.s32 v36, v43  }
0x18e: {  	v45 =	vadd.s32 v24, v45;
	_ =	sdelay $0x3  }
0x18f: {  	[tilespmem:v44+s21+$0x0] =	vst.idx.msk $0xffff, v41  }
0x190: {  	v41 =	vld.idx.msk [tilespmem:v45+s15+$0x0], $0xffff  }
0x191: {  	v44 =	vor.u32 v25, v42;
	v45 =	vadd.s32 v34, v43  }
0x192: {  	v45 =	vadd.s32 v26, v45;
	_ =	sdelay $0x3  }
0x193: {  	[tilespmem:v44+s21+$0x0] =	vst.idx.msk $0xffff, v41  }
0x194: {  	v41 =	vld.idx.msk [tilespmem:v45+s15+$0x0], $0xffff  }
0x195: {  	v44 =	vor.u32 v27, v42;
	v45 =	vadd.s32 v33, v43  }
0x196: {  	v45 =	vadd.s32 v28, v45;
	_ =	sdelay $0x3  }
0x197: {  	[tilespmem:v44+s21+$0x0] =	vst.idx.msk $0xffff, v41  }
0x198: {  	v41 =	vld.idx.msk [tilespmem:v45+s15+$0x0], $0xffff  }
0x199: {  	v43 =	vadd.s32 v32, v43;
	v44 =	vor.u32 v29, v42  }
0x19a: {  	v43 =	vadd.s32 v30, v43;
	_ =	sdelay $0x3  }
0x19b: {  	[tilespmem:v44+s21+$0x0] =	vst.idx.msk $0xffff, v41  }
0x19c: {  	v40 =	vor.u32 $0x10, v40;
	v41 =	vld.idx.msk [tilespmem:v43+s15+$0x0], $0xffff  }
0x19d: {  	v42 =	vor.u32 v31, v42;
	v43 =	vadd.s32 v39, v40  }
0x19e: {  	v43 =	vadd.s32 v13, v43;
	_ =	sdelay $0x3  }
0x19f: {  	[tilespmem:v42+s21+$0x0] =	vst.idx.msk $0xffff, v41  }
0x1a0: {  	v41 =	vshll.u32 v40, $0x7;
	v42 =	vld.idx.msk [tilespmem:v43+s15+$0x0], $0xffff  }
0x1a1: {  	v44 =	vadd.s32 v38, v40;
	v43 =	vor.u32 v0, v41  }
0x1a2: {  	v44 =	vadd.s32 v18, v44;
	_ =	sdelay $0x3  }
0x1a3: {  	[tilespmem:v43+s21+$0x0] =	vst.idx.msk $0xffff, v42  }
0x1a4: {  	v42 =	vld.idx.msk [tilespmem:v44+s15+$0x0], $0xffff  }
0x1a5: {  	v43 =	vor.u32 v19, v41;
	v44 =	vadd.s32 v37, v40  }
0x1a6: {  	v44 =	vadd.s32 v20, v44;
	_ =	sdelay $0x3  }
0x1a7: {  	[tilespmem:v43+s21+$0x0] =	vst.idx.msk $0xffff, v42  }
0x1a8: {  	v42 =	vld.idx.msk [tilespmem:v44+s15+$0x0], $0xffff  }
0x1a9: {  	v43 =	vor.u32 v21, v41;
	v44 =	vadd.s32 v35, v40  }
0x1aa: {  	v44 =	vadd.s32 v22, v44;
	_ =	sdelay $0x3  }
0x1ab: {  	[tilespmem:v43+s21+$0x0] =	vst.idx.msk $0xffff, v42  }
0x1ac: {  	v42 =	vld.idx.msk [tilespmem:v44+s15+$0x0], $0xffff  }
0x1ad: {  	v43 =	vor.u32 v23, v41;
	v44 =	vadd.s32 v36, v40  }
0x1ae: {  	v44 =	vadd.s32 v24, v44;
	_ =	sdelay $0x3  }
0x1af: {  	[tilespmem:v43+s21+$0x0] =	vst.idx.msk $0xffff, v42  }
0x1b0: {  	v42 =	vld.idx.msk [tilespmem:v44+s15+$0x0], $0xffff  }
0x1b1: {  	v43 =	vor.u32 v25, v41;
	v44 =	vadd.s32 v34, v40  }
0x1b2: {  	v44 =	vadd.s32 v26, v44;
	_ =	sdelay $0x3  }
0x1b3: {  	[tilespmem:v43+s21+$0x0] =	vst.idx.msk $0xffff, v42  }
0x1b4: {  	v42 =	vld.idx.msk [tilespmem:v44+s15+$0x0], $0xffff  }
0x1b5: {  	v43 =	vor.u32 v27, v41;
	v44 =	vadd.s32 v33, v40  }
0x1b6: {  	v44 =	vadd.s32 v28, v44;
	_ =	sdelay $0x3  }
0x1b7: {  	[tilespmem:v43+s21+$0x0] =	vst.idx.msk $0xffff, v42  }
0x1b8: {  	v43 =	vld.idx.msk [tilespmem:v44+s15+$0x0], $0xffff  }
0x1b9: {  	v40 =	vadd.s32 v32, v40;
	v44 =	vor.u32 v29, v41  }
.Ltmp1:
0x1ba: {  	v42 =	vadd.s32 v30, v40;
	(pc) =	sbr.rel @p0 .LBB2_5-.Ltmp1, $2  }
0x1bb: {  	_ =	sdelay $0x2  }
0x1bc: {  	v40 =	vadd.s32 s30, v0;
	s30 =	sadd.s32 $0x1, s30;
	[tilespmem:v44+s21+$0x0] =	vst.idx.msk $0xffff, v43  }
0x1bd: {  	_ =	sdelay $0x2  }
0x1be: {  	v43 =	vand.u32 $0xF, v40  }
0x1bf: {  	v42 =	vld.idx.msk [tilespmem:v42+s15+$0x0], $0xffff;
	v41 =	vor.u32 v31, v41;
	v44 =	vadd.s32 v39, v43  }
0x1c0: {  	v44 =	vadd.s32 v13, v44;
	_ =	sdelay $0x3  }
0x1c1: {  	v57 =	vshll.u32 v43, $0x7;
	[tilespmem:v41+s21+$0x0] =	vst.idx.msk $0xffff, v42  }
0x1c2: {  	v45 =	vadd.s32 v38, v43;
	v58 =	vor.u32 v0, v57;
	v42 =	vld.idx.msk [tilespmem:v44+s15+$0x0], $0xffff  }
0x1c3: {  	v45 =	vadd.s32 v18, v45;
	_ =	sdelay $0x3  }
0x1c4: {  	[tilespmem:v58+s21+$0x0] =	vst.idx.msk $0xffff, v42  }
0x1c5: {  	v60 =	vadd.s32 v37, v43;
	v59 =	vor.u32 v19, v57;
	v42 =	vld.idx.msk [tilespmem:v45+s15+$0x0], $0xffff  }
0x1c6: {  	v45 =	vadd.s32 v20, v60;
	_ =	sdelay $0x3  }
0x1c7: {  	[tilespmem:v59+s21+$0x0] =	vst.idx.msk $0xffff, v42  }
0x1c8: {  	v62 =	vadd.s32 v35, v43;
	v61 =	vor.u32 v21, v57;
	v42 =	vld.idx.msk [tilespmem:v45+s15+$0x0], $0xffff  }
0x1c9: {  	v45 =	vadd.s32 v22, v62;
	_ =	sdelay $0x3  }
0x1ca: {  	[tilespmem:v61+s21+$0x0] =	vst.idx.msk $0xffff, v42  }
0x1cb: {  	v48 =	vadd.s32 v36, v43;
	v63 =	vor.u32 v23, v57;
	v42 =	vld.idx.msk [tilespmem:v45+s15+$0x0], $0xffff  }
0x1cc: {  	v45 =	vadd.s32 v24, v48;
	_ =	sdelay $0x3  }
0x1cd: {  	[tilespmem:v63+s21+$0x0] =	vst.idx.msk $0xffff, v42  }
0x1ce: {  	v50 =	vadd.s32 v34, v43;
	v49 =	vor.u32 v25, v57;
	v42 =	vld.idx.msk [tilespmem:v45+s15+$0x0], $0xffff  }
0x1cf: {  	v45 =	vadd.s32 v26, v50;
	_ =	sdelay $0x3  }
0x1d0: {  	[tilespmem:v49+s21+$0x0] =	vst.idx.msk $0xffff, v42  }
0x1d1: {  	v52 =	vadd.s32 v33, v43;
	v51 =	vor.u32 v27, v57;
	v42 =	vld.idx.msk [tilespmem:v45+s15+$0x0], $0xffff  }
0x1d2: {  	v45 =	vadd.s32 v28, v52;
	_ =	sdelay $0x3  }
0x1d3: {  	[tilespmem:v51+s21+$0x0] =	vst.idx.msk $0xffff, v42  }
0x1d4: {  	v43 =	vadd.s32 v32, v43;
	v53 =	vor.u32 v29, v57;
	v42 =	vld.idx.msk [tilespmem:v45+s15+$0x0], $0xffff  }
0x1d5: {  	v43 =	vadd.s32 v30, v43;
	_ =	sdelay $0x3  }
0x1d6: {  	v54 =	vor.u32 $0x10, v40;
	[tilespmem:v53+s21+$0x0] =	vst.idx.msk $0xffff, v42  }
0x1d7: {  	v55 =	vadd.s32 v39, v54;
	v41 =	vor.u32 v31, v57;
	v42 =	vld.idx.msk [tilespmem:v43+s15+$0x0], $0xffff  }
0x1d8: {  	v39 =	vadd.s32 v13, v55;
	_ =	sdelay $0x3  }
0x1d9: {  	v56 =	vshll.u32 v54, $0x7;
	[tilespmem:v41+s21+$0x0] =	vst.idx.msk $0xffff, v42  }
0x1da: {  	v57 =	vor.u32 v0, v56;
	v58 =	vadd.s32 v38, v54;
	v39 =	vld.idx.msk [tilespmem:v39+s15+$0x0], $0xffff  }
0x1db: {  	v38 =	vadd.s32 v18, v58;
	_ =	sdelay $0x3  }
0x1dc: {  	[tilespmem:v57+s21+$0x0] =	vst.idx.msk $0xffff, v39  }
0x1dd: {  	v60 =	vadd.s32 v37, v54;
	v59 =	vor.u32 v19, v56;
	v38 =	vld.idx.msk [tilespmem:v38+s15+$0x0], $0xffff  }
0x1de: {  	v37 =	vadd.s32 v20, v60;
	_ =	sdelay $0x3  }
0x1df: {  	[tilespmem:v59+s21+$0x0] =	vst.idx.msk $0xffff, v38  }
0x1e0: {  	v62 =	vadd.s32 v35, v54;
	v61 =	vor.u32 v21, v56;
	v37 =	vld.idx.msk [tilespmem:v37+s15+$0x0], $0xffff  }
0x1e1: {  	v35 =	vadd.s32 v22, v62;
	_ =	sdelay $0x3  }
0x1e2: {  	[tilespmem:v61+s21+$0x0] =	vst.idx.msk $0xffff, v37  }
0x1e3: {  	v63 =	vor.u32 v23, v56;
	v42 =	vadd.s32 v36, v54;
	v35 =	vld.idx.msk [tilespmem:v35+s15+$0x0], $0xffff  }
0x1e4: {  	v36 =	vadd.s32 v24, v42;
	_ =	sdelay $0x3  }
0x1e5: {  	[tilespmem:v63+s21+$0x0] =	vst.idx.msk $0xffff, v35  }
0x1e6: {  	v44 =	vadd.s32 v34, v54;
	v43 =	vor.u32 v25, v56;
	v35 =	vld.idx.msk [tilespmem:v36+s15+$0x0], $0xffff  }
0x1e7: {  	v34 =	vadd.s32 v26, v44;
	_ =	sdelay $0x3  }
0x1e8: {  	[tilespmem:v43+s21+$0x0] =	vst.idx.msk $0xffff, v35  }
0x1e9: {  	v46 =	vadd.s32 v33, v54;
	v45 =	vor.u32 v27, v56;
	v34 =	vld.idx.msk [tilespmem:v34+s15+$0x0], $0xffff  }
0x1ea: {  	v33 =	vadd.s32 v28, v46;
	_ =	sdelay $0x3  }
0x1eb: {  	[tilespmem:v45+s21+$0x0] =	vst.idx.msk $0xffff, v34  }
0x1ec: {  	s1 =	sadd.s32 $0x3, s26;
	v47 =	vor.u32 v29, v56;
	v48 =	vadd.s32 v32, v54;
	v33 =	vld.idx.msk [tilespmem:v33+s15+$0x0], $0xffff  }
0x1ed: {  	s26 =	smulhi.u32 $0x51EB851F, s1;
	v32 =	vadd.s32 v30, v48;
	_ =	sdelay $0x1  }
0x1ee: {  	s30 =	smulhi.u32 $0x51EB851F, s29;
	s26 =	sshrl.u32 s26, $0x4  }
0x1ef: {  	s31 =	smul.u32 $0x32, s26  }
0x1f0: {  	s30 =	sshrl.u32 s30, $0x4;
	s26 =	smul.u32 $0x1900, s26;
	[tilespmem:v47+s21+$0x0] =	vst.idx.msk $0xffff, v33  }
0x1f1: {  	s30 =	smul.u32 $0x32, s30;
	s1 =	ssub.s32 s1, s31;
	v49 =	vor.u32 v31, v56;
	v32 =	vld.idx.msk [tilespmem:v32+s15+$0x0], $0xffff  }
0x1f2: {  	s1 =	sor.u32 s1, s26  }
0x1f3: {  	s29 =	ssub.s32 s29, s30;
	v50 =	vadd.s32 s1, v1  }
0x1f4: {  	s26 =	sshll.u32 s29, $0x10  }
0x1f5: {  	s26 =	sadd.s32 s2, s26  }
0x1f6: {  	s26 =	sadd.s32 s28, s26;
	[tilespmem:v49+s21+$0x0] =	vst.idx.msk $0xffff, v32  }
0x1f7: {  	[hbm4b:s26+s18] =	stream.strided.scatter [tilespmem:s21], [sflag:$0x4], $0x1000, s19, s18, $0x38;
	[tilespmem:$0x10600] =	vst v63  }
0x1f8: {  	v32 =	vld.idx.msk [tilespmem:v50+s3+$0x0], $0xffff;
	_ =	sdelay $0x1  }
0x1f9: {  	s30 =	sadd.s32 $0x320, s1  }
0x1fa: {  	v51 =	vadd.s32 s30, v1;
	_ =	sdelay $0x1  }
0x1fb: {  	v34 =	vshra.s32 v32, $0x2;
	v32 =	vshll.u32 v32, $0x5  }
0x1fc: {  	[tilespmem:$0x6480] =	vst v34;
	v32 =	vand.u32 $0x60, v32  }
0x1fd: {  	[tilespmem:$0x6580] =	vst v32  }
0x1fe: {  	v32 =	vld.idx.msk [tilespmem:v51+s3+$0x0], $0xffff;
	_ =	sdelay $0x1  }
0x1ff: {  	s31 =	sadd.s32 $0x640, s1  }
0x200: {  	v52 =	vadd.s32 s31, v1;
	_ =	sdelay $0x1  }
0x201: {  	v53 =	vshra.s32 v32, $0x2;
	v32 =	vshll.u32 v32, $0x5  }
0x202: {  	[tilespmem:$0x6490] =	vst v53;
	v32 =	vand.u32 $0x60, v32  }
0x203: {  	[tilespmem:$0x6590] =	vst v32  }
0x204: {  	v32 =	vld.idx.msk [tilespmem:v52+s3+$0x0], $0xffff;
	_ =	sdelay $0x1  }
0x205: {  	s28 =	sadd.s32 $0x960, s1  }
0x206: {  	v54 =	vadd.s32 s28, v1;
	_ =	sdelay $0x1  }
0x207: {  	v55 =	vshra.s32 v32, $0x2;
	v32 =	vshll.u32 v32, $0x5  }
0x208: {  	[tilespmem:$0x64A0] =	vst v55;
	v32 =	vand.u32 $0x60, v32  }
0x209: {  	[tilespmem:$0x65A0] =	vst v32  }
0x20a: {  	v32 =	vld.idx.msk [tilespmem:v54+s3+$0x0], $0xffff;
	_ =	sdelay $0x1  }
0x20b: {  	s29 =	sadd.s32 $0xC80, s1  }
0x20c: {  	v56 =	vadd.s32 s29, v1;
	_ =	sdelay $0x1  }
0x20d: {  	v57 =	vshra.s32 v32, $0x2;
	v32 =	vshll.u32 v32, $0x5  }
0x20e: {  	[tilespmem:$0x64B0] =	vst v57;
	v32 =	vand.u32 $0x60, v32  }
0x20f: {  	[tilespmem:$0x65B0] =	vst v32  }
0x210: {  	v32 =	vld.idx.msk [tilespmem:v56+s3+$0x0], $0xffff;
	_ =	sdelay $0x1  }
0x211: {  	s30 =	sadd.s32 $0xFA0, s1  }
0x212: {  	v58 =	vadd.s32 s30, v1;
	_ =	sdelay $0x1  }
0x213: {  	v59 =	vshra.s32 v32, $0x2;
	v32 =	vshll.u32 v32, $0x5  }
0x214: {  	[tilespmem:$0x64C0] =	vst v59;
	v32 =	vand.u32 $0x60, v32  }
0x215: {  	[tilespmem:$0x65C0] =	vst v32  }
0x216: {  	v32 =	vld.idx.msk [tilespmem:v58+s3+$0x0], $0xffff;
	_ =	sdelay $0x1  }
0x217: {  	s31 =	sadd.s32 $0x12C0, s1  }
0x218: {  	v60 =	vadd.s32 s31, v1;
	_ =	sdelay $0x1  }
0x219: {  	v61 =	vshra.s32 v32, $0x2;
	v32 =	vshll.u32 v32, $0x5  }
0x21a: {  	[tilespmem:$0x64D0] =	vst v61;
	v32 =	vand.u32 $0x60, v32  }
0x21b: {  	[tilespmem:$0x65D0] =	vst v32  }
0x21c: {  	v32 =	vld.idx.msk [tilespmem:v60+s3+$0x0], $0xffff;
	_ =	sdelay $0x1  }
0x21d: {  	s1 =	sadd.s32 $0x15E0, s1  }
0x21e: {  	v62 =	vadd.s32 s1, v1;
	_ =	sdelay $0x1  }
0x21f: {  	v63 =	vshra.s32 v32, $0x2;
	v32 =	vshll.u32 v32, $0x5  }
0x220: {  	[tilespmem:$0x64E0] =	vst v63;
	v32 =	vand.u32 $0x60, v32  }
0x221: {  	[tilespmem:$0x65E0] =	vst v32  }
0x222: {  	v32 =	vld.idx.msk [tilespmem:v62+s3+$0x0], $0xffff;
	_ =	sdelay $0x1  }
0x223: {  	s25 =	sadd.s32 $0x1, s25  }
0x224: {  	p0 =	sne.s32 s25, $0x63  }
.Ltmp2:
0x225: {  	_ = 	snop;
	(pc) =	sbr.rel @p0 .LBB2_2-.Ltmp2, $4  }
0x226: {  	v33 =	vshra.s32 v32, $0x2;
	v32 =	vshll.u32 v32, $0x5  }
0x227: {  	[tilespmem:$0x64F0] =	vst v33;
	v32 =	vand.u32 $0x60, v32  }
0x228: {  	[tilespmem:$0x65F0] =	vst v32  }
0x229: {  	[tilespmem:s15], [sflag:$0x2] =	stream.indirect.gather [hbm4b:s7+s11], $0x80, s14, s11, $0xb8;
	[tilespmem:$0x10600] =	vst v63  }
0x22a: {  	_ =	swait.ge [sflag:s16], $0x4000  }
0x22b: {  	[sflag:s16] =	ssyncset.done $0x0  }
0x22c: {  	[sflag:s16] =	ssyncadd.s32 $0xFFFFC000  }
0x22d: {  	_ =	swait.ge [sflag:s22], $0x1000  }
0x22e: {  	[sflag:s22] =	ssyncset.done $0x0  }
0x22f: {  	[sflag:s22] =	ssyncadd.s32 $0xFFFFF000  }
0x230: {  	v39 =	vld [tilespmem:$0x6500];
	_ =	sdelay $0x1  }
0x231: {  	s1 =	simm.s32 $0x0  }
0x232: {  	v40 =	vadd.s32 s1, v0  }
0x233: {  	v41 =	vand.u32 $0xF, v40  }
0x234: {  	v32 =	vadd.s32 v39, v41  }
0x235: {  	v38 =	vld [tilespmem:$0x6510];
	v32 =	vadd.s32 v13, v32;
	_ =	sdelay $0x3  }
0x236: {  	v42 =	vshll.u32 v41, $0x7;
	v37 =	vld [tilespmem:$0x6520]  }
0x237: {  	v44 =	vor.u32 v0, v42;
	v54 =	vadd.s32 v38, v41;
	v43 =	vld.idx.msk [tilespmem:v32+s13+$0x0], $0xffff  }
0x238: {  	v35 =	vld [tilespmem:$0x6530];
	v45 =	vadd.s32 v18, v54  }
0x239: {  	v36 =	vld [tilespmem:$0x6540]  }
0x23a: {  	v34 =	vld [tilespmem:$0x6550]  }
0x23b: {  	v33 =	vld [tilespmem:$0x6560]  }
0x23c: {  	v32 =	vld [tilespmem:$0x6570];
	[tilespmem:v44+s17+$0x0] =	vst.idx.msk $0xffff, v43  }
0x23d: {  	v55 =	vor.u32 v19, v42;
	v56 =	vadd.s32 v37, v41;
	v43 =	vld.idx.msk [tilespmem:v45+s13+$0x0], $0xffff  }
0x23e: {  	v45 =	vadd.s32 v20, v56;
	_ =	sdelay $0x3  }
0x23f: {  	[tilespmem:v55+s17+$0x0] =	vst.idx.msk $0xffff, v43  }
0x240: {  	v57 =	vor.u32 v21, v42;
	v58 =	vadd.s32 v35, v41;
	v43 =	vld.idx.msk [tilespmem:v45+s13+$0x0], $0xffff  }
0x241: {  	v45 =	vadd.s32 v22, v58;
	_ =	sdelay $0x3  }
0x242: {  	[tilespmem:v57+s17+$0x0] =	vst.idx.msk $0xffff, v43  }
0x243: {  	v59 =	vor.u32 v23, v42;
	v60 =	vadd.s32 v36, v41;
	v43 =	vld.idx.msk [tilespmem:v45+s13+$0x0], $0xffff  }
0x244: {  	v45 =	vadd.s32 v24, v60;
	_ =	sdelay $0x3  }
0x245: {  	[tilespmem:v59+s17+$0x0] =	vst.idx.msk $0xffff, v43  }
0x246: {  	v61 =	vor.u32 v25, v42;
	v62 =	vadd.s32 v34, v41;
	v43 =	vld.idx.msk [tilespmem:v45+s13+$0x0], $0xffff  }
0x247: {  	v45 =	vadd.s32 v26, v62;
	_ =	sdelay $0x3  }
0x248: {  	[tilespmem:v61+s17+$0x0] =	vst.idx.msk $0xffff, v43  }
0x249: {  	v63 =	vor.u32 v27, v42;
	v48 =	vadd.s32 v33, v41;
	v43 =	vld.idx.msk [tilespmem:v45+s13+$0x0], $0xffff  }
0x24a: {  	v45 =	vadd.s32 v28, v48;
	_ =	sdelay $0x3  }
0x24b: {  	[tilespmem:v63+s17+$0x0] =	vst.idx.msk $0xffff, v43  }
0x24c: {  	v49 =	vor.u32 v29, v42;
	v41 =	vadd.s32 v32, v41;
	v43 =	vld.idx.msk [tilespmem:v45+s13+$0x0], $0xffff  }
0x24d: {  	v41 =	vadd.s32 v30, v41;
	_ =	sdelay $0x3  }
0x24e: {  	v40 =	vor.u32 $0x10, v40;
	[tilespmem:v49+s17+$0x0] =	vst.idx.msk $0xffff, v43  }
0x24f: {  	v42 =	vor.u32 v31, v42;
	v50 =	vadd.s32 v39, v40;
	v41 =	vld.idx.msk [tilespmem:v41+s13+$0x0], $0xffff  }
0x250: {  	v43 =	vadd.s32 v13, v50;
	_ =	sdelay $0x3  }
0x251: {  	[tilespmem:v42+s17+$0x0] =	vst.idx.msk $0xffff, v41;
	v41 =	vshll.u32 v40, $0x7  }
0x252: {  	v52 =	vadd.s32 v38, v40;
	v42 =	vld.idx.msk [tilespmem:v43+s13+$0x0], $0xffff;
	v51 =	vor.u32 v0, v41  }
0x253: {  	v44 =	vadd.s32 v18, v52;
	_ =	sdelay $0x3  }
0x254: {  	[tilespmem:v51+s17+$0x0] =	vst.idx.msk $0xffff, v42  }
0x255: {  	v54 =	vadd.s32 v37, v40;
	v53 =	vor.u32 v19, v41;
	v42 =	vld.idx.msk [tilespmem:v44+s13+$0x0], $0xffff  }
0x256: {  	v44 =	vadd.s32 v20, v54;
	_ =	sdelay $0x3  }
0x257: {  	[tilespmem:v53+s17+$0x0] =	vst.idx.msk $0xffff, v42  }
0x258: {  	v56 =	vadd.s32 v35, v40;
	v55 =	vor.u32 v21, v41;
	v42 =	vld.idx.msk [tilespmem:v44+s13+$0x0], $0xffff  }
0x259: {  	v44 =	vadd.s32 v22, v56;
	_ =	sdelay $0x3  }
0x25a: {  	[tilespmem:v55+s17+$0x0] =	vst.idx.msk $0xffff, v42  }
0x25b: {  	v58 =	vadd.s32 v36, v40;
	v57 =	vor.u32 v23, v41;
	v42 =	vld.idx.msk [tilespmem:v44+s13+$0x0], $0xffff  }
0x25c: {  	v44 =	vadd.s32 v24, v58;
	_ =	sdelay $0x3  }
0x25d: {  	[tilespmem:v57+s17+$0x0] =	vst.idx.msk $0xffff, v42  }
0x25e: {  	v60 =	vadd.s32 v34, v40;
	v59 =	vor.u32 v25, v41;
	v42 =	vld.idx.msk [tilespmem:v44+s13+$0x0], $0xffff  }
0x25f: {  	v44 =	vadd.s32 v26, v60;
	_ =	sdelay $0x3  }
0x260: {  	[tilespmem:v59+s17+$0x0] =	vst.idx.msk $0xffff, v42  }
0x261: {  	v62 =	vadd.s32 v33, v40;
	v61 =	vor.u32 v27, v41;
	v42 =	vld.idx.msk [tilespmem:v44+s13+$0x0], $0xffff  }
0x262: {  	v44 =	vadd.s32 v28, v62;
	_ =	sdelay $0x3  }
0x263: {  	[tilespmem:v61+s17+$0x0] =	vst.idx.msk $0xffff, v42  }
0x264: {  	v40 =	vadd.s32 v32, v40;
	v63 =	vor.u32 v29, v41;
	v43 =	vld.idx.msk [tilespmem:v44+s13+$0x0], $0xffff  }
0x265: {  	v42 =	vadd.s32 v30, v40;
	_ =	sdelay $0x2  }
0x266: {  	s31 =	simm.s32 $0x1  }
0x267: {  	s25 =	simm.s32 $0x2;
	v40 =	vadd.s32 s31, v0;
	[tilespmem:v63+s17+$0x0] =	vst.idx.msk $0xffff, v43  }
.LBB2_8:
0x268: {  	p0 =	sne.s32 s25, $0xF;
	v43 =	vand.u32 $0xF, v40;
	v42 =	vld.idx.msk [tilespmem:v42+s13+$0x0], $0xffff  }
0x269: {  	v41 =	vor.u32 v31, v41;
	v44 =	vadd.s32 v39, v43  }
0x26a: {  	v44 =	vadd.s32 v13, v44;
	_ =	sdelay $0x3  }
0x26b: {  	[tilespmem:v41+s17+$0x0] =	vst.idx.msk $0xffff, v42  }
0x26c: {  	v42 =	vshll.u32 v43, $0x7;
	v41 =	vld.idx.msk [tilespmem:v44+s13+$0x0], $0xffff  }
0x26d: {  	v45 =	vadd.s32 v38, v43;
	v44 =	vor.u32 v0, v42  }
0x26e: {  	v45 =	vadd.s32 v18, v45;
	_ =	sdelay $0x3  }
0x26f: {  	[tilespmem:v44+s17+$0x0] =	vst.idx.msk $0xffff, v41  }
0x270: {  	v41 =	vld.idx.msk [tilespmem:v45+s13+$0x0], $0xffff  }
0x271: {  	v44 =	vor.u32 v19, v42;
	v45 =	vadd.s32 v37, v43  }
0x272: {  	v45 =	vadd.s32 v20, v45;
	_ =	sdelay $0x3  }
0x273: {  	[tilespmem:v44+s17+$0x0] =	vst.idx.msk $0xffff, v41  }
0x274: {  	v41 =	vld.idx.msk [tilespmem:v45+s13+$0x0], $0xffff  }
0x275: {  	v44 =	vor.u32 v21, v42;
	v45 =	vadd.s32 v35, v43  }
0x276: {  	v45 =	vadd.s32 v22, v45;
	_ =	sdelay $0x3  }
0x277: {  	[tilespmem:v44+s17+$0x0] =	vst.idx.msk $0xffff, v41  }
0x278: {  	v41 =	vld.idx.msk [tilespmem:v45+s13+$0x0], $0xffff  }
0x279: {  	v44 =	vor.u32 v23, v42;
	v45 =	vadd.s32 v36, v43  }
0x27a: {  	v45 =	vadd.s32 v24, v45;
	_ =	sdelay $0x3  }
0x27b: {  	[tilespmem:v44+s17+$0x0] =	vst.idx.msk $0xffff, v41  }
0x27c: {  	v41 =	vld.idx.msk [tilespmem:v45+s13+$0x0], $0xffff  }
0x27d: {  	v44 =	vor.u32 v25, v42;
	v45 =	vadd.s32 v34, v43  }
0x27e: {  	v45 =	vadd.s32 v26, v45;
	_ =	sdelay $0x3  }
0x27f: {  	[tilespmem:v44+s17+$0x0] =	vst.idx.msk $0xffff, v41  }
0x280: {  	v41 =	vld.idx.msk [tilespmem:v45+s13+$0x0], $0xffff  }
0x281: {  	v44 =	vor.u32 v27, v42;
	v45 =	vadd.s32 v33, v43  }
0x282: {  	v45 =	vadd.s32 v28, v45;
	_ =	sdelay $0x3  }
0x283: {  	[tilespmem:v44+s17+$0x0] =	vst.idx.msk $0xffff, v41  }
0x284: {  	v41 =	vld.idx.msk [tilespmem:v45+s13+$0x0], $0xffff  }
0x285: {  	v43 =	vadd.s32 v32, v43;
	v44 =	vor.u32 v29, v42  }
0x286: {  	v43 =	vadd.s32 v30, v43;
	_ =	sdelay $0x3  }
0x287: {  	[tilespmem:v44+s17+$0x0] =	vst.idx.msk $0xffff, v41  }
0x288: {  	v40 =	vor.u32 $0x10, v40;
	v41 =	vld.idx.msk [tilespmem:v43+s13+$0x0], $0xffff  }
0x289: {  	v42 =	vor.u32 v31, v42;
	v43 =	vadd.s32 v39, v40  }
0x28a: {  	v43 =	vadd.s32 v13, v43;
	_ =	sdelay $0x3  }
0x28b: {  	[tilespmem:v42+s17+$0x0] =	vst.idx.msk $0xffff, v41  }
0x28c: {  	v41 =	vshll.u32 v40, $0x7;
	v42 =	vld.idx.msk [tilespmem:v43+s13+$0x0], $0xffff  }
0x28d: {  	v44 =	vadd.s32 v38, v40;
	v43 =	vor.u32 v0, v41  }
0x28e: {  	v44 =	vadd.s32 v18, v44;
	_ =	sdelay $0x3  }
0x28f: {  	[tilespmem:v43+s17+$0x0] =	vst.idx.msk $0xffff, v42  }
0x290: {  	v42 =	vld.idx.msk [tilespmem:v44+s13+$0x0], $0xffff  }
0x291: {  	v43 =	vor.u32 v19, v41;
	v44 =	vadd.s32 v37, v40  }
0x292: {  	v44 =	vadd.s32 v20, v44;
	_ =	sdelay $0x3  }
0x293: {  	[tilespmem:v43+s17+$0x0] =	vst.idx.msk $0xffff, v42  }
0x294: {  	v42 =	vld.idx.msk [tilespmem:v44+s13+$0x0], $0xffff  }
0x295: {  	v43 =	vor.u32 v21, v41;
	v44 =	vadd.s32 v35, v40  }
0x296: {  	v44 =	vadd.s32 v22, v44;
	_ =	sdelay $0x3  }
0x297: {  	[tilespmem:v43+s17+$0x0] =	vst.idx.msk $0xffff, v42  }
0x298: {  	v42 =	vld.idx.msk [tilespmem:v44+s13+$0x0], $0xffff  }
0x299: {  	v43 =	vor.u32 v23, v41;
	v44 =	vadd.s32 v36, v40  }
0x29a: {  	v44 =	vadd.s32 v24, v44;
	_ =	sdelay $0x3  }
0x29b: {  	[tilespmem:v43+s17+$0x0] =	vst.idx.msk $0xffff, v42  }
0x29c: {  	v42 =	vld.idx.msk [tilespmem:v44+s13+$0x0], $0xffff  }
0x29d: {  	v43 =	vor.u32 v25, v41;
	v44 =	vadd.s32 v34, v40  }
0x29e: {  	v44 =	vadd.s32 v26, v44;
	_ =	sdelay $0x3  }
0x29f: {  	[tilespmem:v43+s17+$0x0] =	vst.idx.msk $0xffff, v42  }
0x2a0: {  	v42 =	vld.idx.msk [tilespmem:v44+s13+$0x0], $0xffff  }
0x2a1: {  	v43 =	vor.u32 v27, v41;
	v44 =	vadd.s32 v33, v40  }
0x2a2: {  	v44 =	vadd.s32 v28, v44;
	_ =	sdelay $0x3  }
0x2a3: {  	[tilespmem:v43+s17+$0x0] =	vst.idx.msk $0xffff, v42  }
0x2a4: {  	v43 =	vld.idx.msk [tilespmem:v44+s13+$0x0], $0xffff  }
0x2a5: {  	v40 =	vadd.s32 v32, v40;
	v44 =	vor.u32 v29, v41  }
.Ltmp3:
0x2a6: {  	v42 =	vadd.s32 v30, v40;
	(pc) =	sbr.rel @p0 .LBB2_8-.Ltmp3, $2  }
0x2a7: {  	_ =	sdelay $0x2  }
0x2a8: {  	v40 =	vadd.s32 s25, v0;
	s25 =	sadd.s32 $0x1, s25;
	[tilespmem:v44+s17+$0x0] =	vst.idx.msk $0xffff, v43  }
0x2a9: {  	_ =	sdelay $0x2  }
0x2aa: {  	v43 =	vand.u32 $0xF, v40  }
0x2ab: {  	v42 =	vld.idx.msk [tilespmem:v42+s13+$0x0], $0xffff;
	v41 =	vor.u32 v31, v41;
	v44 =	vadd.s32 v39, v43  }
0x2ac: {  	v44 =	vadd.s32 v13, v44;
	_ =	sdelay $0x3  }
0x2ad: {  	v56 =	vshll.u32 v43, $0x7;
	[tilespmem:v41+s17+$0x0] =	vst.idx.msk $0xffff, v42  }
0x2ae: {  	v45 =	vadd.s32 v38, v43;
	v57 =	vor.u32 v0, v56;
	v42 =	vld.idx.msk [tilespmem:v44+s13+$0x0], $0xffff  }
0x2af: {  	v45 =	vadd.s32 v18, v45;
	_ =	sdelay $0x3  }
0x2b0: {  	[tilespmem:v57+s17+$0x0] =	vst.idx.msk $0xffff, v42  }
0x2b1: {  	v59 =	vadd.s32 v37, v43;
	v58 =	vor.u32 v19, v56;
	v42 =	vld.idx.msk [tilespmem:v45+s13+$0x0], $0xffff  }
0x2b2: {  	v45 =	vadd.s32 v20, v59;
	_ =	sdelay $0x3  }
0x2b3: {  	[tilespmem:v58+s17+$0x0] =	vst.idx.msk $0xffff, v42  }
0x2b4: {  	v61 =	vadd.s32 v35, v43;
	v60 =	vor.u32 v21, v56;
	v42 =	vld.idx.msk [tilespmem:v45+s13+$0x0], $0xffff  }
0x2b5: {  	v45 =	vadd.s32 v22, v61;
	_ =	sdelay $0x3  }
0x2b6: {  	[tilespmem:v60+s17+$0x0] =	vst.idx.msk $0xffff, v42  }
0x2b7: {  	v63 =	vadd.s32 v36, v43;
	v62 =	vor.u32 v23, v56;
	v42 =	vld.idx.msk [tilespmem:v45+s13+$0x0], $0xffff  }
0x2b8: {  	v45 =	vadd.s32 v24, v63;
	_ =	sdelay $0x3  }
0x2b9: {  	[tilespmem:v62+s17+$0x0] =	vst.idx.msk $0xffff, v42  }
0x2ba: {  	v49 =	vadd.s32 v34, v43;
	v48 =	vor.u32 v25, v56;
	v42 =	vld.idx.msk [tilespmem:v45+s13+$0x0], $0xffff  }
0x2bb: {  	v45 =	vadd.s32 v26, v49;
	_ =	sdelay $0x3  }
0x2bc: {  	[tilespmem:v48+s17+$0x0] =	vst.idx.msk $0xffff, v42  }
0x2bd: {  	v51 =	vadd.s32 v33, v43;
	v50 =	vor.u32 v27, v56;
	v42 =	vld.idx.msk [tilespmem:v45+s13+$0x0], $0xffff  }
0x2be: {  	v45 =	vadd.s32 v28, v51;
	_ =	sdelay $0x3  }
0x2bf: {  	[tilespmem:v50+s17+$0x0] =	vst.idx.msk $0xffff, v42  }
0x2c0: {  	v43 =	vadd.s32 v32, v43;
	v52 =	vor.u32 v29, v56;
	v42 =	vld.idx.msk [tilespmem:v45+s13+$0x0], $0xffff  }
0x2c1: {  	v43 =	vadd.s32 v30, v43;
	_ =	sdelay $0x3  }
0x2c2: {  	v53 =	vor.u32 $0x10, v40;
	[tilespmem:v52+s17+$0x0] =	vst.idx.msk $0xffff, v42  }
0x2c3: {  	v54 =	vadd.s32 v39, v53;
	v41 =	vor.u32 v31, v56;
	v42 =	vld.idx.msk [tilespmem:v43+s13+$0x0], $0xffff  }
0x2c4: {  	v39 =	vadd.s32 v13, v54;
	_ =	sdelay $0x3  }
0x2c5: {  	v55 =	vshll.u32 v53, $0x7;
	[tilespmem:v41+s17+$0x0] =	vst.idx.msk $0xffff, v42  }
0x2c6: {  	v56 =	vor.u32 v0, v55;
	v57 =	vadd.s32 v38, v53;
	v39 =	vld.idx.msk [tilespmem:v39+s13+$0x0], $0xffff  }
0x2c7: {  	v38 =	vadd.s32 v18, v57;
	_ =	sdelay $0x3  }
0x2c8: {  	[tilespmem:v56+s17+$0x0] =	vst.idx.msk $0xffff, v39  }
0x2c9: {  	v59 =	vadd.s32 v37, v53;
	v58 =	vor.u32 v19, v55;
	v38 =	vld.idx.msk [tilespmem:v38+s13+$0x0], $0xffff  }
0x2ca: {  	v37 =	vadd.s32 v20, v59;
	_ =	sdelay $0x3  }
0x2cb: {  	[tilespmem:v58+s17+$0x0] =	vst.idx.msk $0xffff, v38  }
0x2cc: {  	v61 =	vadd.s32 v35, v53;
	v60 =	vor.u32 v21, v55;
	v37 =	vld.idx.msk [tilespmem:v37+s13+$0x0], $0xffff  }
0x2cd: {  	v35 =	vadd.s32 v22, v61;
	_ =	sdelay $0x3  }
0x2ce: {  	[tilespmem:v60+s17+$0x0] =	vst.idx.msk $0xffff, v37  }
0x2cf: {  	v63 =	vadd.s32 v36, v53;
	v62 =	vor.u32 v23, v55;
	v35 =	vld.idx.msk [tilespmem:v35+s13+$0x0], $0xffff  }
0x2d0: {  	v36 =	vadd.s32 v24, v63;
	_ =	sdelay $0x3  }
0x2d1: {  	[tilespmem:v62+s17+$0x0] =	vst.idx.msk $0xffff, v35  }
0x2d2: {  	v43 =	vadd.s32 v34, v53;
	v42 =	vor.u32 v25, v55;
	v35 =	vld.idx.msk [tilespmem:v36+s13+$0x0], $0xffff  }
0x2d3: {  	v34 =	vadd.s32 v26, v43;
	_ =	sdelay $0x3  }
0x2d4: {  	[tilespmem:v42+s17+$0x0] =	vst.idx.msk $0xffff, v35  }
0x2d5: {  	v44 =	vor.u32 v27, v55;
	v45 =	vadd.s32 v33, v53;
	v34 =	vld.idx.msk [tilespmem:v34+s13+$0x0], $0xffff  }
0x2d6: {  	v33 =	vadd.s32 v28, v45;
	_ =	sdelay $0x3  }
0x2d7: {  	[tilespmem:v44+s17+$0x0] =	vst.idx.msk $0xffff, v34  }
0x2d8: {  	v47 =	vadd.s32 v32, v53;
	v46 =	vor.u32 v29, v55;
	v33 =	vld.idx.msk [tilespmem:v33+s13+$0x0], $0xffff  }
0x2d9: {  	v32 =	vadd.s32 v30, v47;
	_ =	sdelay $0x3  }
0x2da: {  	[tilespmem:v46+s17+$0x0] =	vst.idx.msk $0xffff, v33  }
0x2db: {  	v48 =	vor.u32 v31, v55;
	v32 =	vld.idx.msk [tilespmem:v32+s13+$0x0], $0xffff;
	_ =	sdelay $0x4  }
0x2dc: {  	[tilespmem:v48+s17+$0x0] =	vst.idx.msk $0xffff, v32  }
0x2dd: {  	[hbm4b:s6+s18] =	stream.strided.scatter [tilespmem:s17], [sflag:$0x3], $0x1000, s19, s18, $0x38;
	[tilespmem:$0x10600] =	vst v63  }
0x2de: {  	_ =	swait.ge [sflag:s20], $0x4000  }
0x2df: {  	[sflag:s20] =	ssyncset.done $0x0  }
0x2e0: {  	[sflag:s20] =	ssyncadd.s32 $0xFFFFC000  }
0x2e1: {  	_ =	swait.ge [sflag:s23], $0x1000  }
0x2e2: {  	[sflag:s23] =	ssyncset.done $0x0  }
0x2e3: {  	[sflag:s23] =	ssyncadd.s32 $0xFFFFF000  }
0x2e4: {  	v39 =	vld [tilespmem:$0x6580];
	_ =	sdelay $0x1  }
0x2e5: {  	s1 =	simm.s32 $0x0  }
0x2e6: {  	v40 =	vadd.s32 s1, v0  }
0x2e7: {  	v41 =	vand.u32 $0xF, v40  }
0x2e8: {  	v49 =	vadd.s32 v39, v41  }
0x2e9: {  	v38 =	vld [tilespmem:$0x6590];
	v32 =	vadd.s32 v13, v49;
	_ =	sdelay $0x3  }
0x2ea: {  	v50 =	vshll.u32 v41, $0x7;
	v37 =	vld [tilespmem:$0x65A0]  }
0x2eb: {  	v52 =	vor.u32 v0, v50;
	v53 =	vadd.s32 v38, v41;
	v51 =	vld.idx.msk [tilespmem:v32+s15+$0x0], $0xffff  }
0x2ec: {  	v35 =	vld [tilespmem:$0x65B0];
	v54 =	vadd.s32 v18, v53  }
0x2ed: {  	v36 =	vld [tilespmem:$0x65C0]  }
0x2ee: {  	v34 =	vld [tilespmem:$0x65D0]  }
0x2ef: {  	v33 =	vld [tilespmem:$0x65E0]  }
0x2f0: {  	v32 =	vld [tilespmem:$0x65F0];
	[tilespmem:v52+s21+$0x0] =	vst.idx.msk $0xffff, v51  }
0x2f1: {  	v55 =	vor.u32 v19, v50;
	v56 =	vadd.s32 v37, v41;
	v43 =	vld.idx.msk [tilespmem:v54+s15+$0x0], $0xffff  }
0x2f2: {  	v45 =	vadd.s32 v20, v56;
	_ =	sdelay $0x3  }
0x2f3: {  	[tilespmem:v55+s21+$0x0] =	vst.idx.msk $0xffff, v43  }
0x2f4: {  	v57 =	vor.u32 v21, v50;
	v58 =	vadd.s32 v35, v41;
	v43 =	vld.idx.msk [tilespmem:v45+s15+$0x0], $0xffff  }
0x2f5: {  	v45 =	vadd.s32 v22, v58;
	_ =	sdelay $0x3  }
0x2f6: {  	[tilespmem:v57+s21+$0x0] =	vst.idx.msk $0xffff, v43  }
0x2f7: {  	v59 =	vor.u32 v23, v50;
	v60 =	vadd.s32 v36, v41;
	v43 =	vld.idx.msk [tilespmem:v45+s15+$0x0], $0xffff  }
0x2f8: {  	v45 =	vadd.s32 v24, v60;
	_ =	sdelay $0x3  }
0x2f9: {  	[tilespmem:v59+s21+$0x0] =	vst.idx.msk $0xffff, v43  }
0x2fa: {  	v61 =	vor.u32 v25, v50;
	v62 =	vadd.s32 v34, v41;
	v43 =	vld.idx.msk [tilespmem:v45+s15+$0x0], $0xffff  }
0x2fb: {  	v45 =	vadd.s32 v26, v62;
	_ =	sdelay $0x3  }
0x2fc: {  	[tilespmem:v61+s21+$0x0] =	vst.idx.msk $0xffff, v43  }
0x2fd: {  	v63 =	vor.u32 v27, v50;
	v48 =	vadd.s32 v33, v41;
	v43 =	vld.idx.msk [tilespmem:v45+s15+$0x0], $0xffff  }
0x2fe: {  	v45 =	vadd.s32 v28, v48;
	_ =	sdelay $0x3  }
0x2ff: {  	[tilespmem:v63+s21+$0x0] =	vst.idx.msk $0xffff, v43  }
0x300: {  	v49 =	vor.u32 v29, v50;
	v41 =	vadd.s32 v32, v41;
	v43 =	vld.idx.msk [tilespmem:v45+s15+$0x0], $0xffff  }
0x301: {  	v41 =	vadd.s32 v30, v41;
	_ =	sdelay $0x3  }
0x302: {  	v40 =	vor.u32 $0x10, v40;
	[tilespmem:v49+s21+$0x0] =	vst.idx.msk $0xffff, v43  }
0x303: {  	v42 =	vor.u32 v31, v50;
	v50 =	vadd.s32 v39, v40;
	v41 =	vld.idx.msk [tilespmem:v41+s15+$0x0], $0xffff  }
0x304: {  	v43 =	vadd.s32 v13, v50;
	_ =	sdelay $0x3  }
0x305: {  	[tilespmem:v42+s21+$0x0] =	vst.idx.msk $0xffff, v41;
	v41 =	vshll.u32 v40, $0x7  }
0x306: {  	v52 =	vadd.s32 v38, v40;
	v42 =	vld.idx.msk [tilespmem:v43+s15+$0x0], $0xffff;
	v51 =	vor.u32 v0, v41  }
0x307: {  	v44 =	vadd.s32 v18, v52;
	_ =	sdelay $0x3  }
0x308: {  	[tilespmem:v51+s21+$0x0] =	vst.idx.msk $0xffff, v42  }
0x309: {  	v54 =	vadd.s32 v37, v40;
	v53 =	vor.u32 v19, v41;
	v42 =	vld.idx.msk [tilespmem:v44+s15+$0x0], $0xffff  }
0x30a: {  	v44 =	vadd.s32 v20, v54;
	_ =	sdelay $0x3  }
0x30b: {  	[tilespmem:v53+s21+$0x0] =	vst.idx.msk $0xffff, v42  }
0x30c: {  	v56 =	vadd.s32 v35, v40;
	v55 =	vor.u32 v21, v41;
	v42 =	vld.idx.msk [tilespmem:v44+s15+$0x0], $0xffff  }
0x30d: {  	v44 =	vadd.s32 v22, v56;
	_ =	sdelay $0x3  }
0x30e: {  	[tilespmem:v55+s21+$0x0] =	vst.idx.msk $0xffff, v42  }
0x30f: {  	v58 =	vadd.s32 v36, v40;
	v57 =	vor.u32 v23, v41;
	v42 =	vld.idx.msk [tilespmem:v44+s15+$0x0], $0xffff  }
0x310: {  	v44 =	vadd.s32 v24, v58;
	_ =	sdelay $0x3  }
0x311: {  	[tilespmem:v57+s21+$0x0] =	vst.idx.msk $0xffff, v42  }
0x312: {  	v60 =	vadd.s32 v34, v40;
	v59 =	vor.u32 v25, v41;
	v42 =	vld.idx.msk [tilespmem:v44+s15+$0x0], $0xffff  }
0x313: {  	v44 =	vadd.s32 v26, v60;
	_ =	sdelay $0x3  }
0x314: {  	[tilespmem:v59+s21+$0x0] =	vst.idx.msk $0xffff, v42  }
0x315: {  	v62 =	vadd.s32 v33, v40;
	v61 =	vor.u32 v27, v41;
	v42 =	vld.idx.msk [tilespmem:v44+s15+$0x0], $0xffff  }
0x316: {  	v44 =	vadd.s32 v28, v62;
	_ =	sdelay $0x3  }
0x317: {  	[tilespmem:v61+s21+$0x0] =	vst.idx.msk $0xffff, v42  }
0x318: {  	v40 =	vadd.s32 v32, v40;
	v63 =	vor.u32 v29, v41;
	v43 =	vld.idx.msk [tilespmem:v44+s15+$0x0], $0xffff  }
0x319: {  	v42 =	vadd.s32 v30, v40;
	_ =	sdelay $0x2  }
0x31a: {  	s31 =	simm.s32 $0x1  }
0x31b: {  	s25 =	simm.s32 $0x2;
	v40 =	vadd.s32 s31, v0;
	[tilespmem:v63+s21+$0x0] =	vst.idx.msk $0xffff, v43  }
.LBB2_10:
0x31c: {  	p0 =	sne.s32 s25, $0xF;
	v43 =	vand.u32 $0xF, v40;
	v42 =	vld.idx.msk [tilespmem:v42+s15+$0x0], $0xffff  }
0x31d: {  	v41 =	vor.u32 v31, v41;
	v44 =	vadd.s32 v39, v43  }
0x31e: {  	v44 =	vadd.s32 v13, v44;
	_ =	sdelay $0x3  }
0x31f: {  	[tilespmem:v41+s21+$0x0] =	vst.idx.msk $0xffff, v42  }
0x320: {  	v42 =	vshll.u32 v43, $0x7;
	v41 =	vld.idx.msk [tilespmem:v44+s15+$0x0], $0xffff  }
0x321: {  	v45 =	vadd.s32 v38, v43;
	v44 =	vor.u32 v0, v42  }
0x322: {  	v45 =	vadd.s32 v18, v45;
	_ =	sdelay $0x3  }
0x323: {  	[tilespmem:v44+s21+$0x0] =	vst.idx.msk $0xffff, v41  }
0x324: {  	v41 =	vld.idx.msk [tilespmem:v45+s15+$0x0], $0xffff  }
0x325: {  	v44 =	vor.u32 v19, v42;
	v45 =	vadd.s32 v37, v43  }
0x326: {  	v45 =	vadd.s32 v20, v45;
	_ =	sdelay $0x3  }
0x327: {  	[tilespmem:v44+s21+$0x0] =	vst.idx.msk $0xffff, v41  }
0x328: {  	v41 =	vld.idx.msk [tilespmem:v45+s15+$0x0], $0xffff  }
0x329: {  	v44 =	vor.u32 v21, v42;
	v45 =	vadd.s32 v35, v43  }
0x32a: {  	v45 =	vadd.s32 v22, v45;
	_ =	sdelay $0x3  }
0x32b: {  	[tilespmem:v44+s21+$0x0] =	vst.idx.msk $0xffff, v41  }
0x32c: {  	v41 =	vld.idx.msk [tilespmem:v45+s15+$0x0], $0xffff  }
0x32d: {  	v44 =	vor.u32 v23, v42;
	v45 =	vadd.s32 v36, v43  }
0x32e: {  	v45 =	vadd.s32 v24, v45;
	_ =	sdelay $0x3  }
0x32f: {  	[tilespmem:v44+s21+$0x0] =	vst.idx.msk $0xffff, v41  }
0x330: {  	v41 =	vld.idx.msk [tilespmem:v45+s15+$0x0], $0xffff  }
0x331: {  	v44 =	vor.u32 v25, v42;
	v45 =	vadd.s32 v34, v43  }
0x332: {  	v45 =	vadd.s32 v26, v45;
	_ =	sdelay $0x3  }
0x333: {  	[tilespmem:v44+s21+$0x0] =	vst.idx.msk $0xffff, v41  }
0x334: {  	v41 =	vld.idx.msk [tilespmem:v45+s15+$0x0], $0xffff  }
0x335: {  	v44 =	vor.u32 v27, v42;
	v45 =	vadd.s32 v33, v43  }
0x336: {  	v45 =	vadd.s32 v28, v45;
	_ =	sdelay $0x3  }
0x337: {  	[tilespmem:v44+s21+$0x0] =	vst.idx.msk $0xffff, v41  }
0x338: {  	v41 =	vld.idx.msk [tilespmem:v45+s15+$0x0], $0xffff  }
0x339: {  	v43 =	vadd.s32 v32, v43;
	v44 =	vor.u32 v29, v42  }
0x33a: {  	v43 =	vadd.s32 v30, v43;
	_ =	sdelay $0x3  }
0x33b: {  	[tilespmem:v44+s21+$0x0] =	vst.idx.msk $0xffff, v41  }
0x33c: {  	v40 =	vor.u32 $0x10, v40;
	v41 =	vld.idx.msk [tilespmem:v43+s15+$0x0], $0xffff  }
0x33d: {  	v42 =	vor.u32 v31, v42;
	v43 =	vadd.s32 v39, v40  }
0x33e: {  	v43 =	vadd.s32 v13, v43;
	_ =	sdelay $0x3  }
0x33f: {  	[tilespmem:v42+s21+$0x0] =	vst.idx.msk $0xffff, v41  }
0x340: {  	v41 =	vshll.u32 v40, $0x7;
	v42 =	vld.idx.msk [tilespmem:v43+s15+$0x0], $0xffff  }
0x341: {  	v44 =	vadd.s32 v38, v40;
	v43 =	vor.u32 v0, v41  }
0x342: {  	v44 =	vadd.s32 v18, v44;
	_ =	sdelay $0x3  }
0x343: {  	[tilespmem:v43+s21+$0x0] =	vst.idx.msk $0xffff, v42  }
0x344: {  	v42 =	vld.idx.msk [tilespmem:v44+s15+$0x0], $0xffff  }
0x345: {  	v43 =	vor.u32 v19, v41;
	v44 =	vadd.s32 v37, v40  }
0x346: {  	v44 =	vadd.s32 v20, v44;
	_ =	sdelay $0x3  }
0x347: {  	[tilespmem:v43+s21+$0x0] =	vst.idx.msk $0xffff, v42  }
0x348: {  	v42 =	vld.idx.msk [tilespmem:v44+s15+$0x0], $0xffff  }
0x349: {  	v43 =	vor.u32 v21, v41;
	v44 =	vadd.s32 v35, v40  }
0x34a: {  	v44 =	vadd.s32 v22, v44;
	_ =	sdelay $0x3  }
0x34b: {  	[tilespmem:v43+s21+$0x0] =	vst.idx.msk $0xffff, v42  }
0x34c: {  	v42 =	vld.idx.msk [tilespmem:v44+s15+$0x0], $0xffff  }
0x34d: {  	v43 =	vor.u32 v23, v41;
	v44 =	vadd.s32 v36, v40  }
0x34e: {  	v44 =	vadd.s32 v24, v44;
	_ =	sdelay $0x3  }
0x34f: {  	[tilespmem:v43+s21+$0x0] =	vst.idx.msk $0xffff, v42  }
0x350: {  	v42 =	vld.idx.msk [tilespmem:v44+s15+$0x0], $0xffff  }
0x351: {  	v43 =	vor.u32 v25, v41;
	v44 =	vadd.s32 v34, v40  }
0x352: {  	v44 =	vadd.s32 v26, v44;
	_ =	sdelay $0x3  }
0x353: {  	[tilespmem:v43+s21+$0x0] =	vst.idx.msk $0xffff, v42  }
0x354: {  	v42 =	vld.idx.msk [tilespmem:v44+s15+$0x0], $0xffff  }
0x355: {  	v43 =	vor.u32 v27, v41;
	v44 =	vadd.s32 v33, v40  }
0x356: {  	v44 =	vadd.s32 v28, v44;
	_ =	sdelay $0x3  }
0x357: {  	[tilespmem:v43+s21+$0x0] =	vst.idx.msk $0xffff, v42  }
0x358: {  	v43 =	vld.idx.msk [tilespmem:v44+s15+$0x0], $0xffff  }
0x359: {  	v40 =	vadd.s32 v32, v40;
	v44 =	vor.u32 v29, v41  }
.Ltmp4:
0x35a: {  	v42 =	vadd.s32 v30, v40;
	(pc) =	sbr.rel @p0 .LBB2_10-.Ltmp4, $2  }
0x35b: {  	_ =	sdelay $0x2  }
0x35c: {  	v40 =	vadd.s32 s25, v0;
	s25 =	sadd.s32 $0x1, s25;
	[tilespmem:v44+s21+$0x0] =	vst.idx.msk $0xffff, v43  }
0x35d: {  	_ =	sdelay $0x2  }
0x35e: {  	v43 =	vand.u32 $0xF, v40  }
0x35f: {  	v42 =	vld.idx.msk [tilespmem:v42+s15+$0x0], $0xffff;
	v41 =	vor.u32 v31, v41;
	v44 =	vadd.s32 v39, v43  }
0x360: {  	v44 =	vadd.s32 v13, v44;
	_ =	sdelay $0x3  }
0x361: {  	v51 =	vshll.u32 v43, $0x7;
	[tilespmem:v41+s21+$0x0] =	vst.idx.msk $0xffff, v42  }
0x362: {  	v45 =	vadd.s32 v38, v43;
	v52 =	vor.u32 v0, v51;
	v42 =	vld.idx.msk [tilespmem:v44+s15+$0x0], $0xffff  }
0x363: {  	v45 =	vadd.s32 v18, v45;
	_ =	sdelay $0x3  }
0x364: {  	[tilespmem:v52+s21+$0x0] =	vst.idx.msk $0xffff, v42  }
0x365: {  	v54 =	vadd.s32 v37, v43;
	v53 =	vor.u32 v19, v51;
	v42 =	vld.idx.msk [tilespmem:v45+s15+$0x0], $0xffff  }
0x366: {  	v45 =	vadd.s32 v20, v54;
	_ =	sdelay $0x3  }
0x367: {  	[tilespmem:v53+s21+$0x0] =	vst.idx.msk $0xffff, v42  }
0x368: {  	v56 =	vadd.s32 v35, v43;
	v55 =	vor.u32 v21, v51;
	v42 =	vld.idx.msk [tilespmem:v45+s15+$0x0], $0xffff  }
0x369: {  	v45 =	vadd.s32 v22, v56;
	_ =	sdelay $0x3  }
0x36a: {  	[tilespmem:v55+s21+$0x0] =	vst.idx.msk $0xffff, v42  }
0x36b: {  	v58 =	vadd.s32 v36, v43;
	v57 =	vor.u32 v23, v51;
	v42 =	vld.idx.msk [tilespmem:v45+s15+$0x0], $0xffff  }
0x36c: {  	v45 =	vadd.s32 v24, v58;
	_ =	sdelay $0x3  }
0x36d: {  	[tilespmem:v57+s21+$0x0] =	vst.idx.msk $0xffff, v42  }
0x36e: {  	v60 =	vadd.s32 v34, v43;
	v59 =	vor.u32 v25, v51;
	v42 =	vld.idx.msk [tilespmem:v45+s15+$0x0], $0xffff  }
0x36f: {  	v45 =	vadd.s32 v26, v60;
	_ =	sdelay $0x3  }
0x370: {  	[tilespmem:v59+s21+$0x0] =	vst.idx.msk $0xffff, v42  }
0x371: {  	v62 =	vadd.s32 v33, v43;
	v61 =	vor.u32 v27, v51;
	v42 =	vld.idx.msk [tilespmem:v45+s15+$0x0], $0xffff  }
0x372: {  	v45 =	vadd.s32 v28, v62;
	_ =	sdelay $0x3  }
0x373: {  	[tilespmem:v61+s21+$0x0] =	vst.idx.msk $0xffff, v42  }
0x374: {  	v43 =	vadd.s32 v32, v43;
	v63 =	vor.u32 v29, v51;
	v42 =	vld.idx.msk [tilespmem:v45+s15+$0x0], $0xffff  }
0x375: {  	v43 =	vadd.s32 v30, v43;
	_ =	sdelay $0x3  }
0x376: {  	v46 =	vor.u32 $0x10, v40;
	[tilespmem:v63+s21+$0x0] =	vst.idx.msk $0xffff, v42  }
0x377: {  	v47 =	vadd.s32 v39, v46;
	v41 =	vor.u32 v31, v51;
	v42 =	vld.idx.msk [tilespmem:v43+s15+$0x0], $0xffff  }
0x378: {  	v39 =	vadd.s32 v13, v47;
	_ =	sdelay $0x3  }
0x379: {  	v48 =	vshll.u32 v46, $0x7;
	[tilespmem:v41+s21+$0x0] =	vst.idx.msk $0xffff, v42  }
0x37a: {  	v50 =	vadd.s32 v38, v46;
	v49 =	vor.u32 v0, v48;
	v39 =	vld.idx.msk [tilespmem:v39+s15+$0x0], $0xffff  }
0x37b: {  	v38 =	vadd.s32 v18, v50;
	_ =	sdelay $0x3  }
0x37c: {  	[tilespmem:v49+s21+$0x0] =	vst.idx.msk $0xffff, v39  }
0x37d: {  	v51 =	vor.u32 v19, v48;
	v52 =	vadd.s32 v37, v46;
	v38 =	vld.idx.msk [tilespmem:v38+s15+$0x0], $0xffff  }
0x37e: {  	v37 =	vadd.s32 v20, v52;
	_ =	sdelay $0x3  }
0x37f: {  	[tilespmem:v51+s21+$0x0] =	vst.idx.msk $0xffff, v38  }
0x380: {  	v54 =	vadd.s32 v35, v46;
	v53 =	vor.u32 v21, v48;
	v37 =	vld.idx.msk [tilespmem:v37+s15+$0x0], $0xffff  }
0x381: {  	v35 =	vadd.s32 v22, v54;
	_ =	sdelay $0x3  }
0x382: {  	[tilespmem:v53+s21+$0x0] =	vst.idx.msk $0xffff, v37  }
0x383: {  	v56 =	vadd.s32 v36, v46;
	v55 =	vor.u32 v23, v48;
	v35 =	vld.idx.msk [tilespmem:v35+s15+$0x0], $0xffff  }
0x384: {  	v36 =	vadd.s32 v24, v56;
	_ =	sdelay $0x3  }
0x385: {  	[tilespmem:v55+s21+$0x0] =	vst.idx.msk $0xffff, v35  }
0x386: {  	v58 =	vadd.s32 v34, v46;
	v57 =	vor.u32 v25, v48;
	v35 =	vld.idx.msk [tilespmem:v36+s15+$0x0], $0xffff  }
0x387: {  	v34 =	vadd.s32 v26, v58;
	_ =	sdelay $0x3  }
0x388: {  	[tilespmem:v57+s21+$0x0] =	vst.idx.msk $0xffff, v35  }
0x389: {  	v60 =	vadd.s32 v33, v46;
	v59 =	vor.u32 v27, v48;
	v34 =	vld.idx.msk [tilespmem:v34+s15+$0x0], $0xffff  }
0x38a: {  	v33 =	vadd.s32 v28, v60;
	_ =	sdelay $0x3  }
0x38b: {  	[tilespmem:v59+s21+$0x0] =	vst.idx.msk $0xffff, v34  }
0x38c: {  	v62 =	vadd.s32 v32, v46;
	v61 =	vor.u32 v29, v48;
	v33 =	vld.idx.msk [tilespmem:v33+s15+$0x0], $0xffff  }
0x38d: {  	v32 =	vadd.s32 v30, v62;
	_ =	sdelay $0x3  }
0x38e: {  	[tilespmem:v61+s21+$0x0] =	vst.idx.msk $0xffff, v33  }
0x38f: {  	v63 =	vor.u32 v31, v48;
	v32 =	vld.idx.msk [tilespmem:v32+s15+$0x0], $0xffff;
	_ =	sdelay $0x4  }
0x390: {  	s24 =	sadd.s32 $0x1, s24;
	[tilespmem:v63+s21+$0x0] =	vst.idx.msk $0xffff, v32  }
0x391: {  	[hbm4b:s8+s18] =	stream.strided.scatter [tilespmem:s21], [sflag:$0x4], $0x1000, s19, s18, $0x38;
	[tilespmem:$0x10600] =	vst v63  }
0x392: {  	p0 =	sne.s32 s24, s9;
	_ =	swait.ge [sflag:s22], $0x1000  }
.Ltmp5:
0x393: {  	[sflag:s22] =	ssyncset.done $0x0;
	(pc) =	sbr.rel @p0 .LBB2_1-.Ltmp5, $4  }
0x394: {  	[sflag:s22] =	ssyncadd.s32 $0xFFFFF000  }
0x395: {  	_ =	swait.ge [sflag:s23], $0x1000  }
0x396: {  	[sflag:s23] =	ssyncset.done $0x0  }
0x397: {  	[sflag:s23] =	ssyncadd.s32 $0xFFFFF000  }
0x398: {  	_ =	sfence.sel $0x180000  }
0x399: {  	[bflag:$0x0] =	sbarrier.arrive $0xFFFF  }
0x39a: {  	_ =	strace $0x9000004A  }
0x39b: {  	[bflag:$0x2] =	sbarrier.arrive $0xFFFF  }
0x39c: {  	p0 =	sne.s32 s0, $0x0;
	s0 =	rddreg [dreg:$0x2]  }
0x39d: {  	s0 =	sadd.s32 @!p0 $0x100000, s0  }
0x39e: {  	[sflag:s0] =	ssyncadd.tile.s32 @!p0 $0x1;
	_ =	shalt  }
.Lfunc_end2:
_tile_overlayer_lowered:
.L_overlay_start_2:
0x39f: {  	(tag) =	ssettag $0x2  }
0x3a0: {  	s0 =	rddreg [dreg:$0x0];
	s2 =	stileid.u32  }
0x3a1: {  	s1 =	rddreg [dreg:$0x1];
	p0 =	sne.s32 s2, $0x0  }
0x3a2: {  	s3 =	rddreg [dreg:$0x2];
	[bflag:$0x3] =	sbarrier.arrive $0xFFFF;
	s2 =	simm.s32 @!p0 $0x1C05  }
0x3a3: {  	[timem:s3], [sflag:s2] =	dma.local @!p0 [hbm:s0], s1  }
0x3a4: {  	s0 =	simm.s32 @!p0 $0x5  }
0x3a5: {  	_ =	swait.ge @!p0 [sflag:s0], s1  }
0x3a6: {  	s1 =	ssub.s32 @!p0 $0x0, s1;
	[sflag:s0] =	ssyncset.done @!p0 $0x0  }
0x3a7: {  	[sflag:s0] =	ssyncadd.s32 @!p0 s1  }
0x3a8: {  	[bflag:$0x3] =	sbarrier.arrive $0xFFFF  }
0x3a9: {  	_ =	shalt  }

</sc_bundles>
